<compile_context>
chip_gen: v7x
topology: tpu7x:2x2x1
jax: 0.10.2.dev20260603
libtpu: 0.0.44.dev20260713+nightly
codegen_flags: <defaults>
</compile_context>

<pallas_src>
import jax
import jax.numpy as jnp
from jax import lax
from jax.experimental import pallas as pl
from jax.experimental.pallas import tpu as pltpu
from jax.experimental.pallas import tpu_sc as plsc

NC = 2
NS = 16
NW = NC * NS
CH = 128
LANES = 16


def _degree_kernel(n_pad, n_chunks_per_worker):
  ept = n_pad // NS
  ones_len = ((CH + LANES - 1) // LANES) * LANES
  mesh = plsc.VectorSubcoreMesh(core_axis_name="c", subcore_axis_name="s")

  def body(dst_hbm, out_hbm, dstv, ones_v, zv, acc, dsem):
    c = lax.axis_index("c")
    s = lax.axis_index("s")
    wid = s * NC + c
    one16 = jnp.ones((LANES,), jnp.float32)
    z16 = jnp.zeros((LANES,), jnp.float32)
    for j in range(ones_len // LANES):
      ones_v[pl.ds(j * LANES, LANES)] = one16
    for j in range(ept // LANES):
      zv[pl.ds(j * LANES, LANES)] = z16
    pltpu.sync_copy(zv, acc.at[pl.ds(s * ept, ept)])
    ib = wid * n_chunks_per_worker
    pltpu.sync_copy(dst_hbm.at[pl.ds(ib, n_chunks_per_worker), :], dstv)
    plsc.subcore_barrier()

    kb = 16

    def grp(t, carry):
      for k in range(kb):
        pltpu.async_copy(ones_v.at[pl.ds(0, CH)],
                         acc.at[dstv.at[t * kb + k]], dsem, add=True)
      for k in range(kb):
        pltpu.make_async_copy(ones_v.at[pl.ds(0, CH)],
                              acc.at[dstv.at[t * kb + k]], dsem).wait()
      return carry

    lax.fori_loop(0, n_chunks_per_worker // kb, grp, 0)
    plsc.subcore_barrier()
    pltpu.sync_copy(acc.at[pl.ds(s * ept, ept)],
                    out_hbm.at[pl.ds(c * n_pad + s * ept, ept)])

  return pl.kernel(
      body,
      out_type=jax.ShapeDtypeStruct((NC * n_pad,), jnp.float32),
      mesh=mesh,
      scratch_types=[
          pltpu.VMEM((n_chunks_per_worker, CH), jnp.int32),
          pltpu.VMEM((ones_len,), jnp.float32),
          pltpu.VMEM((ept,), jnp.float32),
          pltpu.VMEM_SHARED((n_pad,), jnp.float32),
          pltpu.SemaphoreType.DMA,
      ],
  )


SB = 8


def _edge_agg_kernel(n_acc, d, ncw):
  rpt = n_acc // NS
  zr = 64
  zrep = rpt // zr
  nsb = ncw // SB
  niter = ncw // (2 * SB)
  mesh = plsc.VectorSubcoreMesh(core_axis_name="c", subcore_axis_name="s")

  def body(p_hbm, src_hbm, dst_hbm, out_hbm,
           sbuf0, sbuf1, dbuf0, dbuf1, rows0, rows1, zbuf, acc,
           gsem0, gsem1, isem0, isem1, zsem):
    c = lax.axis_index("c")
    s = lax.axis_index("s")
    wid = s * NC + c
    z16 = jnp.zeros((LANES,), jnp.float32)
    sbufs = (sbuf0, sbuf1)
    dbufs = (dbuf0, dbuf1)
    rows = (rows0, rows1)
    gsems = (gsem0, gsem1)
    isems = (isem0, isem1)

    def zfill(i, carry):
      for j in range(d // LANES):
        zbuf[i, pl.ds(j * LANES, LANES)] = z16
      return carry

    lax.fori_loop(0, zr, zfill, 0)
    base_row = s * rpt
    for k in range(zrep):
      pltpu.async_copy(zbuf, acc.at[pl.ds(base_row + k * zr, zr), :], zsem)
    for k in range(zrep):
      pltpu.make_async_copy(zbuf, acc.at[pl.ds(base_row + k * zr, zr), :],
                            zsem).wait()

    ib = wid * ncw

    def load_sb(t, b, sem):
      pltpu.async_copy(src_hbm.at[pl.ds(ib + t * SB, SB), :], sbufs[b], sem)
      pltpu.async_copy(dst_hbm.at[pl.ds(ib + t * SB, SB), :], dbufs[b], sem)

    def wait_sb(t, b):
      pltpu.make_async_copy(src_hbm.at[pl.ds(ib + t * SB, SB), :],
                            sbufs[b], isems[b]).wait()
      pltpu.make_async_copy(dst_hbm.at[pl.ds(ib + t * SB, SB), :],
                            dbufs[b], isems[b]).wait()

    h0, h1l = (CH + 1) // 2, CH // 2

    def gather_chunk(b, off, rbuf, sem):
      pltpu.async_copy(p_hbm.at[sbufs[b].at[off, pl.ds(0, h0)]],
                       rbuf.at[pl.ds(0, h0), :], sem)
      pltpu.async_copy(p_hbm.at[sbufs[b].at[off, pl.ds(h0, h1l)]],
                       rbuf.at[pl.ds(h0, h1l), :], sem)

    def wait_chunk(b, off, rbuf, sem):
      pltpu.make_async_copy(p_hbm.at[sbufs[b].at[off, pl.ds(0, h0)]],
                            rbuf.at[pl.ds(0, h0), :], sem).wait()
      pltpu.make_async_copy(p_hbm.at[sbufs[b].at[off, pl.ds(h0, h1l)]],
                            rbuf.at[pl.ds(h0, h1l), :], sem).wait()

    pltpu.sync_copy(src_hbm.at[pl.ds(ib, SB), :], sbuf0)
    pltpu.sync_copy(dst_hbm.at[pl.ds(ib, SB), :], dbuf0)
    load_sb(1, 1, isem1)
    plsc.subcore_barrier()
    gather_chunk(0, 0, rows0, gsem0)

    def iter16(i, carry):
      for h in range(2 * SB):
        j = 2 * SB * i + h
        sb_h, off = divmod(h, SB)
        rp = h % 2
        if h < 2 * SB - 1:
          nsb_h, noff = divmod(h + 1, SB)
          if noff == 0:
            wait_sb(2 * i + 1, 1)
          gather_chunk(nsb_h, noff, rows[(h + 1) % 2], gsems[(h + 1) % 2])
        else:
          @pl.when(j + 1 < ncw)
          def _():
            wait_sb(2 * i + 2, 0)
            gather_chunk(0, 0, rows0, gsem0)
        wait_chunk(sb_h, off, rows[rp], gsems[rp])
        pltpu.sync_copy(rows[rp], acc.at[dbufs[sb_h].at[off]], add=True)
        if h == SB - 1:
          @pl.when(2 * i + 2 < nsb)
          def _():
            load_sb(2 * i + 2, 0, isem0)
        if h == 2 * SB - 1:
          @pl.when(2 * i + 3 < nsb)
          def _():
            load_sb(2 * i + 3, 1, isem1)
      return carry

    lax.fori_loop(0, niter, iter16, 0)
    plsc.subcore_barrier()
    pltpu.sync_copy(acc.at[pl.ds(base_row, rpt), :],
                    out_hbm.at[c, pl.ds(base_row, rpt), :])

  return pl.kernel(
      body,
      out_type=jax.ShapeDtypeStruct((NC, n_acc, d), jnp.float32),
      mesh=mesh,
      scratch_types=[
          pltpu.VMEM((SB, CH), jnp.int32),
          pltpu.VMEM((SB, CH), jnp.int32),
          pltpu.VMEM((SB, CH), jnp.int32),
          pltpu.VMEM((SB, CH), jnp.int32),
          pltpu.VMEM((CH, d), jnp.float32),
          pltpu.VMEM((CH, d), jnp.float32),
          pltpu.VMEM((zr, d), jnp.float32),
          pltpu.VMEM_SHARED((n_acc, d), jnp.float32),
          pltpu.SemaphoreType.DMA,
          pltpu.SemaphoreType.DMA,
          pltpu.SemaphoreType.DMA,
          pltpu.SemaphoreType.DMA,
          pltpu.SemaphoreType.DMA,
      ],
  )


def _tc_layer1(x, w1, dega, rb=2000):
  n, d = x.shape

  def body(x_ref, w_ref, d_ref, p_ref, g_ref):
    deg = d_ref[0] + d_ref[1] + 1.0
    g = lax.rsqrt(deg)
    h = jnp.dot(x_ref[...], w_ref[...], preferred_element_type=jnp.float32)
    p_ref[...] = h * g
    g_ref[...] = g

  return pl.pallas_call(
      body,
      grid=(n // rb,),
      in_specs=[
          pl.BlockSpec((rb, d), lambda i: (i, 0)),
          pl.BlockSpec((d, d), lambda i: (0, 0)),
          pl.BlockSpec((NC, rb, 1), lambda i: (0, i, 0)),
      ],
      out_specs=[
          pl.BlockSpec((rb, d), lambda i: (i, 0)),
          pl.BlockSpec((rb, 1), lambda i: (i, 0)),
      ],
      out_shape=[
          jax.ShapeDtypeStruct((n, d), jnp.float32),
          jax.ShapeDtypeStruct((n, 1), jnp.float32),
      ],
  )(x, w1, dega)


def _tc_layer2(acc1, p1, g, b1, w2, rb=2000):
  n, d = p1.shape

  def body(a_ref, p_ref, g_ref, b_ref, w_ref, p2_ref):
    g_blk = g_ref[...]
    s = g_blk * (a_ref[0] + a_ref[1] + p_ref[...]) + b_ref[...]
    h = jnp.maximum(s, 0.0)
    h2 = jnp.dot(h, w_ref[...], preferred_element_type=jnp.float32)
    p2_ref[...] = h2 * g_blk

  return pl.pallas_call(
      body,
      grid=(n // rb,),
      in_specs=[
          pl.BlockSpec((NC, rb, d), lambda i: (0, i, 0)),
          pl.BlockSpec((rb, d), lambda i: (i, 0)),
          pl.BlockSpec((rb, 1), lambda i: (i, 0)),
          pl.BlockSpec((1, d), lambda i: (0, 0)),
          pl.BlockSpec((d, d), lambda i: (0, 0)),
      ],
      out_specs=pl.BlockSpec((rb, d), lambda i: (i, 0)),
      out_shape=jax.ShapeDtypeStruct((n, d), jnp.float32),
  )(acc1, p1, g, b1, w2)


def _tc_layer3(acc2, p2, g, b2, rb=2000):
  n, d = p2.shape

  def body(a_ref, p_ref, g_ref, b_ref, out_ref):
    out_ref[...] = (g_ref[...] * (a_ref[0] + a_ref[1] + p_ref[...])
                    + b_ref[...])

  return pl.pallas_call(
      body,
      grid=(n // rb,),
      in_specs=[
          pl.BlockSpec((NC, rb, d), lambda i: (0, i, 0)),
          pl.BlockSpec((rb, d), lambda i: (i, 0)),
          pl.BlockSpec((rb, 1), lambda i: (i, 0)),
          pl.BlockSpec((1, d), lambda i: (0, 0)),
      ],
      out_specs=pl.BlockSpec((rb, d), lambda i: (i, 0)),
      out_shape=jax.ShapeDtypeStruct((n, d), jnp.float32),
  )(acc2, p2, g, b2)


def kernel(x, edge_index, W1, b1, W2, b2):
  n, d = x.shape
  e = edge_index.shape[1]
  assert d % LANES == 0

  ept = ((n + NS - 1) // NS + 15) // 16 * 16
  n_pad = ept * NS

  quant = NW * CH * 2 * SB
  e_pad = (e + quant - 1) // quant * quant
  ncw = e_pad // (NW * CH)
  ei = edge_index.astype(jnp.int32)
  npad_ix = jnp.arange(e_pad - e, dtype=jnp.int32)
  pad_src = npad_ix % n
  pad_dst = n + npad_ix % (n_pad - n)
  src = jnp.concatenate([ei[0], pad_src]).reshape(e_pad // CH, CH)
  dst = jnp.concatenate([ei[1], pad_dst]).reshape(e_pad // CH, CH)

  deg2 = _degree_kernel(n_pad, ncw)(dst).reshape(NC, n_pad)
  dega = deg2[:, :n].reshape(NC, n, 1)

  p1, g = _tc_layer1(x, W1, dega)
  acc1 = _edge_agg_kernel(n_pad, d, ncw)(p1, src, dst)
  p2 = _tc_layer2(acc1, p1, g, b1.reshape(1, d), W2)
  acc2 = _edge_agg_kernel(n_pad, d, ncw)(p2, src, dst)
  return _tc_layer3(acc2, p2, g, b2.reshape(1, d))

# --- scband reference (transcript-rebuilt; emitter-appended) ---
"""Pipeline reference for scband-gcn-2516850835925 (READ-ONLY COPY).

The authoritative reference and input builder live on the scoring server;
editing this copy changes nothing except your own understanding.
"""

import jax, jax.numpy as jnp
import numpy as np

N = 10000
E = 320000
D_IN = 128
D_HID = 128
D_OUT = 128


def _gcn_conv(x, edge_index, W, b):
    num_nodes = x.shape[0]
    loop = jnp.arange(num_nodes, dtype=edge_index.dtype)
    src = jnp.concatenate([edge_index[0], loop])
    dst = jnp.concatenate([edge_index[1], loop])
    deg = jnp.zeros((num_nodes,), dtype=x.dtype).at[dst].add(1.0)
    deg_inv_sqrt = jnp.where(deg > 0, jax.lax.rsqrt(jnp.maximum(deg, 1e-12)), 0.0)
    norm = deg_inv_sqrt[src] * deg_inv_sqrt[dst]
    h = x @ W
    msg = h[src] * norm[:, None]
    out = jax.ops.segment_sum(msg, dst, num_segments=num_nodes)
    return out + b


def setup_inputs(seed: int = 0):
    key = jax.random.key(seed)
    ks = jax.random.split(key, 6)
    x = jax.random.normal(ks[0], (N, D_IN), dtype=jnp.float32)
    edge_index = jax.random.randint(ks[1], (2, E), 0, N)
    W1 = jax.random.normal(ks[2], (D_IN, D_HID), dtype=jnp.float32) / np.sqrt(D_IN).astype(np.float32)
    b1 = jnp.zeros((D_HID,), dtype=jnp.float32)
    W2 = jax.random.normal(ks[3], (D_HID, D_OUT), dtype=jnp.float32) / np.sqrt(D_HID).astype(np.float32)
    b2 = jnp.zeros((D_OUT,), dtype=jnp.float32)
    return {"x": x, "edge_index": edge_index, "W1": W1, "b1": b1, "W2": W2, "b2": b2}


def reference(x, edge_index, W1, b1, W2, b2):
    # Layer 1: GCNConv + ReLU (dropout p=0.0 is a no-op; eval mode)
    h = _gcn_conv(x, edge_index, W1, b1)
    h = jax.nn.relu(h)
    # Layer 2: GCNConv (no activation on final layer)
    out = _gcn_conv(h, edge_index, W2, b2)
    return out

if __name__ == "__main__":
    import jax
    _d = setup_inputs()
    print(jax.jit(kernel)(*tuple(_d.values())))

</pallas_src>

<mosaic_0001>
#map = affine_map<(d0, d1) -> (0, 0)>
#map1 = affine_map<(d0, d1) -> (0, 0, 0)>
module attributes {stable_mosaic.version = 14 : i64} {
  func.func @body(%arg0: i32, %arg1: i32, %arg2: memref<10000x128xf32, #tpu.memory_space<hbm>>, %arg3: memref<2560x128xi32, #tpu.memory_space<hbm>>, %arg4: memref<2560x128xi32, #tpu.memory_space<hbm>>, %arg5: memref<2x10240x128xf32, #tpu.memory_space<hbm>>, %arg6: memref<8x128xi32, #tpu.memory_space<vmem>>, %arg7: memref<8x128xi32, #tpu.memory_space<vmem>>, %arg8: memref<8x128xi32, #tpu.memory_space<vmem>>, %arg9: memref<8x128xi32, #tpu.memory_space<vmem>>, %arg10: memref<128x128xf32, #tpu.memory_space<vmem>>, %arg11: memref<128x128xf32, #tpu.memory_space<vmem>>, %arg12: memref<64x128xf32, #tpu.memory_space<vmem>>, %arg13: memref<10240x128xf32, #tpu.memory_space<vmem_shared>>, %arg14: memref<!tpu.dma_semaphore, #tpu.memory_space<semaphore_mem>>, %arg15: memref<!tpu.dma_semaphore, #tpu.memory_space<semaphore_mem>>, %arg16: memref<!tpu.dma_semaphore, #tpu.memory_space<semaphore_mem>>, %arg17: memref<!tpu.dma_semaphore, #tpu.memory_space<semaphore_mem>>, %arg18: memref<!tpu.dma_semaphore, #tpu.memory_space<semaphore_mem>>) attributes {dimension_semantics = [#tpu.dimension_semantics<core_parallel>, #tpu.dimension_semantics<subcore_parallel>], iteration_bounds = array<i64: 2, 16>, scalar_prefetch = 0 : i64, scratch_operands = 13 : i64, tpu.core_type = #tpu.core_type<sc_vector_subcore>, window_params = [{transform_indices = #map}, {transform_indices = #map}, {transform_indices = #map}, {transform_indices = #map1}]} {
    %mul3A = arith.constant 2 : i32
    %mul3A_0 = arith.muli %arg1, %mul3A : i32
    %add3A = arith.addi %mul3A_0, %arg0 : i32
    %broadcast_in_dim3A = arith.constant 0.000000e+00 : f32
    %broadcast_in_dim3A_1 = vector.broadcast %broadcast_in_dim3A : f32 to vector<16xf32>
    %scan3A = arith.constant 0 : i32
    %scan3A_2 = arith.constant 0 : i32
    %scan3A_3 = arith.constant 64 : i32
    %scan3A_4 = arith.addi %scan3A_2, %scan3A_3 : i32
    %scan3A_5 = arith.constant 1 : i32
    scf.for %scan3A_168 = %scan3A_2 to %scan3A_4 step %scan3A_5  : i32 {
      %swap3A = arith.index_cast %scan3A_168 : i32 to index
      %swap3A_169 = arith.constant 0 : index
      %swap3A_170 = tpu.vector_load %arg12[%swap3A, %swap3A_169] {strides = array<i32>} : memref<64x128xf32, #tpu.memory_space<vmem>>, vector<1x16xf32>,
      %swap3A_171 = vector.shape_cast %swap3A_170 : vector<1x16xf32> to vector<16xf32>
      %swap3A_172 = vector.shape_cast %broadcast_in_dim3A_1 : vector<16xf32> to vector<1x16xf32>
      tpu.vector_store %arg12[%swap3A, %swap3A_169], %swap3A_172 {strides = array<i32>} : memref<64x128xf32, #tpu.memory_space<vmem>>, vector<1x16xf32>,
      %swap3A_173 = arith.index_cast %scan3A_168 : i32 to index
      %swap3A_174 = arith.constant 16 : index
      %swap3A_175 = tpu.vector_load %arg12[%swap3A_173, %swap3A_174] {strides = array<i32>} : memref<64x128xf32, #tpu.memory_space<vmem>>, vector<1x16xf32>,
      %swap3A_176 = vector.shape_cast %swap3A_175 : vector<1x16xf32> to vector<16xf32>
      %swap3A_177 = vector.shape_cast %broadcast_in_dim3A_1 : vector<16xf32> to vector<1x16xf32>
      tpu.vector_store %arg12[%swap3A_173, %swap3A_174], %swap3A_177 {strides = array<i32>} : memref<64x128xf32, #tpu.memory_space<vmem>>, vector<1x16xf32>,
      %swap3A_178 = arith.index_cast %scan3A_168 : i32 to index
      %swap3A_179 = arith.constant 32 : index
      %swap3A_180 = tpu.vector_load %arg12[%swap3A_178, %swap3A_179] {strides = array<i32>} : memref<64x128xf32, #tpu.memory_space<vmem>>, vector<1x16xf32>,
      %swap3A_181 = vector.shape_cast %swap3A_180 : vector<1x16xf32> to vector<16xf32>
      %swap3A_182 = vector.shape_cast %broadcast_in_dim3A_1 : vector<16xf32> to vector<1x16xf32>
      tpu.vector_store %arg12[%swap3A_178, %swap3A_179], %swap3A_182 {strides = array<i32>} : memref<64x128xf32, #tpu.memory_space<vmem>>, vector<1x16xf32>,
      %swap3A_183 = arith.index_cast %scan3A_168 : i32 to index
      %swap3A_184 = arith.constant 48 : index
      %swap3A_185 = tpu.vector_load %arg12[%swap3A_183, %swap3A_184] {strides = array<i32>} : memref<64x128xf32, #tpu.memory_space<vmem>>, vector<1x16xf32>,
      %swap3A_186 = vector.shape_cast %swap3A_185 : vector<1x16xf32> to vector<16xf32>
      %swap3A_187 = vector.shape_cast %broadcast_in_dim3A_1 : vector<16xf32> to vector<1x16xf32>
      tpu.vector_store %arg12[%swap3A_183, %swap3A_184], %swap3A_187 {strides = array<i32>} : memref<64x128xf32, #tpu.memory_space<vmem>>, vector<1x16xf32>,
      %swap3A_188 = arith.index_cast %scan3A_168 : i32 to index
      %swap3A_189 = arith.constant 64 : index
      %swap3A_190 = tpu.vector_load %arg12[%swap3A_188, %swap3A_189] {strides = array<i32>} : memref<64x128xf32, #tpu.memory_space<vmem>>, vector<1x16xf32>,
      %swap3A_191 = vector.shape_cast %swap3A_190 : vector<1x16xf32> to vector<16xf32>
      %swap3A_192 = vector.shape_cast %broadcast_in_dim3A_1 : vector<16xf32> to vector<1x16xf32>
      tpu.vector_store %arg12[%swap3A_188, %swap3A_189], %swap3A_192 {strides = array<i32>} : memref<64x128xf32, #tpu.memory_space<vmem>>, vector<1x16xf32>,
      %swap3A_193 = arith.index_cast %scan3A_168 : i32 to index
      %swap3A_194 = arith.constant 80 : index
      %swap3A_195 = tpu.vector_load %arg12[%swap3A_193, %swap3A_194] {strides = array<i32>} : memref<64x128xf32, #tpu.memory_space<vmem>>, vector<1x16xf32>,
      %swap3A_196 = vector.shape_cast %swap3A_195 : vector<1x16xf32> to vector<16xf32>
      %swap3A_197 = vector.shape_cast %broadcast_in_dim3A_1 : vector<16xf32> to vector<1x16xf32>
      tpu.vector_store %arg12[%swap3A_193, %swap3A_194], %swap3A_197 {strides = array<i32>} : memref<64x128xf32, #tpu.memory_space<vmem>>, vector<1x16xf32>,
      %swap3A_198 = arith.index_cast %scan3A_168 : i32 to index
      %swap3A_199 = arith.constant 96 : index
      %swap3A_200 = tpu.vector_load %arg12[%swap3A_198, %swap3A_199] {strides = array<i32>} : memref<64x128xf32, #tpu.memory_space<vmem>>, vector<1x16xf32>,
      %swap3A_201 = vector.shape_cast %swap3A_200 : vector<1x16xf32> to vector<16xf32>
      %swap3A_202 = vector.shape_cast %broadcast_in_dim3A_1 : vector<16xf32> to vector<1x16xf32>
      tpu.vector_store %arg12[%swap3A_198, %swap3A_199], %swap3A_202 {strides = array<i32>} : memref<64x128xf32, #tpu.memory_space<vmem>>, vector<1x16xf32>,
      %swap3A_203 = arith.index_cast %scan3A_168 : i32 to index
      %swap3A_204 = arith.constant 112 : index
      %swap3A_205 = tpu.vector_load %arg12[%swap3A_203, %swap3A_204] {strides = array<i32>} : memref<64x128xf32, #tpu.memory_space<vmem>>, vector<1x16xf32>,
      %swap3A_206 = vector.shape_cast %swap3A_205 : vector<1x16xf32> to vector<16xf32>
      %swap3A_207 = vector.shape_cast %broadcast_in_dim3A_1 : vector<16xf32> to vector<1x16xf32>
      tpu.vector_store %arg12[%swap3A_203, %swap3A_204], %swap3A_207 {strides = array<i32>} : memref<64x128xf32, #tpu.memory_space<vmem>>, vector<1x16xf32>,
    }
    %scan3A_6 = arith.constant 64 : i32
    %mul3A_7 = arith.constant 640 : i32
    %mul3A_8 = arith.muli %arg1, %mul3A_7 : i32
    %add3A_9 = arith.constant 0 : i32
    %add3A_10 = arith.addi %mul3A_8, %add3A_9 : i32
    %dma_start3A = arith.constant 0 : i32
    %dma_start3A_11 = tpu.memref_slice %arg13[%add3A_10, %dma_start3A] : memref<10240x128xf32, #tpu.memory_space<vmem_shared>> -> memref<64x128xf32, #tpu.memory_space<vmem_shared>>
    %dma_start3A_12 = arith.constant 0 : i32
    %dma_start3A_13 = tpu.memref_slice %arg13[%add3A_10, %dma_start3A_12] : memref<10240x128xf32, #tpu.memory_space<vmem_shared>> -> memref<64x128xf32, #tpu.memory_space<vmem_shared>>
    tpu.enqueue_dma source(%arg12 : memref<64x128xf32, #tpu.memory_space<vmem>>) target(%dma_start3A_13 : memref<64x128xf32, #tpu.memory_space<vmem_shared>>) target_semaphore(%arg18 : memref<!tpu.dma_semaphore, #tpu.memory_space<semaphore_mem>>)
    %add3A_14 = arith.constant 64 : i32
    %add3A_15 = arith.addi %mul3A_8, %add3A_14 : i32
    %dma_start3A_16 = arith.constant 0 : i32
    %dma_start3A_17 = tpu.memref_slice %arg13[%add3A_15, %dma_start3A_16] : memref<10240x128xf32, #tpu.memory_space<vmem_shared>> -> memref<64x128xf32, #tpu.memory_space<vmem_shared>>
    %dma_start3A_18 = arith.constant 0 : i32
    %dma_start3A_19 = tpu.memref_slice %arg13[%add3A_15, %dma_start3A_18] : memref<10240x128xf32, #tpu.memory_space<vmem_shared>> -> memref<64x128xf32, #tpu.memory_space<vmem_shared>>
    tpu.enqueue_dma source(%arg12 : memref<64x128xf32, #tpu.memory_space<vmem>>) target(%dma_start3A_19 : memref<64x128xf32, #tpu.memory_space<vmem_shared>>) target_semaphore(%arg18 : memref<!tpu.dma_semaphore, #tpu.memory_space<semaphore_mem>>)
    %add3A_20 = arith.constant 128 : i32
    %add3A_21 = arith.addi %mul3A_8, %add3A_20 : i32
    %dma_start3A_22 = arith.constant 0 : i32
    %dma_start3A_23 = tpu.memref_slice %arg13[%add3A_21, %dma_start3A_22] : memref<10240x128xf32, #tpu.memory_space<vmem_shared>> -> memref<64x128xf32, #tpu.memory_space<vmem_shared>>
    %dma_start3A_24 = arith.constant 0 : i32
    %dma_start3A_25 = tpu.memref_slice %arg13[%add3A_21, %dma_start3A_24] : memref<10240x128xf32, #tpu.memory_space<vmem_shared>> -> memref<64x128xf32, #tpu.memory_space<vmem_shared>>
    tpu.enqueue_dma source(%arg12 : memref<64x128xf32, #tpu.memory_space<vmem>>) target(%dma_start3A_25 : memref<64x128xf32, #tpu.memory_space<vmem_shared>>) target_semaphore(%arg18 : memref<!tpu.dma_semaphore, #tpu.memory_space<semaphore_mem>>)
    %add3A_26 = arith.constant 192 : i32
    %add3A_27 = arith.addi %mul3A_8, %add3A_26 : i32
    %dma_start3A_28 = arith.constant 0 : i32
    %dma_start3A_29 = tpu.memref_slice %arg13[%add3A_27, %dma_start3A_28] : memref<10240x128xf32, #tpu.memory_space<vmem_shared>> -> memref<64x128xf32, #tpu.memory_space<vmem_shared>>
    %dma_start3A_30 = arith.constant 0 : i32
    %dma_start3A_31 = tpu.memref_slice %arg13[%add3A_27, %dma_start3A_30] : memref<10240x128xf32, #tpu.memory_space<vmem_shared>> -> memref<64x128xf32, #tpu.memory_space<vmem_shared>>
    tpu.enqueue_dma source(%arg12 : memref<64x128xf32, #tpu.memory_space<vmem>>) target(%dma_start3A_31 : memref<64x128xf32, #tpu.memory_space<vmem_shared>>) target_semaphore(%arg18 : memref<!tpu.dma_semaphore, #tpu.memory_space<semaphore_mem>>)
    %add3A_32 = arith.constant 256 : i32
    %add3A_33 = arith.addi %mul3A_8, %add3A_32 : i32
    %dma_start3A_34 = arith.constant 0 : i32
    %dma_start3A_35 = tpu.memref_slice %arg13[%add3A_33, %dma_start3A_34] : memref<10240x128xf32, #tpu.memory_space<vmem_shared>> -> memref<64x128xf32, #tpu.memory_space<vmem_shared>>
    %dma_start3A_36 = arith.constant 0 : i32
    %dma_start3A_37 = tpu.memref_slice %arg13[%add3A_33, %dma_start3A_36] : memref<10240x128xf32, #tpu.memory_space<vmem_shared>> -> memref<64x128xf32, #tpu.memory_space<vmem_shared>>
    tpu.enqueue_dma source(%arg12 : memref<64x128xf32, #tpu.memory_space<vmem>>) target(%dma_start3A_37 : memref<64x128xf32, #tpu.memory_space<vmem_shared>>) target_semaphore(%arg18 : memref<!tpu.dma_semaphore, #tpu.memory_space<semaphore_mem>>)
    %add3A_38 = arith.constant 320 : i32
    %add3A_39 = arith.addi %mul3A_8, %add3A_38 : i32
    %dma_start3A_40 = arith.constant 0 : i32
    %dma_start3A_41 = tpu.memref_slice %arg13[%add3A_39, %dma_start3A_40] : memref<10240x128xf32, #tpu.memory_space<vmem_shared>> -> memref<64x128xf32, #tpu.memory_space<vmem_shared>>
    %dma_start3A_42 = arith.constant 0 : i32
    %dma_start3A_43 = tpu.memref_slice %arg13[%add3A_39, %dma_start3A_42] : memref<10240x128xf32, #tpu.memory_space<vmem_shared>> -> memref<64x128xf32, #tpu.memory_space<vmem_shared>>
    tpu.enqueue_dma source(%arg12 : memref<64x128xf32, #tpu.memory_space<vmem>>) target(%dma_start3A_43 : memref<64x128xf32, #tpu.memory_space<vmem_shared>>) target_semaphore(%arg18 : memref<!tpu.dma_semaphore, #tpu.memory_space<semaphore_mem>>)
    %add3A_44 = arith.constant 384 : i32
    %add3A_45 = arith.addi %mul3A_8, %add3A_44 : i32
    %dma_start3A_46 = arith.constant 0 : i32
    %dma_start3A_47 = tpu.memref_slice %arg13[%add3A_45, %dma_start3A_46] : memref<10240x128xf32, #tpu.memory_space<vmem_shared>> -> memref<64x128xf32, #tpu.memory_space<vmem_shared>>
    %dma_start3A_48 = arith.constant 0 : i32
    %dma_start3A_49 = tpu.memref_slice %arg13[%add3A_45, %dma_start3A_48] : memref<10240x128xf32, #tpu.memory_space<vmem_shared>> -> memref<64x128xf32, #tpu.memory_space<vmem_shared>>
    tpu.enqueue_dma source(%arg12 : memref<64x128xf32, #tpu.memory_space<vmem>>) target(%dma_start3A_49 : memref<64x128xf32, #tpu.memory_space<vmem_shared>>) target_semaphore(%arg18 : memref<!tpu.dma_semaphore, #tpu.memory_space<semaphore_mem>>)
    %add3A_50 = arith.constant 448 : i32
    %add3A_51 = arith.addi %mul3A_8, %add3A_50 : i32
    %dma_start3A_52 = arith.constant 0 : i32
    %dma_start3A_53 = tpu.memref_slice %arg13[%add3A_51, %dma_start3A_52] : memref<10240x128xf32, #tpu.memory_space<vmem_shared>> -> memref<64x128xf32, #tpu.memory_space<vmem_shared>>
    %dma_start3A_54 = arith.constant 0 : i32
    %dma_start3A_55 = tpu.memref_slice %arg13[%add3A_51, %dma_start3A_54] : memref<10240x128xf32, #tpu.memory_space<vmem_shared>> -> memref<64x128xf32, #tpu.memory_space<vmem_shared>>
    tpu.enqueue_dma source(%arg12 : memref<64x128xf32, #tpu.memory_space<vmem>>) target(%dma_start3A_55 : memref<64x128xf32, #tpu.memory_space<vmem_shared>>) target_semaphore(%arg18 : memref<!tpu.dma_semaphore, #tpu.memory_space<semaphore_mem>>)
    %add3A_56 = arith.constant 512 : i32
    %add3A_57 = arith.addi %mul3A_8, %add3A_56 : i32
    %dma_start3A_58 = arith.constant 0 : i32
    %dma_start3A_59 = tpu.memref_slice %arg13[%add3A_57, %dma_start3A_58] : memref<10240x128xf32, #tpu.memory_space<vmem_shared>> -> memref<64x128xf32, #tpu.memory_space<vmem_shared>>
    %dma_start3A_60 = arith.constant 0 : i32
    %dma_start3A_61 = tpu.memref_slice %arg13[%add3A_57, %dma_start3A_60] : memref<10240x128xf32, #tpu.memory_space<vmem_shared>> -> memref<64x128xf32, #tpu.memory_space<vmem_shared>>
    tpu.enqueue_dma source(%arg12 : memref<64x128xf32, #tpu.memory_space<vmem>>) target(%dma_start3A_61 : memref<64x128xf32, #tpu.memory_space<vmem_shared>>) target_semaphore(%arg18 : memref<!tpu.dma_semaphore, #tpu.memory_space<semaphore_mem>>)
    %add3A_62 = arith.constant 576 : i32
    %add3A_63 = arith.addi %mul3A_8, %add3A_62 : i32
    %dma_start3A_64 = arith.constant 0 : i32
    %dma_start3A_65 = tpu.memref_slice %arg13[%add3A_63, %dma_start3A_64] : memref<10240x128xf32, #tpu.memory_space<vmem_shared>> -> memref<64x128xf32, #tpu.memory_space<vmem_shared>>
    %dma_start3A_66 = arith.constant 0 : i32
    %dma_start3A_67 = tpu.memref_slice %arg13[%add3A_63, %dma_start3A_66] : memref<10240x128xf32, #tpu.memory_space<vmem_shared>> -> memref<64x128xf32, #tpu.memory_space<vmem_shared>>
    tpu.enqueue_dma source(%arg12 : memref<64x128xf32, #tpu.memory_space<vmem>>) target(%dma_start3A_67 : memref<64x128xf32, #tpu.memory_space<vmem_shared>>) target_semaphore(%arg18 : memref<!tpu.dma_semaphore, #tpu.memory_space<semaphore_mem>>)
    %add3A_68 = arith.constant 0 : i32
    %add3A_69 = arith.addi %mul3A_8, %add3A_68 : i32
    %dma_wait3A = arith.constant 0 : i32
    %dma_wait3A_70 = tpu.memref_slice %arg13[%add3A_69, %dma_wait3A] : memref<10240x128xf32, #tpu.memory_space<vmem_shared>> -> memref<64x128xf32, #tpu.memory_space<vmem_shared>>
    %dma_wait3A_71 = arith.constant 0 : i32
    %dma_wait3A_72 = tpu.memref_slice %arg13[%add3A_69, %dma_wait3A_71] : memref<10240x128xf32, #tpu.memory_space<vmem_shared>> -> memref<64x128xf32, #tpu.memory_space<vmem_shared>>
    tpu.wait_dma2 semaphore(%arg18 : memref<!tpu.dma_semaphore, #tpu.memory_space<semaphore_mem>>) src(%arg12 : memref<64x128xf32, #tpu.memory_space<vmem>>) dst(%dma_wait3A_72 : memref<64x128xf32, #tpu.memory_space<vmem_shared>>)
    %add3A_73 = arith.constant 64 : i32
    %add3A_74 = arith.addi %mul3A_8, %add3A_73 : i32
    %dma_wait3A_75 = arith.constant 0 : i32
    %dma_wait3A_76 = tpu.memref_slice %arg13[%add3A_74, %dma_wait3A_75] : memref<10240x128xf32, #tpu.memory_space<vmem_shared>> -> memref<64x128xf32, #tpu.memory_space<vmem_shared>>
    %dma_wait3A_77 = arith.constant 0 : i32
    %dma_wait3A_78 = tpu.memref_slice %arg13[%add3A_74, %dma_wait3A_77] : memref<10240x128xf32, #tpu.memory_space<vmem_shared>> -> memref<64x128xf32, #tpu.memory_space<vmem_shared>>
    tpu.wait_dma2 semaphore(%arg18 : memref<!tpu.dma_semaphore, #tpu.memory_space<semaphore_mem>>) src(%arg12 : memref<64x128xf32, #tpu.memory_space<vmem>>) dst(%dma_wait3A_78 : memref<64x128xf32, #tpu.memory_space<vmem_shared>>)
    %add3A_79 = arith.constant 128 : i32
    %add3A_80 = arith.addi %mul3A_8, %add3A_79 : i32
    %dma_wait3A_81 = arith.constant 0 : i32
    %dma_wait3A_82 = tpu.memref_slice %arg13[%add3A_80, %dma_wait3A_81] : memref<10240x128xf32, #tpu.memory_space<vmem_shared>> -> memref<64x128xf32, #tpu.memory_space<vmem_shared>>
    %dma_wait3A_83 = arith.constant 0 : i32
    %dma_wait3A_84 = tpu.memref_slice %arg13[%add3A_80, %dma_wait3A_83] : memref<10240x128xf32, #tpu.memory_space<vmem_shared>> -> memref<64x128xf32, #tpu.memory_space<vmem_shared>>
    tpu.wait_dma2 semaphore(%arg18 : memref<!tpu.dma_semaphore, #tpu.memory_space<semaphore_mem>>) src(%arg12 : memref<64x128xf32, #tpu.memory_space<vmem>>) dst(%dma_wait3A_84 : memref<64x128xf32, #tpu.memory_space<vmem_shared>>)
    %add3A_85 = arith.constant 192 : i32
    %add3A_86 = arith.addi %mul3A_8, %add3A_85 : i32
    %dma_wait3A_87 = arith.constant 0 : i32
    %dma_wait3A_88 = tpu.memref_slice %arg13[%add3A_86, %dma_wait3A_87] : memref<10240x128xf32, #tpu.memory_space<vmem_shared>> -> memref<64x128xf32, #tpu.memory_space<vmem_shared>>
    %dma_wait3A_89 = arith.constant 0 : i32
    %dma_wait3A_90 = tpu.memref_slice %arg13[%add3A_86, %dma_wait3A_89] : memref<10240x128xf32, #tpu.memory_space<vmem_shared>> -> memref<64x128xf32, #tpu.memory_space<vmem_shared>>
    tpu.wait_dma2 semaphore(%arg18 : memref<!tpu.dma_semaphore, #tpu.memory_space<semaphore_mem>>) src(%arg12 : memref<64x128xf32, #tpu.memory_space<vmem>>) dst(%dma_wait3A_90 : memref<64x128xf32, #tpu.memory_space<vmem_shared>>)
    %add3A_91 = arith.constant 256 : i32
    %add3A_92 = arith.addi %mul3A_8, %add3A_91 : i32
    %dma_wait3A_93 = arith.constant 0 : i32
    %dma_wait3A_94 = tpu.memref_slice %arg13[%add3A_92, %dma_wait3A_93] : memref<10240x128xf32, #tpu.memory_space<vmem_shared>> -> memref<64x128xf32, #tpu.memory_space<vmem_shared>>
    %dma_wait3A_95 = arith.constant 0 : i32
    %dma_wait3A_96 = tpu.memref_slice %arg13[%add3A_92, %dma_wait3A_95] : memref<10240x128xf32, #tpu.memory_space<vmem_shared>> -> memref<64x128xf32, #tpu.memory_space<vmem_shared>>
    tpu.wait_dma2 semaphore(%arg18 : memref<!tpu.dma_semaphore, #tpu.memory_space<semaphore_mem>>) src(%arg12 : memref<64x128xf32, #tpu.memory_space<vmem>>) dst(%dma_wait3A_96 : memref<64x128xf32, #tpu.memory_space<vmem_shared>>)
    %add3A_97 = arith.constant 320 : i32
    %add3A_98 = arith.addi %mul3A_8, %add3A_97 : i32
    %dma_wait3A_99 = arith.constant 0 : i32
    %dma_wait3A_100 = tpu.memref_slice %arg13[%add3A_98, %dma_wait3A_99] : memref<10240x128xf32, #tpu.memory_space<vmem_shared>> -> memref<64x128xf32, #tpu.memory_space<vmem_shared>>
    %dma_wait3A_101 = arith.constant 0 : i32
    %dma_wait3A_102 = tpu.memref_slice %arg13[%add3A_98, %dma_wait3A_101] : memref<10240x128xf32, #tpu.memory_space<vmem_shared>> -> memref<64x128xf32, #tpu.memory_space<vmem_shared>>
    tpu.wait_dma2 semaphore(%arg18 : memref<!tpu.dma_semaphore, #tpu.memory_space<semaphore_mem>>) src(%arg12 : memref<64x128xf32, #tpu.memory_space<vmem>>) dst(%dma_wait3A_102 : memref<64x128xf32, #tpu.memory_space<vmem_shared>>)
    %add3A_103 = arith.constant 384 : i32
    %add3A_104 = arith.addi %mul3A_8, %add3A_103 : i32
    %dma_wait3A_105 = arith.constant 0 : i32
    %dma_wait3A_106 = tpu.memref_slice %arg13[%add3A_104, %dma_wait3A_105] : memref<10240x128xf32, #tpu.memory_space<vmem_shared>> -> memref<64x128xf32, #tpu.memory_space<vmem_shared>>
    %dma_wait3A_107 = arith.constant 0 : i32
    %dma_wait3A_108 = tpu.memref_slice %arg13[%add3A_104, %dma_wait3A_107] : memref<10240x128xf32, #tpu.memory_space<vmem_shared>> -> memref<64x128xf32, #tpu.memory_space<vmem_shared>>
    tpu.wait_dma2 semaphore(%arg18 : memref<!tpu.dma_semaphore, #tpu.memory_space<semaphore_mem>>) src(%arg12 : memref<64x128xf32, #tpu.memory_space<vmem>>) dst(%dma_wait3A_108 : memref<64x128xf32, #tpu.memory_space<vmem_shared>>)
    %add3A_109 = arith.constant 448 : i32
    %add3A_110 = arith.addi %mul3A_8, %add3A_109 : i32
    %dma_wait3A_111 = arith.constant 0 : i32
    %dma_wait3A_112 = tpu.memref_slice %arg13[%add3A_110, %dma_wait3A_111] : memref<10240x128xf32, #tpu.memory_space<vmem_shared>> -> memref<64x128xf32, #tpu.memory_space<vmem_shared>>
    %dma_wait3A_113 = arith.constant 0 : i32
    %dma_wait3A_114 = tpu.memref_slice %arg13[%add3A_110, %dma_wait3A_113] : memref<10240x128xf32, #tpu.memory_space<vmem_shared>> -> memref<64x128xf32, #tpu.memory_space<vmem_shared>>
    tpu.wait_dma2 semaphore(%arg18 : memref<!tpu.dma_semaphore, #tpu.memory_space<semaphore_mem>>) src(%arg12 : memref<64x128xf32, #tpu.memory_space<vmem>>) dst(%dma_wait3A_114 : memref<64x128xf32, #tpu.memory_space<vmem_shared>>)
    %add3A_115 = arith.constant 512 : i32
    %add3A_116 = arith.addi %mul3A_8, %add3A_115 : i32
    %dma_wait3A_117 = arith.constant 0 : i32
    %dma_wait3A_118 = tpu.memref_slice %arg13[%add3A_116, %dma_wait3A_117] : memref<10240x128xf32, #tpu.memory_space<vmem_shared>> -> memref<64x128xf32, #tpu.memory_space<vmem_shared>>
    %dma_wait3A_119 = arith.constant 0 : i32
    %dma_wait3A_120 = tpu.memref_slice %arg13[%add3A_116, %dma_wait3A_119] : memref<10240x128xf32, #tpu.memory_space<vmem_shared>> -> memref<64x128xf32, #tpu.memory_space<vmem_shared>>
    tpu.wait_dma2 semaphore(%arg18 : memref<!tpu.dma_semaphore, #tpu.memory_space<semaphore_mem>>) src(%arg12 : memref<64x128xf32, #tpu.memory_space<vmem>>) dst(%dma_wait3A_120 : memref<64x128xf32, #tpu.memory_space<vmem_shared>>)
    %add3A_121 = arith.constant 576 : i32
    %add3A_122 = arith.addi %mul3A_8, %add3A_121 : i32
    %dma_wait3A_123 = arith.constant 0 : i32
    %dma_wait3A_124 = tpu.memref_slice %arg13[%add3A_122, %dma_wait3A_123] : memref<10240x128xf32, #tpu.memory_space<vmem_shared>> -> memref<64x128xf32, #tpu.memory_space<vmem_shared>>
    %dma_wait3A_125 = arith.constant 0 : i32
    %dma_wait3A_126 = tpu.memref_slice %arg13[%add3A_122, %dma_wait3A_125] : memref<10240x128xf32, #tpu.memory_space<vmem_shared>> -> memref<64x128xf32, #tpu.memory_space<vmem_shared>>
    tpu.wait_dma2 semaphore(%arg18 : memref<!tpu.dma_semaphore, #tpu.memory_space<semaphore_mem>>) src(%arg12 : memref<64x128xf32, #tpu.memory_space<vmem>>) dst(%dma_wait3A_126 : memref<64x128xf32, #tpu.memory_space<vmem_shared>>)
    %mul3A_127 = arith.constant 80 : i32
    %mul3A_128 = arith.muli %add3A, %mul3A_127 : i32
    "tpu.region"() ({
      %run_scoped3A = tpu.sem_alloc : memref<!tpu.dma_semaphore, #tpu.memory_space<semaphore_mem>>
      %dma_start3A_168 = arith.constant 0 : i32
      %dma_start3A_169 = tpu.memref_slice %arg3[%mul3A_128, %dma_start3A_168] : memref<2560x128xi32, #tpu.memory_space<hbm>> -> memref<8x128xi32, #tpu.memory_space<hbm>>
      %dma_start3A_170 = arith.constant 0 : i32
      %dma_start3A_171 = tpu.memref_slice %arg3[%mul3A_128, %dma_start3A_170] : memref<2560x128xi32, #tpu.memory_space<hbm>> -> memref<8x128xi32, #tpu.memory_space<hbm>>
      tpu.enqueue_dma source(%dma_start3A_171 : memref<8x128xi32, #tpu.memory_space<hbm>>) target(%arg6 : memref<8x128xi32, #tpu.memory_space<vmem>>) target_semaphore(%run_scoped3A : memref<!tpu.dma_semaphore, #tpu.memory_space<semaphore_mem>>)
      %dma_wait3A_172 = arith.constant 0 : i32
      %dma_wait3A_173 = tpu.memref_slice %arg3[%mul3A_128, %dma_wait3A_172] : memref<2560x128xi32, #tpu.memory_space<hbm>> -> memref<8x128xi32, #tpu.memory_space<hbm>>
      %dma_wait3A_174 = arith.constant 0 : i32
      %dma_wait3A_175 = tpu.memref_slice %arg3[%mul3A_128, %dma_wait3A_174] : memref<2560x128xi32, #tpu.memory_space<hbm>> -> memref<8x128xi32, #tpu.memory_space<hbm>>
      tpu.wait_dma2 semaphore(%run_scoped3A : memref<!tpu.dma_semaphore, #tpu.memory_space<semaphore_mem>>) src(%dma_wait3A_175 : memref<8x128xi32, #tpu.memory_space<hbm>>) dst(%arg6 : memref<8x128xi32, #tpu.memory_space<vmem>>)
      tpu.yield
    }) : () -> ()
    "tpu.region"() ({
      %run_scoped3A = tpu.sem_alloc : memref<!tpu.dma_semaphore, #tpu.memory_space<semaphore_mem>>
      %dma_start3A_168 = arith.constant 0 : i32
      %dma_start3A_169 = tpu.memref_slice %arg4[%mul3A_128, %dma_start3A_168] : memref<2560x128xi32, #tpu.memory_space<hbm>> -> memref<8x128xi32, #tpu.memory_space<hbm>>
      %dma_start3A_170 = arith.constant 0 : i32
      %dma_start3A_171 = tpu.memref_slice %arg4[%mul3A_128, %dma_start3A_170] : memref<2560x128xi32, #tpu.memory_space<hbm>> -> memref<8x128xi32, #tpu.memory_space<hbm>>
      tpu.enqueue_dma source(%dma_start3A_171 : memref<8x128xi32, #tpu.memory_space<hbm>>) target(%arg8 : memref<8x128xi32, #tpu.memory_space<vmem>>) target_semaphore(%run_scoped3A : memref<!tpu.dma_semaphore, #tpu.memory_space<semaphore_mem>>)
      %dma_wait3A_172 = arith.constant 0 : i32
      %dma_wait3A_173 = tpu.memref_slice %arg4[%mul3A_128, %dma_wait3A_172] : memref<2560x128xi32, #tpu.memory_space<hbm>> -> memref<8x128xi32, #tpu.memory_space<hbm>>
      %dma_wait3A_174 = arith.constant 0 : i32
      %dma_wait3A_175 = tpu.memref_slice %arg4[%mul3A_128, %dma_wait3A_174] : memref<2560x128xi32, #tpu.memory_space<hbm>> -> memref<8x128xi32, #tpu.memory_space<hbm>>
      tpu.wait_dma2 semaphore(%run_scoped3A : memref<!tpu.dma_semaphore, #tpu.memory_space<semaphore_mem>>) src(%dma_wait3A_175 : memref<8x128xi32, #tpu.memory_space<hbm>>) dst(%arg8 : memref<8x128xi32, #tpu.memory_space<vmem>>)
      tpu.yield
    }) : () -> ()
    %add3A_129 = arith.constant 8 : i32
    %add3A_130 = arith.addi %mul3A_128, %add3A_129 : i32
    %dma_start3A_131 = arith.constant 0 : i32
    %dma_start3A_132 = tpu.memref_slice %arg3[%add3A_130, %dma_start3A_131] : memref<2560x128xi32, #tpu.memory_space<hbm>> -> memref<8x128xi32, #tpu.memory_space<hbm>>
    %dma_start3A_133 = arith.constant 0 : i32
    %dma_start3A_134 = tpu.memref_slice %arg3[%add3A_130, %dma_start3A_133] : memref<2560x128xi32, #tpu.memory_space<hbm>> -> memref<8x128xi32, #tpu.memory_space<hbm>>
    tpu.enqueue_dma source(%dma_start3A_134 : memref<8x128xi32, #tpu.memory_space<hbm>>) target(%arg7 : memref<8x128xi32, #tpu.memory_space<vmem>>) target_semaphore(%arg17 : memref<!tpu.dma_semaphore, #tpu.memory_space<semaphore_mem>>)
    %add3A_135 = arith.constant 8 : i32
    %add3A_136 = arith.addi %mul3A_128, %add3A_135 : i32
    %dma_start3A_137 = arith.constant 0 : i32
    %dma_start3A_138 = tpu.memref_slice %arg4[%add3A_136, %dma_start3A_137] : memref<2560x128xi32, #tpu.memory_space<hbm>> -> memref<8x128xi32, #tpu.memory_space<hbm>>
    %dma_start3A_139 = arith.constant 0 : i32
    %dma_start3A_140 = tpu.memref_slice %arg4[%add3A_136, %dma_start3A_139] : memref<2560x128xi32, #tpu.memory_space<hbm>> -> memref<8x128xi32, #tpu.memory_space<hbm>>
    tpu.enqueue_dma source(%dma_start3A_140 : memref<8x128xi32, #tpu.memory_space<hbm>>) target(%arg9 : memref<8x128xi32, #tpu.memory_space<vmem>>) target_semaphore(%arg17 : memref<!tpu.dma_semaphore, #tpu.memory_space<semaphore_mem>>)
    %barrier3A = arith.constant 0 : index
    tpu.barrier barrier_id(%barrier3A)
    %dma_start3A_141 = arith.constant 0 : i32
    %dma_start3A_142 = arith.constant 0 : i32
    %dma_start3A_143 = arith.constant 0 : i32
    %dma_start3A_144 = tpu.memref_slice %arg10[%dma_start3A_142, %dma_start3A_143] : memref<128x128xf32, #tpu.memory_space<vmem>> -> memref<64x128xf32, #tpu.memory_space<vmem>>
    %dma_start3A_145 = arith.constant 0 : i32
    %dma_start3A_146 = tpu.memref_slice %arg6[%dma_start3A_141, %dma_start3A_145] : memref<8x128xi32, #tpu.memory_space<vmem>> -> memref<1x64xi32, #tpu.memory_space<vmem>>
    %dma_start3A_147 = tpu.memref_squeeze %dma_start3A_146 : memref<1x64xi32, #tpu.memory_space<vmem>> -> memref<64xi32, #tpu.memory_space<vmem>>
    %dma_start3A_148 = arith.constant 0 : i32
    %dma_start3A_149 = arith.constant 0 : i32
    %dma_start3A_150 = tpu.memref_slice %arg2[%dma_start3A_148, %dma_start3A_149] : memref<10000x128xf32, #tpu.memory_space<hbm>> -> memref<10000x128xf32, #tpu.memory_space<hbm>>
    tpu.enqueue_indirect_dma source(%dma_start3A_150 : memref<10000x128xf32, #tpu.memory_space<hbm>>) target(%dma_start3A_144 : memref<64x128xf32, #tpu.memory_space<vmem>>) offsets(%dma_start3A_147 : memref<64xi32, #tpu.memory_space<vmem>>) semaphore(%arg14 : memref<!tpu.dma_semaphore, #tpu.memory_space<semaphore_mem>>)
    %dma_start3A_151 = arith.constant 0 : i32
    %dma_start3A_152 = arith.constant 64 : i32
    %dma_start3A_153 = arith.constant 0 : i32
    %dma_start3A_154 = tpu.memref_slice %arg10[%dma_start3A_152, %dma_start3A_153] : memref<128x128xf32, #tpu.memory_space<vmem>> -> memref<64x128xf32, #tpu.memory_space<vmem>>
    %dma_start3A_155 = arith.constant 64 : i32
    %dma_start3A_156 = tpu.memref_slice %arg6[%dma_start3A_151, %dma_start3A_155] : memref<8x128xi32, #tpu.memory_space<vmem>> -> memref<1x64xi32, #tpu.memory_space<vmem>>
    %dma_start3A_157 = tpu.memref_squeeze %dma_start3A_156 : memref<1x64xi32, #tpu.memory_space<vmem>> -> memref<64xi32, #tpu.memory_space<vmem>>
    %dma_start3A_158 = arith.constant 0 : i32
    %dma_start3A_159 = arith.constant 0 : i32
    %dma_start3A_160 = tpu.memref_slice %arg2[%dma_start3A_158, %dma_start3A_159] : memref<10000x128xf32, #tpu.memory_space<hbm>> -> memref<10000x128xf32, #tpu.memory_space<hbm>>
    tpu.enqueue_indirect_dma source(%dma_start3A_160 : memref<10000x128xf32, #tpu.memory_space<hbm>>) target(%dma_start3A_154 : memref<64x128xf32, #tpu.memory_space<vmem>>) offsets(%dma_start3A_157 : memref<64xi32, #tpu.memory_space<vmem>>) semaphore(%arg14 : memref<!tpu.dma_semaphore, #tpu.memory_space<semaphore_mem>>)
    %scan3A_161 = arith.constant 0 : i32
    %scan3A_162 = arith.constant 0 : i32
    %scan3A_163 = arith.constant 5 : i32
    %scan3A_164 = arith.addi %scan3A_162, %scan3A_163 : i32
    %scan3A_165 = arith.constant 1 : i32
    scf.for %scan3A_168 = %scan3A_162 to %scan3A_164 step %scan3A_165  : i32 {
      %mul3A_169 = arith.constant 16 : i32
      %mul3A_170 = arith.muli %mul3A_169, %scan3A_168 : i32
      %add3A_171 = arith.constant 0 : i32
      %add3A_172 = arith.addi %mul3A_170, %add3A_171 : i32
      %dma_start3A_173 = arith.constant 1 : i32
      %dma_start3A_174 = arith.constant 0 : i32
      %dma_start3A_175 = arith.constant 0 : i32
      %dma_start3A_176 = tpu.memref_slice %arg11[%dma_start3A_174, %dma_start3A_175] : memref<128x128xf32, #tpu.memory_space<vmem>> -> memref<64x128xf32, #tpu.memory_space<vmem>>
      %dma_start3A_177 = arith.constant 0 : i32
      %dma_start3A_178 = tpu.memref_slice %arg6[%dma_start3A_173, %dma_start3A_177] : memref<8x128xi32, #tpu.memory_space<vmem>> -> memref<1x64xi32, #tpu.memory_space<vmem>>
      %dma_start3A_179 = tpu.memref_squeeze %dma_start3A_178 : memref<1x64xi32, #tpu.memory_space<vmem>> -> memref<64xi32, #tpu.memory_space<vmem>>
      %dma_start3A_180 = arith.constant 0 : i32
      %dma_start3A_181 = arith.constant 0 : i32
      %dma_start3A_182 = tpu.memref_slice %arg2[%dma_start3A_180, %dma_start3A_181] : memref<10000x128xf32, #tpu.memory_space<hbm>> -> memref<10000x128xf32, #tpu.memory_space<hbm>>
      tpu.enqueue_indirect_dma source(%dma_start3A_182 : memref<10000x128xf32, #tpu.memory_space<hbm>>) target(%dma_start3A_176 : memref<64x128xf32, #tpu.memory_space<vmem>>) offsets(%dma_start3A_179 : memref<64xi32, #tpu.memory_space<vmem>>) semaphore(%arg15 : memref<!tpu.dma_semaphore, #tpu.memory_space<semaphore_mem>>)
      %dma_start3A_183 = arith.constant 1 : i32
      %dma_start3A_184 = arith.constant 64 : i32
      %dma_start3A_185 = arith.constant 0 : i32
      %dma_start3A_186 = tpu.memref_slice %arg11[%dma_start3A_184, %dma_start3A_185] : memref<128x128xf32, #tpu.memory_space<vmem>> -> memref<64x128xf32, #tpu.memory_space<vmem>>
      %dma_start3A_187 = arith.constant 64 : i32
      %dma_start3A_188 = tpu.memref_slice %arg6[%dma_start3A_183, %dma_start3A_187] : memref<8x128xi32, #tpu.memory_space<vmem>> -> memref<1x64xi32, #tpu.memory_space<vmem>>
      %dma_start3A_189 = tpu.memref_squeeze %dma_start3A_188 : memref<1x64xi32, #tpu.memory_space<vmem>> -> memref<64xi32, #tpu.memory_space<vmem>>
      %dma_start3A_190 = arith.constant 0 : i32
      %dma_start3A_191 = arith.constant 0 : i32
      %dma_start3A_192 = tpu.memref_slice %arg2[%dma_start3A_190, %dma_start3A_191] : memref<10000x128xf32, #tpu.memory_space<hbm>> -> memref<10000x128xf32, #tpu.memory_space<hbm>>
      tpu.enqueue_indirect_dma source(%dma_start3A_192 : memref<10000x128xf32, #tpu.memory_space<hbm>>) target(%dma_start3A_186 : memref<64x128xf32, #tpu.memory_space<vmem>>) offsets(%dma_start3A_189 : memref<64xi32, #tpu.memory_space<vmem>>) semaphore(%arg15 : memref<!tpu.dma_semaphore, #tpu.memory_space<semaphore_mem>>)
      %dma_wait3A_193 = arith.constant 0 : i32
      %dma_wait3A_194 = arith.constant 0 : i32
      %dma_wait3A_195 = arith.constant 0 : i32
      %dma_wait3A_196 = tpu.memref_slice %arg10[%dma_wait3A_194, %dma_wait3A_195] : memref<128x128xf32, #tpu.memory_space<vmem>> -> memref<64x128xf32, #tpu.memory_space<vmem>>
      %dma_wait3A_197 = arith.constant 0 : i32
      %dma_wait3A_198 = tpu.memref_slice %arg6[%dma_wait3A_193, %dma_wait3A_197] : memref<8x128xi32, #tpu.memory_space<vmem>> -> memref<1x64xi32, #tpu.memory_space<vmem>>
      %dma_wait3A_199 = tpu.memref_squeeze %dma_wait3A_198 : memref<1x64xi32, #tpu.memory_space<vmem>> -> memref<64xi32, #tpu.memory_space<vmem>>
      %dma_wait3A_200 = arith.constant 0 : i32
      %dma_wait3A_201 = arith.constant 0 : i32
      %dma_wait3A_202 = tpu.memref_slice %arg2[%dma_wait3A_200, %dma_wait3A_201] : memref<10000x128xf32, #tpu.memory_space<hbm>> -> memref<10000x128xf32, #tpu.memory_space<hbm>>
      tpu.wait_indirect_dma semaphore(%arg14 : memref<!tpu.dma_semaphore, #tpu.memory_space<semaphore_mem>>) src(%dma_wait3A_202 : memref<10000x128xf32, #tpu.memory_space<hbm>>) dst(%dma_wait3A_196 : memref<64x128xf32, #tpu.memory_space<vmem>>)
      %dma_wait3A_203 = arith.constant 0 : i32
      %dma_wait3A_204 = arith.constant 64 : i32
      %dma_wait3A_205 = arith.constant 0 : i32
      %dma_wait3A_206 = tpu.memref_slice %arg10[%dma_wait3A_204, %dma_wait3A_205] : memref<128x128xf32, #tpu.memory_space<vmem>> -> memref<64x128xf32, #tpu.memory_space<vmem>>
      %dma_wait3A_207 = arith.constant 64 : i32
      %dma_wait3A_208 = tpu.memref_slice %arg6[%dma_wait3A_203, %dma_wait3A_207] : memref<8x128xi32, #tpu.memory_space<vmem>> -> memref<1x64xi32, #tpu.memory_space<vmem>>
      %dma_wait3A_209 = tpu.memref_squeeze %dma_wait3A_208 : memref<1x64xi32, #tpu.memory_space<vmem>> -> memref<64xi32, #tpu.memory_space<vmem>>
      %dma_wait3A_210 = arith.constant 0 : i32
      %dma_wait3A_211 = arith.constant 0 : i32
      %dma_wait3A_212 = tpu.memref_slice %arg2[%dma_wait3A_210, %dma_wait3A_211] : memref<10000x128xf32, #tpu.memory_space<hbm>> -> memref<10000x128xf32, #tpu.memory_space<hbm>>
      tpu.wait_indirect_dma semaphore(%arg14 : memref<!tpu.dma_semaphore, #tpu.memory_space<semaphore_mem>>) src(%dma_wait3A_212 : memref<10000x128xf32, #tpu.memory_space<hbm>>) dst(%dma_wait3A_206 : memref<64x128xf32, #tpu.memory_space<vmem>>)
      %run_scoped3A = arith.constant 0 : i32
      "tpu.region"() ({
        %run_scoped3A_908 = tpu.sem_alloc : memref<!tpu.dma_semaphore, #tpu.memory_space<semaphore_mem>>
        %dma_start3A_909 = arith.constant 0 : i32
        %dma_start3A_910 = tpu.memref_slice %arg8[%run_scoped3A, %dma_start3A_909] : memref<8x128xi32, #tpu.memory_space<vmem>> -> memref<1x128xi32, #tpu.memory_space<vmem>>
        %dma_start3A_911 = tpu.memref_squeeze %dma_start3A_910 : memref<1x128xi32, #tpu.memory_space<vmem>> -> memref<128xi32, #tpu.memory_space<vmem>>
        %dma_start3A_912 = arith.constant 0 : i32
        %dma_start3A_913 = arith.constant 0 : i32
        %dma_start3A_914 = tpu.memref_slice %arg13[%dma_start3A_912, %dma_start3A_913] : memref<10240x128xf32, #tpu.memory_space<vmem_shared>> -> memref<10240x128xf32, #tpu.memory_space<vmem_shared>>
        tpu.enqueue_indirect_dma source(%arg10 : memref<128x128xf32, #tpu.memory_space<vmem>>) target(%dma_start3A_914 : memref<10240x128xf32, #tpu.memory_space<vmem_shared>>) offsets(%dma_start3A_911 : memref<128xi32, #tpu.memory_space<vmem>>) semaphore(%run_scoped3A_908 : memref<!tpu.dma_semaphore, #tpu.memory_space<semaphore_mem>>) {add = true}
        %dma_wait3A_915 = arith.constant 0 : i32
        %dma_wait3A_916 = tpu.memref_slice %arg8[%run_scoped3A, %dma_wait3A_915] : memref<8x128xi32, #tpu.memory_space<vmem>> -> memref<1x128xi32, #tpu.memory_space<vmem>>
        %dma_wait3A_917 = tpu.memref_squeeze %dma_wait3A_916 : memref<1x128xi32, #tpu.memory_space<vmem>> -> memref<128xi32, #tpu.memory_space<vmem>>
        %dma_wait3A_918 = arith.constant 0 : i32
        %dma_wait3A_919 = arith.constant 0 : i32
        %dma_wait3A_920 = tpu.memref_slice %arg13[%dma_wait3A_918, %dma_wait3A_919] : memref<10240x128xf32, #tpu.memory_space<vmem_shared>> -> memref<10240x128xf32, #tpu.memory_space<vmem_shared>>
        tpu.wait_indirect_dma semaphore(%run_scoped3A_908 : memref<!tpu.dma_semaphore, #tpu.memory_space<semaphore_mem>>) src(%arg10 : memref<128x128xf32, #tpu.memory_space<vmem>>) dst(%dma_wait3A_920 : memref<10240x128xf32, #tpu.memory_space<vmem_shared>>)
        tpu.yield
      }) : () -> ()
      %mul3A_213 = arith.constant 16 : i32
      %mul3A_214 = arith.muli %mul3A_213, %scan3A_168 : i32
      %add3A_215 = arith.constant 1 : i32
      %add3A_216 = arith.addi %mul3A_214, %add3A_215 : i32
      %dma_start3A_217 = arith.constant 2 : i32
      %dma_start3A_218 = arith.constant 0 : i32
      %dma_start3A_219 = arith.constant 0 : i32
      %dma_start3A_220 = tpu.memref_slice %arg10[%dma_start3A_218, %dma_start3A_219] : memref<128x128xf32, #tpu.memory_space<vmem>> -> memref<64x128xf32, #tpu.memory_space<vmem>>
      %dma_start3A_221 = arith.constant 0 : i32
      %dma_start3A_222 = tpu.memref_slice %arg6[%dma_start3A_217, %dma_start3A_221] : memref<8x128xi32, #tpu.memory_space<vmem>> -> memref<1x64xi32, #tpu.memory_space<vmem>>
      %dma_start3A_223 = tpu.memref_squeeze %dma_start3A_222 : memref<1x64xi32, #tpu.memory_space<vmem>> -> memref<64xi32, #tpu.memory_space<vmem>>
      %dma_start3A_224 = arith.constant 0 : i32
      %dma_start3A_225 = arith.constant 0 : i32
      %dma_start3A_226 = tpu.memref_slice %arg2[%dma_start3A_224, %dma_start3A_225] : memref<10000x128xf32, #tpu.memory_space<hbm>> -> memref<10000x128xf32, #tpu.memory_space<hbm>>
      tpu.enqueue_indirect_dma source(%dma_start3A_226 : memref<10000x128xf32, #tpu.memory_space<hbm>>) target(%dma_start3A_220 : memref<64x128xf32, #tpu.memory_space<vmem>>) offsets(%dma_start3A_223 : memref<64xi32, #tpu.memory_space<vmem>>) semaphore(%arg14 : memref<!tpu.dma_semaphore, #tpu.memory_space<semaphore_mem>>)
      %dma_start3A_227 = arith.constant 2 : i32
      %dma_start3A_228 = arith.constant 64 : i32
      %dma_start3A_229 = arith.constant 0 : i32
      %dma_start3A_230 = tpu.memref_slice %arg10[%dma_start3A_228, %dma_start3A_229] : memref<128x128xf32, #tpu.memory_space<vmem>> -> memref<64x128xf32, #tpu.memory_space<vmem>>
      %dma_start3A_231 = arith.constant 64 : i32
      %dma_start3A_232 = tpu.memref_slice %arg6[%dma_start3A_227, %dma_start3A_231] : memref<8x128xi32, #tpu.memory_space<vmem>> -> memref<1x64xi32, #tpu.memory_space<vmem>>
      %dma_start3A_233 = tpu.memref_squeeze %dma_start3A_232 : memref<1x64xi32, #tpu.memory_space<vmem>> -> memref<64xi32, #tpu.memory_space<vmem>>
      %dma_start3A_234 = arith.constant 0 : i32
      %dma_start3A_235 = arith.constant 0 : i32
      %dma_start3A_236 = tpu.memref_slice %arg2[%dma_start3A_234, %dma_start3A_235] : memref<10000x128xf32, #tpu.memory_space<hbm>> -> memref<10000x128xf32, #tpu.memory_space<hbm>>
      tpu.enqueue_indirect_dma source(%dma_start3A_236 : memref<10000x128xf32, #tpu.memory_space<hbm>>) target(%dma_start3A_230 : memref<64x128xf32, #tpu.memory_space<vmem>>) offsets(%dma_start3A_233 : memref<64xi32, #tpu.memory_space<vmem>>) semaphore(%arg14 : memref<!tpu.dma_semaphore, #tpu.memory_space<semaphore_mem>>)
      %dma_wait3A_237 = arith.constant 1 : i32
      %dma_wait3A_238 = arith.constant 0 : i32
      %dma_wait3A_239 = arith.constant 0 : i32
      %dma_wait3A_240 = tpu.memref_slice %arg11[%dma_wait3A_238, %dma_wait3A_239] : memref<128x128xf32, #tpu.memory_space<vmem>> -> memref<64x128xf32, #tpu.memory_space<vmem>>
      %dma_wait3A_241 = arith.constant 0 : i32
      %dma_wait3A_242 = tpu.memref_slice %arg6[%dma_wait3A_237, %dma_wait3A_241] : memref<8x128xi32, #tpu.memory_space<vmem>> -> memref<1x64xi32, #tpu.memory_space<vmem>>
      %dma_wait3A_243 = tpu.memref_squeeze %dma_wait3A_242 : memref<1x64xi32, #tpu.memory_space<vmem>> -> memref<64xi32, #tpu.memory_space<vmem>>
      %dma_wait3A_244 = arith.constant 0 : i32
      %dma_wait3A_245 = arith.constant 0 : i32
      %dma_wait3A_246 = tpu.memref_slice %arg2[%dma_wait3A_244, %dma_wait3A_245] : memref<10000x128xf32, #tpu.memory_space<hbm>> -> memref<10000x128xf32, #tpu.memory_space<hbm>>
      tpu.wait_indirect_dma semaphore(%arg15 : memref<!tpu.dma_semaphore, #tpu.memory_space<semaphore_mem>>) src(%dma_wait3A_246 : memref<10000x128xf32, #tpu.memory_space<hbm>>) dst(%dma_wait3A_240 : memref<64x128xf32, #tpu.memory_space<vmem>>)
      %dma_wait3A_247 = arith.constant 1 : i32
      %dma_wait3A_248 = arith.constant 64 : i32
      %dma_wait3A_249 = arith.constant 0 : i32
      %dma_wait3A_250 = tpu.memref_slice %arg11[%dma_wait3A_248, %dma_wait3A_249] : memref<128x128xf32, #tpu.memory_space<vmem>> -> memref<64x128xf32, #tpu.memory_space<vmem>>
      %dma_wait3A_251 = arith.constant 64 : i32
      %dma_wait3A_252 = tpu.memref_slice %arg6[%dma_wait3A_247, %dma_wait3A_251] : memref<8x128xi32, #tpu.memory_space<vmem>> -> memref<1x64xi32, #tpu.memory_space<vmem>>
      %dma_wait3A_253 = tpu.memref_squeeze %dma_wait3A_252 : memref<1x64xi32, #tpu.memory_space<vmem>> -> memref<64xi32, #tpu.memory_space<vmem>>
      %dma_wait3A_254 = arith.constant 0 : i32
      %dma_wait3A_255 = arith.constant 0 : i32
      %dma_wait3A_256 = tpu.memref_slice %arg2[%dma_wait3A_254, %dma_wait3A_255] : memref<10000x128xf32, #tpu.memory_space<hbm>> -> memref<10000x128xf32, #tpu.memory_space<hbm>>
      tpu.wait_indirect_dma semaphore(%arg15 : memref<!tpu.dma_semaphore, #tpu.memory_space<semaphore_mem>>) src(%dma_wait3A_256 : memref<10000x128xf32, #tpu.memory_space<hbm>>) dst(%dma_wait3A_250 : memref<64x128xf32, #tpu.memory_space<vmem>>)
      %run_scoped3A_257 = arith.constant 1 : i32
      "tpu.region"() ({
        %run_scoped3A_908 = tpu.sem_alloc : memref<!tpu.dma_semaphore, #tpu.memory_space<semaphore_mem>>
        %dma_start3A_909 = arith.constant 0 : i32
        %dma_start3A_910 = tpu.memref_slice %arg8[%run_scoped3A_257, %dma_start3A_909] : memref<8x128xi32, #tpu.memory_space<vmem>> -> memref<1x128xi32, #tpu.memory_space<vmem>>
        %dma_start3A_911 = tpu.memref_squeeze %dma_start3A_910 : memref<1x128xi32, #tpu.memory_space<vmem>> -> memref<128xi32, #tpu.memory_space<vmem>>
        %dma_start3A_912 = arith.constant 0 : i32
        %dma_start3A_913 = arith.constant 0 : i32
        %dma_start3A_914 = tpu.memref_slice %arg13[%dma_start3A_912, %dma_start3A_913] : memref<10240x128xf32, #tpu.memory_space<vmem_shared>> -> memref<10240x128xf32, #tpu.memory_space<vmem_shared>>
        tpu.enqueue_indirect_dma source(%arg11 : memref<128x128xf32, #tpu.memory_space<vmem>>) target(%dma_start3A_914 : memref<10240x128xf32, #tpu.memory_space<vmem_shared>>) offsets(%dma_start3A_911 : memref<128xi32, #tpu.memory_space<vmem>>) semaphore(%run_scoped3A_908 : memref<!tpu.dma_semaphore, #tpu.memory_space<semaphore_mem>>) {add = true}
        %dma_wait3A_915 = arith.constant 0 : i32
        %dma_wait3A_916 = tpu.memref_slice %arg8[%run_scoped3A_257, %dma_wait3A_915] : memref<8x128xi32, #tpu.memory_space<vmem>> -> memref<1x128xi32, #tpu.memory_space<vmem>>
        %dma_wait3A_917 = tpu.memref_squeeze %dma_wait3A_916 : memref<1x128xi32, #tpu.memory_space<vmem>> -> memref<128xi32, #tpu.memory_space<vmem>>
        %dma_wait3A_918 = arith.constant 0 : i32
        %dma_wait3A_919 = arith.constant 0 : i32
        %dma_wait3A_920 = tpu.memref_slice %arg13[%dma_wait3A_918, %dma_wait3A_919] : memref<10240x128xf32, #tpu.memory_space<vmem_shared>> -> memref<10240x128xf32, #tpu.memory_space<vmem_shared>>
        tpu.wait_indirect_dma semaphore(%run_scoped3A_908 : memref<!tpu.dma_semaphore, #tpu.memory_space<semaphore_mem>>) src(%arg11 : memref<128x128xf32, #tpu.memory_space<vmem>>) dst(%dma_wait3A_920 : memref<10240x128xf32, #tpu.memory_space<vmem_shared>>)
        tpu.yield
      }) : () -> ()
      %mul3A_258 = arith.constant 16 : i32
      %mul3A_259 = arith.muli %mul3A_258, %scan3A_168 : i32
      %add3A_260 = arith.constant 2 : i32
      %add3A_261 = arith.addi %mul3A_259, %add3A_260 : i32
      %dma_start3A_262 = arith.constant 3 : i32
      %dma_start3A_263 = arith.constant 0 : i32
      %dma_start3A_264 = arith.constant 0 : i32
      %dma_start3A_265 = tpu.memref_slice %arg11[%dma_start3A_263, %dma_start3A_264] : memref<128x128xf32, #tpu.memory_space<vmem>> -> memref<64x128xf32, #tpu.memory_space<vmem>>
      %dma_start3A_266 = arith.constant 0 : i32
      %dma_start3A_267 = tpu.memref_slice %arg6[%dma_start3A_262, %dma_start3A_266] : memref<8x128xi32, #tpu.memory_space<vmem>> -> memref<1x64xi32, #tpu.memory_space<vmem>>
      %dma_start3A_268 = tpu.memref_squeeze %dma_start3A_267 : memref<1x64xi32, #tpu.memory_space<vmem>> -> memref<64xi32, #tpu.memory_space<vmem>>
      %dma_start3A_269 = arith.constant 0 : i32
      %dma_start3A_270 = arith.constant 0 : i32
      %dma_start3A_271 = tpu.memref_slice %arg2[%dma_start3A_269, %dma_start3A_270] : memref<10000x128xf32, #tpu.memory_space<hbm>> -> memref<10000x128xf32, #tpu.memory_space<hbm>>
      tpu.enqueue_indirect_dma source(%dma_start3A_271 : memref<10000x128xf32, #tpu.memory_space<hbm>>) target(%dma_start3A_265 : memref<64x128xf32, #tpu.memory_space<vmem>>) offsets(%dma_start3A_268 : memref<64xi32, #tpu.memory_space<vmem>>) semaphore(%arg15 : memref<!tpu.dma_semaphore, #tpu.memory_space<semaphore_mem>>)
      %dma_start3A_272 = arith.constant 3 : i32
      %dma_start3A_273 = arith.constant 64 : i32
      %dma_start3A_274 = arith.constant 0 : i32
      %dma_start3A_275 = tpu.memref_slice %arg11[%dma_start3A_273, %dma_start3A_274] : memref<128x128xf32, #tpu.memory_space<vmem>> -> memref<64x128xf32, #tpu.memory_space<vmem>>
      %dma_start3A_276 = arith.constant 64 : i32
      %dma_start3A_277 = tpu.memref_slice %arg6[%dma_start3A_272, %dma_start3A_276] : memref<8x128xi32, #tpu.memory_space<vmem>> -> memref<1x64xi32, #tpu.memory_space<vmem>>
      %dma_start3A_278 = tpu.memref_squeeze %dma_start3A_277 : memref<1x64xi32, #tpu.memory_space<vmem>> -> memref<64xi32, #tpu.memory_space<vmem>>
      %dma_start3A_279 = arith.constant 0 : i32
      %dma_start3A_280 = arith.constant 0 : i32
      %dma_start3A_281 = tpu.memref_slice %arg2[%dma_start3A_279, %dma_start3A_280] : memref<10000x128xf32, #tpu.memory_space<hbm>> -> memref<10000x128xf32, #tpu.memory_space<hbm>>
      tpu.enqueue_indirect_dma source(%dma_start3A_281 : memref<10000x128xf32, #tpu.memory_space<hbm>>) target(%dma_start3A_275 : memref<64x128xf32, #tpu.memory_space<vmem>>) offsets(%dma_start3A_278 : memref<64xi32, #tpu.memory_space<vmem>>) semaphore(%arg15 : memref<!tpu.dma_semaphore, #tpu.memory_space<semaphore_mem>>)
      %dma_wait3A_282 = arith.constant 2 : i32
      %dma_wait3A_283 = arith.constant 0 : i32
      %dma_wait3A_284 = arith.constant 0 : i32
      %dma_wait3A_285 = tpu.memref_slice %arg10[%dma_wait3A_283, %dma_wait3A_284] : memref<128x128xf32, #tpu.memory_space<vmem>> -> memref<64x128xf32, #tpu.memory_space<vmem>>
      %dma_wait3A_286 = arith.constant 0 : i32
      %dma_wait3A_287 = tpu.memref_slice %arg6[%dma_wait3A_282, %dma_wait3A_286] : memref<8x128xi32, #tpu.memory_space<vmem>> -> memref<1x64xi32, #tpu.memory_space<vmem>>
      %dma_wait3A_288 = tpu.memref_squeeze %dma_wait3A_287 : memref<1x64xi32, #tpu.memory_space<vmem>> -> memref<64xi32, #tpu.memory_space<vmem>>
      %dma_wait3A_289 = arith.constant 0 : i32
      %dma_wait3A_290 = arith.constant 0 : i32
      %dma_wait3A_291 = tpu.memref_slice %arg2[%dma_wait3A_289, %dma_wait3A_290] : memref<10000x128xf32, #tpu.memory_space<hbm>> -> memref<10000x128xf32, #tpu.memory_space<hbm>>
      tpu.wait_indirect_dma semaphore(%arg14 : memref<!tpu.dma_semaphore, #tpu.memory_space<semaphore_mem>>) src(%dma_wait3A_291 : memref<10000x128xf32, #tpu.memory_space<hbm>>) dst(%dma_wait3A_285 : memref<64x128xf32, #tpu.memory_space<vmem>>)
      %dma_wait3A_292 = arith.constant 2 : i32
      %dma_wait3A_293 = arith.constant 64 : i32
      %dma_wait3A_294 = arith.constant 0 : i32
      %dma_wait3A_295 = tpu.memref_slice %arg10[%dma_wait3A_293, %dma_wait3A_294] : memref<128x128xf32, #tpu.memory_space<vmem>> -> memref<64x128xf32, #tpu.memory_space<vmem>>
      %dma_wait3A_296 = arith.constant 64 : i32
      %dma_wait3A_297 = tpu.memref_slice %arg6[%dma_wait3A_292, %dma_wait3A_296] : memref<8x128xi32, #tpu.memory_space<vmem>> -> memref<1x64xi32, #tpu.memory_space<vmem>>
      %dma_wait3A_298 = tpu.memref_squeeze %dma_wait3A_297 : memref<1x64xi32, #tpu.memory_space<vmem>> -> memref<64xi32, #tpu.memory_space<vmem>>
      %dma_wait3A_299 = arith.constant 0 : i32
      %dma_wait3A_300 = arith.constant 0 : i32
      %dma_wait3A_301 = tpu.memref_slice %arg2[%dma_wait3A_299, %dma_wait3A_300] : memref<10000x128xf32, #tpu.memory_space<hbm>> -> memref<10000x128xf32, #tpu.memory_space<hbm>>
      tpu.wait_indirect_dma semaphore(%arg14 : memref<!tpu.dma_semaphore, #tpu.memory_space<semaphore_mem>>) src(%dma_wait3A_301 : memref<10000x128xf32, #tpu.memory_space<hbm>>) dst(%dma_wait3A_295 : memref<64x128xf32, #tpu.memory_space<vmem>>)
      %run_scoped3A_302 = arith.constant 2 : i32
      "tpu.region"() ({
        %run_scoped3A_908 = tpu.sem_alloc : memref<!tpu.dma_semaphore, #tpu.memory_space<semaphore_mem>>
        %dma_start3A_909 = arith.constant 0 : i32
        %dma_start3A_910 = tpu.memref_slice %arg8[%run_scoped3A_302, %dma_start3A_909] : memref<8x128xi32, #tpu.memory_space<vmem>> -> memref<1x128xi32, #tpu.memory_space<vmem>>
        %dma_start3A_911 = tpu.memref_squeeze %dma_start3A_910 : memref<1x128xi32, #tpu.memory_space<vmem>> -> memref<128xi32, #tpu.memory_space<vmem>>
        %dma_start3A_912 = arith.constant 0 : i32
        %dma_start3A_913 = arith.constant 0 : i32
        %dma_start3A_914 = tpu.memref_slice %arg13[%dma_start3A_912, %dma_start3A_913] : memref<10240x128xf32, #tpu.memory_space<vmem_shared>> -> memref<10240x128xf32, #tpu.memory_space<vmem_shared>>
        tpu.enqueue_indirect_dma source(%arg10 : memref<128x128xf32, #tpu.memory_space<vmem>>) target(%dma_start3A_914 : memref<10240x128xf32, #tpu.memory_space<vmem_shared>>) offsets(%dma_start3A_911 : memref<128xi32, #tpu.memory_space<vmem>>) semaphore(%run_scoped3A_908 : memref<!tpu.dma_semaphore, #tpu.memory_space<semaphore_mem>>) {add = true}
        %dma_wait3A_915 = arith.constant 0 : i32
        %dma_wait3A_916 = tpu.memref_slice %arg8[%run_scoped3A_302, %dma_wait3A_915] : memref<8x128xi32, #tpu.memory_space<vmem>> -> memref<1x128xi32, #tpu.memory_space<vmem>>
        %dma_wait3A_917 = tpu.memref_squeeze %dma_wait3A_916 : memref<1x128xi32, #tpu.memory_space<vmem>> -> memref<128xi32, #tpu.memory_space<vmem>>
        %dma_wait3A_918 = arith.constant 0 : i32
        %dma_wait3A_919 = arith.constant 0 : i32
        %dma_wait3A_920 = tpu.memref_slice %arg13[%dma_wait3A_918, %dma_wait3A_919] : memref<10240x128xf32, #tpu.memory_space<vmem_shared>> -> memref<10240x128xf32, #tpu.memory_space<vmem_shared>>
        tpu.wait_indirect_dma semaphore(%run_scoped3A_908 : memref<!tpu.dma_semaphore, #tpu.memory_space<semaphore_mem>>) src(%arg10 : memref<128x128xf32, #tpu.memory_space<vmem>>) dst(%dma_wait3A_920 : memref<10240x128xf32, #tpu.memory_space<vmem_shared>>)
        tpu.yield
      }) : () -> ()
      %mul3A_303 = arith.constant 16 : i32
      %mul3A_304 = arith.muli %mul3A_303, %scan3A_168 : i32
      %add3A_305 = arith.constant 3 : i32
      %add3A_306 = arith.addi %mul3A_304, %add3A_305 : i32
      %dma_start3A_307 = arith.constant 4 : i32
      %dma_start3A_308 = arith.constant 0 : i32
      %dma_start3A_309 = arith.constant 0 : i32
      %dma_start3A_310 = tpu.memref_slice %arg10[%dma_start3A_308, %dma_start3A_309] : memref<128x128xf32, #tpu.memory_space<vmem>> -> memref<64x128xf32, #tpu.memory_space<vmem>>
      %dma_start3A_311 = arith.constant 0 : i32
      %dma_start3A_312 = tpu.memref_slice %arg6[%dma_start3A_307, %dma_start3A_311] : memref<8x128xi32, #tpu.memory_space<vmem>> -> memref<1x64xi32, #tpu.memory_space<vmem>>
      %dma_start3A_313 = tpu.memref_squeeze %dma_start3A_312 : memref<1x64xi32, #tpu.memory_space<vmem>> -> memref<64xi32, #tpu.memory_space<vmem>>
      %dma_start3A_314 = arith.constant 0 : i32
      %dma_start3A_315 = arith.constant 0 : i32
      %dma_start3A_316 = tpu.memref_slice %arg2[%dma_start3A_314, %dma_start3A_315] : memref<10000x128xf32, #tpu.memory_space<hbm>> -> memref<10000x128xf32, #tpu.memory_space<hbm>>
      tpu.enqueue_indirect_dma source(%dma_start3A_316 : memref<10000x128xf32, #tpu.memory_space<hbm>>) target(%dma_start3A_310 : memref<64x128xf32, #tpu.memory_space<vmem>>) offsets(%dma_start3A_313 : memref<64xi32, #tpu.memory_space<vmem>>) semaphore(%arg14 : memref<!tpu.dma_semaphore, #tpu.memory_space<semaphore_mem>>)
      %dma_start3A_317 = arith.constant 4 : i32
      %dma_start3A_318 = arith.constant 64 : i32
      %dma_start3A_319 = arith.constant 0 : i32
      %dma_start3A_320 = tpu.memref_slice %arg10[%dma_start3A_318, %dma_start3A_319] : memref<128x128xf32, #tpu.memory_space<vmem>> -> memref<64x128xf32, #tpu.memory_space<vmem>>
      %dma_start3A_321 = arith.constant 64 : i32
      %dma_start3A_322 = tpu.memref_slice %arg6[%dma_start3A_317, %dma_start3A_321] : memref<8x128xi32, #tpu.memory_space<vmem>> -> memref<1x64xi32, #tpu.memory_space<vmem>>
      %dma_start3A_323 = tpu.memref_squeeze %dma_start3A_322 : memref<1x64xi32, #tpu.memory_space<vmem>> -> memref<64xi32, #tpu.memory_space<vmem>>
      %dma_start3A_324 = arith.constant 0 : i32
      %dma_start3A_325 = arith.constant 0 : i32
      %dma_start3A_326 = tpu.memref_slice %arg2[%dma_start3A_324, %dma_start3A_325] : memref<10000x128xf32, #tpu.memory_space<hbm>> -> memref<10000x128xf32, #tpu.memory_space<hbm>>
      tpu.enqueue_indirect_dma source(%dma_start3A_326 : memref<10000x128xf32, #tpu.memory_space<hbm>>) target(%dma_start3A_320 : memref<64x128xf32, #tpu.memory_space<vmem>>) offsets(%dma_start3A_323 : memref<64xi32, #tpu.memory_space<vmem>>) semaphore(%arg14 : memref<!tpu.dma_semaphore, #tpu.memory_space<semaphore_mem>>)
      %dma_wait3A_327 = arith.constant 3 : i32
      %dma_wait3A_328 = arith.constant 0 : i32
      %dma_wait3A_329 = arith.constant 0 : i32
      %dma_wait3A_330 = tpu.memref_slice %arg11[%dma_wait3A_328, %dma_wait3A_329] : memref<128x128xf32, #tpu.memory_space<vmem>> -> memref<64x128xf32, #tpu.memory_space<vmem>>
      %dma_wait3A_331 = arith.constant 0 : i32
      %dma_wait3A_332 = tpu.memref_slice %arg6[%dma_wait3A_327, %dma_wait3A_331] : memref<8x128xi32, #tpu.memory_space<vmem>> -> memref<1x64xi32, #tpu.memory_space<vmem>>
      %dma_wait3A_333 = tpu.memref_squeeze %dma_wait3A_332 : memref<1x64xi32, #tpu.memory_space<vmem>> -> memref<64xi32, #tpu.memory_space<vmem>>
      %dma_wait3A_334 = arith.constant 0 : i32
      %dma_wait3A_335 = arith.constant 0 : i32
      %dma_wait3A_336 = tpu.memref_slice %arg2[%dma_wait3A_334, %dma_wait3A_335] : memref<10000x128xf32, #tpu.memory_space<hbm>> -> memref<10000x128xf32, #tpu.memory_space<hbm>>
      tpu.wait_indirect_dma semaphore(%arg15 : memref<!tpu.dma_semaphore, #tpu.memory_space<semaphore_mem>>) src(%dma_wait3A_336 : memref<10000x128xf32, #tpu.memory_space<hbm>>) dst(%dma_wait3A_330 : memref<64x128xf32, #tpu.memory_space<vmem>>)
      %dma_wait3A_337 = arith.constant 3 : i32
      %dma_wait3A_338 = arith.constant 64 : i32
      %dma_wait3A_339 = arith.constant 0 : i32
      %dma_wait3A_340 = tpu.memref_slice %arg11[%dma_wait3A_338, %dma_wait3A_339] : memref<128x128xf32, #tpu.memory_space<vmem>> -> memref<64x128xf32, #tpu.memory_space<vmem>>
      %dma_wait3A_341 = arith.constant 64 : i32
      %dma_wait3A_342 = tpu.memref_slice %arg6[%dma_wait3A_337, %dma_wait3A_341] : memref<8x128xi32, #tpu.memory_space<vmem>> -> memref<1x64xi32, #tpu.memory_space<vmem>>
      %dma_wait3A_343 = tpu.memref_squeeze %dma_wait3A_342 : memref<1x64xi32, #tpu.memory_space<vmem>> -> memref<64xi32, #tpu.memory_space<vmem>>
      %dma_wait3A_344 = arith.constant 0 : i32
      %dma_wait3A_345 = arith.constant 0 : i32
      %dma_wait3A_346 = tpu.memref_slice %arg2[%dma_wait3A_344, %dma_wait3A_345] : memref<10000x128xf32, #tpu.memory_space<hbm>> -> memref<10000x128xf32, #tpu.memory_space<hbm>>
      tpu.wait_indirect_dma semaphore(%arg15 : memref<!tpu.dma_semaphore, #tpu.memory_space<semaphore_mem>>) src(%dma_wait3A_346 : memref<10000x128xf32, #tpu.memory_space<hbm>>) dst(%dma_wait3A_340 : memref<64x128xf32, #tpu.memory_space<vmem>>)
      %run_scoped3A_347 = arith.constant 3 : i32
      "tpu.region"() ({
        %run_scoped3A_908 = tpu.sem_alloc : memref<!tpu.dma_semaphore, #tpu.memory_space<semaphore_mem>>
        %dma_start3A_909 = arith.constant 0 : i32
        %dma_start3A_910 = tpu.memref_slice %arg8[%run_scoped3A_347, %dma_start3A_909] : memref<8x128xi32, #tpu.memory_space<vmem>> -> memref<1x128xi32, #tpu.memory_space<vmem>>
        %dma_start3A_911 = tpu.memref_squeeze %dma_start3A_910 : memref<1x128xi32, #tpu.memory_space<vmem>> -> memref<128xi32, #tpu.memory_space<vmem>>
        %dma_start3A_912 = arith.constant 0 : i32
        %dma_start3A_913 = arith.constant 0 : i32
        %dma_start3A_914 = tpu.memref_slice %arg13[%dma_start3A_912, %dma_start3A_913] : memref<10240x128xf32, #tpu.memory_space<vmem_shared>> -> memref<10240x128xf32, #tpu.memory_space<vmem_shared>>
        tpu.enqueue_indirect_dma source(%arg11 : memref<128x128xf32, #tpu.memory_space<vmem>>) target(%dma_start3A_914 : memref<10240x128xf32, #tpu.memory_space<vmem_shared>>) offsets(%dma_start3A_911 : memref<128xi32, #tpu.memory_space<vmem>>) semaphore(%run_scoped3A_908 : memref<!tpu.dma_semaphore, #tpu.memory_space<semaphore_mem>>) {add = true}
        %dma_wait3A_915 = arith.constant 0 : i32
        %dma_wait3A_916 = tpu.memref_slice %arg8[%run_scoped3A_347, %dma_wait3A_915] : memref<8x128xi32, #tpu.memory_space<vmem>> -> memref<1x128xi32, #tpu.memory_space<vmem>>
        %dma_wait3A_917 = tpu.memref_squeeze %dma_wait3A_916 : memref<1x128xi32, #tpu.memory_space<vmem>> -> memref<128xi32, #tpu.memory_space<vmem>>
        %dma_wait3A_918 = arith.constant 0 : i32
        %dma_wait3A_919 = arith.constant 0 : i32
        %dma_wait3A_920 = tpu.memref_slice %arg13[%dma_wait3A_918, %dma_wait3A_919] : memref<10240x128xf32, #tpu.memory_space<vmem_shared>> -> memref<10240x128xf32, #tpu.memory_space<vmem_shared>>
        tpu.wait_indirect_dma semaphore(%run_scoped3A_908 : memref<!tpu.dma_semaphore, #tpu.memory_space<semaphore_mem>>) src(%arg11 : memref<128x128xf32, #tpu.memory_space<vmem>>) dst(%dma_wait3A_920 : memref<10240x128xf32, #tpu.memory_space<vmem_shared>>)
        tpu.yield
      }) : () -> ()
      %mul3A_348 = arith.constant 16 : i32
      %mul3A_349 = arith.muli %mul3A_348, %scan3A_168 : i32
      %add3A_350 = arith.constant 4 : i32
      %add3A_351 = arith.addi %mul3A_349, %add3A_350 : i32
      %dma_start3A_352 = arith.constant 5 : i32
      %dma_start3A_353 = arith.constant 0 : i32
      %dma_start3A_354 = arith.constant 0 : i32
      %dma_start3A_355 = tpu.memref_slice %arg11[%dma_start3A_353, %dma_start3A_354] : memref<128x128xf32, #tpu.memory_space<vmem>> -> memref<64x128xf32, #tpu.memory_space<vmem>>
      %dma_start3A_356 = arith.constant 0 : i32
      %dma_start3A_357 = tpu.memref_slice %arg6[%dma_start3A_352, %dma_start3A_356] : memref<8x128xi32, #tpu.memory_space<vmem>> -> memref<1x64xi32, #tpu.memory_space<vmem>>
      %dma_start3A_358 = tpu.memref_squeeze %dma_start3A_357 : memref<1x64xi32, #tpu.memory_space<vmem>> -> memref<64xi32, #tpu.memory_space<vmem>>
      %dma_start3A_359 = arith.constant 0 : i32
      %dma_start3A_360 = arith.constant 0 : i32
      %dma_start3A_361 = tpu.memref_slice %arg2[%dma_start3A_359, %dma_start3A_360] : memref<10000x128xf32, #tpu.memory_space<hbm>> -> memref<10000x128xf32, #tpu.memory_space<hbm>>
      tpu.enqueue_indirect_dma source(%dma_start3A_361 : memref<10000x128xf32, #tpu.memory_space<hbm>>) target(%dma_start3A_355 : memref<64x128xf32, #tpu.memory_space<vmem>>) offsets(%dma_start3A_358 : memref<64xi32, #tpu.memory_space<vmem>>) semaphore(%arg15 : memref<!tpu.dma_semaphore, #tpu.memory_space<semaphore_mem>>)
      %dma_start3A_362 = arith.constant 5 : i32
      %dma_start3A_363 = arith.constant 64 : i32
      %dma_start3A_364 = arith.constant 0 : i32
      %dma_start3A_365 = tpu.memref_slice %arg11[%dma_start3A_363, %dma_start3A_364] : memref<128x128xf32, #tpu.memory_space<vmem>> -> memref<64x128xf32, #tpu.memory_space<vmem>>
      %dma_start3A_366 = arith.constant 64 : i32
      %dma_start3A_367 = tpu.memref_slice %arg6[%dma_start3A_362, %dma_start3A_366] : memref<8x128xi32, #tpu.memory_space<vmem>> -> memref<1x64xi32, #tpu.memory_space<vmem>>
      %dma_start3A_368 = tpu.memref_squeeze %dma_start3A_367 : memref<1x64xi32, #tpu.memory_space<vmem>> -> memref<64xi32, #tpu.memory_space<vmem>>
      %dma_start3A_369 = arith.constant 0 : i32
      %dma_start3A_370 = arith.constant 0 : i32
      %dma_start3A_371 = tpu.memref_slice %arg2[%dma_start3A_369, %dma_start3A_370] : memref<10000x128xf32, #tpu.memory_space<hbm>> -> memref<10000x128xf32, #tpu.memory_space<hbm>>
      tpu.enqueue_indirect_dma source(%dma_start3A_371 : memref<10000x128xf32, #tpu.memory_space<hbm>>) target(%dma_start3A_365 : memref<64x128xf32, #tpu.memory_space<vmem>>) offsets(%dma_start3A_368 : memref<64xi32, #tpu.memory_space<vmem>>) semaphore(%arg15 : memref<!tpu.dma_semaphore, #tpu.memory_space<semaphore_mem>>)
      %dma_wait3A_372 = arith.constant 4 : i32
      %dma_wait3A_373 = arith.constant 0 : i32
      %dma_wait3A_374 = arith.constant 0 : i32
      %dma_wait3A_375 = tpu.memref_slice %arg10[%dma_wait3A_373, %dma_wait3A_374] : memref<128x128xf32, #tpu.memory_space<vmem>> -> memref<64x128xf32, #tpu.memory_space<vmem>>
      %dma_wait3A_376 = arith.constant 0 : i32
      %dma_wait3A_377 = tpu.memref_slice %arg6[%dma_wait3A_372, %dma_wait3A_376] : memref<8x128xi32, #tpu.memory_space<vmem>> -> memref<1x64xi32, #tpu.memory_space<vmem>>
      %dma_wait3A_378 = tpu.memref_squeeze %dma_wait3A_377 : memref<1x64xi32, #tpu.memory_space<vmem>> -> memref<64xi32, #tpu.memory_space<vmem>>
      %dma_wait3A_379 = arith.constant 0 : i32
      %dma_wait3A_380 = arith.constant 0 : i32
      %dma_wait3A_381 = tpu.memref_slice %arg2[%dma_wait3A_379, %dma_wait3A_380] : memref<10000x128xf32, #tpu.memory_space<hbm>> -> memref<10000x128xf32, #tpu.memory_space<hbm>>
      tpu.wait_indirect_dma semaphore(%arg14 : memref<!tpu.dma_semaphore, #tpu.memory_space<semaphore_mem>>) src(%dma_wait3A_381 : memref<10000x128xf32, #tpu.memory_space<hbm>>) dst(%dma_wait3A_375 : memref<64x128xf32, #tpu.memory_space<vmem>>)
      %dma_wait3A_382 = arith.constant 4 : i32
      %dma_wait3A_383 = arith.constant 64 : i32
      %dma_wait3A_384 = arith.constant 0 : i32
      %dma_wait3A_385 = tpu.memref_slice %arg10[%dma_wait3A_383, %dma_wait3A_384] : memref<128x128xf32, #tpu.memory_space<vmem>> -> memref<64x128xf32, #tpu.memory_space<vmem>>
      %dma_wait3A_386 = arith.constant 64 : i32
      %dma_wait3A_387 = tpu.memref_slice %arg6[%dma_wait3A_382, %dma_wait3A_386] : memref<8x128xi32, #tpu.memory_space<vmem>> -> memref<1x64xi32, #tpu.memory_space<vmem>>
      %dma_wait3A_388 = tpu.memref_squeeze %dma_wait3A_387 : memref<1x64xi32, #tpu.memory_space<vmem>> -> memref<64xi32, #tpu.memory_space<vmem>>
      %dma_wait3A_389 = arith.constant 0 : i32
      %dma_wait3A_390 = arith.constant 0 : i32
      %dma_wait3A_391 = tpu.memref_slice %arg2[%dma_wait3A_389, %dma_wait3A_390] : memref<10000x128xf32, #tpu.memory_space<hbm>> -> memref<10000x128xf32, #tpu.memory_space<hbm>>
      tpu.wait_indirect_dma semaphore(%arg14 : memref<!tpu.dma_semaphore, #tpu.memory_space<semaphore_mem>>) src(%dma_wait3A_391 : memref<10000x128xf32, #tpu.memory_space<hbm>>) dst(%dma_wait3A_385 : memref<64x128xf32, #tpu.memory_space<vmem>>)
      %run_scoped3A_392 = arith.constant 4 : i32
      "tpu.region"() ({
        %run_scoped3A_908 = tpu.sem_alloc : memref<!tpu.dma_semaphore, #tpu.memory_space<semaphore_mem>>
        %dma_start3A_909 = arith.constant 0 : i32
        %dma_start3A_910 = tpu.memref_slice %arg8[%run_scoped3A_392, %dma_start3A_909] : memref<8x128xi32, #tpu.memory_space<vmem>> -> memref<1x128xi32, #tpu.memory_space<vmem>>
        %dma_start3A_911 = tpu.memref_squeeze %dma_start3A_910 : memref<1x128xi32, #tpu.memory_space<vmem>> -> memref<128xi32, #tpu.memory_space<vmem>>
        %dma_start3A_912 = arith.constant 0 : i32
        %dma_start3A_913 = arith.constant 0 : i32
        %dma_start3A_914 = tpu.memref_slice %arg13[%dma_start3A_912, %dma_start3A_913] : memref<10240x128xf32, #tpu.memory_space<vmem_shared>> -> memref<10240x128xf32, #tpu.memory_space<vmem_shared>>
        tpu.enqueue_indirect_dma source(%arg10 : memref<128x128xf32, #tpu.memory_space<vmem>>) target(%dma_start3A_914 : memref<10240x128xf32, #tpu.memory_space<vmem_shared>>) offsets(%dma_start3A_911 : memref<128xi32, #tpu.memory_space<vmem>>) semaphore(%run_scoped3A_908 : memref<!tpu.dma_semaphore, #tpu.memory_space<semaphore_mem>>) {add = true}
        %dma_wait3A_915 = arith.constant 0 : i32
        %dma_wait3A_916 = tpu.memref_slice %arg8[%run_scoped3A_392, %dma_wait3A_915] : memref<8x128xi32, #tpu.memory_space<vmem>> -> memref<1x128xi32, #tpu.memory_space<vmem>>
        %dma_wait3A_917 = tpu.memref_squeeze %dma_wait3A_916 : memref<1x128xi32, #tpu.memory_space<vmem>> -> memref<128xi32, #tpu.memory_space<vmem>>
        %dma_wait3A_918 = arith.constant 0 : i32
        %dma_wait3A_919 = arith.constant 0 : i32
        %dma_wait3A_920 = tpu.memref_slice %arg13[%dma_wait3A_918, %dma_wait3A_919] : memref<10240x128xf32, #tpu.memory_space<vmem_shared>> -> memref<10240x128xf32, #tpu.memory_space<vmem_shared>>
        tpu.wait_indirect_dma semaphore(%run_scoped3A_908 : memref<!tpu.dma_semaphore, #tpu.memory_space<semaphore_mem>>) src(%arg10 : memref<128x128xf32, #tpu.memory_space<vmem>>) dst(%dma_wait3A_920 : memref<10240x128xf32, #tpu.memory_space<vmem_shared>>)
        tpu.yield
      }) : () -> ()
      %mul3A_393 = arith.constant 16 : i32
      %mul3A_394 = arith.muli %mul3A_393, %scan3A_168 : i32
      %add3A_395 = arith.constant 5 : i32
      %add3A_396 = arith.addi %mul3A_394, %add3A_395 : i32
      %dma_start3A_397 = arith.constant 6 : i32
      %dma_start3A_398 = arith.constant 0 : i32
      %dma_start3A_399 = arith.constant 0 : i32
      %dma_start3A_400 = tpu.memref_slice %arg10[%dma_start3A_398, %dma_start3A_399] : memref<128x128xf32, #tpu.memory_space<vmem>> -> memref<64x128xf32, #tpu.memory_space<vmem>>
      %dma_start3A_401 = arith.constant 0 : i32
      %dma_start3A_402 = tpu.memref_slice %arg6[%dma_start3A_397, %dma_start3A_401] : memref<8x128xi32, #tpu.memory_space<vmem>> -> memref<1x64xi32, #tpu.memory_space<vmem>>
      %dma_start3A_403 = tpu.memref_squeeze %dma_start3A_402 : memref<1x64xi32, #tpu.memory_space<vmem>> -> memref<64xi32, #tpu.memory_space<vmem>>
      %dma_start3A_404 = arith.constant 0 : i32
      %dma_start3A_405 = arith.constant 0 : i32
      %dma_start3A_406 = tpu.memref_slice %arg2[%dma_start3A_404, %dma_start3A_405] : memref<10000x128xf32, #tpu.memory_space<hbm>> -> memref<10000x128xf32, #tpu.memory_space<hbm>>
      tpu.enqueue_indirect_dma source(%dma_start3A_406 : memref<10000x128xf32, #tpu.memory_space<hbm>>) target(%dma_start3A_400 : memref<64x128xf32, #tpu.memory_space<vmem>>) offsets(%dma_start3A_403 : memref<64xi32, #tpu.memory_space<vmem>>) semaphore(%arg14 : memref<!tpu.dma_semaphore, #tpu.memory_space<semaphore_mem>>)
      %dma_start3A_407 = arith.constant 6 : i32
      %dma_start3A_408 = arith.constant 64 : i32
      %dma_start3A_409 = arith.constant 0 : i32
      %dma_start3A_410 = tpu.memref_slice %arg10[%dma_start3A_408, %dma_start3A_409] : memref<128x128xf32, #tpu.memory_space<vmem>> -> memref<64x128xf32, #tpu.memory_space<vmem>>
      %dma_start3A_411 = arith.constant 64 : i32
      %dma_start3A_412 = tpu.memref_slice %arg6[%dma_start3A_407, %dma_start3A_411] : memref<8x128xi32, #tpu.memory_space<vmem>> -> memref<1x64xi32, #tpu.memory_space<vmem>>
      %dma_start3A_413 = tpu.memref_squeeze %dma_start3A_412 : memref<1x64xi32, #tpu.memory_space<vmem>> -> memref<64xi32, #tpu.memory_space<vmem>>
      %dma_start3A_414 = arith.constant 0 : i32
      %dma_start3A_415 = arith.constant 0 : i32
      %dma_start3A_416 = tpu.memref_slice %arg2[%dma_start3A_414, %dma_start3A_415] : memref<10000x128xf32, #tpu.memory_space<hbm>> -> memref<10000x128xf32, #tpu.memory_space<hbm>>
      tpu.enqueue_indirect_dma source(%dma_start3A_416 : memref<10000x128xf32, #tpu.memory_space<hbm>>) target(%dma_start3A_410 : memref<64x128xf32, #tpu.memory_space<vmem>>) offsets(%dma_start3A_413 : memref<64xi32, #tpu.memory_space<vmem>>) semaphore(%arg14 : memref<!tpu.dma_semaphore, #tpu.memory_space<semaphore_mem>>)
      %dma_wait3A_417 = arith.constant 5 : i32
      %dma_wait3A_418 = arith.constant 0 : i32
      %dma_wait3A_419 = arith.constant 0 : i32
      %dma_wait3A_420 = tpu.memref_slice %arg11[%dma_wait3A_418, %dma_wait3A_419] : memref<128x128xf32, #tpu.memory_space<vmem>> -> memref<64x128xf32, #tpu.memory_space<vmem>>
      %dma_wait3A_421 = arith.constant 0 : i32
      %dma_wait3A_422 = tpu.memref_slice %arg6[%dma_wait3A_417, %dma_wait3A_421] : memref<8x128xi32, #tpu.memory_space<vmem>> -> memref<1x64xi32, #tpu.memory_space<vmem>>
      %dma_wait3A_423 = tpu.memref_squeeze %dma_wait3A_422 : memref<1x64xi32, #tpu.memory_space<vmem>> -> memref<64xi32, #tpu.memory_space<vmem>>
      %dma_wait3A_424 = arith.constant 0 : i32
      %dma_wait3A_425 = arith.constant 0 : i32
      %dma_wait3A_426 = tpu.memref_slice %arg2[%dma_wait3A_424, %dma_wait3A_425] : memref<10000x128xf32, #tpu.memory_space<hbm>> -> memref<10000x128xf32, #tpu.memory_space<hbm>>
      tpu.wait_indirect_dma semaphore(%arg15 : memref<!tpu.dma_semaphore, #tpu.memory_space<semaphore_mem>>) src(%dma_wait3A_426 : memref<10000x128xf32, #tpu.memory_space<hbm>>) dst(%dma_wait3A_420 : memref<64x128xf32, #tpu.memory_space<vmem>>)
      %dma_wait3A_427 = arith.constant 5 : i32
      %dma_wait3A_428 = arith.constant 64 : i32
      %dma_wait3A_429 = arith.constant 0 : i32
      %dma_wait3A_430 = tpu.memref_slice %arg11[%dma_wait3A_428, %dma_wait3A_429] : memref<128x128xf32, #tpu.memory_space<vmem>> -> memref<64x128xf32, #tpu.memory_space<vmem>>
      %dma_wait3A_431 = arith.constant 64 : i32
      %dma_wait3A_432 = tpu.memref_slice %arg6[%dma_wait3A_427, %dma_wait3A_431] : memref<8x128xi32, #tpu.memory_space<vmem>> -> memref<1x64xi32, #tpu.memory_space<vmem>>
      %dma_wait3A_433 = tpu.memref_squeeze %dma_wait3A_432 : memref<1x64xi32, #tpu.memory_space<vmem>> -> memref<64xi32, #tpu.memory_space<vmem>>
      %dma_wait3A_434 = arith.constant 0 : i32
      %dma_wait3A_435 = arith.constant 0 : i32
      %dma_wait3A_436 = tpu.memref_slice %arg2[%dma_wait3A_434, %dma_wait3A_435] : memref<10000x128xf32, #tpu.memory_space<hbm>> -> memref<10000x128xf32, #tpu.memory_space<hbm>>
      tpu.wait_indirect_dma semaphore(%arg15 : memref<!tpu.dma_semaphore, #tpu.memory_space<semaphore_mem>>) src(%dma_wait3A_436 : memref<10000x128xf32, #tpu.memory_space<hbm>>) dst(%dma_wait3A_430 : memref<64x128xf32, #tpu.memory_space<vmem>>)
      %run_scoped3A_437 = arith.constant 5 : i32
      "tpu.region"() ({
        %run_scoped3A_908 = tpu.sem_alloc : memref<!tpu.dma_semaphore, #tpu.memory_space<semaphore_mem>>
        %dma_start3A_909 = arith.constant 0 : i32
        %dma_start3A_910 = tpu.memref_slice %arg8[%run_scoped3A_437, %dma_start3A_909] : memref<8x128xi32, #tpu.memory_space<vmem>> -> memref<1x128xi32, #tpu.memory_space<vmem>>
        %dma_start3A_911 = tpu.memref_squeeze %dma_start3A_910 : memref<1x128xi32, #tpu.memory_space<vmem>> -> memref<128xi32, #tpu.memory_space<vmem>>
        %dma_start3A_912 = arith.constant 0 : i32
        %dma_start3A_913 = arith.constant 0 : i32
        %dma_start3A_914 = tpu.memref_slice %arg13[%dma_start3A_912, %dma_start3A_913] : memref<10240x128xf32, #tpu.memory_space<vmem_shared>> -> memref<10240x128xf32, #tpu.memory_space<vmem_shared>>
        tpu.enqueue_indirect_dma source(%arg11 : memref<128x128xf32, #tpu.memory_space<vmem>>) target(%dma_start3A_914 : memref<10240x128xf32, #tpu.memory_space<vmem_shared>>) offsets(%dma_start3A_911 : memref<128xi32, #tpu.memory_space<vmem>>) semaphore(%run_scoped3A_908 : memref<!tpu.dma_semaphore, #tpu.memory_space<semaphore_mem>>) {add = true}
        %dma_wait3A_915 = arith.constant 0 : i32
        %dma_wait3A_916 = tpu.memref_slice %arg8[%run_scoped3A_437, %dma_wait3A_915] : memref<8x128xi32, #tpu.memory_space<vmem>> -> memref<1x128xi32, #tpu.memory_space<vmem>>
        %dma_wait3A_917 = tpu.memref_squeeze %dma_wait3A_916 : memref<1x128xi32, #tpu.memory_space<vmem>> -> memref<128xi32, #tpu.memory_space<vmem>>
        %dma_wait3A_918 = arith.constant 0 : i32
        %dma_wait3A_919 = arith.constant 0 : i32
        %dma_wait3A_920 = tpu.memref_slice %arg13[%dma_wait3A_918, %dma_wait3A_919] : memref<10240x128xf32, #tpu.memory_space<vmem_shared>> -> memref<10240x128xf32, #tpu.memory_space<vmem_shared>>
        tpu.wait_indirect_dma semaphore(%run_scoped3A_908 : memref<!tpu.dma_semaphore, #tpu.memory_space<semaphore_mem>>) src(%arg11 : memref<128x128xf32, #tpu.memory_space<vmem>>) dst(%dma_wait3A_920 : memref<10240x128xf32, #tpu.memory_space<vmem_shared>>)
        tpu.yield
      }) : () -> ()
      %mul3A_438 = arith.constant 16 : i32
      %mul3A_439 = arith.muli %mul3A_438, %scan3A_168 : i32
      %add3A_440 = arith.constant 6 : i32
      %add3A_441 = arith.addi %mul3A_439, %add3A_440 : i32
      %dma_start3A_442 = arith.constant 7 : i32
      %dma_start3A_443 = arith.constant 0 : i32
      %dma_start3A_444 = arith.constant 0 : i32
      %dma_start3A_445 = tpu.memref_slice %arg11[%dma_start3A_443, %dma_start3A_444] : memref<128x128xf32, #tpu.memory_space<vmem>> -> memref<64x128xf32, #tpu.memory_space<vmem>>
      %dma_start3A_446 = arith.constant 0 : i32
      %dma_start3A_447 = tpu.memref_slice %arg6[%dma_start3A_442, %dma_start3A_446] : memref<8x128xi32, #tpu.memory_space<vmem>> -> memref<1x64xi32, #tpu.memory_space<vmem>>
      %dma_start3A_448 = tpu.memref_squeeze %dma_start3A_447 : memref<1x64xi32, #tpu.memory_space<vmem>> -> memref<64xi32, #tpu.memory_space<vmem>>
      %dma_start3A_449 = arith.constant 0 : i32
      %dma_start3A_450 = arith.constant 0 : i32
      %dma_start3A_451 = tpu.memref_slice %arg2[%dma_start3A_449, %dma_start3A_450] : memref<10000x128xf32, #tpu.memory_space<hbm>> -> memref<10000x128xf32, #tpu.memory_space<hbm>>
      tpu.enqueue_indirect_dma source(%dma_start3A_451 : memref<10000x128xf32, #tpu.memory_space<hbm>>) target(%dma_start3A_445 : memref<64x128xf32, #tpu.memory_space<vmem>>) offsets(%dma_start3A_448 : memref<64xi32, #tpu.memory_space<vmem>>) semaphore(%arg15 : memref<!tpu.dma_semaphore, #tpu.memory_space<semaphore_mem>>)
      %dma_start3A_452 = arith.constant 7 : i32
      %dma_start3A_453 = arith.constant 64 : i32
      %dma_start3A_454 = arith.constant 0 : i32
      %dma_start3A_455 = tpu.memref_slice %arg11[%dma_start3A_453, %dma_start3A_454] : memref<128x128xf32, #tpu.memory_space<vmem>> -> memref<64x128xf32, #tpu.memory_space<vmem>>
      %dma_start3A_456 = arith.constant 64 : i32
      %dma_start3A_457 = tpu.memref_slice %arg6[%dma_start3A_452, %dma_start3A_456] : memref<8x128xi32, #tpu.memory_space<vmem>> -> memref<1x64xi32, #tpu.memory_space<vmem>>
      %dma_start3A_458 = tpu.memref_squeeze %dma_start3A_457 : memref<1x64xi32, #tpu.memory_space<vmem>> -> memref<64xi32, #tpu.memory_space<vmem>>
      %dma_start3A_459 = arith.constant 0 : i32
      %dma_start3A_460 = arith.constant 0 : i32
      %dma_start3A_461 = tpu.memref_slice %arg2[%dma_start3A_459, %dma_start3A_460] : memref<10000x128xf32, #tpu.memory_space<hbm>> -> memref<10000x128xf32, #tpu.memory_space<hbm>>
      tpu.enqueue_indirect_dma source(%dma_start3A_461 : memref<10000x128xf32, #tpu.memory_space<hbm>>) target(%dma_start3A_455 : memref<64x128xf32, #tpu.memory_space<vmem>>) offsets(%dma_start3A_458 : memref<64xi32, #tpu.memory_space<vmem>>) semaphore(%arg15 : memref<!tpu.dma_semaphore, #tpu.memory_space<semaphore_mem>>)
      %dma_wait3A_462 = arith.constant 6 : i32
      %dma_wait3A_463 = arith.constant 0 : i32
      %dma_wait3A_464 = arith.constant 0 : i32
      %dma_wait3A_465 = tpu.memref_slice %arg10[%dma_wait3A_463, %dma_wait3A_464] : memref<128x128xf32, #tpu.memory_space<vmem>> -> memref<64x128xf32, #tpu.memory_space<vmem>>
      %dma_wait3A_466 = arith.constant 0 : i32
      %dma_wait3A_467 = tpu.memref_slice %arg6[%dma_wait3A_462, %dma_wait3A_466] : memref<8x128xi32, #tpu.memory_space<vmem>> -> memref<1x64xi32, #tpu.memory_space<vmem>>
      %dma_wait3A_468 = tpu.memref_squeeze %dma_wait3A_467 : memref<1x64xi32, #tpu.memory_space<vmem>> -> memref<64xi32, #tpu.memory_space<vmem>>
      %dma_wait3A_469 = arith.constant 0 : i32
      %dma_wait3A_470 = arith.constant 0 : i32
      %dma_wait3A_471 = tpu.memref_slice %arg2[%dma_wait3A_469, %dma_wait3A_470] : memref<10000x128xf32, #tpu.memory_space<hbm>> -> memref<10000x128xf32, #tpu.memory_space<hbm>>
      tpu.wait_indirect_dma semaphore(%arg14 : memref<!tpu.dma_semaphore, #tpu.memory_space<semaphore_mem>>) src(%dma_wait3A_471 : memref<10000x128xf32, #tpu.memory_space<hbm>>) dst(%dma_wait3A_465 : memref<64x128xf32, #tpu.memory_space<vmem>>)
      %dma_wait3A_472 = arith.constant 6 : i32
      %dma_wait3A_473 = arith.constant 64 : i32
      %dma_wait3A_474 = arith.constant 0 : i32
      %dma_wait3A_475 = tpu.memref_slice %arg10[%dma_wait3A_473, %dma_wait3A_474] : memref<128x128xf32, #tpu.memory_space<vmem>> -> memref<64x128xf32, #tpu.memory_space<vmem>>
      %dma_wait3A_476 = arith.constant 64 : i32
      %dma_wait3A_477 = tpu.memref_slice %arg6[%dma_wait3A_472, %dma_wait3A_476] : memref<8x128xi32, #tpu.memory_space<vmem>> -> memref<1x64xi32, #tpu.memory_space<vmem>>
      %dma_wait3A_478 = tpu.memref_squeeze %dma_wait3A_477 : memref<1x64xi32, #tpu.memory_space<vmem>> -> memref<64xi32, #tpu.memory_space<vmem>>
      %dma_wait3A_479 = arith.constant 0 : i32
      %dma_wait3A_480 = arith.constant 0 : i32
      %dma_wait3A_481 = tpu.memref_slice %arg2[%dma_wait3A_479, %dma_wait3A_480] : memref<10000x128xf32, #tpu.memory_space<hbm>> -> memref<10000x128xf32, #tpu.memory_space<hbm>>
      tpu.wait_indirect_dma semaphore(%arg14 : memref<!tpu.dma_semaphore, #tpu.memory_space<semaphore_mem>>) src(%dma_wait3A_481 : memref<10000x128xf32, #tpu.memory_space<hbm>>) dst(%dma_wait3A_475 : memref<64x128xf32, #tpu.memory_space<vmem>>)
      %run_scoped3A_482 = arith.constant 6 : i32
      "tpu.region"() ({
        %run_scoped3A_908 = tpu.sem_alloc : memref<!tpu.dma_semaphore, #tpu.memory_space<semaphore_mem>>
        %dma_start3A_909 = arith.constant 0 : i32
        %dma_start3A_910 = tpu.memref_slice %arg8[%run_scoped3A_482, %dma_start3A_909] : memref<8x128xi32, #tpu.memory_space<vmem>> -> memref<1x128xi32, #tpu.memory_space<vmem>>
        %dma_start3A_911 = tpu.memref_squeeze %dma_start3A_910 : memref<1x128xi32, #tpu.memory_space<vmem>> -> memref<128xi32, #tpu.memory_space<vmem>>
        %dma_start3A_912 = arith.constant 0 : i32
        %dma_start3A_913 = arith.constant 0 : i32
        %dma_start3A_914 = tpu.memref_slice %arg13[%dma_start3A_912, %dma_start3A_913] : memref<10240x128xf32, #tpu.memory_space<vmem_shared>> -> memref<10240x128xf32, #tpu.memory_space<vmem_shared>>
        tpu.enqueue_indirect_dma source(%arg10 : memref<128x128xf32, #tpu.memory_space<vmem>>) target(%dma_start3A_914 : memref<10240x128xf32, #tpu.memory_space<vmem_shared>>) offsets(%dma_start3A_911 : memref<128xi32, #tpu.memory_space<vmem>>) semaphore(%run_scoped3A_908 : memref<!tpu.dma_semaphore, #tpu.memory_space<semaphore_mem>>) {add = true}
        %dma_wait3A_915 = arith.constant 0 : i32
        %dma_wait3A_916 = tpu.memref_slice %arg8[%run_scoped3A_482, %dma_wait3A_915] : memref<8x128xi32, #tpu.memory_space<vmem>> -> memref<1x128xi32, #tpu.memory_space<vmem>>
        %dma_wait3A_917 = tpu.memref_squeeze %dma_wait3A_916 : memref<1x128xi32, #tpu.memory_space<vmem>> -> memref<128xi32, #tpu.memory_space<vmem>>
        %dma_wait3A_918 = arith.constant 0 : i32
        %dma_wait3A_919 = arith.constant 0 : i32
        %dma_wait3A_920 = tpu.memref_slice %arg13[%dma_wait3A_918, %dma_wait3A_919] : memref<10240x128xf32, #tpu.memory_space<vmem_shared>> -> memref<10240x128xf32, #tpu.memory_space<vmem_shared>>
        tpu.wait_indirect_dma semaphore(%run_scoped3A_908 : memref<!tpu.dma_semaphore, #tpu.memory_space<semaphore_mem>>) src(%arg10 : memref<128x128xf32, #tpu.memory_space<vmem>>) dst(%dma_wait3A_920 : memref<10240x128xf32, #tpu.memory_space<vmem_shared>>)
        tpu.yield
      }) : () -> ()
      %mul3A_483 = arith.constant 16 : i32
      %mul3A_484 = arith.muli %mul3A_483, %scan3A_168 : i32
      %add3A_485 = arith.constant 7 : i32
      %add3A_486 = arith.addi %mul3A_484, %add3A_485 : i32
      %mul3A_487 = arith.constant 2 : i32
      %mul3A_488 = arith.muli %mul3A_487, %scan3A_168 : i32
      %add3A_489 = arith.constant 1 : i32
      %add3A_490 = arith.addi %mul3A_488, %add3A_489 : i32
      %mul3A_491 = arith.constant 8 : i32
      %mul3A_492 = arith.muli %add3A_490, %mul3A_491 : i32
      %add3A_493 = arith.addi %mul3A_128, %mul3A_492 : i32
      %dma_wait3A_494 = arith.constant 0 : i32
      %dma_wait3A_495 = tpu.memref_slice %arg3[%add3A_493, %dma_wait3A_494] : memref<2560x128xi32, #tpu.memory_space<hbm>> -> memref<8x128xi32, #tpu.memory_space<hbm>>
      %dma_wait3A_496 = arith.constant 0 : i32
      %dma_wait3A_497 = tpu.memref_slice %arg3[%add3A_493, %dma_wait3A_496] : memref<2560x128xi32, #tpu.memory_space<hbm>> -> memref<8x128xi32, #tpu.memory_space<hbm>>
      tpu.wait_dma2 semaphore(%arg17 : memref<!tpu.dma_semaphore, #tpu.memory_space<semaphore_mem>>) src(%dma_wait3A_497 : memref<8x128xi32, #tpu.memory_space<hbm>>) dst(%arg7 : memref<8x128xi32, #tpu.memory_space<vmem>>)
      %mul3A_498 = arith.constant 8 : i32
      %mul3A_499 = arith.muli %add3A_490, %mul3A_498 : i32
      %add3A_500 = arith.addi %mul3A_128, %mul3A_499 : i32
      %dma_wait3A_501 = arith.constant 0 : i32
      %dma_wait3A_502 = tpu.memref_slice %arg4[%add3A_500, %dma_wait3A_501] : memref<2560x128xi32, #tpu.memory_space<hbm>> -> memref<8x128xi32, #tpu.memory_space<hbm>>
      %dma_wait3A_503 = arith.constant 0 : i32
      %dma_wait3A_504 = tpu.memref_slice %arg4[%add3A_500, %dma_wait3A_503] : memref<2560x128xi32, #tpu.memory_space<hbm>> -> memref<8x128xi32, #tpu.memory_space<hbm>>
      tpu.wait_dma2 semaphore(%arg17 : memref<!tpu.dma_semaphore, #tpu.memory_space<semaphore_mem>>) src(%dma_wait3A_504 : memref<8x128xi32, #tpu.memory_space<hbm>>) dst(%arg9 : memref<8x128xi32, #tpu.memory_space<vmem>>)
      %dma_start3A_505 = arith.constant 0 : i32
      %dma_start3A_506 = arith.constant 0 : i32
      %dma_start3A_507 = arith.constant 0 : i32
      %dma_start3A_508 = tpu.memref_slice %arg10[%dma_start3A_506, %dma_start3A_507] : memref<128x128xf32, #tpu.memory_space<vmem>> -> memref<64x128xf32, #tpu.memory_space<vmem>>
      %dma_start3A_509 = arith.constant 0 : i32
      %dma_start3A_510 = tpu.memref_slice %arg7[%dma_start3A_505, %dma_start3A_509] : memref<8x128xi32, #tpu.memory_space<vmem>> -> memref<1x64xi32, #tpu.memory_space<vmem>>
      %dma_start3A_511 = tpu.memref_squeeze %dma_start3A_510 : memref<1x64xi32, #tpu.memory_space<vmem>> -> memref<64xi32, #tpu.memory_space<vmem>>
      %dma_start3A_512 = arith.constant 0 : i32
      %dma_start3A_513 = arith.constant 0 : i32
      %dma_start3A_514 = tpu.memref_slice %arg2[%dma_start3A_512, %dma_start3A_513] : memref<10000x128xf32, #tpu.memory_space<hbm>> -> memref<10000x128xf32, #tpu.memory_space<hbm>>
      tpu.enqueue_indirect_dma source(%dma_start3A_514 : memref<10000x128xf32, #tpu.memory_space<hbm>>) target(%dma_start3A_508 : memref<64x128xf32, #tpu.memory_space<vmem>>) offsets(%dma_start3A_511 : memref<64xi32, #tpu.memory_space<vmem>>) semaphore(%arg14 : memref<!tpu.dma_semaphore, #tpu.memory_space<semaphore_mem>>)
      %dma_start3A_515 = arith.constant 0 : i32
      %dma_start3A_516 = arith.constant 64 : i32
      %dma_start3A_517 = arith.constant 0 : i32
      %dma_start3A_518 = tpu.memref_slice %arg10[%dma_start3A_516, %dma_start3A_517] : memref<128x128xf32, #tpu.memory_space<vmem>> -> memref<64x128xf32, #tpu.memory_space<vmem>>
      %dma_start3A_519 = arith.constant 64 : i32
      %dma_start3A_520 = tpu.memref_slice %arg7[%dma_start3A_515, %dma_start3A_519] : memref<8x128xi32, #tpu.memory_space<vmem>> -> memref<1x64xi32, #tpu.memory_space<vmem>>
      %dma_start3A_521 = tpu.memref_squeeze %dma_start3A_520 : memref<1x64xi32, #tpu.memory_space<vmem>> -> memref<64xi32, #tpu.memory_space<vmem>>
      %dma_start3A_522 = arith.constant 0 : i32
      %dma_start3A_523 = arith.constant 0 : i32
      %dma_start3A_524 = tpu.memref_slice %arg2[%dma_start3A_522, %dma_start3A_523] : memref<10000x128xf32, #tpu.memory_space<hbm>> -> memref<10000x128xf32, #tpu.memory_space<hbm>>
      tpu.enqueue_indirect_dma source(%dma_start3A_524 : memref<10000x128xf32, #tpu.memory_space<hbm>>) target(%dma_start3A_518 : memref<64x128xf32, #tpu.memory_space<vmem>>) offsets(%dma_start3A_521 : memref<64xi32, #tpu.memory_space<vmem>>) semaphore(%arg14 : memref<!tpu.dma_semaphore, #tpu.memory_space<semaphore_mem>>)
      %dma_wait3A_525 = arith.constant 7 : i32
      %dma_wait3A_526 = arith.constant 0 : i32
      %dma_wait3A_527 = arith.constant 0 : i32
      %dma_wait3A_528 = tpu.memref_slice %arg11[%dma_wait3A_526, %dma_wait3A_527] : memref<128x128xf32, #tpu.memory_space<vmem>> -> memref<64x128xf32, #tpu.memory_space<vmem>>
      %dma_wait3A_529 = arith.constant 0 : i32
      %dma_wait3A_530 = tpu.memref_slice %arg6[%dma_wait3A_525, %dma_wait3A_529] : memref<8x128xi32, #tpu.memory_space<vmem>> -> memref<1x64xi32, #tpu.memory_space<vmem>>
      %dma_wait3A_531 = tpu.memref_squeeze %dma_wait3A_530 : memref<1x64xi32, #tpu.memory_space<vmem>> -> memref<64xi32, #tpu.memory_space<vmem>>
      %dma_wait3A_532 = arith.constant 0 : i32
      %dma_wait3A_533 = arith.constant 0 : i32
      %dma_wait3A_534 = tpu.memref_slice %arg2[%dma_wait3A_532, %dma_wait3A_533] : memref<10000x128xf32, #tpu.memory_space<hbm>> -> memref<10000x128xf32, #tpu.memory_space<hbm>>
      tpu.wait_indirect_dma semaphore(%arg15 : memref<!tpu.dma_semaphore, #tpu.memory_space<semaphore_mem>>) src(%dma_wait3A_534 : memref<10000x128xf32, #tpu.memory_space<hbm>>) dst(%dma_wait3A_528 : memref<64x128xf32, #tpu.memory_space<vmem>>)
      %dma_wait3A_535 = arith.constant 7 : i32
      %dma_wait3A_536 = arith.constant 64 : i32
      %dma_wait3A_537 = arith.constant 0 : i32
      %dma_wait3A_538 = tpu.memref_slice %arg11[%dma_wait3A_536, %dma_wait3A_537] : memref<128x128xf32, #tpu.memory_space<vmem>> -> memref<64x128xf32, #tpu.memory_space<vmem>>
      %dma_wait3A_539 = arith.constant 64 : i32
      %dma_wait3A_540 = tpu.memref_slice %arg6[%dma_wait3A_535, %dma_wait3A_539] : memref<8x128xi32, #tpu.memory_space<vmem>> -> memref<1x64xi32, #tpu.memory_space<vmem>>
      %dma_wait3A_541 = tpu.memref_squeeze %dma_wait3A_540 : memref<1x64xi32, #tpu.memory_space<vmem>> -> memref<64xi32, #tpu.memory_space<vmem>>
      %dma_wait3A_542 = arith.constant 0 : i32
      %dma_wait3A_543 = arith.constant 0 : i32
      %dma_wait3A_544 = tpu.memref_slice %arg2[%dma_wait3A_542, %dma_wait3A_543] : memref<10000x128xf32, #tpu.memory_space<hbm>> -> memref<10000x128xf32, #tpu.memory_space<hbm>>
      tpu.wait_indirect_dma semaphore(%arg15 : memref<!tpu.dma_semaphore, #tpu.memory_space<semaphore_mem>>) src(%dma_wait3A_544 : memref<10000x128xf32, #tpu.memory_space<hbm>>) dst(%dma_wait3A_538 : memref<64x128xf32, #tpu.memory_space<vmem>>)
      %run_scoped3A_545 = arith.constant 7 : i32
      "tpu.region"() ({
        %run_scoped3A_908 = tpu.sem_alloc : memref<!tpu.dma_semaphore, #tpu.memory_space<semaphore_mem>>
        %dma_start3A_909 = arith.constant 0 : i32
        %dma_start3A_910 = tpu.memref_slice %arg8[%run_scoped3A_545, %dma_start3A_909] : memref<8x128xi32, #tpu.memory_space<vmem>> -> memref<1x128xi32, #tpu.memory_space<vmem>>
        %dma_start3A_911 = tpu.memref_squeeze %dma_start3A_910 : memref<1x128xi32, #tpu.memory_space<vmem>> -> memref<128xi32, #tpu.memory_space<vmem>>
        %dma_start3A_912 = arith.constant 0 : i32
        %dma_start3A_913 = arith.constant 0 : i32
        %dma_start3A_914 = tpu.memref_slice %arg13[%dma_start3A_912, %dma_start3A_913] : memref<10240x128xf32, #tpu.memory_space<vmem_shared>> -> memref<10240x128xf32, #tpu.memory_space<vmem_shared>>
        tpu.enqueue_indirect_dma source(%arg11 : memref<128x128xf32, #tpu.memory_space<vmem>>) target(%dma_start3A_914 : memref<10240x128xf32, #tpu.memory_space<vmem_shared>>) offsets(%dma_start3A_911 : memref<128xi32, #tpu.memory_space<vmem>>) semaphore(%run_scoped3A_908 : memref<!tpu.dma_semaphore, #tpu.memory_space<semaphore_mem>>) {add = true}
        %dma_wait3A_915 = arith.constant 0 : i32
        %dma_wait3A_916 = tpu.memref_slice %arg8[%run_scoped3A_545, %dma_wait3A_915] : memref<8x128xi32, #tpu.memory_space<vmem>> -> memref<1x128xi32, #tpu.memory_space<vmem>>
        %dma_wait3A_917 = tpu.memref_squeeze %dma_wait3A_916 : memref<1x128xi32, #tpu.memory_space<vmem>> -> memref<128xi32, #tpu.memory_space<vmem>>
        %dma_wait3A_918 = arith.constant 0 : i32
        %dma_wait3A_919 = arith.constant 0 : i32
        %dma_wait3A_920 = tpu.memref_slice %arg13[%dma_wait3A_918, %dma_wait3A_919] : memref<10240x128xf32, #tpu.memory_space<vmem_shared>> -> memref<10240x128xf32, #tpu.memory_space<vmem_shared>>
        tpu.wait_indirect_dma semaphore(%run_scoped3A_908 : memref<!tpu.dma_semaphore, #tpu.memory_space<semaphore_mem>>) src(%arg11 : memref<128x128xf32, #tpu.memory_space<vmem>>) dst(%dma_wait3A_920 : memref<10240x128xf32, #tpu.memory_space<vmem_shared>>)
        tpu.yield
      }) : () -> ()
      %mul3A_546 = arith.constant 2 : i32
      %mul3A_547 = arith.muli %mul3A_546, %scan3A_168 : i32
      %add3A_548 = arith.constant 2 : i32
      %add3A_549 = arith.addi %mul3A_547, %add3A_548 : i32
      %lt3A = arith.constant 10 : i32
      %lt3A_550 = arith.cmpi slt, %add3A_549, %lt3A : i32
      %convert_element_type3A = arith.extui %lt3A_550 : i1 to i32
      %cond3A = arith.constant 0 : i32
      %cond3A_551 = arith.cmpi ne, %convert_element_type3A, %cond3A : i32
      scf.if %cond3A_551 {
        %mul3A_908 = arith.constant 2 : i32
        %mul3A_909 = arith.muli %mul3A_908, %scan3A_168 : i32
        %add3A_910 = arith.constant 2 : i32
        %add3A_911 = arith.addi %mul3A_909, %add3A_910 : i32
        %mul3A_912 = arith.constant 8 : i32
        %mul3A_913 = arith.muli %add3A_911, %mul3A_912 : i32
        %add3A_914 = arith.addi %mul3A_128, %mul3A_913 : i32
        %dma_start3A_915 = arith.constant 0 : i32
        %dma_start3A_916 = tpu.memref_slice %arg3[%add3A_914, %dma_start3A_915] : memref<2560x128xi32, #tpu.memory_space<hbm>> -> memref<8x128xi32, #tpu.memory_space<hbm>>
        %dma_start3A_917 = arith.constant 0 : i32
        %dma_start3A_918 = tpu.memref_slice %arg3[%add3A_914, %dma_start3A_917] : memref<2560x128xi32, #tpu.memory_space<hbm>> -> memref<8x128xi32, #tpu.memory_space<hbm>>
        tpu.enqueue_dma source(%dma_start3A_918 : memref<8x128xi32, #tpu.memory_space<hbm>>) target(%arg6 : memref<8x128xi32, #tpu.memory_space<vmem>>) target_semaphore(%arg16 : memref<!tpu.dma_semaphore, #tpu.memory_space<semaphore_mem>>)
        %mul3A_919 = arith.constant 8 : i32
        %mul3A_920 = arith.muli %add3A_911, %mul3A_919 : i32
        %add3A_921 = arith.addi %mul3A_128, %mul3A_920 : i32
        %dma_start3A_922 = arith.constant 0 : i32
        %dma_start3A_923 = tpu.memref_slice %arg4[%add3A_921, %dma_start3A_922] : memref<2560x128xi32, #tpu.memory_space<hbm>> -> memref<8x128xi32, #tpu.memory_space<hbm>>
        %dma_start3A_924 = arith.constant 0 : i32
        %dma_start3A_925 = tpu.memref_slice %arg4[%add3A_921, %dma_start3A_924] : memref<2560x128xi32, #tpu.memory_space<hbm>> -> memref<8x128xi32, #tpu.memory_space<hbm>>
        tpu.enqueue_dma source(%dma_start3A_925 : memref<8x128xi32, #tpu.memory_space<hbm>>) target(%arg8 : memref<8x128xi32, #tpu.memory_space<vmem>>) target_semaphore(%arg16 : memref<!tpu.dma_semaphore, #tpu.memory_space<semaphore_mem>>)
      } else {
      }
      %mul3A_552 = arith.constant 16 : i32
      %mul3A_553 = arith.muli %mul3A_552, %scan3A_168 : i32
      %add3A_554 = arith.constant 8 : i32
      %add3A_555 = arith.addi %mul3A_553, %add3A_554 : i32
      %dma_start3A_556 = arith.constant 1 : i32
      %dma_start3A_557 = arith.constant 0 : i32
      %dma_start3A_558 = arith.constant 0 : i32
      %dma_start3A_559 = tpu.memref_slice %arg11[%dma_start3A_557, %dma_start3A_558] : memref<128x128xf32, #tpu.memory_space<vmem>> -> memref<64x128xf32, #tpu.memory_space<vmem>>
      %dma_start3A_560 = arith.constant 0 : i32
      %dma_start3A_561 = tpu.memref_slice %arg7[%dma_start3A_556, %dma_start3A_560] : memref<8x128xi32, #tpu.memory_space<vmem>> -> memref<1x64xi32, #tpu.memory_space<vmem>>
      %dma_start3A_562 = tpu.memref_squeeze %dma_start3A_561 : memref<1x64xi32, #tpu.memory_space<vmem>> -> memref<64xi32, #tpu.memory_space<vmem>>
      %dma_start3A_563 = arith.constant 0 : i32
      %dma_start3A_564 = arith.constant 0 : i32
      %dma_start3A_565 = tpu.memref_slice %arg2[%dma_start3A_563, %dma_start3A_564] : memref<10000x128xf32, #tpu.memory_space<hbm>> -> memref<10000x128xf32, #tpu.memory_space<hbm>>
      tpu.enqueue_indirect_dma source(%dma_start3A_565 : memref<10000x128xf32, #tpu.memory_space<hbm>>) target(%dma_start3A_559 : memref<64x128xf32, #tpu.memory_space<vmem>>) offsets(%dma_start3A_562 : memref<64xi32, #tpu.memory_space<vmem>>) semaphore(%arg15 : memref<!tpu.dma_semaphore, #tpu.memory_space<semaphore_mem>>)
      %dma_start3A_566 = arith.constant 1 : i32
      %dma_start3A_567 = arith.constant 64 : i32
      %dma_start3A_568 = arith.constant 0 : i32
      %dma_start3A_569 = tpu.memref_slice %arg11[%dma_start3A_567, %dma_start3A_568] : memref<128x128xf32, #tpu.memory_space<vmem>> -> memref<64x128xf32, #tpu.memory_space<vmem>>
      %dma_start3A_570 = arith.constant 64 : i32
      %dma_start3A_571 = tpu.memref_slice %arg7[%dma_start3A_566, %dma_start3A_570] : memref<8x128xi32, #tpu.memory_space<vmem>> -> memref<1x64xi32, #tpu.memory_space<vmem>>
      %dma_start3A_572 = tpu.memref_squeeze %dma_start3A_571 : memref<1x64xi32, #tpu.memory_space<vmem>> -> memref<64xi32, #tpu.memory_space<vmem>>
      %dma_start3A_573 = arith.constant 0 : i32
      %dma_start3A_574 = arith.constant 0 : i32
      %dma_start3A_575 = tpu.memref_slice %arg2[%dma_start3A_573, %dma_start3A_574] : memref<10000x128xf32, #tpu.memory_space<hbm>> -> memref<10000x128xf32, #tpu.memory_space<hbm>>
      tpu.enqueue_indirect_dma source(%dma_start3A_575 : memref<10000x128xf32, #tpu.memory_space<hbm>>) target(%dma_start3A_569 : memref<64x128xf32, #tpu.memory_space<vmem>>) offsets(%dma_start3A_572 : memref<64xi32, #tpu.memory_space<vmem>>) semaphore(%arg15 : memref<!tpu.dma_semaphore, #tpu.memory_space<semaphore_mem>>)
      %dma_wait3A_576 = arith.constant 0 : i32
      %dma_wait3A_577 = arith.constant 0 : i32
      %dma_wait3A_578 = arith.constant 0 : i32
      %dma_wait3A_579 = tpu.memref_slice %arg10[%dma_wait3A_577, %dma_wait3A_578] : memref<128x128xf32, #tpu.memory_space<vmem>> -> memref<64x128xf32, #tpu.memory_space<vmem>>
      %dma_wait3A_580 = arith.constant 0 : i32
      %dma_wait3A_581 = tpu.memref_slice %arg7[%dma_wait3A_576, %dma_wait3A_580] : memref<8x128xi32, #tpu.memory_space<vmem>> -> memref<1x64xi32, #tpu.memory_space<vmem>>
      %dma_wait3A_582 = tpu.memref_squeeze %dma_wait3A_581 : memref<1x64xi32, #tpu.memory_space<vmem>> -> memref<64xi32, #tpu.memory_space<vmem>>
      %dma_wait3A_583 = arith.constant 0 : i32
      %dma_wait3A_584 = arith.constant 0 : i32
      %dma_wait3A_585 = tpu.memref_slice %arg2[%dma_wait3A_583, %dma_wait3A_584] : memref<10000x128xf32, #tpu.memory_space<hbm>> -> memref<10000x128xf32, #tpu.memory_space<hbm>>
      tpu.wait_indirect_dma semaphore(%arg14 : memref<!tpu.dma_semaphore, #tpu.memory_space<semaphore_mem>>) src(%dma_wait3A_585 : memref<10000x128xf32, #tpu.memory_space<hbm>>) dst(%dma_wait3A_579 : memref<64x128xf32, #tpu.memory_space<vmem>>)
      %dma_wait3A_586 = arith.constant 0 : i32
      %dma_wait3A_587 = arith.constant 64 : i32
      %dma_wait3A_588 = arith.constant 0 : i32
      %dma_wait3A_589 = tpu.memref_slice %arg10[%dma_wait3A_587, %dma_wait3A_588] : memref<128x128xf32, #tpu.memory_space<vmem>> -> memref<64x128xf32, #tpu.memory_space<vmem>>
      %dma_wait3A_590 = arith.constant 64 : i32
      %dma_wait3A_591 = tpu.memref_slice %arg7[%dma_wait3A_586, %dma_wait3A_590] : memref<8x128xi32, #tpu.memory_space<vmem>> -> memref<1x64xi32, #tpu.memory_space<vmem>>
      %dma_wait3A_592 = tpu.memref_squeeze %dma_wait3A_591 : memref<1x64xi32, #tpu.memory_space<vmem>> -> memref<64xi32, #tpu.memory_space<vmem>>
      %dma_wait3A_593 = arith.constant 0 : i32
      %dma_wait3A_594 = arith.constant 0 : i32
      %dma_wait3A_595 = tpu.memref_slice %arg2[%dma_wait3A_593, %dma_wait3A_594] : memref<10000x128xf32, #tpu.memory_space<hbm>> -> memref<10000x128xf32, #tpu.memory_space<hbm>>
      tpu.wait_indirect_dma semaphore(%arg14 : memref<!tpu.dma_semaphore, #tpu.memory_space<semaphore_mem>>) src(%dma_wait3A_595 : memref<10000x128xf32, #tpu.memory_space<hbm>>) dst(%dma_wait3A_589 : memref<64x128xf32, #tpu.memory_space<vmem>>)
      %run_scoped3A_596 = arith.constant 0 : i32
      "tpu.region"() ({
        %run_scoped3A_908 = tpu.sem_alloc : memref<!tpu.dma_semaphore, #tpu.memory_space<semaphore_mem>>
        %dma_start3A_909 = arith.constant 0 : i32
        %dma_start3A_910 = tpu.memref_slice %arg9[%run_scoped3A_596, %dma_start3A_909] : memref<8x128xi32, #tpu.memory_space<vmem>> -> memref<1x128xi32, #tpu.memory_space<vmem>>
        %dma_start3A_911 = tpu.memref_squeeze %dma_start3A_910 : memref<1x128xi32, #tpu.memory_space<vmem>> -> memref<128xi32, #tpu.memory_space<vmem>>
        %dma_start3A_912 = arith.constant 0 : i32
        %dma_start3A_913 = arith.constant 0 : i32
        %dma_start3A_914 = tpu.memref_slice %arg13[%dma_start3A_912, %dma_start3A_913] : memref<10240x128xf32, #tpu.memory_space<vmem_shared>> -> memref<10240x128xf32, #tpu.memory_space<vmem_shared>>
        tpu.enqueue_indirect_dma source(%arg10 : memref<128x128xf32, #tpu.memory_space<vmem>>) target(%dma_start3A_914 : memref<10240x128xf32, #tpu.memory_space<vmem_shared>>) offsets(%dma_start3A_911 : memref<128xi32, #tpu.memory_space<vmem>>) semaphore(%run_scoped3A_908 : memref<!tpu.dma_semaphore, #tpu.memory_space<semaphore_mem>>) {add = true}
        %dma_wait3A_915 = arith.constant 0 : i32
        %dma_wait3A_916 = tpu.memref_slice %arg9[%run_scoped3A_596, %dma_wait3A_915] : memref<8x128xi32, #tpu.memory_space<vmem>> -> memref<1x128xi32, #tpu.memory_space<vmem>>
        %dma_wait3A_917 = tpu.memref_squeeze %dma_wait3A_916 : memref<1x128xi32, #tpu.memory_space<vmem>> -> memref<128xi32, #tpu.memory_space<vmem>>
        %dma_wait3A_918 = arith.constant 0 : i32
        %dma_wait3A_919 = arith.constant 0 : i32
        %dma_wait3A_920 = tpu.memref_slice %arg13[%dma_wait3A_918, %dma_wait3A_919] : memref<10240x128xf32, #tpu.memory_space<vmem_shared>> -> memref<10240x128xf32, #tpu.memory_space<vmem_shared>>
        tpu.wait_indirect_dma semaphore(%run_scoped3A_908 : memref<!tpu.dma_semaphore, #tpu.memory_space<semaphore_mem>>) src(%arg10 : memref<128x128xf32, #tpu.memory_space<vmem>>) dst(%dma_wait3A_920 : memref<10240x128xf32, #tpu.memory_space<vmem_shared>>)
        tpu.yield
      }) : () -> ()
      %mul3A_597 = arith.constant 16 : i32
      %mul3A_598 = arith.muli %mul3A_597, %scan3A_168 : i32
      %add3A_599 = arith.constant 9 : i32
      %add3A_600 = arith.addi %mul3A_598, %add3A_599 : i32
      %dma_start3A_601 = arith.constant 2 : i32
      %dma_start3A_602 = arith.constant 0 : i32
      %dma_start3A_603 = arith.constant 0 : i32
      %dma_start3A_604 = tpu.memref_slice %arg10[%dma_start3A_602, %dma_start3A_603] : memref<128x128xf32, #tpu.memory_space<vmem>> -> memref<64x128xf32, #tpu.memory_space<vmem>>
      %dma_start3A_605 = arith.constant 0 : i32
      %dma_start3A_606 = tpu.memref_slice %arg7[%dma_start3A_601, %dma_start3A_605] : memref<8x128xi32, #tpu.memory_space<vmem>> -> memref<1x64xi32, #tpu.memory_space<vmem>>
      %dma_start3A_607 = tpu.memref_squeeze %dma_start3A_606 : memref<1x64xi32, #tpu.memory_space<vmem>> -> memref<64xi32, #tpu.memory_space<vmem>>
      %dma_start3A_608 = arith.constant 0 : i32
      %dma_start3A_609 = arith.constant 0 : i32
      %dma_start3A_610 = tpu.memref_slice %arg2[%dma_start3A_608, %dma_start3A_609] : memref<10000x128xf32, #tpu.memory_space<hbm>> -> memref<10000x128xf32, #tpu.memory_space<hbm>>
      tpu.enqueue_indirect_dma source(%dma_start3A_610 : memref<10000x128xf32, #tpu.memory_space<hbm>>) target(%dma_start3A_604 : memref<64x128xf32, #tpu.memory_space<vmem>>) offsets(%dma_start3A_607 : memref<64xi32, #tpu.memory_space<vmem>>) semaphore(%arg14 : memref<!tpu.dma_semaphore, #tpu.memory_space<semaphore_mem>>)
      %dma_start3A_611 = arith.constant 2 : i32
      %dma_start3A_612 = arith.constant 64 : i32
      %dma_start3A_613 = arith.constant 0 : i32
      %dma_start3A_614 = tpu.memref_slice %arg10[%dma_start3A_612, %dma_start3A_613] : memref<128x128xf32, #tpu.memory_space<vmem>> -> memref<64x128xf32, #tpu.memory_space<vmem>>
      %dma_start3A_615 = arith.constant 64 : i32
      %dma_start3A_616 = tpu.memref_slice %arg7[%dma_start3A_611, %dma_start3A_615] : memref<8x128xi32, #tpu.memory_space<vmem>> -> memref<1x64xi32, #tpu.memory_space<vmem>>
      %dma_start3A_617 = tpu.memref_squeeze %dma_start3A_616 : memref<1x64xi32, #tpu.memory_space<vmem>> -> memref<64xi32, #tpu.memory_space<vmem>>
      %dma_start3A_618 = arith.constant 0 : i32
      %dma_start3A_619 = arith.constant 0 : i32
      %dma_start3A_620 = tpu.memref_slice %arg2[%dma_start3A_618, %dma_start3A_619] : memref<10000x128xf32, #tpu.memory_space<hbm>> -> memref<10000x128xf32, #tpu.memory_space<hbm>>
      tpu.enqueue_indirect_dma source(%dma_start3A_620 : memref<10000x128xf32, #tpu.memory_space<hbm>>) target(%dma_start3A_614 : memref<64x128xf32, #tpu.memory_space<vmem>>) offsets(%dma_start3A_617 : memref<64xi32, #tpu.memory_space<vmem>>) semaphore(%arg14 : memref<!tpu.dma_semaphore, #tpu.memory_space<semaphore_mem>>)
      %dma_wait3A_621 = arith.constant 1 : i32
      %dma_wait3A_622 = arith.constant 0 : i32
      %dma_wait3A_623 = arith.constant 0 : i32
      %dma_wait3A_624 = tpu.memref_slice %arg11[%dma_wait3A_622, %dma_wait3A_623] : memref<128x128xf32, #tpu.memory_space<vmem>> -> memref<64x128xf32, #tpu.memory_space<vmem>>
      %dma_wait3A_625 = arith.constant 0 : i32
      %dma_wait3A_626 = tpu.memref_slice %arg7[%dma_wait3A_621, %dma_wait3A_625] : memref<8x128xi32, #tpu.memory_space<vmem>> -> memref<1x64xi32, #tpu.memory_space<vmem>>
      %dma_wait3A_627 = tpu.memref_squeeze %dma_wait3A_626 : memref<1x64xi32, #tpu.memory_space<vmem>> -> memref<64xi32, #tpu.memory_space<vmem>>
      %dma_wait3A_628 = arith.constant 0 : i32
      %dma_wait3A_629 = arith.constant 0 : i32
      %dma_wait3A_630 = tpu.memref_slice %arg2[%dma_wait3A_628, %dma_wait3A_629] : memref<10000x128xf32, #tpu.memory_space<hbm>> -> memref<10000x128xf32, #tpu.memory_space<hbm>>
      tpu.wait_indirect_dma semaphore(%arg15 : memref<!tpu.dma_semaphore, #tpu.memory_space<semaphore_mem>>) src(%dma_wait3A_630 : memref<10000x128xf32, #tpu.memory_space<hbm>>) dst(%dma_wait3A_624 : memref<64x128xf32, #tpu.memory_space<vmem>>)
      %dma_wait3A_631 = arith.constant 1 : i32
      %dma_wait3A_632 = arith.constant 64 : i32
      %dma_wait3A_633 = arith.constant 0 : i32
      %dma_wait3A_634 = tpu.memref_slice %arg11[%dma_wait3A_632, %dma_wait3A_633] : memref<128x128xf32, #tpu.memory_space<vmem>> -> memref<64x128xf32, #tpu.memory_space<vmem>>
      %dma_wait3A_635 = arith.constant 64 : i32
      %dma_wait3A_636 = tpu.memref_slice %arg7[%dma_wait3A_631, %dma_wait3A_635] : memref<8x128xi32, #tpu.memory_space<vmem>> -> memref<1x64xi32, #tpu.memory_space<vmem>>
      %dma_wait3A_637 = tpu.memref_squeeze %dma_wait3A_636 : memref<1x64xi32, #tpu.memory_space<vmem>> -> memref<64xi32, #tpu.memory_space<vmem>>
      %dma_wait3A_638 = arith.constant 0 : i32
      %dma_wait3A_639 = arith.constant 0 : i32
      %dma_wait3A_640 = tpu.memref_slice %arg2[%dma_wait3A_638, %dma_wait3A_639] : memref<10000x128xf32, #tpu.memory_space<hbm>> -> memref<10000x128xf32, #tpu.memory_space<hbm>>
      tpu.wait_indirect_dma semaphore(%arg15 : memref<!tpu.dma_semaphore, #tpu.memory_space<semaphore_mem>>) src(%dma_wait3A_640 : memref<10000x128xf32, #tpu.memory_space<hbm>>) dst(%dma_wait3A_634 : memref<64x128xf32, #tpu.memory_space<vmem>>)
      %run_scoped3A_641 = arith.constant 1 : i32
      "tpu.region"() ({
        %run_scoped3A_908 = tpu.sem_alloc : memref<!tpu.dma_semaphore, #tpu.memory_space<semaphore_mem>>
        %dma_start3A_909 = arith.constant 0 : i32
        %dma_start3A_910 = tpu.memref_slice %arg9[%run_scoped3A_641, %dma_start3A_909] : memref<8x128xi32, #tpu.memory_space<vmem>> -> memref<1x128xi32, #tpu.memory_space<vmem>>
        %dma_start3A_911 = tpu.memref_squeeze %dma_start3A_910 : memref<1x128xi32, #tpu.memory_space<vmem>> -> memref<128xi32, #tpu.memory_space<vmem>>
        %dma_start3A_912 = arith.constant 0 : i32
        %dma_start3A_913 = arith.constant 0 : i32
        %dma_start3A_914 = tpu.memref_slice %arg13[%dma_start3A_912, %dma_start3A_913] : memref<10240x128xf32, #tpu.memory_space<vmem_shared>> -> memref<10240x128xf32, #tpu.memory_space<vmem_shared>>
        tpu.enqueue_indirect_dma source(%arg11 : memref<128x128xf32, #tpu.memory_space<vmem>>) target(%dma_start3A_914 : memref<10240x128xf32, #tpu.memory_space<vmem_shared>>) offsets(%dma_start3A_911 : memref<128xi32, #tpu.memory_space<vmem>>) semaphore(%run_scoped3A_908 : memref<!tpu.dma_semaphore, #tpu.memory_space<semaphore_mem>>) {add = true}
        %dma_wait3A_915 = arith.constant 0 : i32
        %dma_wait3A_916 = tpu.memref_slice %arg9[%run_scoped3A_641, %dma_wait3A_915] : memref<8x128xi32, #tpu.memory_space<vmem>> -> memref<1x128xi32, #tpu.memory_space<vmem>>
        %dma_wait3A_917 = tpu.memref_squeeze %dma_wait3A_916 : memref<1x128xi32, #tpu.memory_space<vmem>> -> memref<128xi32, #tpu.memory_space<vmem>>
        %dma_wait3A_918 = arith.constant 0 : i32
        %dma_wait3A_919 = arith.constant 0 : i32
        %dma_wait3A_920 = tpu.memref_slice %arg13[%dma_wait3A_918, %dma_wait3A_919] : memref<10240x128xf32, #tpu.memory_space<vmem_shared>> -> memref<10240x128xf32, #tpu.memory_space<vmem_shared>>
        tpu.wait_indirect_dma semaphore(%run_scoped3A_908 : memref<!tpu.dma_semaphore, #tpu.memory_space<semaphore_mem>>) src(%arg11 : memref<128x128xf32, #tpu.memory_space<vmem>>) dst(%dma_wait3A_920 : memref<10240x128xf32, #tpu.memory_space<vmem_shared>>)
        tpu.yield
      }) : () -> ()
      %mul3A_642 = arith.constant 16 : i32
      %mul3A_643 = arith.muli %mul3A_642, %scan3A_168 : i32
      %add3A_644 = arith.constant 10 : i32
      %add3A_645 = arith.addi %mul3A_643, %add3A_644 : i32
      %dma_start3A_646 = arith.constant 3 : i32
      %dma_start3A_647 = arith.constant 0 : i32
      %dma_start3A_648 = arith.constant 0 : i32
      %dma_start3A_649 = tpu.memref_slice %arg11[%dma_start3A_647, %dma_start3A_648] : memref<128x128xf32, #tpu.memory_space<vmem>> -> memref<64x128xf32, #tpu.memory_space<vmem>>
      %dma_start3A_650 = arith.constant 0 : i32
      %dma_start3A_651 = tpu.memref_slice %arg7[%dma_start3A_646, %dma_start3A_650] : memref<8x128xi32, #tpu.memory_space<vmem>> -> memref<1x64xi32, #tpu.memory_space<vmem>>
      %dma_start3A_652 = tpu.memref_squeeze %dma_start3A_651 : memref<1x64xi32, #tpu.memory_space<vmem>> -> memref<64xi32, #tpu.memory_space<vmem>>
      %dma_start3A_653 = arith.constant 0 : i32
      %dma_start3A_654 = arith.constant 0 : i32
      %dma_start3A_655 = tpu.memref_slice %arg2[%dma_start3A_653, %dma_start3A_654] : memref<10000x128xf32, #tpu.memory_space<hbm>> -> memref<10000x128xf32, #tpu.memory_space<hbm>>
      tpu.enqueue_indirect_dma source(%dma_start3A_655 : memref<10000x128xf32, #tpu.memory_space<hbm>>) target(%dma_start3A_649 : memref<64x128xf32, #tpu.memory_space<vmem>>) offsets(%dma_start3A_652 : memref<64xi32, #tpu.memory_space<vmem>>) semaphore(%arg15 : memref<!tpu.dma_semaphore, #tpu.memory_space<semaphore_mem>>)
      %dma_start3A_656 = arith.constant 3 : i32
      %dma_start3A_657 = arith.constant 64 : i32
      %dma_start3A_658 = arith.constant 0 : i32
      %dma_start3A_659 = tpu.memref_slice %arg11[%dma_start3A_657, %dma_start3A_658] : memref<128x128xf32, #tpu.memory_space<vmem>> -> memref<64x128xf32, #tpu.memory_space<vmem>>
      %dma_start3A_660 = arith.constant 64 : i32
      %dma_start3A_661 = tpu.memref_slice %arg7[%dma_start3A_656, %dma_start3A_660] : memref<8x128xi32, #tpu.memory_space<vmem>> -> memref<1x64xi32, #tpu.memory_space<vmem>>
      %dma_start3A_662 = tpu.memref_squeeze %dma_start3A_661 : memref<1x64xi32, #tpu.memory_space<vmem>> -> memref<64xi32, #tpu.memory_space<vmem>>
      %dma_start3A_663 = arith.constant 0 : i32
      %dma_start3A_664 = arith.constant 0 : i32
      %dma_start3A_665 = tpu.memref_slice %arg2[%dma_start3A_663, %dma_start3A_664] : memref<10000x128xf32, #tpu.memory_space<hbm>> -> memref<10000x128xf32, #tpu.memory_space<hbm>>
      tpu.enqueue_indirect_dma source(%dma_start3A_665 : memref<10000x128xf32, #tpu.memory_space<hbm>>) target(%dma_start3A_659 : memref<64x128xf32, #tpu.memory_space<vmem>>) offsets(%dma_start3A_662 : memref<64xi32, #tpu.memory_space<vmem>>) semaphore(%arg15 : memref<!tpu.dma_semaphore, #tpu.memory_space<semaphore_mem>>)
      %dma_wait3A_666 = arith.constant 2 : i32
      %dma_wait3A_667 = arith.constant 0 : i32
      %dma_wait3A_668 = arith.constant 0 : i32
      %dma_wait3A_669 = tpu.memref_slice %arg10[%dma_wait3A_667, %dma_wait3A_668] : memref<128x128xf32, #tpu.memory_space<vmem>> -> memref<64x128xf32, #tpu.memory_space<vmem>>
      %dma_wait3A_670 = arith.constant 0 : i32
      %dma_wait3A_671 = tpu.memref_slice %arg7[%dma_wait3A_666, %dma_wait3A_670] : memref<8x128xi32, #tpu.memory_space<vmem>> -> memref<1x64xi32, #tpu.memory_space<vmem>>
      %dma_wait3A_672 = tpu.memref_squeeze %dma_wait3A_671 : memref<1x64xi32, #tpu.memory_space<vmem>> -> memref<64xi32, #tpu.memory_space<vmem>>
      %dma_wait3A_673 = arith.constant 0 : i32
      %dma_wait3A_674 = arith.constant 0 : i32
      %dma_wait3A_675 = tpu.memref_slice %arg2[%dma_wait3A_673, %dma_wait3A_674] : memref<10000x128xf32, #tpu.memory_space<hbm>> -> memref<10000x128xf32, #tpu.memory_space<hbm>>
      tpu.wait_indirect_dma semaphore(%arg14 : memref<!tpu.dma_semaphore, #tpu.memory_space<semaphore_mem>>) src(%dma_wait3A_675 : memref<10000x128xf32, #tpu.memory_space<hbm>>) dst(%dma_wait3A_669 : memref<64x128xf32, #tpu.memory_space<vmem>>)
      %dma_wait3A_676 = arith.constant 2 : i32
      %dma_wait3A_677 = arith.constant 64 : i32
      %dma_wait3A_678 = arith.constant 0 : i32
      %dma_wait3A_679 = tpu.memref_slice %arg10[%dma_wait3A_677, %dma_wait3A_678] : memref<128x128xf32, #tpu.memory_space<vmem>> -> memref<64x128xf32, #tpu.memory_space<vmem>>
      %dma_wait3A_680 = arith.constant 64 : i32
      %dma_wait3A_681 = tpu.memref_slice %arg7[%dma_wait3A_676, %dma_wait3A_680] : memref<8x128xi32, #tpu.memory_space<vmem>> -> memref<1x64xi32, #tpu.memory_space<vmem>>
      %dma_wait3A_682 = tpu.memref_squeeze %dma_wait3A_681 : memref<1x64xi32, #tpu.memory_space<vmem>> -> memref<64xi32, #tpu.memory_space<vmem>>
      %dma_wait3A_683 = arith.constant 0 : i32
      %dma_wait3A_684 = arith.constant 0 : i32
      %dma_wait3A_685 = tpu.memref_slice %arg2[%dma_wait3A_683, %dma_wait3A_684] : memref<10000x128xf32, #tpu.memory_space<hbm>> -> memref<10000x128xf32, #tpu.memory_space<hbm>>
      tpu.wait_indirect_dma semaphore(%arg14 : memref<!tpu.dma_semaphore, #tpu.memory_space<semaphore_mem>>) src(%dma_wait3A_685 : memref<10000x128xf32, #tpu.memory_space<hbm>>) dst(%dma_wait3A_679 : memref<64x128xf32, #tpu.memory_space<vmem>>)
      %run_scoped3A_686 = arith.constant 2 : i32
      "tpu.region"() ({
        %run_scoped3A_908 = tpu.sem_alloc : memref<!tpu.dma_semaphore, #tpu.memory_space<semaphore_mem>>
        %dma_start3A_909 = arith.constant 0 : i32
        %dma_start3A_910 = tpu.memref_slice %arg9[%run_scoped3A_686, %dma_start3A_909] : memref<8x128xi32, #tpu.memory_space<vmem>> -> memref<1x128xi32, #tpu.memory_space<vmem>>
        %dma_start3A_911 = tpu.memref_squeeze %dma_start3A_910 : memref<1x128xi32, #tpu.memory_space<vmem>> -> memref<128xi32, #tpu.memory_space<vmem>>
        %dma_start3A_912 = arith.constant 0 : i32
        %dma_start3A_913 = arith.constant 0 : i32
        %dma_start3A_914 = tpu.memref_slice %arg13[%dma_start3A_912, %dma_start3A_913] : memref<10240x128xf32, #tpu.memory_space<vmem_shared>> -> memref<10240x128xf32, #tpu.memory_space<vmem_shared>>
        tpu.enqueue_indirect_dma source(%arg10 : memref<128x128xf32, #tpu.memory_space<vmem>>) target(%dma_start3A_914 : memref<10240x128xf32, #tpu.memory_space<vmem_shared>>) offsets(%dma_start3A_911 : memref<128xi32, #tpu.memory_space<vmem>>) semaphore(%run_scoped3A_908 : memref<!tpu.dma_semaphore, #tpu.memory_space<semaphore_mem>>) {add = true}
        %dma_wait3A_915 = arith.constant 0 : i32
        %dma_wait3A_916 = tpu.memref_slice %arg9[%run_scoped3A_686, %dma_wait3A_915] : memref<8x128xi32, #tpu.memory_space<vmem>> -> memref<1x128xi32, #tpu.memory_space<vmem>>
        %dma_wait3A_917 = tpu.memref_squeeze %dma_wait3A_916 : memref<1x128xi32, #tpu.memory_space<vmem>> -> memref<128xi32, #tpu.memory_space<vmem>>
        %dma_wait3A_918 = arith.constant 0 : i32
        %dma_wait3A_919 = arith.constant 0 : i32
        %dma_wait3A_920 = tpu.memref_slice %arg13[%dma_wait3A_918, %dma_wait3A_919] : memref<10240x128xf32, #tpu.memory_space<vmem_shared>> -> memref<10240x128xf32, #tpu.memory_space<vmem_shared>>
        tpu.wait_indirect_dma semaphore(%run_scoped3A_908 : memref<!tpu.dma_semaphore, #tpu.memory_space<semaphore_mem>>) src(%arg10 : memref<128x128xf32, #tpu.memory_space<vmem>>) dst(%dma_wait3A_920 : memref<10240x128xf32, #tpu.memory_space<vmem_shared>>)
        tpu.yield
      }) : () -> ()
      %mul3A_687 = arith.constant 16 : i32
      %mul3A_688 = arith.muli %mul3A_687, %scan3A_168 : i32
      %add3A_689 = arith.constant 11 : i32
      %add3A_690 = arith.addi %mul3A_688, %add3A_689 : i32
      %dma_start3A_691 = arith.constant 4 : i32
      %dma_start3A_692 = arith.constant 0 : i32
      %dma_start3A_693 = arith.constant 0 : i32
      %dma_start3A_694 = tpu.memref_slice %arg10[%dma_start3A_692, %dma_start3A_693] : memref<128x128xf32, #tpu.memory_space<vmem>> -> memref<64x128xf32, #tpu.memory_space<vmem>>
      %dma_start3A_695 = arith.constant 0 : i32
      %dma_start3A_696 = tpu.memref_slice %arg7[%dma_start3A_691, %dma_start3A_695] : memref<8x128xi32, #tpu.memory_space<vmem>> -> memref<1x64xi32, #tpu.memory_space<vmem>>
      %dma_start3A_697 = tpu.memref_squeeze %dma_start3A_696 : memref<1x64xi32, #tpu.memory_space<vmem>> -> memref<64xi32, #tpu.memory_space<vmem>>
      %dma_start3A_698 = arith.constant 0 : i32
      %dma_start3A_699 = arith.constant 0 : i32
      %dma_start3A_700 = tpu.memref_slice %arg2[%dma_start3A_698, %dma_start3A_699] : memref<10000x128xf32, #tpu.memory_space<hbm>> -> memref<10000x128xf32, #tpu.memory_space<hbm>>
      tpu.enqueue_indirect_dma source(%dma_start3A_700 : memref<10000x128xf32, #tpu.memory_space<hbm>>) target(%dma_start3A_694 : memref<64x128xf32, #tpu.memory_space<vmem>>) offsets(%dma_start3A_697 : memref<64xi32, #tpu.memory_space<vmem>>) semaphore(%arg14 : memref<!tpu.dma_semaphore, #tpu.memory_space<semaphore_mem>>)
      %dma_start3A_701 = arith.constant 4 : i32
      %dma_start3A_702 = arith.constant 64 : i32
      %dma_start3A_703 = arith.constant 0 : i32
      %dma_start3A_704 = tpu.memref_slice %arg10[%dma_start3A_702, %dma_start3A_703] : memref<128x128xf32, #tpu.memory_space<vmem>> -> memref<64x128xf32, #tpu.memory_space<vmem>>
      %dma_start3A_705 = arith.constant 64 : i32
      %dma_start3A_706 = tpu.memref_slice %arg7[%dma_start3A_701, %dma_start3A_705] : memref<8x128xi32, #tpu.memory_space<vmem>> -> memref<1x64xi32, #tpu.memory_space<vmem>>
      %dma_start3A_707 = tpu.memref_squeeze %dma_start3A_706 : memref<1x64xi32, #tpu.memory_space<vmem>> -> memref<64xi32, #tpu.memory_space<vmem>>
      %dma_start3A_708 = arith.constant 0 : i32
      %dma_start3A_709 = arith.constant 0 : i32
      %dma_start3A_710 = tpu.memref_slice %arg2[%dma_start3A_708, %dma_start3A_709] : memref<10000x128xf32, #tpu.memory_space<hbm>> -> memref<10000x128xf32, #tpu.memory_space<hbm>>
      tpu.enqueue_indirect_dma source(%dma_start3A_710 : memref<10000x128xf32, #tpu.memory_space<hbm>>) target(%dma_start3A_704 : memref<64x128xf32, #tpu.memory_space<vmem>>) offsets(%dma_start3A_707 : memref<64xi32, #tpu.memory_space<vmem>>) semaphore(%arg14 : memref<!tpu.dma_semaphore, #tpu.memory_space<semaphore_mem>>)
      %dma_wait3A_711 = arith.constant 3 : i32
      %dma_wait3A_712 = arith.constant 0 : i32
      %dma_wait3A_713 = arith.constant 0 : i32
      %dma_wait3A_714 = tpu.memref_slice %arg11[%dma_wait3A_712, %dma_wait3A_713] : memref<128x128xf32, #tpu.memory_space<vmem>> -> memref<64x128xf32, #tpu.memory_space<vmem>>
      %dma_wait3A_715 = arith.constant 0 : i32
      %dma_wait3A_716 = tpu.memref_slice %arg7[%dma_wait3A_711, %dma_wait3A_715] : memref<8x128xi32, #tpu.memory_space<vmem>> -> memref<1x64xi32, #tpu.memory_space<vmem>>
      %dma_wait3A_717 = tpu.memref_squeeze %dma_wait3A_716 : memref<1x64xi32, #tpu.memory_space<vmem>> -> memref<64xi32, #tpu.memory_space<vmem>>
      %dma_wait3A_718 = arith.constant 0 : i32
      %dma_wait3A_719 = arith.constant 0 : i32
      %dma_wait3A_720 = tpu.memref_slice %arg2[%dma_wait3A_718, %dma_wait3A_719] : memref<10000x128xf32, #tpu.memory_space<hbm>> -> memref<10000x128xf32, #tpu.memory_space<hbm>>
      tpu.wait_indirect_dma semaphore(%arg15 : memref<!tpu.dma_semaphore, #tpu.memory_space<semaphore_mem>>) src(%dma_wait3A_720 : memref<10000x128xf32, #tpu.memory_space<hbm>>) dst(%dma_wait3A_714 : memref<64x128xf32, #tpu.memory_space<vmem>>)
      %dma_wait3A_721 = arith.constant 3 : i32
      %dma_wait3A_722 = arith.constant 64 : i32
      %dma_wait3A_723 = arith.constant 0 : i32
      %dma_wait3A_724 = tpu.memref_slice %arg11[%dma_wait3A_722, %dma_wait3A_723] : memref<128x128xf32, #tpu.memory_space<vmem>> -> memref<64x128xf32, #tpu.memory_space<vmem>>
      %dma_wait3A_725 = arith.constant 64 : i32
      %dma_wait3A_726 = tpu.memref_slice %arg7[%dma_wait3A_721, %dma_wait3A_725] : memref<8x128xi32, #tpu.memory_space<vmem>> -> memref<1x64xi32, #tpu.memory_space<vmem>>
      %dma_wait3A_727 = tpu.memref_squeeze %dma_wait3A_726 : memref<1x64xi32, #tpu.memory_space<vmem>> -> memref<64xi32, #tpu.memory_space<vmem>>
      %dma_wait3A_728 = arith.constant 0 : i32
      %dma_wait3A_729 = arith.constant 0 : i32
      %dma_wait3A_730 = tpu.memref_slice %arg2[%dma_wait3A_728, %dma_wait3A_729] : memref<10000x128xf32, #tpu.memory_space<hbm>> -> memref<10000x128xf32, #tpu.memory_space<hbm>>
      tpu.wait_indirect_dma semaphore(%arg15 : memref<!tpu.dma_semaphore, #tpu.memory_space<semaphore_mem>>) src(%dma_wait3A_730 : memref<10000x128xf32, #tpu.memory_space<hbm>>) dst(%dma_wait3A_724 : memref<64x128xf32, #tpu.memory_space<vmem>>)
      %run_scoped3A_731 = arith.constant 3 : i32
      "tpu.region"() ({
        %run_scoped3A_908 = tpu.sem_alloc : memref<!tpu.dma_semaphore, #tpu.memory_space<semaphore_mem>>
        %dma_start3A_909 = arith.constant 0 : i32
        %dma_start3A_910 = tpu.memref_slice %arg9[%run_scoped3A_731, %dma_start3A_909] : memref<8x128xi32, #tpu.memory_space<vmem>> -> memref<1x128xi32, #tpu.memory_space<vmem>>
        %dma_start3A_911 = tpu.memref_squeeze %dma_start3A_910 : memref<1x128xi32, #tpu.memory_space<vmem>> -> memref<128xi32, #tpu.memory_space<vmem>>
        %dma_start3A_912 = arith.constant 0 : i32
        %dma_start3A_913 = arith.constant 0 : i32
        %dma_start3A_914 = tpu.memref_slice %arg13[%dma_start3A_912, %dma_start3A_913] : memref<10240x128xf32, #tpu.memory_space<vmem_shared>> -> memref<10240x128xf32, #tpu.memory_space<vmem_shared>>
        tpu.enqueue_indirect_dma source(%arg11 : memref<128x128xf32, #tpu.memory_space<vmem>>) target(%dma_start3A_914 : memref<10240x128xf32, #tpu.memory_space<vmem_shared>>) offsets(%dma_start3A_911 : memref<128xi32, #tpu.memory_space<vmem>>) semaphore(%run_scoped3A_908 : memref<!tpu.dma_semaphore, #tpu.memory_space<semaphore_mem>>) {add = true}
        %dma_wait3A_915 = arith.constant 0 : i32
        %dma_wait3A_916 = tpu.memref_slice %arg9[%run_scoped3A_731, %dma_wait3A_915] : memref<8x128xi32, #tpu.memory_space<vmem>> -> memref<1x128xi32, #tpu.memory_space<vmem>>
        %dma_wait3A_917 = tpu.memref_squeeze %dma_wait3A_916 : memref<1x128xi32, #tpu.memory_space<vmem>> -> memref<128xi32, #tpu.memory_space<vmem>>
        %dma_wait3A_918 = arith.constant 0 : i32
        %dma_wait3A_919 = arith.constant 0 : i32
        %dma_wait3A_920 = tpu.memref_slice %arg13[%dma_wait3A_918, %dma_wait3A_919] : memref<10240x128xf32, #tpu.memory_space<vmem_shared>> -> memref<10240x128xf32, #tpu.memory_space<vmem_shared>>
        tpu.wait_indirect_dma semaphore(%run_scoped3A_908 : memref<!tpu.dma_semaphore, #tpu.memory_space<semaphore_mem>>) src(%arg11 : memref<128x128xf32, #tpu.memory_space<vmem>>) dst(%dma_wait3A_920 : memref<10240x128xf32, #tpu.memory_space<vmem_shared>>)
        tpu.yield
      }) : () -> ()
      %mul3A_732 = arith.constant 16 : i32
      %mul3A_733 = arith.muli %mul3A_732, %scan3A_168 : i32
      %add3A_734 = arith.constant 12 : i32
      %add3A_735 = arith.addi %mul3A_733, %add3A_734 : i32
      %dma_start3A_736 = arith.constant 5 : i32
      %dma_start3A_737 = arith.constant 0 : i32
      %dma_start3A_738 = arith.constant 0 : i32
      %dma_start3A_739 = tpu.memref_slice %arg11[%dma_start3A_737, %dma_start3A_738] : memref<128x128xf32, #tpu.memory_space<vmem>> -> memref<64x128xf32, #tpu.memory_space<vmem>>
      %dma_start3A_740 = arith.constant 0 : i32
      %dma_start3A_741 = tpu.memref_slice %arg7[%dma_start3A_736, %dma_start3A_740] : memref<8x128xi32, #tpu.memory_space<vmem>> -> memref<1x64xi32, #tpu.memory_space<vmem>>
      %dma_start3A_742 = tpu.memref_squeeze %dma_start3A_741 : memref<1x64xi32, #tpu.memory_space<vmem>> -> memref<64xi32, #tpu.memory_space<vmem>>
      %dma_start3A_743 = arith.constant 0 : i32
      %dma_start3A_744 = arith.constant 0 : i32
      %dma_start3A_745 = tpu.memref_slice %arg2[%dma_start3A_743, %dma_start3A_744] : memref<10000x128xf32, #tpu.memory_space<hbm>> -> memref<10000x128xf32, #tpu.memory_space<hbm>>
      tpu.enqueue_indirect_dma source(%dma_start3A_745 : memref<10000x128xf32, #tpu.memory_space<hbm>>) target(%dma_start3A_739 : memref<64x128xf32, #tpu.memory_space<vmem>>) offsets(%dma_start3A_742 : memref<64xi32, #tpu.memory_space<vmem>>) semaphore(%arg15 : memref<!tpu.dma_semaphore, #tpu.memory_space<semaphore_mem>>)
      %dma_start3A_746 = arith.constant 5 : i32
      %dma_start3A_747 = arith.constant 64 : i32
      %dma_start3A_748 = arith.constant 0 : i32
      %dma_start3A_749 = tpu.memref_slice %arg11[%dma_start3A_747, %dma_start3A_748] : memref<128x128xf32, #tpu.memory_space<vmem>> -> memref<64x128xf32, #tpu.memory_space<vmem>>
      %dma_start3A_750 = arith.constant 64 : i32
      %dma_start3A_751 = tpu.memref_slice %arg7[%dma_start3A_746, %dma_start3A_750] : memref<8x128xi32, #tpu.memory_space<vmem>> -> memref<1x64xi32, #tpu.memory_space<vmem>>
      %dma_start3A_752 = tpu.memref_squeeze %dma_start3A_751 : memref<1x64xi32, #tpu.memory_space<vmem>> -> memref<64xi32, #tpu.memory_space<vmem>>
      %dma_start3A_753 = arith.constant 0 : i32
      %dma_start3A_754 = arith.constant 0 : i32
      %dma_start3A_755 = tpu.memref_slice %arg2[%dma_start3A_753, %dma_start3A_754] : memref<10000x128xf32, #tpu.memory_space<hbm>> -> memref<10000x128xf32, #tpu.memory_space<hbm>>
      tpu.enqueue_indirect_dma source(%dma_start3A_755 : memref<10000x128xf32, #tpu.memory_space<hbm>>) target(%dma_start3A_749 : memref<64x128xf32, #tpu.memory_space<vmem>>) offsets(%dma_start3A_752 : memref<64xi32, #tpu.memory_space<vmem>>) semaphore(%arg15 : memref<!tpu.dma_semaphore, #tpu.memory_space<semaphore_mem>>)
      %dma_wait3A_756 = arith.constant 4 : i32
      %dma_wait3A_757 = arith.constant 0 : i32
      %dma_wait3A_758 = arith.constant 0 : i32
      %dma_wait3A_759 = tpu.memref_slice %arg10[%dma_wait3A_757, %dma_wait3A_758] : memref<128x128xf32, #tpu.memory_space<vmem>> -> memref<64x128xf32, #tpu.memory_space<vmem>>
      %dma_wait3A_760 = arith.constant 0 : i32
      %dma_wait3A_761 = tpu.memref_slice %arg7[%dma_wait3A_756, %dma_wait3A_760] : memref<8x128xi32, #tpu.memory_space<vmem>> -> memref<1x64xi32, #tpu.memory_space<vmem>>
      %dma_wait3A_762 = tpu.memref_squeeze %dma_wait3A_761 : memref<1x64xi32, #tpu.memory_space<vmem>> -> memref<64xi32, #tpu.memory_space<vmem>>
      %dma_wait3A_763 = arith.constant 0 : i32
      %dma_wait3A_764 = arith.constant 0 : i32
      %dma_wait3A_765 = tpu.memref_slice %arg2[%dma_wait3A_763, %dma_wait3A_764] : memref<10000x128xf32, #tpu.memory_space<hbm>> -> memref<10000x128xf32, #tpu.memory_space<hbm>>
      tpu.wait_indirect_dma semaphore(%arg14 : memref<!tpu.dma_semaphore, #tpu.memory_space<semaphore_mem>>) src(%dma_wait3A_765 : memref<10000x128xf32, #tpu.memory_space<hbm>>) dst(%dma_wait3A_759 : memref<64x128xf32, #tpu.memory_space<vmem>>)
      %dma_wait3A_766 = arith.constant 4 : i32
      %dma_wait3A_767 = arith.constant 64 : i32
      %dma_wait3A_768 = arith.constant 0 : i32
      %dma_wait3A_769 = tpu.memref_slice %arg10[%dma_wait3A_767, %dma_wait3A_768] : memref<128x128xf32, #tpu.memory_space<vmem>> -> memref<64x128xf32, #tpu.memory_space<vmem>>
      %dma_wait3A_770 = arith.constant 64 : i32
      %dma_wait3A_771 = tpu.memref_slice %arg7[%dma_wait3A_766, %dma_wait3A_770] : memref<8x128xi32, #tpu.memory_space<vmem>> -> memref<1x64xi32, #tpu.memory_space<vmem>>
      %dma_wait3A_772 = tpu.memref_squeeze %dma_wait3A_771 : memref<1x64xi32, #tpu.memory_space<vmem>> -> memref<64xi32, #tpu.memory_space<vmem>>
      %dma_wait3A_773 = arith.constant 0 : i32
      %dma_wait3A_774 = arith.constant 0 : i32
      %dma_wait3A_775 = tpu.memref_slice %arg2[%dma_wait3A_773, %dma_wait3A_774] : memref<10000x128xf32, #tpu.memory_space<hbm>> -> memref<10000x128xf32, #tpu.memory_space<hbm>>
      tpu.wait_indirect_dma semaphore(%arg14 : memref<!tpu.dma_semaphore, #tpu.memory_space<semaphore_mem>>) src(%dma_wait3A_775 : memref<10000x128xf32, #tpu.memory_space<hbm>>) dst(%dma_wait3A_769 : memref<64x128xf32, #tpu.memory_space<vmem>>)
      %run_scoped3A_776 = arith.constant 4 : i32
      "tpu.region"() ({
        %run_scoped3A_908 = tpu.sem_alloc : memref<!tpu.dma_semaphore, #tpu.memory_space<semaphore_mem>>
        %dma_start3A_909 = arith.constant 0 : i32
        %dma_start3A_910 = tpu.memref_slice %arg9[%run_scoped3A_776, %dma_start3A_909] : memref<8x128xi32, #tpu.memory_space<vmem>> -> memref<1x128xi32, #tpu.memory_space<vmem>>
        %dma_start3A_911 = tpu.memref_squeeze %dma_start3A_910 : memref<1x128xi32, #tpu.memory_space<vmem>> -> memref<128xi32, #tpu.memory_space<vmem>>
        %dma_start3A_912 = arith.constant 0 : i32
        %dma_start3A_913 = arith.constant 0 : i32
        %dma_start3A_914 = tpu.memref_slice %arg13[%dma_start3A_912, %dma_start3A_913] : memref<10240x128xf32, #tpu.memory_space<vmem_shared>> -> memref<10240x128xf32, #tpu.memory_space<vmem_shared>>
        tpu.enqueue_indirect_dma source(%arg10 : memref<128x128xf32, #tpu.memory_space<vmem>>) target(%dma_start3A_914 : memref<10240x128xf32, #tpu.memory_space<vmem_shared>>) offsets(%dma_start3A_911 : memref<128xi32, #tpu.memory_space<vmem>>) semaphore(%run_scoped3A_908 : memref<!tpu.dma_semaphore, #tpu.memory_space<semaphore_mem>>) {add = true}
        %dma_wait3A_915 = arith.constant 0 : i32
        %dma_wait3A_916 = tpu.memref_slice %arg9[%run_scoped3A_776, %dma_wait3A_915] : memref<8x128xi32, #tpu.memory_space<vmem>> -> memref<1x128xi32, #tpu.memory_space<vmem>>
        %dma_wait3A_917 = tpu.memref_squeeze %dma_wait3A_916 : memref<1x128xi32, #tpu.memory_space<vmem>> -> memref<128xi32, #tpu.memory_space<vmem>>
        %dma_wait3A_918 = arith.constant 0 : i32
        %dma_wait3A_919 = arith.constant 0 : i32
        %dma_wait3A_920 = tpu.memref_slice %arg13[%dma_wait3A_918, %dma_wait3A_919] : memref<10240x128xf32, #tpu.memory_space<vmem_shared>> -> memref<10240x128xf32, #tpu.memory_space<vmem_shared>>
        tpu.wait_indirect_dma semaphore(%run_scoped3A_908 : memref<!tpu.dma_semaphore, #tpu.memory_space<semaphore_mem>>) src(%arg10 : memref<128x128xf32, #tpu.memory_space<vmem>>) dst(%dma_wait3A_920 : memref<10240x128xf32, #tpu.memory_space<vmem_shared>>)
        tpu.yield
      }) : () -> ()
      %mul3A_777 = arith.constant 16 : i32
      %mul3A_778 = arith.muli %mul3A_777, %scan3A_168 : i32
      %add3A_779 = arith.constant 13 : i32
      %add3A_780 = arith.addi %mul3A_778, %add3A_779 : i32
      %dma_start3A_781 = arith.constant 6 : i32
      %dma_start3A_782 = arith.constant 0 : i32
      %dma_start3A_783 = arith.constant 0 : i32
      %dma_start3A_784 = tpu.memref_slice %arg10[%dma_start3A_782, %dma_start3A_783] : memref<128x128xf32, #tpu.memory_space<vmem>> -> memref<64x128xf32, #tpu.memory_space<vmem>>
      %dma_start3A_785 = arith.constant 0 : i32
      %dma_start3A_786 = tpu.memref_slice %arg7[%dma_start3A_781, %dma_start3A_785] : memref<8x128xi32, #tpu.memory_space<vmem>> -> memref<1x64xi32, #tpu.memory_space<vmem>>
      %dma_start3A_787 = tpu.memref_squeeze %dma_start3A_786 : memref<1x64xi32, #tpu.memory_space<vmem>> -> memref<64xi32, #tpu.memory_space<vmem>>
      %dma_start3A_788 = arith.constant 0 : i32
      %dma_start3A_789 = arith.constant 0 : i32
      %dma_start3A_790 = tpu.memref_slice %arg2[%dma_start3A_788, %dma_start3A_789] : memref<10000x128xf32, #tpu.memory_space<hbm>> -> memref<10000x128xf32, #tpu.memory_space<hbm>>
      tpu.enqueue_indirect_dma source(%dma_start3A_790 : memref<10000x128xf32, #tpu.memory_space<hbm>>) target(%dma_start3A_784 : memref<64x128xf32, #tpu.memory_space<vmem>>) offsets(%dma_start3A_787 : memref<64xi32, #tpu.memory_space<vmem>>) semaphore(%arg14 : memref<!tpu.dma_semaphore, #tpu.memory_space<semaphore_mem>>)
      %dma_start3A_791 = arith.constant 6 : i32
      %dma_start3A_792 = arith.constant 64 : i32
      %dma_start3A_793 = arith.constant 0 : i32
      %dma_start3A_794 = tpu.memref_slice %arg10[%dma_start3A_792, %dma_start3A_793] : memref<128x128xf32, #tpu.memory_space<vmem>> -> memref<64x128xf32, #tpu.memory_space<vmem>>
      %dma_start3A_795 = arith.constant 64 : i32
      %dma_start3A_796 = tpu.memref_slice %arg7[%dma_start3A_791, %dma_start3A_795] : memref<8x128xi32, #tpu.memory_space<vmem>> -> memref<1x64xi32, #tpu.memory_space<vmem>>
      %dma_start3A_797 = tpu.memref_squeeze %dma_start3A_796 : memref<1x64xi32, #tpu.memory_space<vmem>> -> memref<64xi32, #tpu.memory_space<vmem>>
      %dma_start3A_798 = arith.constant 0 : i32
      %dma_start3A_799 = arith.constant 0 : i32
      %dma_start3A_800 = tpu.memref_slice %arg2[%dma_start3A_798, %dma_start3A_799] : memref<10000x128xf32, #tpu.memory_space<hbm>> -> memref<10000x128xf32, #tpu.memory_space<hbm>>
      tpu.enqueue_indirect_dma source(%dma_start3A_800 : memref<10000x128xf32, #tpu.memory_space<hbm>>) target(%dma_start3A_794 : memref<64x128xf32, #tpu.memory_space<vmem>>) offsets(%dma_start3A_797 : memref<64xi32, #tpu.memory_space<vmem>>) semaphore(%arg14 : memref<!tpu.dma_semaphore, #tpu.memory_space<semaphore_mem>>)
      %dma_wait3A_801 = arith.constant 5 : i32
      %dma_wait3A_802 = arith.constant 0 : i32
      %dma_wait3A_803 = arith.constant 0 : i32
      %dma_wait3A_804 = tpu.memref_slice %arg11[%dma_wait3A_802, %dma_wait3A_803] : memref<128x128xf32, #tpu.memory_space<vmem>> -> memref<64x128xf32, #tpu.memory_space<vmem>>
      %dma_wait3A_805 = arith.constant 0 : i32
      %dma_wait3A_806 = tpu.memref_slice %arg7[%dma_wait3A_801, %dma_wait3A_805] : memref<8x128xi32, #tpu.memory_space<vmem>> -> memref<1x64xi32, #tpu.memory_space<vmem>>
      %dma_wait3A_807 = tpu.memref_squeeze %dma_wait3A_806 : memref<1x64xi32, #tpu.memory_space<vmem>> -> memref<64xi32, #tpu.memory_space<vmem>>
      %dma_wait3A_808 = arith.constant 0 : i32
      %dma_wait3A_809 = arith.constant 0 : i32
      %dma_wait3A_810 = tpu.memref_slice %arg2[%dma_wait3A_808, %dma_wait3A_809] : memref<10000x128xf32, #tpu.memory_space<hbm>> -> memref<10000x128xf32, #tpu.memory_space<hbm>>
      tpu.wait_indirect_dma semaphore(%arg15 : memref<!tpu.dma_semaphore, #tpu.memory_space<semaphore_mem>>) src(%dma_wait3A_810 : memref<10000x128xf32, #tpu.memory_space<hbm>>) dst(%dma_wait3A_804 : memref<64x128xf32, #tpu.memory_space<vmem>>)
      %dma_wait3A_811 = arith.constant 5 : i32
      %dma_wait3A_812 = arith.constant 64 : i32
      %dma_wait3A_813 = arith.constant 0 : i32
      %dma_wait3A_814 = tpu.memref_slice %arg11[%dma_wait3A_812, %dma_wait3A_813] : memref<128x128xf32, #tpu.memory_space<vmem>> -> memref<64x128xf32, #tpu.memory_space<vmem>>
      %dma_wait3A_815 = arith.constant 64 : i32
      %dma_wait3A_816 = tpu.memref_slice %arg7[%dma_wait3A_811, %dma_wait3A_815] : memref<8x128xi32, #tpu.memory_space<vmem>> -> memref<1x64xi32, #tpu.memory_space<vmem>>
      %dma_wait3A_817 = tpu.memref_squeeze %dma_wait3A_816 : memref<1x64xi32, #tpu.memory_space<vmem>> -> memref<64xi32, #tpu.memory_space<vmem>>
      %dma_wait3A_818 = arith.constant 0 : i32
      %dma_wait3A_819 = arith.constant 0 : i32
      %dma_wait3A_820 = tpu.memref_slice %arg2[%dma_wait3A_818, %dma_wait3A_819] : memref<10000x128xf32, #tpu.memory_space<hbm>> -> memref<10000x128xf32, #tpu.memory_space<hbm>>
      tpu.wait_indirect_dma semaphore(%arg15 : memref<!tpu.dma_semaphore, #tpu.memory_space<semaphore_mem>>) src(%dma_wait3A_820 : memref<10000x128xf32, #tpu.memory_space<hbm>>) dst(%dma_wait3A_814 : memref<64x128xf32, #tpu.memory_space<vmem>>)
      %run_scoped3A_821 = arith.constant 5 : i32
      "tpu.region"() ({
        %run_scoped3A_908 = tpu.sem_alloc : memref<!tpu.dma_semaphore, #tpu.memory_space<semaphore_mem>>
        %dma_start3A_909 = arith.constant 0 : i32
        %dma_start3A_910 = tpu.memref_slice %arg9[%run_scoped3A_821, %dma_start3A_909] : memref<8x128xi32, #tpu.memory_space<vmem>> -> memref<1x128xi32, #tpu.memory_space<vmem>>
        %dma_start3A_911 = tpu.memref_squeeze %dma_start3A_910 : memref<1x128xi32, #tpu.memory_space<vmem>> -> memref<128xi32, #tpu.memory_space<vmem>>
        %dma_start3A_912 = arith.constant 0 : i32
        %dma_start3A_913 = arith.constant 0 : i32
        %dma_start3A_914 = tpu.memref_slice %arg13[%dma_start3A_912, %dma_start3A_913] : memref<10240x128xf32, #tpu.memory_space<vmem_shared>> -> memref<10240x128xf32, #tpu.memory_space<vmem_shared>>
        tpu.enqueue_indirect_dma source(%arg11 : memref<128x128xf32, #tpu.memory_space<vmem>>) target(%dma_start3A_914 : memref<10240x128xf32, #tpu.memory_space<vmem_shared>>) offsets(%dma_start3A_911 : memref<128xi32, #tpu.memory_space<vmem>>) semaphore(%run_scoped3A_908 : memref<!tpu.dma_semaphore, #tpu.memory_space<semaphore_mem>>) {add = true}
        %dma_wait3A_915 = arith.constant 0 : i32
        %dma_wait3A_916 = tpu.memref_slice %arg9[%run_scoped3A_821, %dma_wait3A_915] : memref<8x128xi32, #tpu.memory_space<vmem>> -> memref<1x128xi32, #tpu.memory_space<vmem>>
        %dma_wait3A_917 = tpu.memref_squeeze %dma_wait3A_916 : memref<1x128xi32, #tpu.memory_space<vmem>> -> memref<128xi32, #tpu.memory_space<vmem>>
        %dma_wait3A_918 = arith.constant 0 : i32
        %dma_wait3A_919 = arith.constant 0 : i32
        %dma_wait3A_920 = tpu.memref_slice %arg13[%dma_wait3A_918, %dma_wait3A_919] : memref<10240x128xf32, #tpu.memory_space<vmem_shared>> -> memref<10240x128xf32, #tpu.memory_space<vmem_shared>>
        tpu.wait_indirect_dma semaphore(%run_scoped3A_908 : memref<!tpu.dma_semaphore, #tpu.memory_space<semaphore_mem>>) src(%arg11 : memref<128x128xf32, #tpu.memory_space<vmem>>) dst(%dma_wait3A_920 : memref<10240x128xf32, #tpu.memory_space<vmem_shared>>)
        tpu.yield
      }) : () -> ()
      %mul3A_822 = arith.constant 16 : i32
      %mul3A_823 = arith.muli %mul3A_822, %scan3A_168 : i32
      %add3A_824 = arith.constant 14 : i32
      %add3A_825 = arith.addi %mul3A_823, %add3A_824 : i32
      %dma_start3A_826 = arith.constant 7 : i32
      %dma_start3A_827 = arith.constant 0 : i32
      %dma_start3A_828 = arith.constant 0 : i32
      %dma_start3A_829 = tpu.memref_slice %arg11[%dma_start3A_827, %dma_start3A_828] : memref<128x128xf32, #tpu.memory_space<vmem>> -> memref<64x128xf32, #tpu.memory_space<vmem>>
      %dma_start3A_830 = arith.constant 0 : i32
      %dma_start3A_831 = tpu.memref_slice %arg7[%dma_start3A_826, %dma_start3A_830] : memref<8x128xi32, #tpu.memory_space<vmem>> -> memref<1x64xi32, #tpu.memory_space<vmem>>
      %dma_start3A_832 = tpu.memref_squeeze %dma_start3A_831 : memref<1x64xi32, #tpu.memory_space<vmem>> -> memref<64xi32, #tpu.memory_space<vmem>>
      %dma_start3A_833 = arith.constant 0 : i32
      %dma_start3A_834 = arith.constant 0 : i32
      %dma_start3A_835 = tpu.memref_slice %arg2[%dma_start3A_833, %dma_start3A_834] : memref<10000x128xf32, #tpu.memory_space<hbm>> -> memref<10000x128xf32, #tpu.memory_space<hbm>>
      tpu.enqueue_indirect_dma source(%dma_start3A_835 : memref<10000x128xf32, #tpu.memory_space<hbm>>) target(%dma_start3A_829 : memref<64x128xf32, #tpu.memory_space<vmem>>) offsets(%dma_start3A_832 : memref<64xi32, #tpu.memory_space<vmem>>) semaphore(%arg15 : memref<!tpu.dma_semaphore, #tpu.memory_space<semaphore_mem>>)
      %dma_start3A_836 = arith.constant 7 : i32
      %dma_start3A_837 = arith.constant 64 : i32
      %dma_start3A_838 = arith.constant 0 : i32
      %dma_start3A_839 = tpu.memref_slice %arg11[%dma_start3A_837, %dma_start3A_838] : memref<128x128xf32, #tpu.memory_space<vmem>> -> memref<64x128xf32, #tpu.memory_space<vmem>>
      %dma_start3A_840 = arith.constant 64 : i32
      %dma_start3A_841 = tpu.memref_slice %arg7[%dma_start3A_836, %dma_start3A_840] : memref<8x128xi32, #tpu.memory_space<vmem>> -> memref<1x64xi32, #tpu.memory_space<vmem>>
      %dma_start3A_842 = tpu.memref_squeeze %dma_start3A_841 : memref<1x64xi32, #tpu.memory_space<vmem>> -> memref<64xi32, #tpu.memory_space<vmem>>
      %dma_start3A_843 = arith.constant 0 : i32
      %dma_start3A_844 = arith.constant 0 : i32
      %dma_start3A_845 = tpu.memref_slice %arg2[%dma_start3A_843, %dma_start3A_844] : memref<10000x128xf32, #tpu.memory_space<hbm>> -> memref<10000x128xf32, #tpu.memory_space<hbm>>
      tpu.enqueue_indirect_dma source(%dma_start3A_845 : memref<10000x128xf32, #tpu.memory_space<hbm>>) target(%dma_start3A_839 : memref<64x128xf32, #tpu.memory_space<vmem>>) offsets(%dma_start3A_842 : memref<64xi32, #tpu.memory_space<vmem>>) semaphore(%arg15 : memref<!tpu.dma_semaphore, #tpu.memory_space<semaphore_mem>>)
      %dma_wait3A_846 = arith.constant 6 : i32
      %dma_wait3A_847 = arith.constant 0 : i32
      %dma_wait3A_848 = arith.constant 0 : i32
      %dma_wait3A_849 = tpu.memref_slice %arg10[%dma_wait3A_847, %dma_wait3A_848] : memref<128x128xf32, #tpu.memory_space<vmem>> -> memref<64x128xf32, #tpu.memory_space<vmem>>
      %dma_wait3A_850 = arith.constant 0 : i32
      %dma_wait3A_851 = tpu.memref_slice %arg7[%dma_wait3A_846, %dma_wait3A_850] : memref<8x128xi32, #tpu.memory_space<vmem>> -> memref<1x64xi32, #tpu.memory_space<vmem>>
      %dma_wait3A_852 = tpu.memref_squeeze %dma_wait3A_851 : memref<1x64xi32, #tpu.memory_space<vmem>> -> memref<64xi32, #tpu.memory_space<vmem>>
      %dma_wait3A_853 = arith.constant 0 : i32
      %dma_wait3A_854 = arith.constant 0 : i32
      %dma_wait3A_855 = tpu.memref_slice %arg2[%dma_wait3A_853, %dma_wait3A_854] : memref<10000x128xf32, #tpu.memory_space<hbm>> -> memref<10000x128xf32, #tpu.memory_space<hbm>>
      tpu.wait_indirect_dma semaphore(%arg14 : memref<!tpu.dma_semaphore, #tpu.memory_space<semaphore_mem>>) src(%dma_wait3A_855 : memref<10000x128xf32, #tpu.memory_space<hbm>>) dst(%dma_wait3A_849 : memref<64x128xf32, #tpu.memory_space<vmem>>)
      %dma_wait3A_856 = arith.constant 6 : i32
      %dma_wait3A_857 = arith.constant 64 : i32
      %dma_wait3A_858 = arith.constant 0 : i32
      %dma_wait3A_859 = tpu.memref_slice %arg10[%dma_wait3A_857, %dma_wait3A_858] : memref<128x128xf32, #tpu.memory_space<vmem>> -> memref<64x128xf32, #tpu.memory_space<vmem>>
      %dma_wait3A_860 = arith.constant 64 : i32
      %dma_wait3A_861 = tpu.memref_slice %arg7[%dma_wait3A_856, %dma_wait3A_860] : memref<8x128xi32, #tpu.memory_space<vmem>> -> memref<1x64xi32, #tpu.memory_space<vmem>>
      %dma_wait3A_862 = tpu.memref_squeeze %dma_wait3A_861 : memref<1x64xi32, #tpu.memory_space<vmem>> -> memref<64xi32, #tpu.memory_space<vmem>>
      %dma_wait3A_863 = arith.constant 0 : i32
      %dma_wait3A_864 = arith.constant 0 : i32
      %dma_wait3A_865 = tpu.memref_slice %arg2[%dma_wait3A_863, %dma_wait3A_864] : memref<10000x128xf32, #tpu.memory_space<hbm>> -> memref<10000x128xf32, #tpu.memory_space<hbm>>
      tpu.wait_indirect_dma semaphore(%arg14 : memref<!tpu.dma_semaphore, #tpu.memory_space<semaphore_mem>>) src(%dma_wait3A_865 : memref<10000x128xf32, #tpu.memory_space<hbm>>) dst(%dma_wait3A_859 : memref<64x128xf32, #tpu.memory_space<vmem>>)
      %run_scoped3A_866 = arith.constant 6 : i32
      "tpu.region"() ({
        %run_scoped3A_908 = tpu.sem_alloc : memref<!tpu.dma_semaphore, #tpu.memory_space<semaphore_mem>>
        %dma_start3A_909 = arith.constant 0 : i32
        %dma_start3A_910 = tpu.memref_slice %arg9[%run_scoped3A_866, %dma_start3A_909] : memref<8x128xi32, #tpu.memory_space<vmem>> -> memref<1x128xi32, #tpu.memory_space<vmem>>
        %dma_start3A_911 = tpu.memref_squeeze %dma_start3A_910 : memref<1x128xi32, #tpu.memory_space<vmem>> -> memref<128xi32, #tpu.memory_space<vmem>>
        %dma_start3A_912 = arith.constant 0 : i32
        %dma_start3A_913 = arith.constant 0 : i32
        %dma_start3A_914 = tpu.memref_slice %arg13[%dma_start3A_912, %dma_start3A_913] : memref<10240x128xf32, #tpu.memory_space<vmem_shared>> -> memref<10240x128xf32, #tpu.memory_space<vmem_shared>>
        tpu.enqueue_indirect_dma source(%arg10 : memref<128x128xf32, #tpu.memory_space<vmem>>) target(%dma_start3A_914 : memref<10240x128xf32, #tpu.memory_space<vmem_shared>>) offsets(%dma_start3A_911 : memref<128xi32, #tpu.memory_space<vmem>>) semaphore(%run_scoped3A_908 : memref<!tpu.dma_semaphore, #tpu.memory_space<semaphore_mem>>) {add = true}
        %dma_wait3A_915 = arith.constant 0 : i32
        %dma_wait3A_916 = tpu.memref_slice %arg9[%run_scoped3A_866, %dma_wait3A_915] : memref<8x128xi32, #tpu.memory_space<vmem>> -> memref<1x128xi32, #tpu.memory_space<vmem>>
        %dma_wait3A_917 = tpu.memref_squeeze %dma_wait3A_916 : memref<1x128xi32, #tpu.memory_space<vmem>> -> memref<128xi32, #tpu.memory_space<vmem>>
        %dma_wait3A_918 = arith.constant 0 : i32
        %dma_wait3A_919 = arith.constant 0 : i32
        %dma_wait3A_920 = tpu.memref_slice %arg13[%dma_wait3A_918, %dma_wait3A_919] : memref<10240x128xf32, #tpu.memory_space<vmem_shared>> -> memref<10240x128xf32, #tpu.memory_space<vmem_shared>>
        tpu.wait_indirect_dma semaphore(%run_scoped3A_908 : memref<!tpu.dma_semaphore, #tpu.memory_space<semaphore_mem>>) src(%arg10 : memref<128x128xf32, #tpu.memory_space<vmem>>) dst(%dma_wait3A_920 : memref<10240x128xf32, #tpu.memory_space<vmem_shared>>)
        tpu.yield
      }) : () -> ()
      %mul3A_867 = arith.constant 16 : i32
      %mul3A_868 = arith.muli %mul3A_867, %scan3A_168 : i32
      %add3A_869 = arith.constant 15 : i32
      %add3A_870 = arith.addi %mul3A_868, %add3A_869 : i32
      %add3A_871 = arith.constant 1 : i32
      %add3A_872 = arith.addi %add3A_870, %add3A_871 : i32
      %lt3A_873 = arith.constant 80 : i32
      %lt3A_874 = arith.cmpi slt, %add3A_872, %lt3A_873 : i32
      %convert_element_type3A_875 = arith.extui %lt3A_874 : i1 to i32
      %cond3A_876 = arith.constant 0 : i32
      %cond3A_877 = arith.cmpi ne, %convert_element_type3A_875, %cond3A_876 : i32
      scf.if %cond3A_877 {
        %mul3A_908 = arith.constant 2 : i32
        %mul3A_909 = arith.muli %mul3A_908, %scan3A_168 : i32
        %add3A_910 = arith.constant 2 : i32
        %add3A_911 = arith.addi %mul3A_909, %add3A_910 : i32
        %mul3A_912 = arith.constant 8 : i32
        %mul3A_913 = arith.muli %add3A_911, %mul3A_912 : i32
        %add3A_914 = arith.addi %mul3A_128, %mul3A_913 : i32
        %dma_wait3A_915 = arith.constant 0 : i32
        %dma_wait3A_916 = tpu.memref_slice %arg3[%add3A_914, %dma_wait3A_915] : memref<2560x128xi32, #tpu.memory_space<hbm>> -> memref<8x128xi32, #tpu.memory_space<hbm>>
        %dma_wait3A_917 = arith.constant 0 : i32
        %dma_wait3A_918 = tpu.memref_slice %arg3[%add3A_914, %dma_wait3A_917] : memref<2560x128xi32, #tpu.memory_space<hbm>> -> memref<8x128xi32, #tpu.memory_space<hbm>>
        tpu.wait_dma2 semaphore(%arg16 : memref<!tpu.dma_semaphore, #tpu.memory_space<semaphore_mem>>) src(%dma_wait3A_918 : memref<8x128xi32, #tpu.memory_space<hbm>>) dst(%arg6 : memref<8x128xi32, #tpu.memory_space<vmem>>)
        %mul3A_919 = arith.constant 8 : i32
        %mul3A_920 = arith.muli %add3A_911, %mul3A_919 : i32
        %add3A_921 = arith.addi %mul3A_128, %mul3A_920 : i32
        %dma_wait3A_922 = arith.constant 0 : i32
        %dma_wait3A_923 = tpu.memref_slice %arg4[%add3A_921, %dma_wait3A_922] : memref<2560x128xi32, #tpu.memory_space<hbm>> -> memref<8x128xi32, #tpu.memory_space<hbm>>
        %dma_wait3A_924 = arith.constant 0 : i32
        %dma_wait3A_925 = tpu.memref_slice %arg4[%add3A_921, %dma_wait3A_924] : memref<2560x128xi32, #tpu.memory_space<hbm>> -> memref<8x128xi32, #tpu.memory_space<hbm>>
        tpu.wait_dma2 semaphore(%arg16 : memref<!tpu.dma_semaphore, #tpu.memory_space<semaphore_mem>>) src(%dma_wait3A_925 : memref<8x128xi32, #tpu.memory_space<hbm>>) dst(%arg8 : memref<8x128xi32, #tpu.memory_space<vmem>>)
        %dma_start3A_926 = arith.constant 0 : i32
        %dma_start3A_927 = arith.constant 0 : i32
        %dma_start3A_928 = arith.constant 0 : i32
        %dma_start3A_929 = tpu.memref_slice %arg10[%dma_start3A_927, %dma_start3A_928] : memref<128x128xf32, #tpu.memory_space<vmem>> -> memref<64x128xf32, #tpu.memory_space<vmem>>
        %dma_start3A_930 = arith.constant 0 : i32
        %dma_start3A_931 = tpu.memref_slice %arg6[%dma_start3A_926, %dma_start3A_930] : memref<8x128xi32, #tpu.memory_space<vmem>> -> memref<1x64xi32, #tpu.memory_space<vmem>>
        %dma_start3A_932 = tpu.memref_squeeze %dma_start3A_931 : memref<1x64xi32, #tpu.memory_space<vmem>> -> memref<64xi32, #tpu.memory_space<vmem>>
        %dma_start3A_933 = arith.constant 0 : i32
        %dma_start3A_934 = arith.constant 0 : i32
        %dma_start3A_935 = tpu.memref_slice %arg2[%dma_start3A_933, %dma_start3A_934] : memref<10000x128xf32, #tpu.memory_space<hbm>> -> memref<10000x128xf32, #tpu.memory_space<hbm>>
        tpu.enqueue_indirect_dma source(%dma_start3A_935 : memref<10000x128xf32, #tpu.memory_space<hbm>>) target(%dma_start3A_929 : memref<64x128xf32, #tpu.memory_space<vmem>>) offsets(%dma_start3A_932 : memref<64xi32, #tpu.memory_space<vmem>>) semaphore(%arg14 : memref<!tpu.dma_semaphore, #tpu.memory_space<semaphore_mem>>)
        %dma_start3A_936 = arith.constant 0 : i32
        %dma_start3A_937 = arith.constant 64 : i32
        %dma_start3A_938 = arith.constant 0 : i32
        %dma_start3A_939 = tpu.memref_slice %arg10[%dma_start3A_937, %dma_start3A_938] : memref<128x128xf32, #tpu.memory_space<vmem>> -> memref<64x128xf32, #tpu.memory_space<vmem>>
        %dma_start3A_940 = arith.constant 64 : i32
        %dma_start3A_941 = tpu.memref_slice %arg6[%dma_start3A_936, %dma_start3A_940] : memref<8x128xi32, #tpu.memory_space<vmem>> -> memref<1x64xi32, #tpu.memory_space<vmem>>
        %dma_start3A_942 = tpu.memref_squeeze %dma_start3A_941 : memref<1x64xi32, #tpu.memory_space<vmem>> -> memref<64xi32, #tpu.memory_space<vmem>>
        %dma_start3A_943 = arith.constant 0 : i32
        %dma_start3A_944 = arith.constant 0 : i32
        %dma_start3A_945 = tpu.memref_slice %arg2[%dma_start3A_943, %dma_start3A_944] : memref<10000x128xf32, #tpu.memory_space<hbm>> -> memref<10000x128xf32, #tpu.memory_space<hbm>>
        tpu.enqueue_indirect_dma source(%dma_start3A_945 : memref<10000x128xf32, #tpu.memory_space<hbm>>) target(%dma_start3A_939 : memref<64x128xf32, #tpu.memory_space<vmem>>) offsets(%dma_start3A_942 : memref<64xi32, #tpu.memory_space<vmem>>) semaphore(%arg14 : memref<!tpu.dma_semaphore, #tpu.memory_space<semaphore_mem>>)
      } else {
      }
      %dma_wait3A_878 = arith.constant 7 : i32
      %dma_wait3A_879 = arith.constant 0 : i32
      %dma_wait3A_880 = arith.constant 0 : i32
      %dma_wait3A_881 = tpu.memref_slice %arg11[%dma_wait3A_879, %dma_wait3A_880] : memref<128x128xf32, #tpu.memory_space<vmem>> -> memref<64x128xf32, #tpu.memory_space<vmem>>
      %dma_wait3A_882 = arith.constant 0 : i32
      %dma_wait3A_883 = tpu.memref_slice %arg7[%dma_wait3A_878, %dma_wait3A_882] : memref<8x128xi32, #tpu.memory_space<vmem>> -> memref<1x64xi32, #tpu.memory_space<vmem>>
      %dma_wait3A_884 = tpu.memref_squeeze %dma_wait3A_883 : memref<1x64xi32, #tpu.memory_space<vmem>> -> memref<64xi32, #tpu.memory_space<vmem>>
      %dma_wait3A_885 = arith.constant 0 : i32
      %dma_wait3A_886 = arith.constant 0 : i32
      %dma_wait3A_887 = tpu.memref_slice %arg2[%dma_wait3A_885, %dma_wait3A_886] : memref<10000x128xf32, #tpu.memory_space<hbm>> -> memref<10000x128xf32, #tpu.memory_space<hbm>>
      tpu.wait_indirect_dma semaphore(%arg15 : memref<!tpu.dma_semaphore, #tpu.memory_space<semaphore_mem>>) src(%dma_wait3A_887 : memref<10000x128xf32, #tpu.memory_space<hbm>>) dst(%dma_wait3A_881 : memref<64x128xf32, #tpu.memory_space<vmem>>)
      %dma_wait3A_888 = arith.constant 7 : i32
      %dma_wait3A_889 = arith.constant 64 : i32
      %dma_wait3A_890 = arith.constant 0 : i32
      %dma_wait3A_891 = tpu.memref_slice %arg11[%dma_wait3A_889, %dma_wait3A_890] : memref<128x128xf32, #tpu.memory_space<vmem>> -> memref<64x128xf32, #tpu.memory_space<vmem>>
      %dma_wait3A_892 = arith.constant 64 : i32
      %dma_wait3A_893 = tpu.memref_slice %arg7[%dma_wait3A_888, %dma_wait3A_892] : memref<8x128xi32, #tpu.memory_space<vmem>> -> memref<1x64xi32, #tpu.memory_space<vmem>>
      %dma_wait3A_894 = tpu.memref_squeeze %dma_wait3A_893 : memref<1x64xi32, #tpu.memory_space<vmem>> -> memref<64xi32, #tpu.memory_space<vmem>>
      %dma_wait3A_895 = arith.constant 0 : i32
      %dma_wait3A_896 = arith.constant 0 : i32
      %dma_wait3A_897 = tpu.memref_slice %arg2[%dma_wait3A_895, %dma_wait3A_896] : memref<10000x128xf32, #tpu.memory_space<hbm>> -> memref<10000x128xf32, #tpu.memory_space<hbm>>
      tpu.wait_indirect_dma semaphore(%arg15 : memref<!tpu.dma_semaphore, #tpu.memory_space<semaphore_mem>>) src(%dma_wait3A_897 : memref<10000x128xf32, #tpu.memory_space<hbm>>) dst(%dma_wait3A_891 : memref<64x128xf32, #tpu.memory_space<vmem>>)
      %run_scoped3A_898 = arith.constant 7 : i32
      "tpu.region"() ({
        %run_scoped3A_908 = tpu.sem_alloc : memref<!tpu.dma_semaphore, #tpu.memory_space<semaphore_mem>>
        %dma_start3A_909 = arith.constant 0 : i32
        %dma_start3A_910 = tpu.memref_slice %arg9[%run_scoped3A_898, %dma_start3A_909] : memref<8x128xi32, #tpu.memory_space<vmem>> -> memref<1x128xi32, #tpu.memory_space<vmem>>
        %dma_start3A_911 = tpu.memref_squeeze %dma_start3A_910 : memref<1x128xi32, #tpu.memory_space<vmem>> -> memref<128xi32, #tpu.memory_space<vmem>>
        %dma_start3A_912 = arith.constant 0 : i32
        %dma_start3A_913 = arith.constant 0 : i32
        %dma_start3A_914 = tpu.memref_slice %arg13[%dma_start3A_912, %dma_start3A_913] : memref<10240x128xf32, #tpu.memory_space<vmem_shared>> -> memref<10240x128xf32, #tpu.memory_space<vmem_shared>>
        tpu.enqueue_indirect_dma source(%arg11 : memref<128x128xf32, #tpu.memory_space<vmem>>) target(%dma_start3A_914 : memref<10240x128xf32, #tpu.memory_space<vmem_shared>>) offsets(%dma_start3A_911 : memref<128xi32, #tpu.memory_space<vmem>>) semaphore(%run_scoped3A_908 : memref<!tpu.dma_semaphore, #tpu.memory_space<semaphore_mem>>) {add = true}
        %dma_wait3A_915 = arith.constant 0 : i32
        %dma_wait3A_916 = tpu.memref_slice %arg9[%run_scoped3A_898, %dma_wait3A_915] : memref<8x128xi32, #tpu.memory_space<vmem>> -> memref<1x128xi32, #tpu.memory_space<vmem>>
        %dma_wait3A_917 = tpu.memref_squeeze %dma_wait3A_916 : memref<1x128xi32, #tpu.memory_space<vmem>> -> memref<128xi32, #tpu.memory_space<vmem>>
        %dma_wait3A_918 = arith.constant 0 : i32
        %dma_wait3A_919 = arith.constant 0 : i32
        %dma_wait3A_920 = tpu.memref_slice %arg13[%dma_wait3A_918, %dma_wait3A_919] : memref<10240x128xf32, #tpu.memory_space<vmem_shared>> -> memref<10240x128xf32, #tpu.memory_space<vmem_shared>>
        tpu.wait_indirect_dma semaphore(%run_scoped3A_908 : memref<!tpu.dma_semaphore, #tpu.memory_space<semaphore_mem>>) src(%arg11 : memref<128x128xf32, #tpu.memory_space<vmem>>) dst(%dma_wait3A_920 : memref<10240x128xf32, #tpu.memory_space<vmem_shared>>)
        tpu.yield
      }) : () -> ()
      %mul3A_899 = arith.constant 2 : i32
      %mul3A_900 = arith.muli %mul3A_899, %scan3A_168 : i32
      %add3A_901 = arith.constant 3 : i32
      %add3A_902 = arith.addi %mul3A_900, %add3A_901 : i32
      %lt3A_903 = arith.constant 10 : i32
      %lt3A_904 = arith.cmpi slt, %add3A_902, %lt3A_903 : i32
      %convert_element_type3A_905 = arith.extui %lt3A_904 : i1 to i32
      %cond3A_906 = arith.constant 0 : i32
      %cond3A_907 = arith.cmpi ne, %convert_element_type3A_905, %cond3A_906 : i32
      scf.if %cond3A_907 {
        %mul3A_908 = arith.constant 2 : i32
        %mul3A_909 = arith.muli %mul3A_908, %scan3A_168 : i32
        %add3A_910 = arith.constant 3 : i32
        %add3A_911 = arith.addi %mul3A_909, %add3A_910 : i32
        %mul3A_912 = arith.constant 8 : i32
        %mul3A_913 = arith.muli %add3A_911, %mul3A_912 : i32
        %add3A_914 = arith.addi %mul3A_128, %mul3A_913 : i32
        %dma_start3A_915 = arith.constant 0 : i32
        %dma_start3A_916 = tpu.memref_slice %arg3[%add3A_914, %dma_start3A_915] : memref<2560x128xi32, #tpu.memory_space<hbm>> -> memref<8x128xi32, #tpu.memory_space<hbm>>
        %dma_start3A_917 = arith.constant 0 : i32
        %dma_start3A_918 = tpu.memref_slice %arg3[%add3A_914, %dma_start3A_917] : memref<2560x128xi32, #tpu.memory_space<hbm>> -> memref<8x128xi32, #tpu.memory_space<hbm>>
        tpu.enqueue_dma source(%dma_start3A_918 : memref<8x128xi32, #tpu.memory_space<hbm>>) target(%arg7 : memref<8x128xi32, #tpu.memory_space<vmem>>) target_semaphore(%arg17 : memref<!tpu.dma_semaphore, #tpu.memory_space<semaphore_mem>>)
        %mul3A_919 = arith.constant 8 : i32
        %mul3A_920 = arith.muli %add3A_911, %mul3A_919 : i32
        %add3A_921 = arith.addi %mul3A_128, %mul3A_920 : i32
        %dma_start3A_922 = arith.constant 0 : i32
        %dma_start3A_923 = tpu.memref_slice %arg4[%add3A_921, %dma_start3A_922] : memref<2560x128xi32, #tpu.memory_space<hbm>> -> memref<8x128xi32, #tpu.memory_space<hbm>>
        %dma_start3A_924 = arith.constant 0 : i32
        %dma_start3A_925 = tpu.memref_slice %arg4[%add3A_921, %dma_start3A_924] : memref<2560x128xi32, #tpu.memory_space<hbm>> -> memref<8x128xi32, #tpu.memory_space<hbm>>
        tpu.enqueue_dma source(%dma_start3A_925 : memref<8x128xi32, #tpu.memory_space<hbm>>) target(%arg9 : memref<8x128xi32, #tpu.memory_space<vmem>>) target_semaphore(%arg17 : memref<!tpu.dma_semaphore, #tpu.memory_space<semaphore_mem>>)
      } else {
      }
    }
    %scan3A_166 = arith.constant 5 : i32
    %barrier3A_167 = arith.constant 0 : index
    tpu.barrier barrier_id(%barrier3A_167)
    "tpu.region"() ({
      %run_scoped3A = tpu.sem_alloc : memref<!tpu.dma_semaphore, #tpu.memory_space<semaphore_mem>>
      %dma_start3A_168 = arith.constant 0 : i32
      %dma_start3A_169 = tpu.memref_slice %arg5[%arg0, %mul3A_8, %dma_start3A_168] : memref<2x10240x128xf32, #tpu.memory_space<hbm>> -> memref<1x640x128xf32, #tpu.memory_space<hbm>>
      %dma_start3A_170 = tpu.memref_squeeze %dma_start3A_169 : memref<1x640x128xf32, #tpu.memory_space<hbm>> -> memref<640x128xf32, #tpu.memory_space<hbm>>
      %dma_start3A_171 = arith.constant 0 : i32
      %dma_start3A_172 = tpu.memref_slice %arg13[%mul3A_8, %dma_start3A_171] : memref<10240x128xf32, #tpu.memory_space<vmem_shared>> -> memref<640x128xf32, #tpu.memory_space<vmem_shared>>
      tpu.enqueue_dma source(%dma_start3A_172 : memref<640x128xf32, #tpu.memory_space<vmem_shared>>) target(%dma_start3A_170 : memref<640x128xf32, #tpu.memory_space<hbm>>) target_semaphore(%run_scoped3A : memref<!tpu.dma_semaphore, #tpu.memory_space<semaphore_mem>>)
      %dma_wait3A_173 = arith.constant 0 : i32
      %dma_wait3A_174 = tpu.memref_slice %arg5[%arg0, %mul3A_8, %dma_wait3A_173] : memref<2x10240x128xf32, #tpu.memory_space<hbm>> -> memref<1x640x128xf32, #tpu.memory_space<hbm>>
      %dma_wait3A_175 = tpu.memref_squeeze %dma_wait3A_174 : memref<1x640x128xf32, #tpu.memory_space<hbm>> -> memref<640x128xf32, #tpu.memory_space<hbm>>
      %dma_wait3A_176 = arith.constant 0 : i32
      %dma_wait3A_177 = tpu.memref_slice %arg13[%mul3A_8, %dma_wait3A_176] : memref<10240x128xf32, #tpu.memory_space<vmem_shared>> -> memref<640x128xf32, #tpu.memory_space<vmem_shared>>
      tpu.wait_dma2 semaphore(%run_scoped3A : memref<!tpu.dma_semaphore, #tpu.memory_space<semaphore_mem>>) src(%dma_wait3A_177 : memref<640x128xf32, #tpu.memory_space<vmem_shared>>) dst(%dma_wait3A_175 : memref<640x128xf32, #tpu.memory_space<hbm>>)
      tpu.yield
    }) : () -> ()
    return
  }
}

#map = affine_map<(d0, d1) -> (0, 0)>
#map1 = affine_map<(d0, d1) -> (0)>
module attributes {stable_mosaic.version = 14 : i64} {
  func.func @body(%arg0: i32, %arg1: i32, %arg2: memref<2560x128xi32, #tpu.memory_space<hbm>>, %arg3: memref<20480xf32, #tpu.memory_space<hbm>>, %arg4: memref<80x128xi32, #tpu.memory_space<vmem>>, %arg5: memref<128xf32, #tpu.memory_space<vmem>>, %arg6: memref<640xf32, #tpu.memory_space<vmem>>, %arg7: memref<10240xf32, #tpu.memory_space<vmem_shared>>, %arg8: memref<!tpu.dma_semaphore, #tpu.memory_space<semaphore_mem>>) attributes {dimension_semantics = [#tpu.dimension_semantics<core_parallel>, #tpu.dimension_semantics<subcore_parallel>], iteration_bounds = array<i64: 2, 16>, scalar_prefetch = 0 : i64, scratch_operands = 5 : i64, tpu.core_type = #tpu.core_type<sc_vector_subcore>, window_params = [{transform_indices = #map}, {transform_indices = #map1}]} {
    %mul3A = arith.constant 2 : i32
    %mul3A_0 = arith.muli %arg1, %mul3A : i32
    %add3A = arith.addi %mul3A_0, %arg0 : i32
    %broadcast_in_dim3A = arith.constant 1.000000e+00 : f32
    %broadcast_in_dim3A_1 = vector.broadcast %broadcast_in_dim3A : f32 to vector<16xf32>
    %broadcast_in_dim3A_2 = arith.constant 0.000000e+00 : f32
    %broadcast_in_dim3A_3 = vector.broadcast %broadcast_in_dim3A_2 : f32 to vector<16xf32>
    %swap3A = arith.constant 0 : index
    %swap3A_4 = tpu.vector_load %arg5[%swap3A] {strides = array<i32>} : memref<128xf32, #tpu.memory_space<vmem>>, vector<16xf32>,
    %swap3A_5 = vector.shape_cast %swap3A_4 : vector<16xf32> to vector<16xf32>
    %swap3A_6 = vector.shape_cast %broadcast_in_dim3A_1 : vector<16xf32> to vector<16xf32>
    tpu.vector_store %arg5[%swap3A], %swap3A_6 {strides = array<i32>} : memref<128xf32, #tpu.memory_space<vmem>>, vector<16xf32>,
    %swap3A_7 = arith.constant 16 : index
    %swap3A_8 = tpu.vector_load %arg5[%swap3A_7] {strides = array<i32>} : memref<128xf32, #tpu.memory_space<vmem>>, vector<16xf32>,
    %swap3A_9 = vector.shape_cast %swap3A_8 : vector<16xf32> to vector<16xf32>
    %swap3A_10 = vector.shape_cast %broadcast_in_dim3A_1 : vector<16xf32> to vector<16xf32>
    tpu.vector_store %arg5[%swap3A_7], %swap3A_10 {strides = array<i32>} : memref<128xf32, #tpu.memory_space<vmem>>, vector<16xf32>,
    %swap3A_11 = arith.constant 32 : index
    %swap3A_12 = tpu.vector_load %arg5[%swap3A_11] {strides = array<i32>} : memref<128xf32, #tpu.memory_space<vmem>>, vector<16xf32>,
    %swap3A_13 = vector.shape_cast %swap3A_12 : vector<16xf32> to vector<16xf32>
    %swap3A_14 = vector.shape_cast %broadcast_in_dim3A_1 : vector<16xf32> to vector<16xf32>
    tpu.vector_store %arg5[%swap3A_11], %swap3A_14 {strides = array<i32>} : memref<128xf32, #tpu.memory_space<vmem>>, vector<16xf32>,
    %swap3A_15 = arith.constant 48 : index
    %swap3A_16 = tpu.vector_load %arg5[%swap3A_15] {strides = array<i32>} : memref<128xf32, #tpu.memory_space<vmem>>, vector<16xf32>,
    %swap3A_17 = vector.shape_cast %swap3A_16 : vector<16xf32> to vector<16xf32>
    %swap3A_18 = vector.shape_cast %broadcast_in_dim3A_1 : vector<16xf32> to vector<16xf32>
    tpu.vector_store %arg5[%swap3A_15], %swap3A_18 {strides = array<i32>} : memref<128xf32, #tpu.memory_space<vmem>>, vector<16xf32>,
    %swap3A_19 = arith.constant 64 : index
    %swap3A_20 = tpu.vector_load %arg5[%swap3A_19] {strides = array<i32>} : memref<128xf32, #tpu.memory_space<vmem>>, vector<16xf32>,
    %swap3A_21 = vector.shape_cast %swap3A_20 : vector<16xf32> to vector<16xf32>
    %swap3A_22 = vector.shape_cast %broadcast_in_dim3A_1 : vector<16xf32> to vector<16xf32>
    tpu.vector_store %arg5[%swap3A_19], %swap3A_22 {strides = array<i32>} : memref<128xf32, #tpu.memory_space<vmem>>, vector<16xf32>,
    %swap3A_23 = arith.constant 80 : index
    %swap3A_24 = tpu.vector_load %arg5[%swap3A_23] {strides = array<i32>} : memref<128xf32, #tpu.memory_space<vmem>>, vector<16xf32>,
    %swap3A_25 = vector.shape_cast %swap3A_24 : vector<16xf32> to vector<16xf32>
    %swap3A_26 = vector.shape_cast %broadcast_in_dim3A_1 : vector<16xf32> to vector<16xf32>
    tpu.vector_store %arg5[%swap3A_23], %swap3A_26 {strides = array<i32>} : memref<128xf32, #tpu.memory_space<vmem>>, vector<16xf32>,
    %swap3A_27 = arith.constant 96 : index
    %swap3A_28 = tpu.vector_load %arg5[%swap3A_27] {strides = array<i32>} : memref<128xf32, #tpu.memory_space<vmem>>, vector<16xf32>,
    %swap3A_29 = vector.shape_cast %swap3A_28 : vector<16xf32> to vector<16xf32>
    %swap3A_30 = vector.shape_cast %broadcast_in_dim3A_1 : vector<16xf32> to vector<16xf32>
    tpu.vector_store %arg5[%swap3A_27], %swap3A_30 {strides = array<i32>} : memref<128xf32, #tpu.memory_space<vmem>>, vector<16xf32>,
    %swap3A_31 = arith.constant 112 : index
    %swap3A_32 = tpu.vector_load %arg5[%swap3A_31] {strides = array<i32>} : memref<128xf32, #tpu.memory_space<vmem>>, vector<16xf32>,
    %swap3A_33 = vector.shape_cast %swap3A_32 : vector<16xf32> to vector<16xf32>
    %swap3A_34 = vector.shape_cast %broadcast_in_dim3A_1 : vector<16xf32> to vector<16xf32>
    tpu.vector_store %arg5[%swap3A_31], %swap3A_34 {strides = array<i32>} : memref<128xf32, #tpu.memory_space<vmem>>, vector<16xf32>,
    %swap3A_35 = arith.constant 0 : index
    %swap3A_36 = tpu.vector_load %arg6[%swap3A_35] {strides = array<i32>} : memref<640xf32, #tpu.memory_space<vmem>>, vector<16xf32>,
    %swap3A_37 = vector.shape_cast %swap3A_36 : vector<16xf32> to vector<16xf32>
    %swap3A_38 = vector.shape_cast %broadcast_in_dim3A_3 : vector<16xf32> to vector<16xf32>
    tpu.vector_store %arg6[%swap3A_35], %swap3A_38 {strides = array<i32>} : memref<640xf32, #tpu.memory_space<vmem>>, vector<16xf32>,
    %swap3A_39 = arith.constant 16 : index
    %swap3A_40 = tpu.vector_load %arg6[%swap3A_39] {strides = array<i32>} : memref<640xf32, #tpu.memory_space<vmem>>, vector<16xf32>,
    %swap3A_41 = vector.shape_cast %swap3A_40 : vector<16xf32> to vector<16xf32>
    %swap3A_42 = vector.shape_cast %broadcast_in_dim3A_3 : vector<16xf32> to vector<16xf32>
    tpu.vector_store %arg6[%swap3A_39], %swap3A_42 {strides = array<i32>} : memref<640xf32, #tpu.memory_space<vmem>>, vector<16xf32>,
    %swap3A_43 = arith.constant 32 : index
    %swap3A_44 = tpu.vector_load %arg6[%swap3A_43] {strides = array<i32>} : memref<640xf32, #tpu.memory_space<vmem>>, vector<16xf32>,
    %swap3A_45 = vector.shape_cast %swap3A_44 : vector<16xf32> to vector<16xf32>
    %swap3A_46 = vector.shape_cast %broadcast_in_dim3A_3 : vector<16xf32> to vector<16xf32>
    tpu.vector_store %arg6[%swap3A_43], %swap3A_46 {strides = array<i32>} : memref<640xf32, #tpu.memory_space<vmem>>, vector<16xf32>,
    %swap3A_47 = arith.constant 48 : index
    %swap3A_48 = tpu.vector_load %arg6[%swap3A_47] {strides = array<i32>} : memref<640xf32, #tpu.memory_space<vmem>>, vector<16xf32>,
    %swap3A_49 = vector.shape_cast %swap3A_48 : vector<16xf32> to vector<16xf32>
    %swap3A_50 = vector.shape_cast %broadcast_in_dim3A_3 : vector<16xf32> to vector<16xf32>
    tpu.vector_store %arg6[%swap3A_47], %swap3A_50 {strides = array<i32>} : memref<640xf32, #tpu.memory_space<vmem>>, vector<16xf32>,
    %swap3A_51 = arith.constant 64 : index
    %swap3A_52 = tpu.vector_load %arg6[%swap3A_51] {strides = array<i32>} : memref<640xf32, #tpu.memory_space<vmem>>, vector<16xf32>,
    %swap3A_53 = vector.shape_cast %swap3A_52 : vector<16xf32> to vector<16xf32>
    %swap3A_54 = vector.shape_cast %broadcast_in_dim3A_3 : vector<16xf32> to vector<16xf32>
    tpu.vector_store %arg6[%swap3A_51], %swap3A_54 {strides = array<i32>} : memref<640xf32, #tpu.memory_space<vmem>>, vector<16xf32>,
    %swap3A_55 = arith.constant 80 : index
    %swap3A_56 = tpu.vector_load %arg6[%swap3A_55] {strides = array<i32>} : memref<640xf32, #tpu.memory_space<vmem>>, vector<16xf32>,
    %swap3A_57 = vector.shape_cast %swap3A_56 : vector<16xf32> to vector<16xf32>
    %swap3A_58 = vector.shape_cast %broadcast_in_dim3A_3 : vector<16xf32> to vector<16xf32>
    tpu.vector_store %arg6[%swap3A_55], %swap3A_58 {strides = array<i32>} : memref<640xf32, #tpu.memory_space<vmem>>, vector<16xf32>,
    %swap3A_59 = arith.constant 96 : index
    %swap3A_60 = tpu.vector_load %arg6[%swap3A_59] {strides = array<i32>} : memref<640xf32, #tpu.memory_space<vmem>>, vector<16xf32>,
    %swap3A_61 = vector.shape_cast %swap3A_60 : vector<16xf32> to vector<16xf32>
    %swap3A_62 = vector.shape_cast %broadcast_in_dim3A_3 : vector<16xf32> to vector<16xf32>
    tpu.vector_store %arg6[%swap3A_59], %swap3A_62 {strides = array<i32>} : memref<640xf32, #tpu.memory_space<vmem>>, vector<16xf32>,
    %swap3A_63 = arith.constant 112 : index
    %swap3A_64 = tpu.vector_load %arg6[%swap3A_63] {strides = array<i32>} : memref<640xf32, #tpu.memory_space<vmem>>, vector<16xf32>,
    %swap3A_65 = vector.shape_cast %swap3A_64 : vector<16xf32> to vector<16xf32>
    %swap3A_66 = vector.shape_cast %broadcast_in_dim3A_3 : vector<16xf32> to vector<16xf32>
    tpu.vector_store %arg6[%swap3A_63], %swap3A_66 {strides = array<i32>} : memref<640xf32, #tpu.memory_space<vmem>>, vector<16xf32>,
    %swap3A_67 = arith.constant 128 : index
    %swap3A_68 = tpu.vector_load %arg6[%swap3A_67] {strides = array<i32>} : memref<640xf32, #tpu.memory_space<vmem>>, vector<16xf32>,
    %swap3A_69 = vector.shape_cast %swap3A_68 : vector<16xf32> to vector<16xf32>
    %swap3A_70 = vector.shape_cast %broadcast_in_dim3A_3 : vector<16xf32> to vector<16xf32>
    tpu.vector_store %arg6[%swap3A_67], %swap3A_70 {strides = array<i32>} : memref<640xf32, #tpu.memory_space<vmem>>, vector<16xf32>,
    %swap3A_71 = arith.constant 144 : index
    %swap3A_72 = tpu.vector_load %arg6[%swap3A_71] {strides = array<i32>} : memref<640xf32, #tpu.memory_space<vmem>>, vector<16xf32>,
    %swap3A_73 = vector.shape_cast %swap3A_72 : vector<16xf32> to vector<16xf32>
    %swap3A_74 = vector.shape_cast %broadcast_in_dim3A_3 : vector<16xf32> to vector<16xf32>
    tpu.vector_store %arg6[%swap3A_71], %swap3A_74 {strides = array<i32>} : memref<640xf32, #tpu.memory_space<vmem>>, vector<16xf32>,
    %swap3A_75 = arith.constant 160 : index
    %swap3A_76 = tpu.vector_load %arg6[%swap3A_75] {strides = array<i32>} : memref<640xf32, #tpu.memory_space<vmem>>, vector<16xf32>,
    %swap3A_77 = vector.shape_cast %swap3A_76 : vector<16xf32> to vector<16xf32>
    %swap3A_78 = vector.shape_cast %broadcast_in_dim3A_3 : vector<16xf32> to vector<16xf32>
    tpu.vector_store %arg6[%swap3A_75], %swap3A_78 {strides = array<i32>} : memref<640xf32, #tpu.memory_space<vmem>>, vector<16xf32>,
    %swap3A_79 = arith.constant 176 : index
    %swap3A_80 = tpu.vector_load %arg6[%swap3A_79] {strides = array<i32>} : memref<640xf32, #tpu.memory_space<vmem>>, vector<16xf32>,
    %swap3A_81 = vector.shape_cast %swap3A_80 : vector<16xf32> to vector<16xf32>
    %swap3A_82 = vector.shape_cast %broadcast_in_dim3A_3 : vector<16xf32> to vector<16xf32>
    tpu.vector_store %arg6[%swap3A_79], %swap3A_82 {strides = array<i32>} : memref<640xf32, #tpu.memory_space<vmem>>, vector<16xf32>,
    %swap3A_83 = arith.constant 192 : index
    %swap3A_84 = tpu.vector_load %arg6[%swap3A_83] {strides = array<i32>} : memref<640xf32, #tpu.memory_space<vmem>>, vector<16xf32>,
    %swap3A_85 = vector.shape_cast %swap3A_84 : vector<16xf32> to vector<16xf32>
    %swap3A_86 = vector.shape_cast %broadcast_in_dim3A_3 : vector<16xf32> to vector<16xf32>
    tpu.vector_store %arg6[%swap3A_83], %swap3A_86 {strides = array<i32>} : memref<640xf32, #tpu.memory_space<vmem>>, vector<16xf32>,
    %swap3A_87 = arith.constant 208 : index
    %swap3A_88 = tpu.vector_load %arg6[%swap3A_87] {strides = array<i32>} : memref<640xf32, #tpu.memory_space<vmem>>, vector<16xf32>,
    %swap3A_89 = vector.shape_cast %swap3A_88 : vector<16xf32> to vector<16xf32>
    %swap3A_90 = vector.shape_cast %broadcast_in_dim3A_3 : vector<16xf32> to vector<16xf32>
    tpu.vector_store %arg6[%swap3A_87], %swap3A_90 {strides = array<i32>} : memref<640xf32, #tpu.memory_space<vmem>>, vector<16xf32>,
    %swap3A_91 = arith.constant 224 : index
    %swap3A_92 = tpu.vector_load %arg6[%swap3A_91] {strides = array<i32>} : memref<640xf32, #tpu.memory_space<vmem>>, vector<16xf32>,
    %swap3A_93 = vector.shape_cast %swap3A_92 : vector<16xf32> to vector<16xf32>
    %swap3A_94 = vector.shape_cast %broadcast_in_dim3A_3 : vector<16xf32> to vector<16xf32>
    tpu.vector_store %arg6[%swap3A_91], %swap3A_94 {strides = array<i32>} : memref<640xf32, #tpu.memory_space<vmem>>, vector<16xf32>,
    %swap3A_95 = arith.constant 240 : index
    %swap3A_96 = tpu.vector_load %arg6[%swap3A_95] {strides = array<i32>} : memref<640xf32, #tpu.memory_space<vmem>>, vector<16xf32>,
    %swap3A_97 = vector.shape_cast %swap3A_96 : vector<16xf32> to vector<16xf32>
    %swap3A_98 = vector.shape_cast %broadcast_in_dim3A_3 : vector<16xf32> to vector<16xf32>
    tpu.vector_store %arg6[%swap3A_95], %swap3A_98 {strides = array<i32>} : memref<640xf32, #tpu.memory_space<vmem>>, vector<16xf32>,
    %swap3A_99 = arith.constant 256 : index
    %swap3A_100 = tpu.vector_load %arg6[%swap3A_99] {strides = array<i32>} : memref<640xf32, #tpu.memory_space<vmem>>, vector<16xf32>,
    %swap3A_101 = vector.shape_cast %swap3A_100 : vector<16xf32> to vector<16xf32>
    %swap3A_102 = vector.shape_cast %broadcast_in_dim3A_3 : vector<16xf32> to vector<16xf32>
    tpu.vector_store %arg6[%swap3A_99], %swap3A_102 {strides = array<i32>} : memref<640xf32, #tpu.memory_space<vmem>>, vector<16xf32>,
    %swap3A_103 = arith.constant 272 : index
    %swap3A_104 = tpu.vector_load %arg6[%swap3A_103] {strides = array<i32>} : memref<640xf32, #tpu.memory_space<vmem>>, vector<16xf32>,
    %swap3A_105 = vector.shape_cast %swap3A_104 : vector<16xf32> to vector<16xf32>
    %swap3A_106 = vector.shape_cast %broadcast_in_dim3A_3 : vector<16xf32> to vector<16xf32>
    tpu.vector_store %arg6[%swap3A_103], %swap3A_106 {strides = array<i32>} : memref<640xf32, #tpu.memory_space<vmem>>, vector<16xf32>,
    %swap3A_107 = arith.constant 288 : index
    %swap3A_108 = tpu.vector_load %arg6[%swap3A_107] {strides = array<i32>} : memref<640xf32, #tpu.memory_space<vmem>>, vector<16xf32>,
    %swap3A_109 = vector.shape_cast %swap3A_108 : vector<16xf32> to vector<16xf32>
    %swap3A_110 = vector.shape_cast %broadcast_in_dim3A_3 : vector<16xf32> to vector<16xf32>
    tpu.vector_store %arg6[%swap3A_107], %swap3A_110 {strides = array<i32>} : memref<640xf32, #tpu.memory_space<vmem>>, vector<16xf32>,
    %swap3A_111 = arith.constant 304 : index
    %swap3A_112 = tpu.vector_load %arg6[%swap3A_111] {strides = array<i32>} : memref<640xf32, #tpu.memory_space<vmem>>, vector<16xf32>,
    %swap3A_113 = vector.shape_cast %swap3A_112 : vector<16xf32> to vector<16xf32>
    %swap3A_114 = vector.shape_cast %broadcast_in_dim3A_3 : vector<16xf32> to vector<16xf32>
    tpu.vector_store %arg6[%swap3A_111], %swap3A_114 {strides = array<i32>} : memref<640xf32, #tpu.memory_space<vmem>>, vector<16xf32>,
    %swap3A_115 = arith.constant 320 : index
    %swap3A_116 = tpu.vector_load %arg6[%swap3A_115] {strides = array<i32>} : memref<640xf32, #tpu.memory_space<vmem>>, vector<16xf32>,
    %swap3A_117 = vector.shape_cast %swap3A_116 : vector<16xf32> to vector<16xf32>
    %swap3A_118 = vector.shape_cast %broadcast_in_dim3A_3 : vector<16xf32> to vector<16xf32>
    tpu.vector_store %arg6[%swap3A_115], %swap3A_118 {strides = array<i32>} : memref<640xf32, #tpu.memory_space<vmem>>, vector<16xf32>,
    %swap3A_119 = arith.constant 336 : index
    %swap3A_120 = tpu.vector_load %arg6[%swap3A_119] {strides = array<i32>} : memref<640xf32, #tpu.memory_space<vmem>>, vector<16xf32>,
    %swap3A_121 = vector.shape_cast %swap3A_120 : vector<16xf32> to vector<16xf32>
    %swap3A_122 = vector.shape_cast %broadcast_in_dim3A_3 : vector<16xf32> to vector<16xf32>
    tpu.vector_store %arg6[%swap3A_119], %swap3A_122 {strides = array<i32>} : memref<640xf32, #tpu.memory_space<vmem>>, vector<16xf32>,
    %swap3A_123 = arith.constant 352 : index
    %swap3A_124 = tpu.vector_load %arg6[%swap3A_123] {strides = array<i32>} : memref<640xf32, #tpu.memory_space<vmem>>, vector<16xf32>,
    %swap3A_125 = vector.shape_cast %swap3A_124 : vector<16xf32> to vector<16xf32>
    %swap3A_126 = vector.shape_cast %broadcast_in_dim3A_3 : vector<16xf32> to vector<16xf32>
    tpu.vector_store %arg6[%swap3A_123], %swap3A_126 {strides = array<i32>} : memref<640xf32, #tpu.memory_space<vmem>>, vector<16xf32>,
    %swap3A_127 = arith.constant 368 : index
    %swap3A_128 = tpu.vector_load %arg6[%swap3A_127] {strides = array<i32>} : memref<640xf32, #tpu.memory_space<vmem>>, vector<16xf32>,
    %swap3A_129 = vector.shape_cast %swap3A_128 : vector<16xf32> to vector<16xf32>
    %swap3A_130 = vector.shape_cast %broadcast_in_dim3A_3 : vector<16xf32> to vector<16xf32>
    tpu.vector_store %arg6[%swap3A_127], %swap3A_130 {strides = array<i32>} : memref<640xf32, #tpu.memory_space<vmem>>, vector<16xf32>,
    %swap3A_131 = arith.constant 384 : index
    %swap3A_132 = tpu.vector_load %arg6[%swap3A_131] {strides = array<i32>} : memref<640xf32, #tpu.memory_space<vmem>>, vector<16xf32>,
    %swap3A_133 = vector.shape_cast %swap3A_132 : vector<16xf32> to vector<16xf32>
    %swap3A_134 = vector.shape_cast %broadcast_in_dim3A_3 : vector<16xf32> to vector<16xf32>
    tpu.vector_store %arg6[%swap3A_131], %swap3A_134 {strides = array<i32>} : memref<640xf32, #tpu.memory_space<vmem>>, vector<16xf32>,
    %swap3A_135 = arith.constant 400 : index
    %swap3A_136 = tpu.vector_load %arg6[%swap3A_135] {strides = array<i32>} : memref<640xf32, #tpu.memory_space<vmem>>, vector<16xf32>,
    %swap3A_137 = vector.shape_cast %swap3A_136 : vector<16xf32> to vector<16xf32>
    %swap3A_138 = vector.shape_cast %broadcast_in_dim3A_3 : vector<16xf32> to vector<16xf32>
    tpu.vector_store %arg6[%swap3A_135], %swap3A_138 {strides = array<i32>} : memref<640xf32, #tpu.memory_space<vmem>>, vector<16xf32>,
    %swap3A_139 = arith.constant 416 : index
    %swap3A_140 = tpu.vector_load %arg6[%swap3A_139] {strides = array<i32>} : memref<640xf32, #tpu.memory_space<vmem>>, vector<16xf32>,
    %swap3A_141 = vector.shape_cast %swap3A_140 : vector<16xf32> to vector<16xf32>
    %swap3A_142 = vector.shape_cast %broadcast_in_dim3A_3 : vector<16xf32> to vector<16xf32>
    tpu.vector_store %arg6[%swap3A_139], %swap3A_142 {strides = array<i32>} : memref<640xf32, #tpu.memory_space<vmem>>, vector<16xf32>,
    %swap3A_143 = arith.constant 432 : index
    %swap3A_144 = tpu.vector_load %arg6[%swap3A_143] {strides = array<i32>} : memref<640xf32, #tpu.memory_space<vmem>>, vector<16xf32>,
    %swap3A_145 = vector.shape_cast %swap3A_144 : vector<16xf32> to vector<16xf32>
    %swap3A_146 = vector.shape_cast %broadcast_in_dim3A_3 : vector<16xf32> to vector<16xf32>
    tpu.vector_store %arg6[%swap3A_143], %swap3A_146 {strides = array<i32>} : memref<640xf32, #tpu.memory_space<vmem>>, vector<16xf32>,
    %swap3A_147 = arith.constant 448 : index
    %swap3A_148 = tpu.vector_load %arg6[%swap3A_147] {strides = array<i32>} : memref<640xf32, #tpu.memory_space<vmem>>, vector<16xf32>,
    %swap3A_149 = vector.shape_cast %swap3A_148 : vector<16xf32> to vector<16xf32>
    %swap3A_150 = vector.shape_cast %broadcast_in_dim3A_3 : vector<16xf32> to vector<16xf32>
    tpu.vector_store %arg6[%swap3A_147], %swap3A_150 {strides = array<i32>} : memref<640xf32, #tpu.memory_space<vmem>>, vector<16xf32>,
    %swap3A_151 = arith.constant 464 : index
    %swap3A_152 = tpu.vector_load %arg6[%swap3A_151] {strides = array<i32>} : memref<640xf32, #tpu.memory_space<vmem>>, vector<16xf32>,
    %swap3A_153 = vector.shape_cast %swap3A_152 : vector<16xf32> to vector<16xf32>
    %swap3A_154 = vector.shape_cast %broadcast_in_dim3A_3 : vector<16xf32> to vector<16xf32>
    tpu.vector_store %arg6[%swap3A_151], %swap3A_154 {strides = array<i32>} : memref<640xf32, #tpu.memory_space<vmem>>, vector<16xf32>,
    %swap3A_155 = arith.constant 480 : index
    %swap3A_156 = tpu.vector_load %arg6[%swap3A_155] {strides = array<i32>} : memref<640xf32, #tpu.memory_space<vmem>>, vector<16xf32>,
    %swap3A_157 = vector.shape_cast %swap3A_156 : vector<16xf32> to vector<16xf32>
    %swap3A_158 = vector.shape_cast %broadcast_in_dim3A_3 : vector<16xf32> to vector<16xf32>
    tpu.vector_store %arg6[%swap3A_155], %swap3A_158 {strides = array<i32>} : memref<640xf32, #tpu.memory_space<vmem>>, vector<16xf32>,
    %swap3A_159 = arith.constant 496 : index
    %swap3A_160 = tpu.vector_load %arg6[%swap3A_159] {strides = array<i32>} : memref<640xf32, #tpu.memory_space<vmem>>, vector<16xf32>,
    %swap3A_161 = vector.shape_cast %swap3A_160 : vector<16xf32> to vector<16xf32>
    %swap3A_162 = vector.shape_cast %broadcast_in_dim3A_3 : vector<16xf32> to vector<16xf32>
    tpu.vector_store %arg6[%swap3A_159], %swap3A_162 {strides = array<i32>} : memref<640xf32, #tpu.memory_space<vmem>>, vector<16xf32>,
    %swap3A_163 = arith.constant 512 : index
    %swap3A_164 = tpu.vector_load %arg6[%swap3A_163] {strides = array<i32>} : memref<640xf32, #tpu.memory_space<vmem>>, vector<16xf32>,
    %swap3A_165 = vector.shape_cast %swap3A_164 : vector<16xf32> to vector<16xf32>
    %swap3A_166 = vector.shape_cast %broadcast_in_dim3A_3 : vector<16xf32> to vector<16xf32>
    tpu.vector_store %arg6[%swap3A_163], %swap3A_166 {strides = array<i32>} : memref<640xf32, #tpu.memory_space<vmem>>, vector<16xf32>,
    %swap3A_167 = arith.constant 528 : index
    %swap3A_168 = tpu.vector_load %arg6[%swap3A_167] {strides = array<i32>} : memref<640xf32, #tpu.memory_space<vmem>>, vector<16xf32>,
    %swap3A_169 = vector.shape_cast %swap3A_168 : vector<16xf32> to vector<16xf32>
    %swap3A_170 = vector.shape_cast %broadcast_in_dim3A_3 : vector<16xf32> to vector<16xf32>
    tpu.vector_store %arg6[%swap3A_167], %swap3A_170 {strides = array<i32>} : memref<640xf32, #tpu.memory_space<vmem>>, vector<16xf32>,
    %swap3A_171 = arith.constant 544 : index
    %swap3A_172 = tpu.vector_load %arg6[%swap3A_171] {strides = array<i32>} : memref<640xf32, #tpu.memory_space<vmem>>, vector<16xf32>,
    %swap3A_173 = vector.shape_cast %swap3A_172 : vector<16xf32> to vector<16xf32>
    %swap3A_174 = vector.shape_cast %broadcast_in_dim3A_3 : vector<16xf32> to vector<16xf32>
    tpu.vector_store %arg6[%swap3A_171], %swap3A_174 {strides = array<i32>} : memref<640xf32, #tpu.memory_space<vmem>>, vector<16xf32>,
    %swap3A_175 = arith.constant 560 : index
    %swap3A_176 = tpu.vector_load %arg6[%swap3A_175] {strides = array<i32>} : memref<640xf32, #tpu.memory_space<vmem>>, vector<16xf32>,
    %swap3A_177 = vector.shape_cast %swap3A_176 : vector<16xf32> to vector<16xf32>
    %swap3A_178 = vector.shape_cast %broadcast_in_dim3A_3 : vector<16xf32> to vector<16xf32>
    tpu.vector_store %arg6[%swap3A_175], %swap3A_178 {strides = array<i32>} : memref<640xf32, #tpu.memory_space<vmem>>, vector<16xf32>,
    %swap3A_179 = arith.constant 576 : index
    %swap3A_180 = tpu.vector_load %arg6[%swap3A_179] {strides = array<i32>} : memref<640xf32, #tpu.memory_space<vmem>>, vector<16xf32>,
    %swap3A_181 = vector.shape_cast %swap3A_180 : vector<16xf32> to vector<16xf32>
    %swap3A_182 = vector.shape_cast %broadcast_in_dim3A_3 : vector<16xf32> to vector<16xf32>
    tpu.vector_store %arg6[%swap3A_179], %swap3A_182 {strides = array<i32>} : memref<640xf32, #tpu.memory_space<vmem>>, vector<16xf32>,
    %swap3A_183 = arith.constant 592 : index
    %swap3A_184 = tpu.vector_load %arg6[%swap3A_183] {strides = array<i32>} : memref<640xf32, #tpu.memory_space<vmem>>, vector<16xf32>,
    %swap3A_185 = vector.shape_cast %swap3A_184 : vector<16xf32> to vector<16xf32>
    %swap3A_186 = vector.shape_cast %broadcast_in_dim3A_3 : vector<16xf32> to vector<16xf32>
    tpu.vector_store %arg6[%swap3A_183], %swap3A_186 {strides = array<i32>} : memref<640xf32, #tpu.memory_space<vmem>>, vector<16xf32>,
    %swap3A_187 = arith.constant 608 : index
    %swap3A_188 = tpu.vector_load %arg6[%swap3A_187] {strides = array<i32>} : memref<640xf32, #tpu.memory_space<vmem>>, vector<16xf32>,
    %swap3A_189 = vector.shape_cast %swap3A_188 : vector<16xf32> to vector<16xf32>
    %swap3A_190 = vector.shape_cast %broadcast_in_dim3A_3 : vector<16xf32> to vector<16xf32>
    tpu.vector_store %arg6[%swap3A_187], %swap3A_190 {strides = array<i32>} : memref<640xf32, #tpu.memory_space<vmem>>, vector<16xf32>,
    %swap3A_191 = arith.constant 624 : index
    %swap3A_192 = tpu.vector_load %arg6[%swap3A_191] {strides = array<i32>} : memref<640xf32, #tpu.memory_space<vmem>>, vector<16xf32>,
    %swap3A_193 = vector.shape_cast %swap3A_192 : vector<16xf32> to vector<16xf32>
    %swap3A_194 = vector.shape_cast %broadcast_in_dim3A_3 : vector<16xf32> to vector<16xf32>
    tpu.vector_store %arg6[%swap3A_191], %swap3A_194 {strides = array<i32>} : memref<640xf32, #tpu.memory_space<vmem>>, vector<16xf32>,
    %mul3A_195 = arith.constant 640 : i32
    %mul3A_196 = arith.muli %arg1, %mul3A_195 : i32
    "tpu.region"() ({
      %run_scoped3A = tpu.sem_alloc : memref<!tpu.dma_semaphore, #tpu.memory_space<semaphore_mem>>
      %dma_start3A = tpu.memref_slice %arg7[%mul3A_196] : memref<10240xf32, #tpu.memory_space<vmem_shared>> -> memref<640xf32, #tpu.memory_space<vmem_shared>>
      %dma_start3A_212 = tpu.memref_slice %arg7[%mul3A_196] : memref<10240xf32, #tpu.memory_space<vmem_shared>> -> memref<640xf32, #tpu.memory_space<vmem_shared>>
      tpu.enqueue_dma source(%arg6 : memref<640xf32, #tpu.memory_space<vmem>>) target(%dma_start3A_212 : memref<640xf32, #tpu.memory_space<vmem_shared>>) target_semaphore(%run_scoped3A : memref<!tpu.dma_semaphore, #tpu.memory_space<semaphore_mem>>)
      %dma_wait3A = tpu.memref_slice %arg7[%mul3A_196] : memref<10240xf32, #tpu.memory_space<vmem_shared>> -> memref<640xf32, #tpu.memory_space<vmem_shared>>
      %dma_wait3A_213 = tpu.memref_slice %arg7[%mul3A_196] : memref<10240xf32, #tpu.memory_space<vmem_shared>> -> memref<640xf32, #tpu.memory_space<vmem_shared>>
      tpu.wait_dma2 semaphore(%run_scoped3A : memref<!tpu.dma_semaphore, #tpu.memory_space<semaphore_mem>>) src(%arg6 : memref<640xf32, #tpu.memory_space<vmem>>) dst(%dma_wait3A_213 : memref<640xf32, #tpu.memory_space<vmem_shared>>)
      tpu.yield
    }) : () -> ()
    %mul3A_197 = arith.constant 80 : i32
    %mul3A_198 = arith.muli %add3A, %mul3A_197 : i32
    "tpu.region"() ({
      %run_scoped3A = tpu.sem_alloc : memref<!tpu.dma_semaphore, #tpu.memory_space<semaphore_mem>>
      %dma_start3A = arith.constant 0 : i32
      %dma_start3A_212 = tpu.memref_slice %arg2[%mul3A_198, %dma_start3A] : memref<2560x128xi32, #tpu.memory_space<hbm>> -> memref<80x128xi32, #tpu.memory_space<hbm>>
      %dma_start3A_213 = arith.constant 0 : i32
      %dma_start3A_214 = tpu.memref_slice %arg2[%mul3A_198, %dma_start3A_213] : memref<2560x128xi32, #tpu.memory_space<hbm>> -> memref<80x128xi32, #tpu.memory_space<hbm>>
      tpu.enqueue_dma source(%dma_start3A_214 : memref<80x128xi32, #tpu.memory_space<hbm>>) target(%arg4 : memref<80x128xi32, #tpu.memory_space<vmem>>) target_semaphore(%run_scoped3A : memref<!tpu.dma_semaphore, #tpu.memory_space<semaphore_mem>>)
      %dma_wait3A = arith.constant 0 : i32
      %dma_wait3A_215 = tpu.memref_slice %arg2[%mul3A_198, %dma_wait3A] : memref<2560x128xi32, #tpu.memory_space<hbm>> -> memref<80x128xi32, #tpu.memory_space<hbm>>
      %dma_wait3A_216 = arith.constant 0 : i32
      %dma_wait3A_217 = tpu.memref_slice %arg2[%mul3A_198, %dma_wait3A_216] : memref<2560x128xi32, #tpu.memory_space<hbm>> -> memref<80x128xi32, #tpu.memory_space<hbm>>
      tpu.wait_dma2 semaphore(%run_scoped3A : memref<!tpu.dma_semaphore, #tpu.memory_space<semaphore_mem>>) src(%dma_wait3A_217 : memref<80x128xi32, #tpu.memory_space<hbm>>) dst(%arg4 : memref<80x128xi32, #tpu.memory_space<vmem>>)
      tpu.yield
    }) : () -> ()
    %barrier3A = arith.constant 0 : index
    tpu.barrier barrier_id(%barrier3A)
    %scan3A = arith.constant 0 : i32
    %scan3A_199 = arith.constant 0 : i32
    %scan3A_200 = arith.constant 5 : i32
    %scan3A_201 = arith.addi %scan3A_199, %scan3A_200 : i32
    %scan3A_202 = arith.constant 1 : i32
    scf.for %scan3A_212 = %scan3A_199 to %scan3A_201 step %scan3A_202  : i32 {
      %mul3A_213 = arith.constant 16 : i32
      %mul3A_214 = arith.muli %scan3A_212, %mul3A_213 : i32
      %add3A_215 = arith.constant 0 : i32
      %add3A_216 = arith.addi %mul3A_214, %add3A_215 : i32
      %dma_start3A = arith.constant 0 : i32
      %dma_start3A_217 = tpu.memref_slice %arg5[%dma_start3A] : memref<128xf32, #tpu.memory_space<vmem>> -> memref<128xf32, #tpu.memory_space<vmem>>
      %dma_start3A_218 = arith.constant 0 : i32
      %dma_start3A_219 = tpu.memref_slice %arg4[%add3A_216, %dma_start3A_218] : memref<80x128xi32, #tpu.memory_space<vmem>> -> memref<1x128xi32, #tpu.memory_space<vmem>>
      %dma_start3A_220 = tpu.memref_squeeze %dma_start3A_219 : memref<1x128xi32, #tpu.memory_space<vmem>> -> memref<128xi32, #tpu.memory_space<vmem>>
      %dma_start3A_221 = arith.constant 0 : i32
      %dma_start3A_222 = tpu.memref_slice %arg7[%dma_start3A_221] : memref<10240xf32, #tpu.memory_space<vmem_shared>> -> memref<10240xf32, #tpu.memory_space<vmem_shared>>
      tpu.enqueue_indirect_dma source(%dma_start3A_217 : memref<128xf32, #tpu.memory_space<vmem>>) target(%dma_start3A_222 : memref<10240xf32, #tpu.memory_space<vmem_shared>>) offsets(%dma_start3A_220 : memref<128xi32, #tpu.memory_space<vmem>>) semaphore(%arg8 : memref<!tpu.dma_semaphore, #tpu.memory_space<semaphore_mem>>) {add = true}
      %mul3A_223 = arith.constant 16 : i32
      %mul3A_224 = arith.muli %scan3A_212, %mul3A_223 : i32
      %add3A_225 = arith.constant 1 : i32
      %add3A_226 = arith.addi %mul3A_224, %add3A_225 : i32
      %dma_start3A_227 = arith.constant 0 : i32
      %dma_start3A_228 = tpu.memref_slice %arg5[%dma_start3A_227] : memref<128xf32, #tpu.memory_space<vmem>> -> memref<128xf32, #tpu.memory_space<vmem>>
      %dma_start3A_229 = arith.constant 0 : i32
      %dma_start3A_230 = tpu.memref_slice %arg4[%add3A_226, %dma_start3A_229] : memref<80x128xi32, #tpu.memory_space<vmem>> -> memref<1x128xi32, #tpu.memory_space<vmem>>
      %dma_start3A_231 = tpu.memref_squeeze %dma_start3A_230 : memref<1x128xi32, #tpu.memory_space<vmem>> -> memref<128xi32, #tpu.memory_space<vmem>>
      %dma_start3A_232 = arith.constant 0 : i32
      %dma_start3A_233 = tpu.memref_slice %arg7[%dma_start3A_232] : memref<10240xf32, #tpu.memory_space<vmem_shared>> -> memref<10240xf32, #tpu.memory_space<vmem_shared>>
      tpu.enqueue_indirect_dma source(%dma_start3A_228 : memref<128xf32, #tpu.memory_space<vmem>>) target(%dma_start3A_233 : memref<10240xf32, #tpu.memory_space<vmem_shared>>) offsets(%dma_start3A_231 : memref<128xi32, #tpu.memory_space<vmem>>) semaphore(%arg8 : memref<!tpu.dma_semaphore, #tpu.memory_space<semaphore_mem>>) {add = true}
      %mul3A_234 = arith.constant 16 : i32
      %mul3A_235 = arith.muli %scan3A_212, %mul3A_234 : i32
      %add3A_236 = arith.constant 2 : i32
      %add3A_237 = arith.addi %mul3A_235, %add3A_236 : i32
      %dma_start3A_238 = arith.constant 0 : i32
      %dma_start3A_239 = tpu.memref_slice %arg5[%dma_start3A_238] : memref<128xf32, #tpu.memory_space<vmem>> -> memref<128xf32, #tpu.memory_space<vmem>>
      %dma_start3A_240 = arith.constant 0 : i32
      %dma_start3A_241 = tpu.memref_slice %arg4[%add3A_237, %dma_start3A_240] : memref<80x128xi32, #tpu.memory_space<vmem>> -> memref<1x128xi32, #tpu.memory_space<vmem>>
      %dma_start3A_242 = tpu.memref_squeeze %dma_start3A_241 : memref<1x128xi32, #tpu.memory_space<vmem>> -> memref<128xi32, #tpu.memory_space<vmem>>
      %dma_start3A_243 = arith.constant 0 : i32
      %dma_start3A_244 = tpu.memref_slice %arg7[%dma_start3A_243] : memref<10240xf32, #tpu.memory_space<vmem_shared>> -> memref<10240xf32, #tpu.memory_space<vmem_shared>>
      tpu.enqueue_indirect_dma source(%dma_start3A_239 : memref<128xf32, #tpu.memory_space<vmem>>) target(%dma_start3A_244 : memref<10240xf32, #tpu.memory_space<vmem_shared>>) offsets(%dma_start3A_242 : memref<128xi32, #tpu.memory_space<vmem>>) semaphore(%arg8 : memref<!tpu.dma_semaphore, #tpu.memory_space<semaphore_mem>>) {add = true}
      %mul3A_245 = arith.constant 16 : i32
      %mul3A_246 = arith.muli %scan3A_212, %mul3A_245 : i32
      %add3A_247 = arith.constant 3 : i32
      %add3A_248 = arith.addi %mul3A_246, %add3A_247 : i32
      %dma_start3A_249 = arith.constant 0 : i32
      %dma_start3A_250 = tpu.memref_slice %arg5[%dma_start3A_249] : memref<128xf32, #tpu.memory_space<vmem>> -> memref<128xf32, #tpu.memory_space<vmem>>
      %dma_start3A_251 = arith.constant 0 : i32
      %dma_start3A_252 = tpu.memref_slice %arg4[%add3A_248, %dma_start3A_251] : memref<80x128xi32, #tpu.memory_space<vmem>> -> memref<1x128xi32, #tpu.memory_space<vmem>>
      %dma_start3A_253 = tpu.memref_squeeze %dma_start3A_252 : memref<1x128xi32, #tpu.memory_space<vmem>> -> memref<128xi32, #tpu.memory_space<vmem>>
      %dma_start3A_254 = arith.constant 0 : i32
      %dma_start3A_255 = tpu.memref_slice %arg7[%dma_start3A_254] : memref<10240xf32, #tpu.memory_space<vmem_shared>> -> memref<10240xf32, #tpu.memory_space<vmem_shared>>
      tpu.enqueue_indirect_dma source(%dma_start3A_250 : memref<128xf32, #tpu.memory_space<vmem>>) target(%dma_start3A_255 : memref<10240xf32, #tpu.memory_space<vmem_shared>>) offsets(%dma_start3A_253 : memref<128xi32, #tpu.memory_space<vmem>>) semaphore(%arg8 : memref<!tpu.dma_semaphore, #tpu.memory_space<semaphore_mem>>) {add = true}
      %mul3A_256 = arith.constant 16 : i32
      %mul3A_257 = arith.muli %scan3A_212, %mul3A_256 : i32
      %add3A_258 = arith.constant 4 : i32
      %add3A_259 = arith.addi %mul3A_257, %add3A_258 : i32
      %dma_start3A_260 = arith.constant 0 : i32
      %dma_start3A_261 = tpu.memref_slice %arg5[%dma_start3A_260] : memref<128xf32, #tpu.memory_space<vmem>> -> memref<128xf32, #tpu.memory_space<vmem>>
      %dma_start3A_262 = arith.constant 0 : i32
      %dma_start3A_263 = tpu.memref_slice %arg4[%add3A_259, %dma_start3A_262] : memref<80x128xi32, #tpu.memory_space<vmem>> -> memref<1x128xi32, #tpu.memory_space<vmem>>
      %dma_start3A_264 = tpu.memref_squeeze %dma_start3A_263 : memref<1x128xi32, #tpu.memory_space<vmem>> -> memref<128xi32, #tpu.memory_space<vmem>>
      %dma_start3A_265 = arith.constant 0 : i32
      %dma_start3A_266 = tpu.memref_slice %arg7[%dma_start3A_265] : memref<10240xf32, #tpu.memory_space<vmem_shared>> -> memref<10240xf32, #tpu.memory_space<vmem_shared>>
      tpu.enqueue_indirect_dma source(%dma_start3A_261 : memref<128xf32, #tpu.memory_space<vmem>>) target(%dma_start3A_266 : memref<10240xf32, #tpu.memory_space<vmem_shared>>) offsets(%dma_start3A_264 : memref<128xi32, #tpu.memory_space<vmem>>) semaphore(%arg8 : memref<!tpu.dma_semaphore, #tpu.memory_space<semaphore_mem>>) {add = true}
      %mul3A_267 = arith.constant 16 : i32
      %mul3A_268 = arith.muli %scan3A_212, %mul3A_267 : i32
      %add3A_269 = arith.constant 5 : i32
      %add3A_270 = arith.addi %mul3A_268, %add3A_269 : i32
      %dma_start3A_271 = arith.constant 0 : i32
      %dma_start3A_272 = tpu.memref_slice %arg5[%dma_start3A_271] : memref<128xf32, #tpu.memory_space<vmem>> -> memref<128xf32, #tpu.memory_space<vmem>>
      %dma_start3A_273 = arith.constant 0 : i32
      %dma_start3A_274 = tpu.memref_slice %arg4[%add3A_270, %dma_start3A_273] : memref<80x128xi32, #tpu.memory_space<vmem>> -> memref<1x128xi32, #tpu.memory_space<vmem>>
      %dma_start3A_275 = tpu.memref_squeeze %dma_start3A_274 : memref<1x128xi32, #tpu.memory_space<vmem>> -> memref<128xi32, #tpu.memory_space<vmem>>
      %dma_start3A_276 = arith.constant 0 : i32
      %dma_start3A_277 = tpu.memref_slice %arg7[%dma_start3A_276] : memref<10240xf32, #tpu.memory_space<vmem_shared>> -> memref<10240xf32, #tpu.memory_space<vmem_shared>>
      tpu.enqueue_indirect_dma source(%dma_start3A_272 : memref<128xf32, #tpu.memory_space<vmem>>) target(%dma_start3A_277 : memref<10240xf32, #tpu.memory_space<vmem_shared>>) offsets(%dma_start3A_275 : memref<128xi32, #tpu.memory_space<vmem>>) semaphore(%arg8 : memref<!tpu.dma_semaphore, #tpu.memory_space<semaphore_mem>>) {add = true}
      %mul3A_278 = arith.constant 16 : i32
      %mul3A_279 = arith.muli %scan3A_212, %mul3A_278 : i32
      %add3A_280 = arith.constant 6 : i32
      %add3A_281 = arith.addi %mul3A_279, %add3A_280 : i32
      %dma_start3A_282 = arith.constant 0 : i32
      %dma_start3A_283 = tpu.memref_slice %arg5[%dma_start3A_282] : memref<128xf32, #tpu.memory_space<vmem>> -> memref<128xf32, #tpu.memory_space<vmem>>
      %dma_start3A_284 = arith.constant 0 : i32
      %dma_start3A_285 = tpu.memref_slice %arg4[%add3A_281, %dma_start3A_284] : memref<80x128xi32, #tpu.memory_space<vmem>> -> memref<1x128xi32, #tpu.memory_space<vmem>>
      %dma_start3A_286 = tpu.memref_squeeze %dma_start3A_285 : memref<1x128xi32, #tpu.memory_space<vmem>> -> memref<128xi32, #tpu.memory_space<vmem>>
      %dma_start3A_287 = arith.constant 0 : i32
      %dma_start3A_288 = tpu.memref_slice %arg7[%dma_start3A_287] : memref<10240xf32, #tpu.memory_space<vmem_shared>> -> memref<10240xf32, #tpu.memory_space<vmem_shared>>
      tpu.enqueue_indirect_dma source(%dma_start3A_283 : memref<128xf32, #tpu.memory_space<vmem>>) target(%dma_start3A_288 : memref<10240xf32, #tpu.memory_space<vmem_shared>>) offsets(%dma_start3A_286 : memref<128xi32, #tpu.memory_space<vmem>>) semaphore(%arg8 : memref<!tpu.dma_semaphore, #tpu.memory_space<semaphore_mem>>) {add = true}
      %mul3A_289 = arith.constant 16 : i32
      %mul3A_290 = arith.muli %scan3A_212, %mul3A_289 : i32
      %add3A_291 = arith.constant 7 : i32
      %add3A_292 = arith.addi %mul3A_290, %add3A_291 : i32
      %dma_start3A_293 = arith.constant 0 : i32
      %dma_start3A_294 = tpu.memref_slice %arg5[%dma_start3A_293] : memref<128xf32, #tpu.memory_space<vmem>> -> memref<128xf32, #tpu.memory_space<vmem>>
      %dma_start3A_295 = arith.constant 0 : i32
      %dma_start3A_296 = tpu.memref_slice %arg4[%add3A_292, %dma_start3A_295] : memref<80x128xi32, #tpu.memory_space<vmem>> -> memref<1x128xi32, #tpu.memory_space<vmem>>
      %dma_start3A_297 = tpu.memref_squeeze %dma_start3A_296 : memref<1x128xi32, #tpu.memory_space<vmem>> -> memref<128xi32, #tpu.memory_space<vmem>>
      %dma_start3A_298 = arith.constant 0 : i32
      %dma_start3A_299 = tpu.memref_slice %arg7[%dma_start3A_298] : memref<10240xf32, #tpu.memory_space<vmem_shared>> -> memref<10240xf32, #tpu.memory_space<vmem_shared>>
      tpu.enqueue_indirect_dma source(%dma_start3A_294 : memref<128xf32, #tpu.memory_space<vmem>>) target(%dma_start3A_299 : memref<10240xf32, #tpu.memory_space<vmem_shared>>) offsets(%dma_start3A_297 : memref<128xi32, #tpu.memory_space<vmem>>) semaphore(%arg8 : memref<!tpu.dma_semaphore, #tpu.memory_space<semaphore_mem>>) {add = true}
      %mul3A_300 = arith.constant 16 : i32
      %mul3A_301 = arith.muli %scan3A_212, %mul3A_300 : i32
      %add3A_302 = arith.constant 8 : i32
      %add3A_303 = arith.addi %mul3A_301, %add3A_302 : i32
      %dma_start3A_304 = arith.constant 0 : i32
      %dma_start3A_305 = tpu.memref_slice %arg5[%dma_start3A_304] : memref<128xf32, #tpu.memory_space<vmem>> -> memref<128xf32, #tpu.memory_space<vmem>>
      %dma_start3A_306 = arith.constant 0 : i32
      %dma_start3A_307 = tpu.memref_slice %arg4[%add3A_303, %dma_start3A_306] : memref<80x128xi32, #tpu.memory_space<vmem>> -> memref<1x128xi32, #tpu.memory_space<vmem>>
      %dma_start3A_308 = tpu.memref_squeeze %dma_start3A_307 : memref<1x128xi32, #tpu.memory_space<vmem>> -> memref<128xi32, #tpu.memory_space<vmem>>
      %dma_start3A_309 = arith.constant 0 : i32
      %dma_start3A_310 = tpu.memref_slice %arg7[%dma_start3A_309] : memref<10240xf32, #tpu.memory_space<vmem_shared>> -> memref<10240xf32, #tpu.memory_space<vmem_shared>>
      tpu.enqueue_indirect_dma source(%dma_start3A_305 : memref<128xf32, #tpu.memory_space<vmem>>) target(%dma_start3A_310 : memref<10240xf32, #tpu.memory_space<vmem_shared>>) offsets(%dma_start3A_308 : memref<128xi32, #tpu.memory_space<vmem>>) semaphore(%arg8 : memref<!tpu.dma_semaphore, #tpu.memory_space<semaphore_mem>>) {add = true}
      %mul3A_311 = arith.constant 16 : i32
      %mul3A_312 = arith.muli %scan3A_212, %mul3A_311 : i32
      %add3A_313 = arith.constant 9 : i32
      %add3A_314 = arith.addi %mul3A_312, %add3A_313 : i32
      %dma_start3A_315 = arith.constant 0 : i32
      %dma_start3A_316 = tpu.memref_slice %arg5[%dma_start3A_315] : memref<128xf32, #tpu.memory_space<vmem>> -> memref<128xf32, #tpu.memory_space<vmem>>
      %dma_start3A_317 = arith.constant 0 : i32
      %dma_start3A_318 = tpu.memref_slice %arg4[%add3A_314, %dma_start3A_317] : memref<80x128xi32, #tpu.memory_space<vmem>> -> memref<1x128xi32, #tpu.memory_space<vmem>>
      %dma_start3A_319 = tpu.memref_squeeze %dma_start3A_318 : memref<1x128xi32, #tpu.memory_space<vmem>> -> memref<128xi32, #tpu.memory_space<vmem>>
      %dma_start3A_320 = arith.constant 0 : i32
      %dma_start3A_321 = tpu.memref_slice %arg7[%dma_start3A_320] : memref<10240xf32, #tpu.memory_space<vmem_shared>> -> memref<10240xf32, #tpu.memory_space<vmem_shared>>
      tpu.enqueue_indirect_dma source(%dma_start3A_316 : memref<128xf32, #tpu.memory_space<vmem>>) target(%dma_start3A_321 : memref<10240xf32, #tpu.memory_space<vmem_shared>>) offsets(%dma_start3A_319 : memref<128xi32, #tpu.memory_space<vmem>>) semaphore(%arg8 : memref<!tpu.dma_semaphore, #tpu.memory_space<semaphore_mem>>) {add = true}
      %mul3A_322 = arith.constant 16 : i32
      %mul3A_323 = arith.muli %scan3A_212, %mul3A_322 : i32
      %add3A_324 = arith.constant 10 : i32
      %add3A_325 = arith.addi %mul3A_323, %add3A_324 : i32
      %dma_start3A_326 = arith.constant 0 : i32
      %dma_start3A_327 = tpu.memref_slice %arg5[%dma_start3A_326] : memref<128xf32, #tpu.memory_space<vmem>> -> memref<128xf32, #tpu.memory_space<vmem>>
      %dma_start3A_328 = arith.constant 0 : i32
      %dma_start3A_329 = tpu.memref_slice %arg4[%add3A_325, %dma_start3A_328] : memref<80x128xi32, #tpu.memory_space<vmem>> -> memref<1x128xi32, #tpu.memory_space<vmem>>
      %dma_start3A_330 = tpu.memref_squeeze %dma_start3A_329 : memref<1x128xi32, #tpu.memory_space<vmem>> -> memref<128xi32, #tpu.memory_space<vmem>>
      %dma_start3A_331 = arith.constant 0 : i32
      %dma_start3A_332 = tpu.memref_slice %arg7[%dma_start3A_331] : memref<10240xf32, #tpu.memory_space<vmem_shared>> -> memref<10240xf32, #tpu.memory_space<vmem_shared>>
      tpu.enqueue_indirect_dma source(%dma_start3A_327 : memref<128xf32, #tpu.memory_space<vmem>>) target(%dma_start3A_332 : memref<10240xf32, #tpu.memory_space<vmem_shared>>) offsets(%dma_start3A_330 : memref<128xi32, #tpu.memory_space<vmem>>) semaphore(%arg8 : memref<!tpu.dma_semaphore, #tpu.memory_space<semaphore_mem>>) {add = true}
      %mul3A_333 = arith.constant 16 : i32
      %mul3A_334 = arith.muli %scan3A_212, %mul3A_333 : i32
      %add3A_335 = arith.constant 11 : i32
      %add3A_336 = arith.addi %mul3A_334, %add3A_335 : i32
      %dma_start3A_337 = arith.constant 0 : i32
      %dma_start3A_338 = tpu.memref_slice %arg5[%dma_start3A_337] : memref<128xf32, #tpu.memory_space<vmem>> -> memref<128xf32, #tpu.memory_space<vmem>>
      %dma_start3A_339 = arith.constant 0 : i32
      %dma_start3A_340 = tpu.memref_slice %arg4[%add3A_336, %dma_start3A_339] : memref<80x128xi32, #tpu.memory_space<vmem>> -> memref<1x128xi32, #tpu.memory_space<vmem>>
      %dma_start3A_341 = tpu.memref_squeeze %dma_start3A_340 : memref<1x128xi32, #tpu.memory_space<vmem>> -> memref<128xi32, #tpu.memory_space<vmem>>
      %dma_start3A_342 = arith.constant 0 : i32
      %dma_start3A_343 = tpu.memref_slice %arg7[%dma_start3A_342] : memref<10240xf32, #tpu.memory_space<vmem_shared>> -> memref<10240xf32, #tpu.memory_space<vmem_shared>>
      tpu.enqueue_indirect_dma source(%dma_start3A_338 : memref<128xf32, #tpu.memory_space<vmem>>) target(%dma_start3A_343 : memref<10240xf32, #tpu.memory_space<vmem_shared>>) offsets(%dma_start3A_341 : memref<128xi32, #tpu.memory_space<vmem>>) semaphore(%arg8 : memref<!tpu.dma_semaphore, #tpu.memory_space<semaphore_mem>>) {add = true}
      %mul3A_344 = arith.constant 16 : i32
      %mul3A_345 = arith.muli %scan3A_212, %mul3A_344 : i32
      %add3A_346 = arith.constant 12 : i32
      %add3A_347 = arith.addi %mul3A_345, %add3A_346 : i32
      %dma_start3A_348 = arith.constant 0 : i32
      %dma_start3A_349 = tpu.memref_slice %arg5[%dma_start3A_348] : memref<128xf32, #tpu.memory_space<vmem>> -> memref<128xf32, #tpu.memory_space<vmem>>
      %dma_start3A_350 = arith.constant 0 : i32
      %dma_start3A_351 = tpu.memref_slice %arg4[%add3A_347, %dma_start3A_350] : memref<80x128xi32, #tpu.memory_space<vmem>> -> memref<1x128xi32, #tpu.memory_space<vmem>>
      %dma_start3A_352 = tpu.memref_squeeze %dma_start3A_351 : memref<1x128xi32, #tpu.memory_space<vmem>> -> memref<128xi32, #tpu.memory_space<vmem>>
      %dma_start3A_353 = arith.constant 0 : i32
      %dma_start3A_354 = tpu.memref_slice %arg7[%dma_start3A_353] : memref<10240xf32, #tpu.memory_space<vmem_shared>> -> memref<10240xf32, #tpu.memory_space<vmem_shared>>
      tpu.enqueue_indirect_dma source(%dma_start3A_349 : memref<128xf32, #tpu.memory_space<vmem>>) target(%dma_start3A_354 : memref<10240xf32, #tpu.memory_space<vmem_shared>>) offsets(%dma_start3A_352 : memref<128xi32, #tpu.memory_space<vmem>>) semaphore(%arg8 : memref<!tpu.dma_semaphore, #tpu.memory_space<semaphore_mem>>) {add = true}
      %mul3A_355 = arith.constant 16 : i32
      %mul3A_356 = arith.muli %scan3A_212, %mul3A_355 : i32
      %add3A_357 = arith.constant 13 : i32
      %add3A_358 = arith.addi %mul3A_356, %add3A_357 : i32
      %dma_start3A_359 = arith.constant 0 : i32
      %dma_start3A_360 = tpu.memref_slice %arg5[%dma_start3A_359] : memref<128xf32, #tpu.memory_space<vmem>> -> memref<128xf32, #tpu.memory_space<vmem>>
      %dma_start3A_361 = arith.constant 0 : i32
      %dma_start3A_362 = tpu.memref_slice %arg4[%add3A_358, %dma_start3A_361] : memref<80x128xi32, #tpu.memory_space<vmem>> -> memref<1x128xi32, #tpu.memory_space<vmem>>
      %dma_start3A_363 = tpu.memref_squeeze %dma_start3A_362 : memref<1x128xi32, #tpu.memory_space<vmem>> -> memref<128xi32, #tpu.memory_space<vmem>>
      %dma_start3A_364 = arith.constant 0 : i32
      %dma_start3A_365 = tpu.memref_slice %arg7[%dma_start3A_364] : memref<10240xf32, #tpu.memory_space<vmem_shared>> -> memref<10240xf32, #tpu.memory_space<vmem_shared>>
      tpu.enqueue_indirect_dma source(%dma_start3A_360 : memref<128xf32, #tpu.memory_space<vmem>>) target(%dma_start3A_365 : memref<10240xf32, #tpu.memory_space<vmem_shared>>) offsets(%dma_start3A_363 : memref<128xi32, #tpu.memory_space<vmem>>) semaphore(%arg8 : memref<!tpu.dma_semaphore, #tpu.memory_space<semaphore_mem>>) {add = true}
      %mul3A_366 = arith.constant 16 : i32
      %mul3A_367 = arith.muli %scan3A_212, %mul3A_366 : i32
      %add3A_368 = arith.constant 14 : i32
      %add3A_369 = arith.addi %mul3A_367, %add3A_368 : i32
      %dma_start3A_370 = arith.constant 0 : i32
      %dma_start3A_371 = tpu.memref_slice %arg5[%dma_start3A_370] : memref<128xf32, #tpu.memory_space<vmem>> -> memref<128xf32, #tpu.memory_space<vmem>>
      %dma_start3A_372 = arith.constant 0 : i32
      %dma_start3A_373 = tpu.memref_slice %arg4[%add3A_369, %dma_start3A_372] : memref<80x128xi32, #tpu.memory_space<vmem>> -> memref<1x128xi32, #tpu.memory_space<vmem>>
      %dma_start3A_374 = tpu.memref_squeeze %dma_start3A_373 : memref<1x128xi32, #tpu.memory_space<vmem>> -> memref<128xi32, #tpu.memory_space<vmem>>
      %dma_start3A_375 = arith.constant 0 : i32
      %dma_start3A_376 = tpu.memref_slice %arg7[%dma_start3A_375] : memref<10240xf32, #tpu.memory_space<vmem_shared>> -> memref<10240xf32, #tpu.memory_space<vmem_shared>>
      tpu.enqueue_indirect_dma source(%dma_start3A_371 : memref<128xf32, #tpu.memory_space<vmem>>) target(%dma_start3A_376 : memref<10240xf32, #tpu.memory_space<vmem_shared>>) offsets(%dma_start3A_374 : memref<128xi32, #tpu.memory_space<vmem>>) semaphore(%arg8 : memref<!tpu.dma_semaphore, #tpu.memory_space<semaphore_mem>>) {add = true}
      %mul3A_377 = arith.constant 16 : i32
      %mul3A_378 = arith.muli %scan3A_212, %mul3A_377 : i32
      %add3A_379 = arith.constant 15 : i32
      %add3A_380 = arith.addi %mul3A_378, %add3A_379 : i32
      %dma_start3A_381 = arith.constant 0 : i32
      %dma_start3A_382 = tpu.memref_slice %arg5[%dma_start3A_381] : memref<128xf32, #tpu.memory_space<vmem>> -> memref<128xf32, #tpu.memory_space<vmem>>
      %dma_start3A_383 = arith.constant 0 : i32
      %dma_start3A_384 = tpu.memref_slice %arg4[%add3A_380, %dma_start3A_383] : memref<80x128xi32, #tpu.memory_space<vmem>> -> memref<1x128xi32, #tpu.memory_space<vmem>>
      %dma_start3A_385 = tpu.memref_squeeze %dma_start3A_384 : memref<1x128xi32, #tpu.memory_space<vmem>> -> memref<128xi32, #tpu.memory_space<vmem>>
      %dma_start3A_386 = arith.constant 0 : i32
      %dma_start3A_387 = tpu.memref_slice %arg7[%dma_start3A_386] : memref<10240xf32, #tpu.memory_space<vmem_shared>> -> memref<10240xf32, #tpu.memory_space<vmem_shared>>
      tpu.enqueue_indirect_dma source(%dma_start3A_382 : memref<128xf32, #tpu.memory_space<vmem>>) target(%dma_start3A_387 : memref<10240xf32, #tpu.memory_space<vmem_shared>>) offsets(%dma_start3A_385 : memref<128xi32, #tpu.memory_space<vmem>>) semaphore(%arg8 : memref<!tpu.dma_semaphore, #tpu.memory_space<semaphore_mem>>) {add = true}
      %mul3A_388 = arith.constant 16 : i32
      %mul3A_389 = arith.muli %scan3A_212, %mul3A_388 : i32
      %add3A_390 = arith.constant 0 : i32
      %add3A_391 = arith.addi %mul3A_389, %add3A_390 : i32
      %dma_wait3A = arith.constant 0 : i32
      %dma_wait3A_392 = tpu.memref_slice %arg5[%dma_wait3A] : memref<128xf32, #tpu.memory_space<vmem>> -> memref<128xf32, #tpu.memory_space<vmem>>
      %dma_wait3A_393 = arith.constant 0 : i32
      %dma_wait3A_394 = tpu.memref_slice %arg4[%add3A_391, %dma_wait3A_393] : memref<80x128xi32, #tpu.memory_space<vmem>> -> memref<1x128xi32, #tpu.memory_space<vmem>>
      %dma_wait3A_395 = tpu.memref_squeeze %dma_wait3A_394 : memref<1x128xi32, #tpu.memory_space<vmem>> -> memref<128xi32, #tpu.memory_space<vmem>>
      %dma_wait3A_396 = arith.constant 0 : i32
      %dma_wait3A_397 = tpu.memref_slice %arg7[%dma_wait3A_396] : memref<10240xf32, #tpu.memory_space<vmem_shared>> -> memref<10240xf32, #tpu.memory_space<vmem_shared>>
      tpu.wait_indirect_dma semaphore(%arg8 : memref<!tpu.dma_semaphore, #tpu.memory_space<semaphore_mem>>) src(%dma_wait3A_392 : memref<128xf32, #tpu.memory_space<vmem>>) dst(%dma_wait3A_397 : memref<10240xf32, #tpu.memory_space<vmem_shared>>)
      %mul3A_398 = arith.constant 16 : i32
      %mul3A_399 = arith.muli %scan3A_212, %mul3A_398 : i32
      %add3A_400 = arith.constant 1 : i32
      %add3A_401 = arith.addi %mul3A_399, %add3A_400 : i32
      %dma_wait3A_402 = arith.constant 0 : i32
      %dma_wait3A_403 = tpu.memref_slice %arg5[%dma_wait3A_402] : memref<128xf32, #tpu.memory_space<vmem>> -> memref<128xf32, #tpu.memory_space<vmem>>
      %dma_wait3A_404 = arith.constant 0 : i32
      %dma_wait3A_405 = tpu.memref_slice %arg4[%add3A_401, %dma_wait3A_404] : memref<80x128xi32, #tpu.memory_space<vmem>> -> memref<1x128xi32, #tpu.memory_space<vmem>>
      %dma_wait3A_406 = tpu.memref_squeeze %dma_wait3A_405 : memref<1x128xi32, #tpu.memory_space<vmem>> -> memref<128xi32, #tpu.memory_space<vmem>>
      %dma_wait3A_407 = arith.constant 0 : i32
      %dma_wait3A_408 = tpu.memref_slice %arg7[%dma_wait3A_407] : memref<10240xf32, #tpu.memory_space<vmem_shared>> -> memref<10240xf32, #tpu.memory_space<vmem_shared>>
      tpu.wait_indirect_dma semaphore(%arg8 : memref<!tpu.dma_semaphore, #tpu.memory_space<semaphore_mem>>) src(%dma_wait3A_403 : memref<128xf32, #tpu.memory_space<vmem>>) dst(%dma_wait3A_408 : memref<10240xf32, #tpu.memory_space<vmem_shared>>)
      %mul3A_409 = arith.constant 16 : i32
      %mul3A_410 = arith.muli %scan3A_212, %mul3A_409 : i32
      %add3A_411 = arith.constant 2 : i32
      %add3A_412 = arith.addi %mul3A_410, %add3A_411 : i32
      %dma_wait3A_413 = arith.constant 0 : i32
      %dma_wait3A_414 = tpu.memref_slice %arg5[%dma_wait3A_413] : memref<128xf32, #tpu.memory_space<vmem>> -> memref<128xf32, #tpu.memory_space<vmem>>
      %dma_wait3A_415 = arith.constant 0 : i32
      %dma_wait3A_416 = tpu.memref_slice %arg4[%add3A_412, %dma_wait3A_415] : memref<80x128xi32, #tpu.memory_space<vmem>> -> memref<1x128xi32, #tpu.memory_space<vmem>>
      %dma_wait3A_417 = tpu.memref_squeeze %dma_wait3A_416 : memref<1x128xi32, #tpu.memory_space<vmem>> -> memref<128xi32, #tpu.memory_space<vmem>>
      %dma_wait3A_418 = arith.constant 0 : i32
      %dma_wait3A_419 = tpu.memref_slice %arg7[%dma_wait3A_418] : memref<10240xf32, #tpu.memory_space<vmem_shared>> -> memref<10240xf32, #tpu.memory_space<vmem_shared>>
      tpu.wait_indirect_dma semaphore(%arg8 : memref<!tpu.dma_semaphore, #tpu.memory_space<semaphore_mem>>) src(%dma_wait3A_414 : memref<128xf32, #tpu.memory_space<vmem>>) dst(%dma_wait3A_419 : memref<10240xf32, #tpu.memory_space<vmem_shared>>)
      %mul3A_420 = arith.constant 16 : i32
      %mul3A_421 = arith.muli %scan3A_212, %mul3A_420 : i32
      %add3A_422 = arith.constant 3 : i32
      %add3A_423 = arith.addi %mul3A_421, %add3A_422 : i32
      %dma_wait3A_424 = arith.constant 0 : i32
      %dma_wait3A_425 = tpu.memref_slice %arg5[%dma_wait3A_424] : memref<128xf32, #tpu.memory_space<vmem>> -> memref<128xf32, #tpu.memory_space<vmem>>
      %dma_wait3A_426 = arith.constant 0 : i32
      %dma_wait3A_427 = tpu.memref_slice %arg4[%add3A_423, %dma_wait3A_426] : memref<80x128xi32, #tpu.memory_space<vmem>> -> memref<1x128xi32, #tpu.memory_space<vmem>>
      %dma_wait3A_428 = tpu.memref_squeeze %dma_wait3A_427 : memref<1x128xi32, #tpu.memory_space<vmem>> -> memref<128xi32, #tpu.memory_space<vmem>>
      %dma_wait3A_429 = arith.constant 0 : i32
      %dma_wait3A_430 = tpu.memref_slice %arg7[%dma_wait3A_429] : memref<10240xf32, #tpu.memory_space<vmem_shared>> -> memref<10240xf32, #tpu.memory_space<vmem_shared>>
      tpu.wait_indirect_dma semaphore(%arg8 : memref<!tpu.dma_semaphore, #tpu.memory_space<semaphore_mem>>) src(%dma_wait3A_425 : memref<128xf32, #tpu.memory_space<vmem>>) dst(%dma_wait3A_430 : memref<10240xf32, #tpu.memory_space<vmem_shared>>)
      %mul3A_431 = arith.constant 16 : i32
      %mul3A_432 = arith.muli %scan3A_212, %mul3A_431 : i32
      %add3A_433 = arith.constant 4 : i32
      %add3A_434 = arith.addi %mul3A_432, %add3A_433 : i32
      %dma_wait3A_435 = arith.constant 0 : i32
      %dma_wait3A_436 = tpu.memref_slice %arg5[%dma_wait3A_435] : memref<128xf32, #tpu.memory_space<vmem>> -> memref<128xf32, #tpu.memory_space<vmem>>
      %dma_wait3A_437 = arith.constant 0 : i32
      %dma_wait3A_438 = tpu.memref_slice %arg4[%add3A_434, %dma_wait3A_437] : memref<80x128xi32, #tpu.memory_space<vmem>> -> memref<1x128xi32, #tpu.memory_space<vmem>>
      %dma_wait3A_439 = tpu.memref_squeeze %dma_wait3A_438 : memref<1x128xi32, #tpu.memory_space<vmem>> -> memref<128xi32, #tpu.memory_space<vmem>>
      %dma_wait3A_440 = arith.constant 0 : i32
      %dma_wait3A_441 = tpu.memref_slice %arg7[%dma_wait3A_440] : memref<10240xf32, #tpu.memory_space<vmem_shared>> -> memref<10240xf32, #tpu.memory_space<vmem_shared>>
      tpu.wait_indirect_dma semaphore(%arg8 : memref<!tpu.dma_semaphore, #tpu.memory_space<semaphore_mem>>) src(%dma_wait3A_436 : memref<128xf32, #tpu.memory_space<vmem>>) dst(%dma_wait3A_441 : memref<10240xf32, #tpu.memory_space<vmem_shared>>)
      %mul3A_442 = arith.constant 16 : i32
      %mul3A_443 = arith.muli %scan3A_212, %mul3A_442 : i32
      %add3A_444 = arith.constant 5 : i32
      %add3A_445 = arith.addi %mul3A_443, %add3A_444 : i32
      %dma_wait3A_446 = arith.constant 0 : i32
      %dma_wait3A_447 = tpu.memref_slice %arg5[%dma_wait3A_446] : memref<128xf32, #tpu.memory_space<vmem>> -> memref<128xf32, #tpu.memory_space<vmem>>
      %dma_wait3A_448 = arith.constant 0 : i32
      %dma_wait3A_449 = tpu.memref_slice %arg4[%add3A_445, %dma_wait3A_448] : memref<80x128xi32, #tpu.memory_space<vmem>> -> memref<1x128xi32, #tpu.memory_space<vmem>>
      %dma_wait3A_450 = tpu.memref_squeeze %dma_wait3A_449 : memref<1x128xi32, #tpu.memory_space<vmem>> -> memref<128xi32, #tpu.memory_space<vmem>>
      %dma_wait3A_451 = arith.constant 0 : i32
      %dma_wait3A_452 = tpu.memref_slice %arg7[%dma_wait3A_451] : memref<10240xf32, #tpu.memory_space<vmem_shared>> -> memref<10240xf32, #tpu.memory_space<vmem_shared>>
      tpu.wait_indirect_dma semaphore(%arg8 : memref<!tpu.dma_semaphore, #tpu.memory_space<semaphore_mem>>) src(%dma_wait3A_447 : memref<128xf32, #tpu.memory_space<vmem>>) dst(%dma_wait3A_452 : memref<10240xf32, #tpu.memory_space<vmem_shared>>)
      %mul3A_453 = arith.constant 16 : i32
      %mul3A_454 = arith.muli %scan3A_212, %mul3A_453 : i32
      %add3A_455 = arith.constant 6 : i32
      %add3A_456 = arith.addi %mul3A_454, %add3A_455 : i32
      %dma_wait3A_457 = arith.constant 0 : i32
      %dma_wait3A_458 = tpu.memref_slice %arg5[%dma_wait3A_457] : memref<128xf32, #tpu.memory_space<vmem>> -> memref<128xf32, #tpu.memory_space<vmem>>
      %dma_wait3A_459 = arith.constant 0 : i32
      %dma_wait3A_460 = tpu.memref_slice %arg4[%add3A_456, %dma_wait3A_459] : memref<80x128xi32, #tpu.memory_space<vmem>> -> memref<1x128xi32, #tpu.memory_space<vmem>>
      %dma_wait3A_461 = tpu.memref_squeeze %dma_wait3A_460 : memref<1x128xi32, #tpu.memory_space<vmem>> -> memref<128xi32, #tpu.memory_space<vmem>>
      %dma_wait3A_462 = arith.constant 0 : i32
      %dma_wait3A_463 = tpu.memref_slice %arg7[%dma_wait3A_462] : memref<10240xf32, #tpu.memory_space<vmem_shared>> -> memref<10240xf32, #tpu.memory_space<vmem_shared>>
      tpu.wait_indirect_dma semaphore(%arg8 : memref<!tpu.dma_semaphore, #tpu.memory_space<semaphore_mem>>) src(%dma_wait3A_458 : memref<128xf32, #tpu.memory_space<vmem>>) dst(%dma_wait3A_463 : memref<10240xf32, #tpu.memory_space<vmem_shared>>)
      %mul3A_464 = arith.constant 16 : i32
      %mul3A_465 = arith.muli %scan3A_212, %mul3A_464 : i32
      %add3A_466 = arith.constant 7 : i32
      %add3A_467 = arith.addi %mul3A_465, %add3A_466 : i32
      %dma_wait3A_468 = arith.constant 0 : i32
      %dma_wait3A_469 = tpu.memref_slice %arg5[%dma_wait3A_468] : memref<128xf32, #tpu.memory_space<vmem>> -> memref<128xf32, #tpu.memory_space<vmem>>
      %dma_wait3A_470 = arith.constant 0 : i32
      %dma_wait3A_471 = tpu.memref_slice %arg4[%add3A_467, %dma_wait3A_470] : memref<80x128xi32, #tpu.memory_space<vmem>> -> memref<1x128xi32, #tpu.memory_space<vmem>>
      %dma_wait3A_472 = tpu.memref_squeeze %dma_wait3A_471 : memref<1x128xi32, #tpu.memory_space<vmem>> -> memref<128xi32, #tpu.memory_space<vmem>>
      %dma_wait3A_473 = arith.constant 0 : i32
      %dma_wait3A_474 = tpu.memref_slice %arg7[%dma_wait3A_473] : memref<10240xf32, #tpu.memory_space<vmem_shared>> -> memref<10240xf32, #tpu.memory_space<vmem_shared>>
      tpu.wait_indirect_dma semaphore(%arg8 : memref<!tpu.dma_semaphore, #tpu.memory_space<semaphore_mem>>) src(%dma_wait3A_469 : memref<128xf32, #tpu.memory_space<vmem>>) dst(%dma_wait3A_474 : memref<10240xf32, #tpu.memory_space<vmem_shared>>)
      %mul3A_475 = arith.constant 16 : i32
      %mul3A_476 = arith.muli %scan3A_212, %mul3A_475 : i32
      %add3A_477 = arith.constant 8 : i32
      %add3A_478 = arith.addi %mul3A_476, %add3A_477 : i32
      %dma_wait3A_479 = arith.constant 0 : i32
      %dma_wait3A_480 = tpu.memref_slice %arg5[%dma_wait3A_479] : memref<128xf32, #tpu.memory_space<vmem>> -> memref<128xf32, #tpu.memory_space<vmem>>
      %dma_wait3A_481 = arith.constant 0 : i32
      %dma_wait3A_482 = tpu.memref_slice %arg4[%add3A_478, %dma_wait3A_481] : memref<80x128xi32, #tpu.memory_space<vmem>> -> memref<1x128xi32, #tpu.memory_space<vmem>>
      %dma_wait3A_483 = tpu.memref_squeeze %dma_wait3A_482 : memref<1x128xi32, #tpu.memory_space<vmem>> -> memref<128xi32, #tpu.memory_space<vmem>>
      %dma_wait3A_484 = arith.constant 0 : i32
      %dma_wait3A_485 = tpu.memref_slice %arg7[%dma_wait3A_484] : memref<10240xf32, #tpu.memory_space<vmem_shared>> -> memref<10240xf32, #tpu.memory_space<vmem_shared>>
      tpu.wait_indirect_dma semaphore(%arg8 : memref<!tpu.dma_semaphore, #tpu.memory_space<semaphore_mem>>) src(%dma_wait3A_480 : memref<128xf32, #tpu.memory_space<vmem>>) dst(%dma_wait3A_485 : memref<10240xf32, #tpu.memory_space<vmem_shared>>)
      %mul3A_486 = arith.constant 16 : i32
      %mul3A_487 = arith.muli %scan3A_212, %mul3A_486 : i32
      %add3A_488 = arith.constant 9 : i32
      %add3A_489 = arith.addi %mul3A_487, %add3A_488 : i32
      %dma_wait3A_490 = arith.constant 0 : i32
      %dma_wait3A_491 = tpu.memref_slice %arg5[%dma_wait3A_490] : memref<128xf32, #tpu.memory_space<vmem>> -> memref<128xf32, #tpu.memory_space<vmem>>
      %dma_wait3A_492 = arith.constant 0 : i32
      %dma_wait3A_493 = tpu.memref_slice %arg4[%add3A_489, %dma_wait3A_492] : memref<80x128xi32, #tpu.memory_space<vmem>> -> memref<1x128xi32, #tpu.memory_space<vmem>>
      %dma_wait3A_494 = tpu.memref_squeeze %dma_wait3A_493 : memref<1x128xi32, #tpu.memory_space<vmem>> -> memref<128xi32, #tpu.memory_space<vmem>>
      %dma_wait3A_495 = arith.constant 0 : i32
      %dma_wait3A_496 = tpu.memref_slice %arg7[%dma_wait3A_495] : memref<10240xf32, #tpu.memory_space<vmem_shared>> -> memref<10240xf32, #tpu.memory_space<vmem_shared>>
      tpu.wait_indirect_dma semaphore(%arg8 : memref<!tpu.dma_semaphore, #tpu.memory_space<semaphore_mem>>) src(%dma_wait3A_491 : memref<128xf32, #tpu.memory_space<vmem>>) dst(%dma_wait3A_496 : memref<10240xf32, #tpu.memory_space<vmem_shared>>)
      %mul3A_497 = arith.constant 16 : i32
      %mul3A_498 = arith.muli %scan3A_212, %mul3A_497 : i32
      %add3A_499 = arith.constant 10 : i32
      %add3A_500 = arith.addi %mul3A_498, %add3A_499 : i32
      %dma_wait3A_501 = arith.constant 0 : i32
      %dma_wait3A_502 = tpu.memref_slice %arg5[%dma_wait3A_501] : memref<128xf32, #tpu.memory_space<vmem>> -> memref<128xf32, #tpu.memory_space<vmem>>
      %dma_wait3A_503 = arith.constant 0 : i32
      %dma_wait3A_504 = tpu.memref_slice %arg4[%add3A_500, %dma_wait3A_503] : memref<80x128xi32, #tpu.memory_space<vmem>> -> memref<1x128xi32, #tpu.memory_space<vmem>>
      %dma_wait3A_505 = tpu.memref_squeeze %dma_wait3A_504 : memref<1x128xi32, #tpu.memory_space<vmem>> -> memref<128xi32, #tpu.memory_space<vmem>>
      %dma_wait3A_506 = arith.constant 0 : i32
      %dma_wait3A_507 = tpu.memref_slice %arg7[%dma_wait3A_506] : memref<10240xf32, #tpu.memory_space<vmem_shared>> -> memref<10240xf32, #tpu.memory_space<vmem_shared>>
      tpu.wait_indirect_dma semaphore(%arg8 : memref<!tpu.dma_semaphore, #tpu.memory_space<semaphore_mem>>) src(%dma_wait3A_502 : memref<128xf32, #tpu.memory_space<vmem>>) dst(%dma_wait3A_507 : memref<10240xf32, #tpu.memory_space<vmem_shared>>)
      %mul3A_508 = arith.constant 16 : i32
      %mul3A_509 = arith.muli %scan3A_212, %mul3A_508 : i32
      %add3A_510 = arith.constant 11 : i32
      %add3A_511 = arith.addi %mul3A_509, %add3A_510 : i32
      %dma_wait3A_512 = arith.constant 0 : i32
      %dma_wait3A_513 = tpu.memref_slice %arg5[%dma_wait3A_512] : memref<128xf32, #tpu.memory_space<vmem>> -> memref<128xf32, #tpu.memory_space<vmem>>
      %dma_wait3A_514 = arith.constant 0 : i32
      %dma_wait3A_515 = tpu.memref_slice %arg4[%add3A_511, %dma_wait3A_514] : memref<80x128xi32, #tpu.memory_space<vmem>> -> memref<1x128xi32, #tpu.memory_space<vmem>>
      %dma_wait3A_516 = tpu.memref_squeeze %dma_wait3A_515 : memref<1x128xi32, #tpu.memory_space<vmem>> -> memref<128xi32, #tpu.memory_space<vmem>>
      %dma_wait3A_517 = arith.constant 0 : i32
      %dma_wait3A_518 = tpu.memref_slice %arg7[%dma_wait3A_517] : memref<10240xf32, #tpu.memory_space<vmem_shared>> -> memref<10240xf32, #tpu.memory_space<vmem_shared>>
      tpu.wait_indirect_dma semaphore(%arg8 : memref<!tpu.dma_semaphore, #tpu.memory_space<semaphore_mem>>) src(%dma_wait3A_513 : memref<128xf32, #tpu.memory_space<vmem>>) dst(%dma_wait3A_518 : memref<10240xf32, #tpu.memory_space<vmem_shared>>)
      %mul3A_519 = arith.constant 16 : i32
      %mul3A_520 = arith.muli %scan3A_212, %mul3A_519 : i32
      %add3A_521 = arith.constant 12 : i32
      %add3A_522 = arith.addi %mul3A_520, %add3A_521 : i32
      %dma_wait3A_523 = arith.constant 0 : i32
      %dma_wait3A_524 = tpu.memref_slice %arg5[%dma_wait3A_523] : memref<128xf32, #tpu.memory_space<vmem>> -> memref<128xf32, #tpu.memory_space<vmem>>
      %dma_wait3A_525 = arith.constant 0 : i32
      %dma_wait3A_526 = tpu.memref_slice %arg4[%add3A_522, %dma_wait3A_525] : memref<80x128xi32, #tpu.memory_space<vmem>> -> memref<1x128xi32, #tpu.memory_space<vmem>>
      %dma_wait3A_527 = tpu.memref_squeeze %dma_wait3A_526 : memref<1x128xi32, #tpu.memory_space<vmem>> -> memref<128xi32, #tpu.memory_space<vmem>>
      %dma_wait3A_528 = arith.constant 0 : i32
      %dma_wait3A_529 = tpu.memref_slice %arg7[%dma_wait3A_528] : memref<10240xf32, #tpu.memory_space<vmem_shared>> -> memref<10240xf32, #tpu.memory_space<vmem_shared>>
      tpu.wait_indirect_dma semaphore(%arg8 : memref<!tpu.dma_semaphore, #tpu.memory_space<semaphore_mem>>) src(%dma_wait3A_524 : memref<128xf32, #tpu.memory_space<vmem>>) dst(%dma_wait3A_529 : memref<10240xf32, #tpu.memory_space<vmem_shared>>)
      %mul3A_530 = arith.constant 16 : i32
      %mul3A_531 = arith.muli %scan3A_212, %mul3A_530 : i32
      %add3A_532 = arith.constant 13 : i32
      %add3A_533 = arith.addi %mul3A_531, %add3A_532 : i32
      %dma_wait3A_534 = arith.constant 0 : i32
      %dma_wait3A_535 = tpu.memref_slice %arg5[%dma_wait3A_534] : memref<128xf32, #tpu.memory_space<vmem>> -> memref<128xf32, #tpu.memory_space<vmem>>
      %dma_wait3A_536 = arith.constant 0 : i32
      %dma_wait3A_537 = tpu.memref_slice %arg4[%add3A_533, %dma_wait3A_536] : memref<80x128xi32, #tpu.memory_space<vmem>> -> memref<1x128xi32, #tpu.memory_space<vmem>>
      %dma_wait3A_538 = tpu.memref_squeeze %dma_wait3A_537 : memref<1x128xi32, #tpu.memory_space<vmem>> -> memref<128xi32, #tpu.memory_space<vmem>>
      %dma_wait3A_539 = arith.constant 0 : i32
      %dma_wait3A_540 = tpu.memref_slice %arg7[%dma_wait3A_539] : memref<10240xf32, #tpu.memory_space<vmem_shared>> -> memref<10240xf32, #tpu.memory_space<vmem_shared>>
      tpu.wait_indirect_dma semaphore(%arg8 : memref<!tpu.dma_semaphore, #tpu.memory_space<semaphore_mem>>) src(%dma_wait3A_535 : memref<128xf32, #tpu.memory_space<vmem>>) dst(%dma_wait3A_540 : memref<10240xf32, #tpu.memory_space<vmem_shared>>)
      %mul3A_541 = arith.constant 16 : i32
      %mul3A_542 = arith.muli %scan3A_212, %mul3A_541 : i32
      %add3A_543 = arith.constant 14 : i32
      %add3A_544 = arith.addi %mul3A_542, %add3A_543 : i32
      %dma_wait3A_545 = arith.constant 0 : i32
      %dma_wait3A_546 = tpu.memref_slice %arg5[%dma_wait3A_545] : memref<128xf32, #tpu.memory_space<vmem>> -> memref<128xf32, #tpu.memory_space<vmem>>
      %dma_wait3A_547 = arith.constant 0 : i32
      %dma_wait3A_548 = tpu.memref_slice %arg4[%add3A_544, %dma_wait3A_547] : memref<80x128xi32, #tpu.memory_space<vmem>> -> memref<1x128xi32, #tpu.memory_space<vmem>>
      %dma_wait3A_549 = tpu.memref_squeeze %dma_wait3A_548 : memref<1x128xi32, #tpu.memory_space<vmem>> -> memref<128xi32, #tpu.memory_space<vmem>>
      %dma_wait3A_550 = arith.constant 0 : i32
      %dma_wait3A_551 = tpu.memref_slice %arg7[%dma_wait3A_550] : memref<10240xf32, #tpu.memory_space<vmem_shared>> -> memref<10240xf32, #tpu.memory_space<vmem_shared>>
      tpu.wait_indirect_dma semaphore(%arg8 : memref<!tpu.dma_semaphore, #tpu.memory_space<semaphore_mem>>) src(%dma_wait3A_546 : memref<128xf32, #tpu.memory_space<vmem>>) dst(%dma_wait3A_551 : memref<10240xf32, #tpu.memory_space<vmem_shared>>)
      %mul3A_552 = arith.constant 16 : i32
      %mul3A_553 = arith.muli %scan3A_212, %mul3A_552 : i32
      %add3A_554 = arith.constant 15 : i32
      %add3A_555 = arith.addi %mul3A_553, %add3A_554 : i32
      %dma_wait3A_556 = arith.constant 0 : i32
      %dma_wait3A_557 = tpu.memref_slice %arg5[%dma_wait3A_556] : memref<128xf32, #tpu.memory_space<vmem>> -> memref<128xf32, #tpu.memory_space<vmem>>
      %dma_wait3A_558 = arith.constant 0 : i32
      %dma_wait3A_559 = tpu.memref_slice %arg4[%add3A_555, %dma_wait3A_558] : memref<80x128xi32, #tpu.memory_space<vmem>> -> memref<1x128xi32, #tpu.memory_space<vmem>>
      %dma_wait3A_560 = tpu.memref_squeeze %dma_wait3A_559 : memref<1x128xi32, #tpu.memory_space<vmem>> -> memref<128xi32, #tpu.memory_space<vmem>>
      %dma_wait3A_561 = arith.constant 0 : i32
      %dma_wait3A_562 = tpu.memref_slice %arg7[%dma_wait3A_561] : memref<10240xf32, #tpu.memory_space<vmem_shared>> -> memref<10240xf32, #tpu.memory_space<vmem_shared>>
      tpu.wait_indirect_dma semaphore(%arg8 : memref<!tpu.dma_semaphore, #tpu.memory_space<semaphore_mem>>) src(%dma_wait3A_557 : memref<128xf32, #tpu.memory_space<vmem>>) dst(%dma_wait3A_562 : memref<10240xf32, #tpu.memory_space<vmem_shared>>)
    }
    %scan3A_203 = arith.constant 5 : i32
    %barrier3A_204 = arith.constant 0 : index
    tpu.barrier barrier_id(%barrier3A_204)
    %mul3A_205 = arith.constant 640 : i32
    %mul3A_206 = arith.muli %arg1, %mul3A_205 : i32
    %mul3A_207 = arith.constant 10240 : i32
    %mul3A_208 = arith.muli %arg0, %mul3A_207 : i32
    %mul3A_209 = arith.constant 640 : i32
    %mul3A_210 = arith.muli %arg1, %mul3A_209 : i32
    %add3A_211 = arith.addi %mul3A_208, %mul3A_210 : i32
    "tpu.region"() ({
      %run_scoped3A = tpu.sem_alloc : memref<!tpu.dma_semaphore, #tpu.memory_space<semaphore_mem>>
      %dma_start3A = tpu.memref_slice %arg3[%add3A_211] : memref<20480xf32, #tpu.memory_space<hbm>> -> memref<640xf32, #tpu.memory_space<hbm>>
      %dma_start3A_212 = tpu.memref_slice %arg7[%mul3A_206] : memref<10240xf32, #tpu.memory_space<vmem_shared>> -> memref<640xf32, #tpu.memory_space<vmem_shared>>
      tpu.enqueue_dma source(%dma_start3A_212 : memref<640xf32, #tpu.memory_space<vmem_shared>>) target(%dma_start3A : memref<640xf32, #tpu.memory_space<hbm>>) target_semaphore(%run_scoped3A : memref<!tpu.dma_semaphore, #tpu.memory_space<semaphore_mem>>)
      %dma_wait3A = tpu.memref_slice %arg3[%add3A_211] : memref<20480xf32, #tpu.memory_space<hbm>> -> memref<640xf32, #tpu.memory_space<hbm>>
      %dma_wait3A_213 = tpu.memref_slice %arg7[%mul3A_206] : memref<10240xf32, #tpu.memory_space<vmem_shared>> -> memref<640xf32, #tpu.memory_space<vmem_shared>>
      tpu.wait_dma2 semaphore(%run_scoped3A : memref<!tpu.dma_semaphore, #tpu.memory_space<semaphore_mem>>) src(%dma_wait3A_213 : memref<640xf32, #tpu.memory_space<vmem_shared>>) dst(%dma_wait3A : memref<640xf32, #tpu.memory_space<hbm>>)
      tpu.yield
    }) : () -> ()
    return
  }
}

#map = affine_map<(d0, d1) -> (0, 0)>
#map1 = affine_map<(d0, d1) -> (0, 0, 0)>
module attributes {stable_mosaic.version = 14 : i64} {
  func.func @body(%arg0: i32, %arg1: i32, %arg2: memref<10000x128xf32, #tpu.memory_space<hbm>>, %arg3: memref<2560x128xi32, #tpu.memory_space<hbm>>, %arg4: memref<2560x128xi32, #tpu.memory_space<hbm>>, %arg5: memref<2x10240x128xf32, #tpu.memory_space<hbm>>, %arg6: memref<8x128xi32, #tpu.memory_space<vmem>>, %arg7: memref<8x128xi32, #tpu.memory_space<vmem>>, %arg8: memref<8x128xi32, #tpu.memory_space<vmem>>, %arg9: memref<8x128xi32, #tpu.memory_space<vmem>>, %arg10: memref<128x128xf32, #tpu.memory_space<vmem>>, %arg11: memref<128x128xf32, #tpu.memory_space<vmem>>, %arg12: memref<64x128xf32, #tpu.memory_space<vmem>>, %arg13: memref<10240x128xf32, #tpu.memory_space<vmem_shared>>, %arg14: memref<!tpu.dma_semaphore, #tpu.memory_space<semaphore_mem>>, %arg15: memref<!tpu.dma_semaphore, #tpu.memory_space<semaphore_mem>>, %arg16: memref<!tpu.dma_semaphore, #tpu.memory_space<semaphore_mem>>, %arg17: memref<!tpu.dma_semaphore, #tpu.memory_space<semaphore_mem>>, %arg18: memref<!tpu.dma_semaphore, #tpu.memory_space<semaphore_mem>>) attributes {dimension_semantics = [#tpu.dimension_semantics<core_parallel>, #tpu.dimension_semantics<subcore_parallel>], iteration_bounds = array<i64: 2, 16>, scalar_prefetch = 0 : i64, scratch_operands = 13 : i64, tpu.core_type = #tpu.core_type<sc_vector_subcore>, window_params = [{transform_indices = #map}, {transform_indices = #map}, {transform_indices = #map}, {transform_indices = #map1}]} {
    %mul3A = arith.constant 2 : i32
    %mul3A_0 = arith.muli %arg1, %mul3A : i32
    %add3A = arith.addi %mul3A_0, %arg0 : i32
    %broadcast_in_dim3A = arith.constant 0.000000e+00 : f32
    %broadcast_in_dim3A_1 = vector.broadcast %broadcast_in_dim3A : f32 to vector<16xf32>
    %scan3A = arith.constant 0 : i32
    %scan3A_2 = arith.constant 0 : i32
    %scan3A_3 = arith.constant 64 : i32
    %scan3A_4 = arith.addi %scan3A_2, %scan3A_3 : i32
    %scan3A_5 = arith.constant 1 : i32
    scf.for %scan3A_168 = %scan3A_2 to %scan3A_4 step %scan3A_5  : i32 {
      %swap3A = arith.index_cast %scan3A_168 : i32 to index
      %swap3A_169 = arith.constant 0 : index
      %swap3A_170 = tpu.vector_load %arg12[%swap3A, %swap3A_169] {strides = array<i32>} : memref<64x128xf32, #tpu.memory_space<vmem>>, vector<1x16xf32>,
      %swap3A_171 = vector.shape_cast %swap3A_170 : vector<1x16xf32> to vector<16xf32>
      %swap3A_172 = vector.shape_cast %broadcast_in_dim3A_1 : vector<16xf32> to vector<1x16xf32>
      tpu.vector_store %arg12[%swap3A, %swap3A_169], %swap3A_172 {strides = array<i32>} : memref<64x128xf32, #tpu.memory_space<vmem>>, vector<1x16xf32>,
      %swap3A_173 = arith.index_cast %scan3A_168 : i32 to index
      %swap3A_174 = arith.constant 16 : index
      %swap3A_175 = tpu.vector_load %arg12[%swap3A_173, %swap3A_174] {strides = array<i32>} : memref<64x128xf32, #tpu.memory_space<vmem>>, vector<1x16xf32>,
      %swap3A_176 = vector.shape_cast %swap3A_175 : vector<1x16xf32> to vector<16xf32>
      %swap3A_177 = vector.shape_cast %broadcast_in_dim3A_1 : vector<16xf32> to vector<1x16xf32>
      tpu.vector_store %arg12[%swap3A_173, %swap3A_174], %swap3A_177 {strides = array<i32>} : memref<64x128xf32, #tpu.memory_space<vmem>>, vector<1x16xf32>,
      %swap3A_178 = arith.index_cast %scan3A_168 : i32 to index
      %swap3A_179 = arith.constant 32 : index
      %swap3A_180 = tpu.vector_load %arg12[%swap3A_178, %swap3A_179] {strides = array<i32>} : memref<64x128xf32, #tpu.memory_space<vmem>>, vector<1x16xf32>,
      %swap3A_181 = vector.shape_cast %swap3A_180 : vector<1x16xf32> to vector<16xf32>
      %swap3A_182 = vector.shape_cast %broadcast_in_dim3A_1 : vector<16xf32> to vector<1x16xf32>
      tpu.vector_store %arg12[%swap3A_178, %swap3A_179], %swap3A_182 {strides = array<i32>} : memref<64x128xf32, #tpu.memory_space<vmem>>, vector<1x16xf32>,
      %swap3A_183 = arith.index_cast %scan3A_168 : i32 to index
      %swap3A_184 = arith.constant 48 : index
      %swap3A_185 = tpu.vector_load %arg12[%swap3A_183, %swap3A_184] {strides = array<i32>} : memref<64x128xf32, #tpu.memory_space<vmem>>, vector<1x16xf32>,
      %swap3A_186 = vector.shape_cast %swap3A_185 : vector<1x16xf32> to vector<16xf32>
      %swap3A_187 = vector.shape_cast %broadcast_in_dim3A_1 : vector<16xf32> to vector<1x16xf32>
      tpu.vector_store %arg12[%swap3A_183, %swap3A_184], %swap3A_187 {strides = array<i32>} : memref<64x128xf32, #tpu.memory_space<vmem>>, vector<1x16xf32>,
      %swap3A_188 = arith.index_cast %scan3A_168 : i32 to index
      %swap3A_189 = arith.constant 64 : index
      %swap3A_190 = tpu.vector_load %arg12[%swap3A_188, %swap3A_189] {strides = array<i32>} : memref<64x128xf32, #tpu.memory_space<vmem>>, vector<1x16xf32>,
      %swap3A_191 = vector.shape_cast %swap3A_190 : vector<1x16xf32> to vector<16xf32>
      %swap3A_192 = vector.shape_cast %broadcast_in_dim3A_1 : vector<16xf32> to vector<1x16xf32>
      tpu.vector_store %arg12[%swap3A_188, %swap3A_189], %swap3A_192 {strides = array<i32>} : memref<64x128xf32, #tpu.memory_space<vmem>>, vector<1x16xf32>,
      %swap3A_193 = arith.index_cast %scan3A_168 : i32 to index
      %swap3A_194 = arith.constant 80 : index
      %swap3A_195 = tpu.vector_load %arg12[%swap3A_193, %swap3A_194] {strides = array<i32>} : memref<64x128xf32, #tpu.memory_space<vmem>>, vector<1x16xf32>,
      %swap3A_196 = vector.shape_cast %swap3A_195 : vector<1x16xf32> to vector<16xf32>
      %swap3A_197 = vector.shape_cast %broadcast_in_dim3A_1 : vector<16xf32> to vector<1x16xf32>
      tpu.vector_store %arg12[%swap3A_193, %swap3A_194], %swap3A_197 {strides = array<i32>} : memref<64x128xf32, #tpu.memory_space<vmem>>, vector<1x16xf32>,
      %swap3A_198 = arith.index_cast %scan3A_168 : i32 to index
      %swap3A_199 = arith.constant 96 : index
      %swap3A_200 = tpu.vector_load %arg12[%swap3A_198, %swap3A_199] {strides = array<i32>} : memref<64x128xf32, #tpu.memory_space<vmem>>, vector<1x16xf32>,
      %swap3A_201 = vector.shape_cast %swap3A_200 : vector<1x16xf32> to vector<16xf32>
      %swap3A_202 = vector.shape_cast %broadcast_in_dim3A_1 : vector<16xf32> to vector<1x16xf32>
      tpu.vector_store %arg12[%swap3A_198, %swap3A_199], %swap3A_202 {strides = array<i32>} : memref<64x128xf32, #tpu.memory_space<vmem>>, vector<1x16xf32>,
      %swap3A_203 = arith.index_cast %scan3A_168 : i32 to index
      %swap3A_204 = arith.constant 112 : index
      %swap3A_205 = tpu.vector_load %arg12[%swap3A_203, %swap3A_204] {strides = array<i32>} : memref<64x128xf32, #tpu.memory_space<vmem>>, vector<1x16xf32>,
      %swap3A_206 = vector.shape_cast %swap3A_205 : vector<1x16xf32> to vector<16xf32>
      %swap3A_207 = vector.shape_cast %broadcast_in_dim3A_1 : vector<16xf32> to vector<1x16xf32>
      tpu.vector_store %arg12[%swap3A_203, %swap3A_204], %swap3A_207 {strides = array<i32>} : memref<64x128xf32, #tpu.memory_space<vmem>>, vector<1x16xf32>,
    }
    %scan3A_6 = arith.constant 64 : i32
    %mul3A_7 = arith.constant 640 : i32
    %mul3A_8 = arith.muli %arg1, %mul3A_7 : i32
    %add3A_9 = arith.constant 0 : i32
    %add3A_10 = arith.addi %mul3A_8, %add3A_9 : i32
    %dma_start3A = arith.constant 0 : i32
    %dma_start3A_11 = tpu.memref_slice %arg13[%add3A_10, %dma_start3A] : memref<10240x128xf32, #tpu.memory_space<vmem_shared>> -> memref<64x128xf32, #tpu.memory_space<vmem_shared>>
    %dma_start3A_12 = arith.constant 0 : i32
    %dma_start3A_13 = tpu.memref_slice %arg13[%add3A_10, %dma_start3A_12] : memref<10240x128xf32, #tpu.memory_space<vmem_shared>> -> memref<64x128xf32, #tpu.memory_space<vmem_shared>>
    tpu.enqueue_dma source(%arg12 : memref<64x128xf32, #tpu.memory_space<vmem>>) target(%dma_start3A_13 : memref<64x128xf32, #tpu.memory_space<vmem_shared>>) target_semaphore(%arg18 : memref<!tpu.dma_semaphore, #tpu.memory_space<semaphore_mem>>)
    %add3A_14 = arith.constant 64 : i32
    %add3A_15 = arith.addi %mul3A_8, %add3A_14 : i32
    %dma_start3A_16 = arith.constant 0 : i32
    %dma_start3A_17 = tpu.memref_slice %arg13[%add3A_15, %dma_start3A_16] : memref<10240x128xf32, #tpu.memory_space<vmem_shared>> -> memref<64x128xf32, #tpu.memory_space<vmem_shared>>
    %dma_start3A_18 = arith.constant 0 : i32
    %dma_start3A_19 = tpu.memref_slice %arg13[%add3A_15, %dma_start3A_18] : memref<10240x128xf32, #tpu.memory_space<vmem_shared>> -> memref<64x128xf32, #tpu.memory_space<vmem_shared>>
    tpu.enqueue_dma source(%arg12 : memref<64x128xf32, #tpu.memory_space<vmem>>) target(%dma_start3A_19 : memref<64x128xf32, #tpu.memory_space<vmem_shared>>) target_semaphore(%arg18 : memref<!tpu.dma_semaphore, #tpu.memory_space<semaphore_mem>>)
    %add3A_20 = arith.constant 128 : i32
    %add3A_21 = arith.addi %mul3A_8, %add3A_20 : i32
    %dma_start3A_22 = arith.constant 0 : i32
    %dma_start3A_23 = tpu.memref_slice %arg13[%add3A_21, %dma_start3A_22] : memref<10240x128xf32, #tpu.memory_space<vmem_shared>> -> memref<64x128xf32, #tpu.memory_space<vmem_shared>>
    %dma_start3A_24 = arith.constant 0 : i32
    %dma_start3A_25 = tpu.memref_slice %arg13[%add3A_21, %dma_start3A_24] : memref<10240x128xf32, #tpu.memory_space<vmem_shared>> -> memref<64x128xf32, #tpu.memory_space<vmem_shared>>
    tpu.enqueue_dma source(%arg12 : memref<64x128xf32, #tpu.memory_space<vmem>>) target(%dma_start3A_25 : memref<64x128xf32, #tpu.memory_space<vmem_shared>>) target_semaphore(%arg18 : memref<!tpu.dma_semaphore, #tpu.memory_space<semaphore_mem>>)
    %add3A_26 = arith.constant 192 : i32
    %add3A_27 = arith.addi %mul3A_8, %add3A_26 : i32
    %dma_start3A_28 = arith.constant 0 : i32
    %dma_start3A_29 = tpu.memref_slice %arg13[%add3A_27, %dma_start3A_28] : memref<10240x128xf32, #tpu.memory_space<vmem_shared>> -> memref<64x128xf32, #tpu.memory_space<vmem_shared>>
    %dma_start3A_30 = arith.constant 0 : i32
    %dma_start3A_31 = tpu.memref_slice %arg13[%add3A_27, %dma_start3A_30] : memref<10240x128xf32, #tpu.memory_space<vmem_shared>> -> memref<64x128xf32, #tpu.memory_space<vmem_shared>>
    tpu.enqueue_dma source(%arg12 : memref<64x128xf32, #tpu.memory_space<vmem>>) target(%dma_start3A_31 : memref<64x128xf32, #tpu.memory_space<vmem_shared>>) target_semaphore(%arg18 : memref<!tpu.dma_semaphore, #tpu.memory_space<semaphore_mem>>)
    %add3A_32 = arith.constant 256 : i32
    %add3A_33 = arith.addi %mul3A_8, %add3A_32 : i32
    %dma_start3A_34 = arith.constant 0 : i32
    %dma_start3A_35 = tpu.memref_slice %arg13[%add3A_33, %dma_start3A_34] : memref<10240x128xf32, #tpu.memory_space<vmem_shared>> -> memref<64x128xf32, #tpu.memory_space<vmem_shared>>
    %dma_start3A_36 = arith.constant 0 : i32
    %dma_start3A_37 = tpu.memref_slice %arg13[%add3A_33, %dma_start3A_36] : memref<10240x128xf32, #tpu.memory_space<vmem_shared>> -> memref<64x128xf32, #tpu.memory_space<vmem_shared>>
    tpu.enqueue_dma source(%arg12 : memref<64x128xf32, #tpu.memory_space<vmem>>) target(%dma_start3A_37 : memref<64x128xf32, #tpu.memory_space<vmem_shared>>) target_semaphore(%arg18 : memref<!tpu.dma_semaphore, #tpu.memory_space<semaphore_mem>>)
    %add3A_38 = arith.constant 320 : i32
    %add3A_39 = arith.addi %mul3A_8, %add3A_38 : i32
    %dma_start3A_40 = arith.constant 0 : i32
    %dma_start3A_41 = tpu.memref_slice %arg13[%add3A_39, %dma_start3A_40] : memref<10240x128xf32, #tpu.memory_space<vmem_shared>> -> memref<64x128xf32, #tpu.memory_space<vmem_shared>>
    %dma_start3A_42 = arith.constant 0 : i32
    %dma_start3A_43 = tpu.memref_slice %arg13[%add3A_39, %dma_start3A_42] : memref<10240x128xf32, #tpu.memory_space<vmem_shared>> -> memref<64x128xf32, #tpu.memory_space<vmem_shared>>
    tpu.enqueue_dma source(%arg12 : memref<64x128xf32, #tpu.memory_space<vmem>>) target(%dma_start3A_43 : memref<64x128xf32, #tpu.memory_space<vmem_shared>>) target_semaphore(%arg18 : memref<!tpu.dma_semaphore, #tpu.memory_space<semaphore_mem>>)
    %add3A_44 = arith.constant 384 : i32
    %add3A_45 = arith.addi %mul3A_8, %add3A_44 : i32
    %dma_start3A_46 = arith.constant 0 : i32
    %dma_start3A_47 = tpu.memref_slice %arg13[%add3A_45, %dma_start3A_46] : memref<10240x128xf32, #tpu.memory_space<vmem_shared>> -> memref<64x128xf32, #tpu.memory_space<vmem_shared>>
    %dma_start3A_48 = arith.constant 0 : i32
    %dma_start3A_49 = tpu.memref_slice %arg13[%add3A_45, %dma_start3A_48] : memref<10240x128xf32, #tpu.memory_space<vmem_shared>> -> memref<64x128xf32, #tpu.memory_space<vmem_shared>>
    tpu.enqueue_dma source(%arg12 : memref<64x128xf32, #tpu.memory_space<vmem>>) target(%dma_start3A_49 : memref<64x128xf32, #tpu.memory_space<vmem_shared>>) target_semaphore(%arg18 : memref<!tpu.dma_semaphore, #tpu.memory_space<semaphore_mem>>)
    %add3A_50 = arith.constant 448 : i32
    %add3A_51 = arith.addi %mul3A_8, %add3A_50 : i32
    %dma_start3A_52 = arith.constant 0 : i32
    %dma_start3A_53 = tpu.memref_slice %arg13[%add3A_51, %dma_start3A_52] : memref<10240x128xf32, #tpu.memory_space<vmem_shared>> -> memref<64x128xf32, #tpu.memory_space<vmem_shared>>
    %dma_start3A_54 = arith.constant 0 : i32
    %dma_start3A_55 = tpu.memref_slice %arg13[%add3A_51, %dma_start3A_54] : memref<10240x128xf32, #tpu.memory_space<vmem_shared>> -> memref<64x128xf32, #tpu.memory_space<vmem_shared>>
    tpu.enqueue_dma source(%arg12 : memref<64x128xf32, #tpu.memory_space<vmem>>) target(%dma_start3A_55 : memref<64x128xf32, #tpu.memory_space<vmem_shared>>) target_semaphore(%arg18 : memref<!tpu.dma_semaphore, #tpu.memory_space<semaphore_mem>>)
    %add3A_56 = arith.constant 512 : i32
    %add3A_57 = arith.addi %mul3A_8, %add3A_56 : i32
    %dma_start3A_58 = arith.constant 0 : i32
    %dma_start3A_59 = tpu.memref_slice %arg13[%add3A_57, %dma_start3A_58] : memref<10240x128xf32, #tpu.memory_space<vmem_shared>> -> memref<64x128xf32, #tpu.memory_space<vmem_shared>>
    %dma_start3A_60 = arith.constant 0 : i32
    %dma_start3A_61 = tpu.memref_slice %arg13[%add3A_57, %dma_start3A_60] : memref<10240x128xf32, #tpu.memory_space<vmem_shared>> -> memref<64x128xf32, #tpu.memory_space<vmem_shared>>
    tpu.enqueue_dma source(%arg12 : memref<64x128xf32, #tpu.memory_space<vmem>>) target(%dma_start3A_61 : memref<64x128xf32, #tpu.memory_space<vmem_shared>>) target_semaphore(%arg18 : memref<!tpu.dma_semaphore, #tpu.memory_space<semaphore_mem>>)
    %add3A_62 = arith.constant 576 : i32
    %add3A_63 = arith.addi %mul3A_8, %add3A_62 : i32
    %dma_start3A_64 = arith.constant 0 : i32
    %dma_start3A_65 = tpu.memref_slice %arg13[%add3A_63, %dma_start3A_64] : memref<10240x128xf32, #tpu.memory_space<vmem_shared>> -> memref<64x128xf32, #tpu.memory_space<vmem_shared>>
    %dma_start3A_66 = arith.constant 0 : i32
    %dma_start3A_67 = tpu.memref_slice %arg13[%add3A_63, %dma_start3A_66] : memref<10240x128xf32, #tpu.memory_space<vmem_shared>> -> memref<64x128xf32, #tpu.memory_space<vmem_shared>>
    tpu.enqueue_dma source(%arg12 : memref<64x128xf32, #tpu.memory_space<vmem>>) target(%dma_start3A_67 : memref<64x128xf32, #tpu.memory_space<vmem_shared>>) target_semaphore(%arg18 : memref<!tpu.dma_semaphore, #tpu.memory_space<semaphore_mem>>)
    %add3A_68 = arith.constant 0 : i32
    %add3A_69 = arith.addi %mul3A_8, %add3A_68 : i32
    %dma_wait3A = arith.constant 0 : i32
    %dma_wait3A_70 = tpu.memref_slice %arg13[%add3A_69, %dma_wait3A] : memref<10240x128xf32, #tpu.memory_space<vmem_shared>> -> memref<64x128xf32, #tpu.memory_space<vmem_shared>>
    %dma_wait3A_71 = arith.constant 0 : i32
    %dma_wait3A_72 = tpu.memref_slice %arg13[%add3A_69, %dma_wait3A_71] : memref<10240x128xf32, #tpu.memory_space<vmem_shared>> -> memref<64x128xf32, #tpu.memory_space<vmem_shared>>
    tpu.wait_dma2 semaphore(%arg18 : memref<!tpu.dma_semaphore, #tpu.memory_space<semaphore_mem>>) src(%arg12 : memref<64x128xf32, #tpu.memory_space<vmem>>) dst(%dma_wait3A_72 : memref<64x128xf32, #tpu.memory_space<vmem_shared>>)
    %add3A_73 = arith.constant 64 : i32
    %add3A_74 = arith.addi %mul3A_8, %add3A_73 : i32
    %dma_wait3A_75 = arith.constant 0 : i32
    %dma_wait3A_76 = tpu.memref_slice %arg13[%add3A_74, %dma_wait3A_75] : memref<10240x128xf32, #tpu.memory_space<vmem_shared>> -> memref<64x128xf32, #tpu.memory_space<vmem_shared>>
    %dma_wait3A_77 = arith.constant 0 : i32
    %dma_wait3A_78 = tpu.memref_slice %arg13[%add3A_74, %dma_wait3A_77] : memref<10240x128xf32, #tpu.memory_space<vmem_shared>> -> memref<64x128xf32, #tpu.memory_space<vmem_shared>>
    tpu.wait_dma2 semaphore(%arg18 : memref<!tpu.dma_semaphore, #tpu.memory_space<semaphore_mem>>) src(%arg12 : memref<64x128xf32, #tpu.memory_space<vmem>>) dst(%dma_wait3A_78 : memref<64x128xf32, #tpu.memory_space<vmem_shared>>)
    %add3A_79 = arith.constant 128 : i32
    %add3A_80 = arith.addi %mul3A_8, %add3A_79 : i32
    %dma_wait3A_81 = arith.constant 0 : i32
    %dma_wait3A_82 = tpu.memref_slice %arg13[%add3A_80, %dma_wait3A_81] : memref<10240x128xf32, #tpu.memory_space<vmem_shared>> -> memref<64x128xf32, #tpu.memory_space<vmem_shared>>
    %dma_wait3A_83 = arith.constant 0 : i32
    %dma_wait3A_84 = tpu.memref_slice %arg13[%add3A_80, %dma_wait3A_83] : memref<10240x128xf32, #tpu.memory_space<vmem_shared>> -> memref<64x128xf32, #tpu.memory_space<vmem_shared>>
    tpu.wait_dma2 semaphore(%arg18 : memref<!tpu.dma_semaphore, #tpu.memory_space<semaphore_mem>>) src(%arg12 : memref<64x128xf32, #tpu.memory_space<vmem>>) dst(%dma_wait3A_84 : memref<64x128xf32, #tpu.memory_space<vmem_shared>>)
    %add3A_85 = arith.constant 192 : i32
    %add3A_86 = arith.addi %mul3A_8, %add3A_85 : i32
    %dma_wait3A_87 = arith.constant 0 : i32
    %dma_wait3A_88 = tpu.memref_slice %arg13[%add3A_86, %dma_wait3A_87] : memref<10240x128xf32, #tpu.memory_space<vmem_shared>> -> memref<64x128xf32, #tpu.memory_space<vmem_shared>>
    %dma_wait3A_89 = arith.constant 0 : i32
    %dma_wait3A_90 = tpu.memref_slice %arg13[%add3A_86, %dma_wait3A_89] : memref<10240x128xf32, #tpu.memory_space<vmem_shared>> -> memref<64x128xf32, #tpu.memory_space<vmem_shared>>
    tpu.wait_dma2 semaphore(%arg18 : memref<!tpu.dma_semaphore, #tpu.memory_space<semaphore_mem>>) src(%arg12 : memref<64x128xf32, #tpu.memory_space<vmem>>) dst(%dma_wait3A_90 : memref<64x128xf32, #tpu.memory_space<vmem_shared>>)
    %add3A_91 = arith.constant 256 : i32
    %add3A_92 = arith.addi %mul3A_8, %add3A_91 : i32
    %dma_wait3A_93 = arith.constant 0 : i32
    %dma_wait3A_94 = tpu.memref_slice %arg13[%add3A_92, %dma_wait3A_93] : memref<10240x128xf32, #tpu.memory_space<vmem_shared>> -> memref<64x128xf32, #tpu.memory_space<vmem_shared>>
    %dma_wait3A_95 = arith.constant 0 : i32
    %dma_wait3A_96 = tpu.memref_slice %arg13[%add3A_92, %dma_wait3A_95] : memref<10240x128xf32, #tpu.memory_space<vmem_shared>> -> memref<64x128xf32, #tpu.memory_space<vmem_shared>>
    tpu.wait_dma2 semaphore(%arg18 : memref<!tpu.dma_semaphore, #tpu.memory_space<semaphore_mem>>) src(%arg12 : memref<64x128xf32, #tpu.memory_space<vmem>>) dst(%dma_wait3A_96 : memref<64x128xf32, #tpu.memory_space<vmem_shared>>)
    %add3A_97 = arith.constant 320 : i32
    %add3A_98 = arith.addi %mul3A_8, %add3A_97 : i32
    %dma_wait3A_99 = arith.constant 0 : i32
    %dma_wait3A_100 = tpu.memref_slice %arg13[%add3A_98, %dma_wait3A_99] : memref<10240x128xf32, #tpu.memory_space<vmem_shared>> -> memref<64x128xf32, #tpu.memory_space<vmem_shared>>
    %dma_wait3A_101 = arith.constant 0 : i32
    %dma_wait3A_102 = tpu.memref_slice %arg13[%add3A_98, %dma_wait3A_101] : memref<10240x128xf32, #tpu.memory_space<vmem_shared>> -> memref<64x128xf32, #tpu.memory_space<vmem_shared>>
    tpu.wait_dma2 semaphore(%arg18 : memref<!tpu.dma_semaphore, #tpu.memory_space<semaphore_mem>>) src(%arg12 : memref<64x128xf32, #tpu.memory_space<vmem>>) dst(%dma_wait3A_102 : memref<64x128xf32, #tpu.memory_space<vmem_shared>>)
    %add3A_103 = arith.constant 384 : i32
    %add3A_104 = arith.addi %mul3A_8, %add3A_103 : i32
    %dma_wait3A_105 = arith.constant 0 : i32
    %dma_wait3A_106 = tpu.memref_slice %arg13[%add3A_104, %dma_wait3A_105] : memref<10240x128xf32, #tpu.memory_space<vmem_shared>> -> memref<64x128xf32, #tpu.memory_space<vmem_shared>>
    %dma_wait3A_107 = arith.constant 0 : i32
    %dma_wait3A_108 = tpu.memref_slice %arg13[%add3A_104, %dma_wait3A_107] : memref<10240x128xf32, #tpu.memory_space<vmem_shared>> -> memref<64x128xf32, #tpu.memory_space<vmem_shared>>
    tpu.wait_dma2 semaphore(%arg18 : memref<!tpu.dma_semaphore, #tpu.memory_space<semaphore_mem>>) src(%arg12 : memref<64x128xf32, #tpu.memory_space<vmem>>) dst(%dma_wait3A_108 : memref<64x128xf32, #tpu.memory_space<vmem_shared>>)
    %add3A_109 = arith.constant 448 : i32
    %add3A_110 = arith.addi %mul3A_8, %add3A_109 : i32
    %dma_wait3A_111 = arith.constant 0 : i32
    %dma_wait3A_112 = tpu.memref_slice %arg13[%add3A_110, %dma_wait3A_111] : memref<10240x128xf32, #tpu.memory_space<vmem_shared>> -> memref<64x128xf32, #tpu.memory_space<vmem_shared>>
    %dma_wait3A_113 = arith.constant 0 : i32
    %dma_wait3A_114 = tpu.memref_slice %arg13[%add3A_110, %dma_wait3A_113] : memref<10240x128xf32, #tpu.memory_space<vmem_shared>> -> memref<64x128xf32, #tpu.memory_space<vmem_shared>>
    tpu.wait_dma2 semaphore(%arg18 : memref<!tpu.dma_semaphore, #tpu.memory_space<semaphore_mem>>) src(%arg12 : memref<64x128xf32, #tpu.memory_space<vmem>>) dst(%dma_wait3A_114 : memref<64x128xf32, #tpu.memory_space<vmem_shared>>)
    %add3A_115 = arith.constant 512 : i32
    %add3A_116 = arith.addi %mul3A_8, %add3A_115 : i32
    %dma_wait3A_117 = arith.constant 0 : i32
    %dma_wait3A_118 = tpu.memref_slice %arg13[%add3A_116, %dma_wait3A_117] : memref<10240x128xf32, #tpu.memory_space<vmem_shared>> -> memref<64x128xf32, #tpu.memory_space<vmem_shared>>
    %dma_wait3A_119 = arith.constant 0 : i32
    %dma_wait3A_120 = tpu.memref_slice %arg13[%add3A_116, %dma_wait3A_119] : memref<10240x128xf32, #tpu.memory_space<vmem_shared>> -> memref<64x128xf32, #tpu.memory_space<vmem_shared>>
    tpu.wait_dma2 semaphore(%arg18 : memref<!tpu.dma_semaphore, #tpu.memory_space<semaphore_mem>>) src(%arg12 : memref<64x128xf32, #tpu.memory_space<vmem>>) dst(%dma_wait3A_120 : memref<64x128xf32, #tpu.memory_space<vmem_shared>>)
    %add3A_121 = arith.constant 576 : i32
    %add3A_122 = arith.addi %mul3A_8, %add3A_121 : i32
    %dma_wait3A_123 = arith.constant 0 : i32
    %dma_wait3A_124 = tpu.memref_slice %arg13[%add3A_122, %dma_wait3A_123] : memref<10240x128xf32, #tpu.memory_space<vmem_shared>> -> memref<64x128xf32, #tpu.memory_space<vmem_shared>>
    %dma_wait3A_125 = arith.constant 0 : i32
    %dma_wait3A_126 = tpu.memref_slice %arg13[%add3A_122, %dma_wait3A_125] : memref<10240x128xf32, #tpu.memory_space<vmem_shared>> -> memref<64x128xf32, #tpu.memory_space<vmem_shared>>
    tpu.wait_dma2 semaphore(%arg18 : memref<!tpu.dma_semaphore, #tpu.memory_space<semaphore_mem>>) src(%arg12 : memref<64x128xf32, #tpu.memory_space<vmem>>) dst(%dma_wait3A_126 : memref<64x128xf32, #tpu.memory_space<vmem_shared>>)
    %mul3A_127 = arith.constant 80 : i32
    %mul3A_128 = arith.muli %add3A, %mul3A_127 : i32
    "tpu.region"() ({
      %run_scoped3A = tpu.sem_alloc : memref<!tpu.dma_semaphore, #tpu.memory_space<semaphore_mem>>
      %dma_start3A_168 = arith.constant 0 : i32
      %dma_start3A_169 = tpu.memref_slice %arg3[%mul3A_128, %dma_start3A_168] : memref<2560x128xi32, #tpu.memory_space<hbm>> -> memref<8x128xi32, #tpu.memory_space<hbm>>
      %dma_start3A_170 = arith.constant 0 : i32
      %dma_start3A_171 = tpu.memref_slice %arg3[%mul3A_128, %dma_start3A_170] : memref<2560x128xi32, #tpu.memory_space<hbm>> -> memref<8x128xi32, #tpu.memory_space<hbm>>
      tpu.enqueue_dma source(%dma_start3A_171 : memref<8x128xi32, #tpu.memory_space<hbm>>) target(%arg6 : memref<8x128xi32, #tpu.memory_space<vmem>>) target_semaphore(%run_scoped3A : memref<!tpu.dma_semaphore, #tpu.memory_space<semaphore_mem>>)
      %dma_wait3A_172 = arith.constant 0 : i32
      %dma_wait3A_173 = tpu.memref_slice %arg3[%mul3A_128, %dma_wait3A_172] : memref<2560x128xi32, #tpu.memory_space<hbm>> -> memref<8x128xi32, #tpu.memory_space<hbm>>
      %dma_wait3A_174 = arith.constant 0 : i32
      %dma_wait3A_175 = tpu.memref_slice %arg3[%mul3A_128, %dma_wait3A_174] : memref<2560x128xi32, #tpu.memory_space<hbm>> -> memref<8x128xi32, #tpu.memory_space<hbm>>
      tpu.wait_dma2 semaphore(%run_scoped3A : memref<!tpu.dma_semaphore, #tpu.memory_space<semaphore_mem>>) src(%dma_wait3A_175 : memref<8x128xi32, #tpu.memory_space<hbm>>) dst(%arg6 : memref<8x128xi32, #tpu.memory_space<vmem>>)
      tpu.yield
    }) : () -> ()
    "tpu.region"() ({
      %run_scoped3A = tpu.sem_alloc : memref<!tpu.dma_semaphore, #tpu.memory_space<semaphore_mem>>
      %dma_start3A_168 = arith.constant 0 : i32
      %dma_start3A_169 = tpu.memref_slice %arg4[%mul3A_128, %dma_start3A_168] : memref<2560x128xi32, #tpu.memory_space<hbm>> -> memref<8x128xi32, #tpu.memory_space<hbm>>
      %dma_start3A_170 = arith.constant 0 : i32
      %dma_start3A_171 = tpu.memref_slice %arg4[%mul3A_128, %dma_start3A_170] : memref<2560x128xi32, #tpu.memory_space<hbm>> -> memref<8x128xi32, #tpu.memory_space<hbm>>
      tpu.enqueue_dma source(%dma_start3A_171 : memref<8x128xi32, #tpu.memory_space<hbm>>) target(%arg8 : memref<8x128xi32, #tpu.memory_space<vmem>>) target_semaphore(%run_scoped3A : memref<!tpu.dma_semaphore, #tpu.memory_space<semaphore_mem>>)
      %dma_wait3A_172 = arith.constant 0 : i32
      %dma_wait3A_173 = tpu.memref_slice %arg4[%mul3A_128, %dma_wait3A_172] : memref<2560x128xi32, #tpu.memory_space<hbm>> -> memref<8x128xi32, #tpu.memory_space<hbm>>
      %dma_wait3A_174 = arith.constant 0 : i32
      %dma_wait3A_175 = tpu.memref_slice %arg4[%mul3A_128, %dma_wait3A_174] : memref<2560x128xi32, #tpu.memory_space<hbm>> -> memref<8x128xi32, #tpu.memory_space<hbm>>
      tpu.wait_dma2 semaphore(%run_scoped3A : memref<!tpu.dma_semaphore, #tpu.memory_space<semaphore_mem>>) src(%dma_wait3A_175 : memref<8x128xi32, #tpu.memory_space<hbm>>) dst(%arg8 : memref<8x128xi32, #tpu.memory_space<vmem>>)
      tpu.yield
    }) : () -> ()
    %add3A_129 = arith.constant 8 : i32
    %add3A_130 = arith.addi %mul3A_128, %add3A_129 : i32
    %dma_start3A_131 = arith.constant 0 : i32
    %dma_start3A_132 = tpu.memref_slice %arg3[%add3A_130, %dma_start3A_131] : memref<2560x128xi32, #tpu.memory_space<hbm>> -> memref<8x128xi32, #tpu.memory_space<hbm>>
    %dma_start3A_133 = arith.constant 0 : i32
    %dma_start3A_134 = tpu.memref_slice %arg3[%add3A_130, %dma_start3A_133] : memref<2560x128xi32, #tpu.memory_space<hbm>> -> memref<8x128xi32, #tpu.memory_space<hbm>>
    tpu.enqueue_dma source(%dma_start3A_134 : memref<8x128xi32, #tpu.memory_space<hbm>>) target(%arg7 : memref<8x128xi32, #tpu.memory_space<vmem>>) target_semaphore(%arg17 : memref<!tpu.dma_semaphore, #tpu.memory_space<semaphore_mem>>)
    %add3A_135 = arith.constant 8 : i32
    %add3A_136 = arith.addi %mul3A_128, %add3A_135 : i32
    %dma_start3A_137 = arith.constant 0 : i32
    %dma_start3A_138 = tpu.memref_slice %arg4[%add3A_136, %dma_start3A_137] : memref<2560x128xi32, #tpu.memory_space<hbm>> -> memref<8x128xi32, #tpu.memory_space<hbm>>
    %dma_start3A_139 = arith.constant 0 : i32
    %dma_start3A_140 = tpu.memref_slice %arg4[%add3A_136, %dma_start3A_139] : memref<2560x128xi32, #tpu.memory_space<hbm>> -> memref<8x128xi32, #tpu.memory_space<hbm>>
    tpu.enqueue_dma source(%dma_start3A_140 : memref<8x128xi32, #tpu.memory_space<hbm>>) target(%arg9 : memref<8x128xi32, #tpu.memory_space<vmem>>) target_semaphore(%arg17 : memref<!tpu.dma_semaphore, #tpu.memory_space<semaphore_mem>>)
    %barrier3A = arith.constant 0 : index
    tpu.barrier barrier_id(%barrier3A)
    %dma_start3A_141 = arith.constant 0 : i32
    %dma_start3A_142 = arith.constant 0 : i32
    %dma_start3A_143 = arith.constant 0 : i32
    %dma_start3A_144 = tpu.memref_slice %arg10[%dma_start3A_142, %dma_start3A_143] : memref<128x128xf32, #tpu.memory_space<vmem>> -> memref<64x128xf32, #tpu.memory_space<vmem>>
    %dma_start3A_145 = arith.constant 0 : i32
    %dma_start3A_146 = tpu.memref_slice %arg6[%dma_start3A_141, %dma_start3A_145] : memref<8x128xi32, #tpu.memory_space<vmem>> -> memref<1x64xi32, #tpu.memory_space<vmem>>
    %dma_start3A_147 = tpu.memref_squeeze %dma_start3A_146 : memref<1x64xi32, #tpu.memory_space<vmem>> -> memref<64xi32, #tpu.memory_space<vmem>>
    %dma_start3A_148 = arith.constant 0 : i32
    %dma_start3A_149 = arith.constant 0 : i32
    %dma_start3A_150 = tpu.memref_slice %arg2[%dma_start3A_148, %dma_start3A_149] : memref<10000x128xf32, #tpu.memory_space<hbm>> -> memref<10000x128xf32, #tpu.memory_space<hbm>>
    tpu.enqueue_indirect_dma source(%dma_start3A_150 : memref<10000x128xf32, #tpu.memory_space<hbm>>) target(%dma_start3A_144 : memref<64x128xf32, #tpu.memory_space<vmem>>) offsets(%dma_start3A_147 : memref<64xi32, #tpu.memory_space<vmem>>) semaphore(%arg14 : memref<!tpu.dma_semaphore, #tpu.memory_space<semaphore_mem>>)
    %dma_start3A_151 = arith.constant 0 : i32
    %dma_start3A_152 = arith.constant 64 : i32
    %dma_start3A_153 = arith.constant 0 : i32
    %dma_start3A_154 = tpu.memref_slice %arg10[%dma_start3A_152, %dma_start3A_153] : memref<128x128xf32, #tpu.memory_space<vmem>> -> memref<64x128xf32, #tpu.memory_space<vmem>>
    %dma_start3A_155 = arith.constant 64 : i32
    %dma_start3A_156 = tpu.memref_slice %arg6[%dma_start3A_151, %dma_start3A_155] : memref<8x128xi32, #tpu.memory_space<vmem>> -> memref<1x64xi32, #tpu.memory_space<vmem>>
    %dma_start3A_157 = tpu.memref_squeeze %dma_start3A_156 : memref<1x64xi32, #tpu.memory_space<vmem>> -> memref<64xi32, #tpu.memory_space<vmem>>
    %dma_start3A_158 = arith.constant 0 : i32
    %dma_start3A_159 = arith.constant 0 : i32
    %dma_start3A_160 = tpu.memref_slice %arg2[%dma_start3A_158, %dma_start3A_159] : memref<10000x128xf32, #tpu.memory_space<hbm>> -> memref<10000x128xf32, #tpu.memory_space<hbm>>
    tpu.enqueue_indirect_dma source(%dma_start3A_160 : memref<10000x128xf32, #tpu.memory_space<hbm>>) target(%dma_start3A_154 : memref<64x128xf32, #tpu.memory_space<vmem>>) offsets(%dma_start3A_157 : memref<64xi32, #tpu.memory_space<vmem>>) semaphore(%arg14 : memref<!tpu.dma_semaphore, #tpu.memory_space<semaphore_mem>>)
    %scan3A_161 = arith.constant 0 : i32
    %scan3A_162 = arith.constant 0 : i32
    %scan3A_163 = arith.constant 5 : i32
    %scan3A_164 = arith.addi %scan3A_162, %scan3A_163 : i32
    %scan3A_165 = arith.constant 1 : i32
    scf.for %scan3A_168 = %scan3A_162 to %scan3A_164 step %scan3A_165  : i32 {
      %mul3A_169 = arith.constant 16 : i32
      %mul3A_170 = arith.muli %mul3A_169, %scan3A_168 : i32
      %add3A_171 = arith.constant 0 : i32
      %add3A_172 = arith.addi %mul3A_170, %add3A_171 : i32
      %dma_start3A_173 = arith.constant 1 : i32
      %dma_start3A_174 = arith.constant 0 : i32
      %dma_start3A_175 = arith.constant 0 : i32
      %dma_start3A_176 = tpu.memref_slice %arg11[%dma_start3A_174, %dma_start3A_175] : memref<128x128xf32, #tpu.memory_space<vmem>> -> memref<64x128xf32, #tpu.memory_space<vmem>>
      %dma_start3A_177 = arith.constant 0 : i32
      %dma_start3A_178 = tpu.memref_slice %arg6[%dma_start3A_173, %dma_start3A_177] : memref<8x128xi32, #tpu.memory_space<vmem>> -> memref<1x64xi32, #tpu.memory_space<vmem>>
      %dma_start3A_179 = tpu.memref_squeeze %dma_start3A_178 : memref<1x64xi32, #tpu.memory_space<vmem>> -> memref<64xi32, #tpu.memory_space<vmem>>
      %dma_start3A_180 = arith.constant 0 : i32
      %dma_start3A_181 = arith.constant 0 : i32
      %dma_start3A_182 = tpu.memref_slice %arg2[%dma_start3A_180, %dma_start3A_181] : memref<10000x128xf32, #tpu.memory_space<hbm>> -> memref<10000x128xf32, #tpu.memory_space<hbm>>
      tpu.enqueue_indirect_dma source(%dma_start3A_182 : memref<10000x128xf32, #tpu.memory_space<hbm>>) target(%dma_start3A_176 : memref<64x128xf32, #tpu.memory_space<vmem>>) offsets(%dma_start3A_179 : memref<64xi32, #tpu.memory_space<vmem>>) semaphore(%arg15 : memref<!tpu.dma_semaphore, #tpu.memory_space<semaphore_mem>>)
      %dma_start3A_183 = arith.constant 1 : i32
      %dma_start3A_184 = arith.constant 64 : i32
      %dma_start3A_185 = arith.constant 0 : i32
      %dma_start3A_186 = tpu.memref_slice %arg11[%dma_start3A_184, %dma_start3A_185] : memref<128x128xf32, #tpu.memory_space<vmem>> -> memref<64x128xf32, #tpu.memory_space<vmem>>
      %dma_start3A_187 = arith.constant 64 : i32
      %dma_start3A_188 = tpu.memref_slice %arg6[%dma_start3A_183, %dma_start3A_187] : memref<8x128xi32, #tpu.memory_space<vmem>> -> memref<1x64xi32, #tpu.memory_space<vmem>>
      %dma_start3A_189 = tpu.memref_squeeze %dma_start3A_188 : memref<1x64xi32, #tpu.memory_space<vmem>> -> memref<64xi32, #tpu.memory_space<vmem>>
      %dma_start3A_190 = arith.constant 0 : i32
      %dma_start3A_191 = arith.constant 0 : i32
      %dma_start3A_192 = tpu.memref_slice %arg2[%dma_start3A_190, %dma_start3A_191] : memref<10000x128xf32, #tpu.memory_space<hbm>> -> memref<10000x128xf32, #tpu.memory_space<hbm>>
      tpu.enqueue_indirect_dma source(%dma_start3A_192 : memref<10000x128xf32, #tpu.memory_space<hbm>>) target(%dma_start3A_186 : memref<64x128xf32, #tpu.memory_space<vmem>>) offsets(%dma_start3A_189 : memref<64xi32, #tpu.memory_space<vmem>>) semaphore(%arg15 : memref<!tpu.dma_semaphore, #tpu.memory_space<semaphore_mem>>)
      %dma_wait3A_193 = arith.constant 0 : i32
      %dma_wait3A_194 = arith.constant 0 : i32
      %dma_wait3A_195 = arith.constant 0 : i32
      %dma_wait3A_196 = tpu.memref_slice %arg10[%dma_wait3A_194, %dma_wait3A_195] : memref<128x128xf32, #tpu.memory_space<vmem>> -> memref<64x128xf32, #tpu.memory_space<vmem>>
      %dma_wait3A_197 = arith.constant 0 : i32
      %dma_wait3A_198 = tpu.memref_slice %arg6[%dma_wait3A_193, %dma_wait3A_197] : memref<8x128xi32, #tpu.memory_space<vmem>> -> memref<1x64xi32, #tpu.memory_space<vmem>>
      %dma_wait3A_199 = tpu.memref_squeeze %dma_wait3A_198 : memref<1x64xi32, #tpu.memory_space<vmem>> -> memref<64xi32, #tpu.memory_space<vmem>>
      %dma_wait3A_200 = arith.constant 0 : i32
      %dma_wait3A_201 = arith.constant 0 : i32
      %dma_wait3A_202 = tpu.memref_slice %arg2[%dma_wait3A_200, %dma_wait3A_201] : memref<10000x128xf32, #tpu.memory_space<hbm>> -> memref<10000x128xf32, #tpu.memory_space<hbm>>
      tpu.wait_indirect_dma semaphore(%arg14 : memref<!tpu.dma_semaphore, #tpu.memory_space<semaphore_mem>>) src(%dma_wait3A_202 : memref<10000x128xf32, #tpu.memory_space<hbm>>) dst(%dma_wait3A_196 : memref<64x128xf32, #tpu.memory_space<vmem>>)
      %dma_wait3A_203 = arith.constant 0 : i32
      %dma_wait3A_204 = arith.constant 64 : i32
      %dma_wait3A_205 = arith.constant 0 : i32
      %dma_wait3A_206 = tpu.memref_slice %arg10[%dma_wait3A_204, %dma_wait3A_205] : memref<128x128xf32, #tpu.memory_space<vmem>> -> memref<64x128xf32, #tpu.memory_space<vmem>>
      %dma_wait3A_207 = arith.constant 64 : i32
      %dma_wait3A_208 = tpu.memref_slice %arg6[%dma_wait3A_203, %dma_wait3A_207] : memref<8x128xi32, #tpu.memory_space<vmem>> -> memref<1x64xi32, #tpu.memory_space<vmem>>
      %dma_wait3A_209 = tpu.memref_squeeze %dma_wait3A_208 : memref<1x64xi32, #tpu.memory_space<vmem>> -> memref<64xi32, #tpu.memory_space<vmem>>
      %dma_wait3A_210 = arith.constant 0 : i32
      %dma_wait3A_211 = arith.constant 0 : i32
      %dma_wait3A_212 = tpu.memref_slice %arg2[%dma_wait3A_210, %dma_wait3A_211] : memref<10000x128xf32, #tpu.memory_space<hbm>> -> memref<10000x128xf32, #tpu.memory_space<hbm>>
      tpu.wait_indirect_dma semaphore(%arg14 : memref<!tpu.dma_semaphore, #tpu.memory_space<semaphore_mem>>) src(%dma_wait3A_212 : memref<10000x128xf32, #tpu.memory_space<hbm>>) dst(%dma_wait3A_206 : memref<64x128xf32, #tpu.memory_space<vmem>>)
      %run_scoped3A = arith.constant 0 : i32
      "tpu.region"() ({
        %run_scoped3A_908 = tpu.sem_alloc : memref<!tpu.dma_semaphore, #tpu.memory_space<semaphore_mem>>
        %dma_start3A_909 = arith.constant 0 : i32
        %dma_start3A_910 = tpu.memref_slice %arg8[%run_scoped3A, %dma_start3A_909] : memref<8x128xi32, #tpu.memory_space<vmem>> -> memref<1x128xi32, #tpu.memory_space<vmem>>
        %dma_start3A_911 = tpu.memref_squeeze %dma_start3A_910 : memref<1x128xi32, #tpu.memory_space<vmem>> -> memref<128xi32, #tpu.memory_space<vmem>>
        %dma_start3A_912 = arith.constant 0 : i32
        %dma_start3A_913 = arith.constant 0 : i32
        %dma_start3A_914 = tpu.memref_slice %arg13[%dma_start3A_912, %dma_start3A_913] : memref<10240x128xf32, #tpu.memory_space<vmem_shared>> -> memref<10240x128xf32, #tpu.memory_space<vmem_shared>>
        tpu.enqueue_indirect_dma source(%arg10 : memref<128x128xf32, #tpu.memory_space<vmem>>) target(%dma_start3A_914 : memref<10240x128xf32, #tpu.memory_space<vmem_shared>>) offsets(%dma_start3A_911 : memref<128xi32, #tpu.memory_space<vmem>>) semaphore(%run_scoped3A_908 : memref<!tpu.dma_semaphore, #tpu.memory_space<semaphore_mem>>) {add = true}
        %dma_wait3A_915 = arith.constant 0 : i32
        %dma_wait3A_916 = tpu.memref_slice %arg8[%run_scoped3A, %dma_wait3A_915] : memref<8x128xi32, #tpu.memory_space<vmem>> -> memref<1x128xi32, #tpu.memory_space<vmem>>
        %dma_wait3A_917 = tpu.memref_squeeze %dma_wait3A_916 : memref<1x128xi32, #tpu.memory_space<vmem>> -> memref<128xi32, #tpu.memory_space<vmem>>
        %dma_wait3A_918 = arith.constant 0 : i32
        %dma_wait3A_919 = arith.constant 0 : i32
        %dma_wait3A_920 = tpu.memref_slice %arg13[%dma_wait3A_918, %dma_wait3A_919] : memref<10240x128xf32, #tpu.memory_space<vmem_shared>> -> memref<10240x128xf32, #tpu.memory_space<vmem_shared>>
        tpu.wait_indirect_dma semaphore(%run_scoped3A_908 : memref<!tpu.dma_semaphore, #tpu.memory_space<semaphore_mem>>) src(%arg10 : memref<128x128xf32, #tpu.memory_space<vmem>>) dst(%dma_wait3A_920 : memref<10240x128xf32, #tpu.memory_space<vmem_shared>>)
        tpu.yield
      }) : () -> ()
      %mul3A_213 = arith.constant 16 : i32
      %mul3A_214 = arith.muli %mul3A_213, %scan3A_168 : i32
      %add3A_215 = arith.constant 1 : i32
      %add3A_216 = arith.addi %mul3A_214, %add3A_215 : i32
      %dma_start3A_217 = arith.constant 2 : i32
      %dma_start3A_218 = arith.constant 0 : i32
      %dma_start3A_219 = arith.constant 0 : i32
      %dma_start3A_220 = tpu.memref_slice %arg10[%dma_start3A_218, %dma_start3A_219] : memref<128x128xf32, #tpu.memory_space<vmem>> -> memref<64x128xf32, #tpu.memory_space<vmem>>
      %dma_start3A_221 = arith.constant 0 : i32
      %dma_start3A_222 = tpu.memref_slice %arg6[%dma_start3A_217, %dma_start3A_221] : memref<8x128xi32, #tpu.memory_space<vmem>> -> memref<1x64xi32, #tpu.memory_space<vmem>>
      %dma_start3A_223 = tpu.memref_squeeze %dma_start3A_222 : memref<1x64xi32, #tpu.memory_space<vmem>> -> memref<64xi32, #tpu.memory_space<vmem>>
      %dma_start3A_224 = arith.constant 0 : i32
      %dma_start3A_225 = arith.constant 0 : i32
      %dma_start3A_226 = tpu.memref_slice %arg2[%dma_start3A_224, %dma_start3A_225] : memref<10000x128xf32, #tpu.memory_space<hbm>> -> memref<10000x128xf32, #tpu.memory_space<hbm>>
      tpu.enqueue_indirect_dma source(%dma_start3A_226 : memref<10000x128xf32, #tpu.memory_space<hbm>>) target(%dma_start3A_220 : memref<64x128xf32, #tpu.memory_space<vmem>>) offsets(%dma_start3A_223 : memref<64xi32, #tpu.memory_space<vmem>>) semaphore(%arg14 : memref<!tpu.dma_semaphore, #tpu.memory_space<semaphore_mem>>)
      %dma_start3A_227 = arith.constant 2 : i32
      %dma_start3A_228 = arith.constant 64 : i32
      %dma_start3A_229 = arith.constant 0 : i32
      %dma_start3A_230 = tpu.memref_slice %arg10[%dma_start3A_228, %dma_start3A_229] : memref<128x128xf32, #tpu.memory_space<vmem>> -> memref<64x128xf32, #tpu.memory_space<vmem>>
      %dma_start3A_231 = arith.constant 64 : i32
      %dma_start3A_232 = tpu.memref_slice %arg6[%dma_start3A_227, %dma_start3A_231] : memref<8x128xi32, #tpu.memory_space<vmem>> -> memref<1x64xi32, #tpu.memory_space<vmem>>
      %dma_start3A_233 = tpu.memref_squeeze %dma_start3A_232 : memref<1x64xi32, #tpu.memory_space<vmem>> -> memref<64xi32, #tpu.memory_space<vmem>>
      %dma_start3A_234 = arith.constant 0 : i32
      %dma_start3A_235 = arith.constant 0 : i32
      %dma_start3A_236 = tpu.memref_slice %arg2[%dma_start3A_234, %dma_start3A_235] : memref<10000x128xf32, #tpu.memory_space<hbm>> -> memref<10000x128xf32, #tpu.memory_space<hbm>>
      tpu.enqueue_indirect_dma source(%dma_start3A_236 : memref<10000x128xf32, #tpu.memory_space<hbm>>) target(%dma_start3A_230 : memref<64x128xf32, #tpu.memory_space<vmem>>) offsets(%dma_start3A_233 : memref<64xi32, #tpu.memory_space<vmem>>) semaphore(%arg14 : memref<!tpu.dma_semaphore, #tpu.memory_space<semaphore_mem>>)
      %dma_wait3A_237 = arith.constant 1 : i32
      %dma_wait3A_238 = arith.constant 0 : i32
      %dma_wait3A_239 = arith.constant 0 : i32
      %dma_wait3A_240 = tpu.memref_slice %arg11[%dma_wait3A_238, %dma_wait3A_239] : memref<128x128xf32, #tpu.memory_space<vmem>> -> memref<64x128xf32, #tpu.memory_space<vmem>>
      %dma_wait3A_241 = arith.constant 0 : i32
      %dma_wait3A_242 = tpu.memref_slice %arg6[%dma_wait3A_237, %dma_wait3A_241] : memref<8x128xi32, #tpu.memory_space<vmem>> -> memref<1x64xi32, #tpu.memory_space<vmem>>
      %dma_wait3A_243 = tpu.memref_squeeze %dma_wait3A_242 : memref<1x64xi32, #tpu.memory_space<vmem>> -> memref<64xi32, #tpu.memory_space<vmem>>
      %dma_wait3A_244 = arith.constant 0 : i32
      %dma_wait3A_245 = arith.constant 0 : i32
      %dma_wait3A_246 = tpu.memref_slice %arg2[%dma_wait3A_244, %dma_wait3A_245] : memref<10000x128xf32, #tpu.memory_space<hbm>> -> memref<10000x128xf32, #tpu.memory_space<hbm>>
      tpu.wait_indirect_dma semaphore(%arg15 : memref<!tpu.dma_semaphore, #tpu.memory_space<semaphore_mem>>) src(%dma_wait3A_246 : memref<10000x128xf32, #tpu.memory_space<hbm>>) dst(%dma_wait3A_240 : memref<64x128xf32, #tpu.memory_space<vmem>>)
      %dma_wait3A_247 = arith.constant 1 : i32
      %dma_wait3A_248 = arith.constant 64 : i32
      %dma_wait3A_249 = arith.constant 0 : i32
      %dma_wait3A_250 = tpu.memref_slice %arg11[%dma_wait3A_248, %dma_wait3A_249] : memref<128x128xf32, #tpu.memory_space<vmem>> -> memref<64x128xf32, #tpu.memory_space<vmem>>
      %dma_wait3A_251 = arith.constant 64 : i32
      %dma_wait3A_252 = tpu.memref_slice %arg6[%dma_wait3A_247, %dma_wait3A_251] : memref<8x128xi32, #tpu.memory_space<vmem>> -> memref<1x64xi32, #tpu.memory_space<vmem>>
      %dma_wait3A_253 = tpu.memref_squeeze %dma_wait3A_252 : memref<1x64xi32, #tpu.memory_space<vmem>> -> memref<64xi32, #tpu.memory_space<vmem>>
      %dma_wait3A_254 = arith.constant 0 : i32
      %dma_wait3A_255 = arith.constant 0 : i32
      %dma_wait3A_256 = tpu.memref_slice %arg2[%dma_wait3A_254, %dma_wait3A_255] : memref<10000x128xf32, #tpu.memory_space<hbm>> -> memref<10000x128xf32, #tpu.memory_space<hbm>>
      tpu.wait_indirect_dma semaphore(%arg15 : memref<!tpu.dma_semaphore, #tpu.memory_space<semaphore_mem>>) src(%dma_wait3A_256 : memref<10000x128xf32, #tpu.memory_space<hbm>>) dst(%dma_wait3A_250 : memref<64x128xf32, #tpu.memory_space<vmem>>)
      %run_scoped3A_257 = arith.constant 1 : i32
      "tpu.region"() ({
        %run_scoped3A_908 = tpu.sem_alloc : memref<!tpu.dma_semaphore, #tpu.memory_space<semaphore_mem>>
        %dma_start3A_909 = arith.constant 0 : i32
        %dma_start3A_910 = tpu.memref_slice %arg8[%run_scoped3A_257, %dma_start3A_909] : memref<8x128xi32, #tpu.memory_space<vmem>> -> memref<1x128xi32, #tpu.memory_space<vmem>>
        %dma_start3A_911 = tpu.memref_squeeze %dma_start3A_910 : memref<1x128xi32, #tpu.memory_space<vmem>> -> memref<128xi32, #tpu.memory_space<vmem>>
        %dma_start3A_912 = arith.constant 0 : i32
        %dma_start3A_913 = arith.constant 0 : i32
        %dma_start3A_914 = tpu.memref_slice %arg13[%dma_start3A_912, %dma_start3A_913] : memref<10240x128xf32, #tpu.memory_space<vmem_shared>> -> memref<10240x128xf32, #tpu.memory_space<vmem_shared>>
        tpu.enqueue_indirect_dma source(%arg11 : memref<128x128xf32, #tpu.memory_space<vmem>>) target(%dma_start3A_914 : memref<10240x128xf32, #tpu.memory_space<vmem_shared>>) offsets(%dma_start3A_911 : memref<128xi32, #tpu.memory_space<vmem>>) semaphore(%run_scoped3A_908 : memref<!tpu.dma_semaphore, #tpu.memory_space<semaphore_mem>>) {add = true}
        %dma_wait3A_915 = arith.constant 0 : i32
        %dma_wait3A_916 = tpu.memref_slice %arg8[%run_scoped3A_257, %dma_wait3A_915] : memref<8x128xi32, #tpu.memory_space<vmem>> -> memref<1x128xi32, #tpu.memory_space<vmem>>
        %dma_wait3A_917 = tpu.memref_squeeze %dma_wait3A_916 : memref<1x128xi32, #tpu.memory_space<vmem>> -> memref<128xi32, #tpu.memory_space<vmem>>
        %dma_wait3A_918 = arith.constant 0 : i32
        %dma_wait3A_919 = arith.constant 0 : i32
        %dma_wait3A_920 = tpu.memref_slice %arg13[%dma_wait3A_918, %dma_wait3A_919] : memref<10240x128xf32, #tpu.memory_space<vmem_shared>> -> memref<10240x128xf32, #tpu.memory_space<vmem_shared>>
        tpu.wait_indirect_dma semaphore(%run_scoped3A_908 : memref<!tpu.dma_semaphore, #tpu.memory_space<semaphore_mem>>) src(%arg11 : memref<128x128xf32, #tpu.memory_space<vmem>>) dst(%dma_wait3A_920 : memref<10240x128xf32, #tpu.memory_space<vmem_shared>>)
        tpu.yield
      }) : () -> ()
      %mul3A_258 = arith.constant 16 : i32
      %mul3A_259 = arith.muli %mul3A_258, %scan3A_168 : i32
      %add3A_260 = arith.constant 2 : i32
      %add3A_261 = arith.addi %mul3A_259, %add3A_260 : i32
      %dma_start3A_262 = arith.constant 3 : i32
      %dma_start3A_263 = arith.constant 0 : i32
      %dma_start3A_264 = arith.constant 0 : i32
      %dma_start3A_265 = tpu.memref_slice %arg11[%dma_start3A_263, %dma_start3A_264] : memref<128x128xf32, #tpu.memory_space<vmem>> -> memref<64x128xf32, #tpu.memory_space<vmem>>
      %dma_start3A_266 = arith.constant 0 : i32
      %dma_start3A_267 = tpu.memref_slice %arg6[%dma_start3A_262, %dma_start3A_266] : memref<8x128xi32, #tpu.memory_space<vmem>> -> memref<1x64xi32, #tpu.memory_space<vmem>>
      %dma_start3A_268 = tpu.memref_squeeze %dma_start3A_267 : memref<1x64xi32, #tpu.memory_space<vmem>> -> memref<64xi32, #tpu.memory_space<vmem>>
      %dma_start3A_269 = arith.constant 0 : i32
      %dma_start3A_270 = arith.constant 0 : i32
      %dma_start3A_271 = tpu.memref_slice %arg2[%dma_start3A_269, %dma_start3A_270] : memref<10000x128xf32, #tpu.memory_space<hbm>> -> memref<10000x128xf32, #tpu.memory_space<hbm>>
      tpu.enqueue_indirect_dma source(%dma_start3A_271 : memref<10000x128xf32, #tpu.memory_space<hbm>>) target(%dma_start3A_265 : memref<64x128xf32, #tpu.memory_space<vmem>>) offsets(%dma_start3A_268 : memref<64xi32, #tpu.memory_space<vmem>>) semaphore(%arg15 : memref<!tpu.dma_semaphore, #tpu.memory_space<semaphore_mem>>)
      %dma_start3A_272 = arith.constant 3 : i32
      %dma_start3A_273 = arith.constant 64 : i32
      %dma_start3A_274 = arith.constant 0 : i32
      %dma_start3A_275 = tpu.memref_slice %arg11[%dma_start3A_273, %dma_start3A_274] : memref<128x128xf32, #tpu.memory_space<vmem>> -> memref<64x128xf32, #tpu.memory_space<vmem>>
      %dma_start3A_276 = arith.constant 64 : i32
      %dma_start3A_277 = tpu.memref_slice %arg6[%dma_start3A_272, %dma_start3A_276] : memref<8x128xi32, #tpu.memory_space<vmem>> -> memref<1x64xi32, #tpu.memory_space<vmem>>
      %dma_start3A_278 = tpu.memref_squeeze %dma_start3A_277 : memref<1x64xi32, #tpu.memory_space<vmem>> -> memref<64xi32, #tpu.memory_space<vmem>>
      %dma_start3A_279 = arith.constant 0 : i32
      %dma_start3A_280 = arith.constant 0 : i32
      %dma_start3A_281 = tpu.memref_slice %arg2[%dma_start3A_279, %dma_start3A_280] : memref<10000x128xf32, #tpu.memory_space<hbm>> -> memref<10000x128xf32, #tpu.memory_space<hbm>>
      tpu.enqueue_indirect_dma source(%dma_start3A_281 : memref<10000x128xf32, #tpu.memory_space<hbm>>) target(%dma_start3A_275 : memref<64x128xf32, #tpu.memory_space<vmem>>) offsets(%dma_start3A_278 : memref<64xi32, #tpu.memory_space<vmem>>) semaphore(%arg15 : memref<!tpu.dma_semaphore, #tpu.memory_space<semaphore_mem>>)
      %dma_wait3A_282 = arith.constant 2 : i32
      %dma_wait3A_283 = arith.constant 0 : i32
      %dma_wait3A_284 = arith.constant 0 : i32
      %dma_wait3A_285 = tpu.memref_slice %arg10[%dma_wait3A_283, %dma_wait3A_284] : memref<128x128xf32, #tpu.memory_space<vmem>> -> memref<64x128xf32, #tpu.memory_space<vmem>>
      %dma_wait3A_286 = arith.constant 0 : i32
      %dma_wait3A_287 = tpu.memref_slice %arg6[%dma_wait3A_282, %dma_wait3A_286] : memref<8x128xi32, #tpu.memory_space<vmem>> -> memref<1x64xi32, #tpu.memory_space<vmem>>
      %dma_wait3A_288 = tpu.memref_squeeze %dma_wait3A_287 : memref<1x64xi32, #tpu.memory_space<vmem>> -> memref<64xi32, #tpu.memory_space<vmem>>
      %dma_wait3A_289 = arith.constant 0 : i32
      %dma_wait3A_290 = arith.constant 0 : i32
      %dma_wait3A_291 = tpu.memref_slice %arg2[%dma_wait3A_289, %dma_wait3A_290] : memref<10000x128xf32, #tpu.memory_space<hbm>> -> memref<10000x128xf32, #tpu.memory_space<hbm>>
      tpu.wait_indirect_dma semaphore(%arg14 : memref<!tpu.dma_semaphore, #tpu.memory_space<semaphore_mem>>) src(%dma_wait3A_291 : memref<10000x128xf32, #tpu.memory_space<hbm>>) dst(%dma_wait3A_285 : memref<64x128xf32, #tpu.memory_space<vmem>>)
      %dma_wait3A_292 = arith.constant 2 : i32
      %dma_wait3A_293 = arith.constant 64 : i32
      %dma_wait3A_294 = arith.constant 0 : i32
      %dma_wait3A_295 = tpu.memref_slice %arg10[%dma_wait3A_293, %dma_wait3A_294] : memref<128x128xf32, #tpu.memory_space<vmem>> -> memref<64x128xf32, #tpu.memory_space<vmem>>
      %dma_wait3A_296 = arith.constant 64 : i32
      %dma_wait3A_297 = tpu.memref_slice %arg6[%dma_wait3A_292, %dma_wait3A_296] : memref<8x128xi32, #tpu.memory_space<vmem>> -> memref<1x64xi32, #tpu.memory_space<vmem>>
      %dma_wait3A_298 = tpu.memref_squeeze %dma_wait3A_297 : memref<1x64xi32, #tpu.memory_space<vmem>> -> memref<64xi32, #tpu.memory_space<vmem>>
      %dma_wait3A_299 = arith.constant 0 : i32
      %dma_wait3A_300 = arith.constant 0 : i32
      %dma_wait3A_301 = tpu.memref_slice %arg2[%dma_wait3A_299, %dma_wait3A_300] : memref<10000x128xf32, #tpu.memory_space<hbm>> -> memref<10000x128xf32, #tpu.memory_space<hbm>>
      tpu.wait_indirect_dma semaphore(%arg14 : memref<!tpu.dma_semaphore, #tpu.memory_space<semaphore_mem>>) src(%dma_wait3A_301 : memref<10000x128xf32, #tpu.memory_space<hbm>>) dst(%dma_wait3A_295 : memref<64x128xf32, #tpu.memory_space<vmem>>)
      %run_scoped3A_302 = arith.constant 2 : i32
      "tpu.region"() ({
        %run_scoped3A_908 = tpu.sem_alloc : memref<!tpu.dma_semaphore, #tpu.memory_space<semaphore_mem>>
        %dma_start3A_909 = arith.constant 0 : i32
        %dma_start3A_910 = tpu.memref_slice %arg8[%run_scoped3A_302, %dma_start3A_909] : memref<8x128xi32, #tpu.memory_space<vmem>> -> memref<1x128xi32, #tpu.memory_space<vmem>>
        %dma_start3A_911 = tpu.memref_squeeze %dma_start3A_910 : memref<1x128xi32, #tpu.memory_space<vmem>> -> memref<128xi32, #tpu.memory_space<vmem>>
        %dma_start3A_912 = arith.constant 0 : i32
        %dma_start3A_913 = arith.constant 0 : i32
        %dma_start3A_914 = tpu.memref_slice %arg13[%dma_start3A_912, %dma_start3A_913] : memref<10240x128xf32, #tpu.memory_space<vmem_shared>> -> memref<10240x128xf32, #tpu.memory_space<vmem_shared>>
        tpu.enqueue_indirect_dma source(%arg10 : memref<128x128xf32, #tpu.memory_space<vmem>>) target(%dma_start3A_914 : memref<10240x128xf32, #tpu.memory_space<vmem_shared>>) offsets(%dma_start3A_911 : memref<128xi32, #tpu.memory_space<vmem>>) semaphore(%run_scoped3A_908 : memref<!tpu.dma_semaphore, #tpu.memory_space<semaphore_mem>>) {add = true}
        %dma_wait3A_915 = arith.constant 0 : i32
        %dma_wait3A_916 = tpu.memref_slice %arg8[%run_scoped3A_302, %dma_wait3A_915] : memref<8x128xi32, #tpu.memory_space<vmem>> -> memref<1x128xi32, #tpu.memory_space<vmem>>
        %dma_wait3A_917 = tpu.memref_squeeze %dma_wait3A_916 : memref<1x128xi32, #tpu.memory_space<vmem>> -> memref<128xi32, #tpu.memory_space<vmem>>
        %dma_wait3A_918 = arith.constant 0 : i32
        %dma_wait3A_919 = arith.constant 0 : i32
        %dma_wait3A_920 = tpu.memref_slice %arg13[%dma_wait3A_918, %dma_wait3A_919] : memref<10240x128xf32, #tpu.memory_space<vmem_shared>> -> memref<10240x128xf32, #tpu.memory_space<vmem_shared>>
        tpu.wait_indirect_dma semaphore(%run_scoped3A_908 : memref<!tpu.dma_semaphore, #tpu.memory_space<semaphore_mem>>) src(%arg10 : memref<128x128xf32, #tpu.memory_space<vmem>>) dst(%dma_wait3A_920 : memref<10240x128xf32, #tpu.memory_space<vmem_shared>>)
        tpu.yield
      }) : () -> ()
      %mul3A_303 = arith.constant 16 : i32
      %mul3A_304 = arith.muli %mul3A_303, %scan3A_168 : i32
      %add3A_305 = arith.constant 3 : i32
      %add3A_306 = arith.addi %mul3A_304, %add3A_305 : i32
      %dma_start3A_307 = arith.constant 4 : i32
      %dma_start3A_308 = arith.constant 0 : i32
      %dma_start3A_309 = arith.constant 0 : i32
      %dma_start3A_310 = tpu.memref_slice %arg10[%dma_start3A_308, %dma_start3A_309] : memref<128x128xf32, #tpu.memory_space<vmem>> -> memref<64x128xf32, #tpu.memory_space<vmem>>
      %dma_start3A_311 = arith.constant 0 : i32
      %dma_start3A_312 = tpu.memref_slice %arg6[%dma_start3A_307, %dma_start3A_311] : memref<8x128xi32, #tpu.memory_space<vmem>> -> memref<1x64xi32, #tpu.memory_space<vmem>>
      %dma_start3A_313 = tpu.memref_squeeze %dma_start3A_312 : memref<1x64xi32, #tpu.memory_space<vmem>> -> memref<64xi32, #tpu.memory_space<vmem>>
      %dma_start3A_314 = arith.constant 0 : i32
      %dma_start3A_315 = arith.constant 0 : i32
      %dma_start3A_316 = tpu.memref_slice %arg2[%dma_start3A_314, %dma_start3A_315] : memref<10000x128xf32, #tpu.memory_space<hbm>> -> memref<10000x128xf32, #tpu.memory_space<hbm>>
      tpu.enqueue_indirect_dma source(%dma_start3A_316 : memref<10000x128xf32, #tpu.memory_space<hbm>>) target(%dma_start3A_310 : memref<64x128xf32, #tpu.memory_space<vmem>>) offsets(%dma_start3A_313 : memref<64xi32, #tpu.memory_space<vmem>>) semaphore(%arg14 : memref<!tpu.dma_semaphore, #tpu.memory_space<semaphore_mem>>)
      %dma_start3A_317 = arith.constant 4 : i32
      %dma_start3A_318 = arith.constant 64 : i32
      %dma_start3A_319 = arith.constant 0 : i32
      %dma_start3A_320 = tpu.memref_slice %arg10[%dma_start3A_318, %dma_start3A_319] : memref<128x128xf32, #tpu.memory_space<vmem>> -> memref<64x128xf32, #tpu.memory_space<vmem>>
      %dma_start3A_321 = arith.constant 64 : i32
      %dma_start3A_322 = tpu.memref_slice %arg6[%dma_start3A_317, %dma_start3A_321] : memref<8x128xi32, #tpu.memory_space<vmem>> -> memref<1x64xi32, #tpu.memory_space<vmem>>
      %dma_start3A_323 = tpu.memref_squeeze %dma_start3A_322 : memref<1x64xi32, #tpu.memory_space<vmem>> -> memref<64xi32, #tpu.memory_space<vmem>>
      %dma_start3A_324 = arith.constant 0 : i32
      %dma_start3A_325 = arith.constant 0 : i32
      %dma_start3A_326 = tpu.memref_slice %arg2[%dma_start3A_324, %dma_start3A_325] : memref<10000x128xf32, #tpu.memory_space<hbm>> -> memref<10000x128xf32, #tpu.memory_space<hbm>>
      tpu.enqueue_indirect_dma source(%dma_start3A_326 : memref<10000x128xf32, #tpu.memory_space<hbm>>) target(%dma_start3A_320 : memref<64x128xf32, #tpu.memory_space<vmem>>) offsets(%dma_start3A_323 : memref<64xi32, #tpu.memory_space<vmem>>) semaphore(%arg14 : memref<!tpu.dma_semaphore, #tpu.memory_space<semaphore_mem>>)
      %dma_wait3A_327 = arith.constant 3 : i32
      %dma_wait3A_328 = arith.constant 0 : i32
      %dma_wait3A_329 = arith.constant 0 : i32
      %dma_wait3A_330 = tpu.memref_slice %arg11[%dma_wait3A_328, %dma_wait3A_329] : memref<128x128xf32, #tpu.memory_space<vmem>> -> memref<64x128xf32, #tpu.memory_space<vmem>>
      %dma_wait3A_331 = arith.constant 0 : i32
      %dma_wait3A_332 = tpu.memref_slice %arg6[%dma_wait3A_327, %dma_wait3A_331] : memref<8x128xi32, #tpu.memory_space<vmem>> -> memref<1x64xi32, #tpu.memory_space<vmem>>
      %dma_wait3A_333 = tpu.memref_squeeze %dma_wait3A_332 : memref<1x64xi32, #tpu.memory_space<vmem>> -> memref<64xi32, #tpu.memory_space<vmem>>
      %dma_wait3A_334 = arith.constant 0 : i32
      %dma_wait3A_335 = arith.constant 0 : i32
      %dma_wait3A_336 = tpu.memref_slice %arg2[%dma_wait3A_334, %dma_wait3A_335] : memref<10000x128xf32, #tpu.memory_space<hbm>> -> memref<10000x128xf32, #tpu.memory_space<hbm>>
      tpu.wait_indirect_dma semaphore(%arg15 : memref<!tpu.dma_semaphore, #tpu.memory_space<semaphore_mem>>) src(%dma_wait3A_336 : memref<10000x128xf32, #tpu.memory_space<hbm>>) dst(%dma_wait3A_330 : memref<64x128xf32, #tpu.memory_space<vmem>>)
      %dma_wait3A_337 = arith.constant 3 : i32
      %dma_wait3A_338 = arith.constant 64 : i32
      %dma_wait3A_339 = arith.constant 0 : i32
      %dma_wait3A_340 = tpu.memref_slice %arg11[%dma_wait3A_338, %dma_wait3A_339] : memref<128x128xf32, #tpu.memory_space<vmem>> -> memref<64x128xf32, #tpu.memory_space<vmem>>
      %dma_wait3A_341 = arith.constant 64 : i32
      %dma_wait3A_342 = tpu.memref_slice %arg6[%dma_wait3A_337, %dma_wait3A_341] : memref<8x128xi32, #tpu.memory_space<vmem>> -> memref<1x64xi32, #tpu.memory_space<vmem>>
      %dma_wait3A_343 = tpu.memref_squeeze %dma_wait3A_342 : memref<1x64xi32, #tpu.memory_space<vmem>> -> memref<64xi32, #tpu.memory_space<vmem>>
      %dma_wait3A_344 = arith.constant 0 : i32
      %dma_wait3A_345 = arith.constant 0 : i32
      %dma_wait3A_346 = tpu.memref_slice %arg2[%dma_wait3A_344, %dma_wait3A_345] : memref<10000x128xf32, #tpu.memory_space<hbm>> -> memref<10000x128xf32, #tpu.memory_space<hbm>>
      tpu.wait_indirect_dma semaphore(%arg15 : memref<!tpu.dma_semaphore, #tpu.memory_space<semaphore_mem>>) src(%dma_wait3A_346 : memref<10000x128xf32, #tpu.memory_space<hbm>>) dst(%dma_wait3A_340 : memref<64x128xf32, #tpu.memory_space<vmem>>)
      %run_scoped3A_347 = arith.constant 3 : i32
      "tpu.region"() ({
        %run_scoped3A_908 = tpu.sem_alloc : memref<!tpu.dma_semaphore, #tpu.memory_space<semaphore_mem>>
        %dma_start3A_909 = arith.constant 0 : i32
        %dma_start3A_910 = tpu.memref_slice %arg8[%run_scoped3A_347, %dma_start3A_909] : memref<8x128xi32, #tpu.memory_space<vmem>> -> memref<1x128xi32, #tpu.memory_space<vmem>>
        %dma_start3A_911 = tpu.memref_squeeze %dma_start3A_910 : memref<1x128xi32, #tpu.memory_space<vmem>> -> memref<128xi32, #tpu.memory_space<vmem>>
        %dma_start3A_912 = arith.constant 0 : i32
        %dma_start3A_913 = arith.constant 0 : i32
        %dma_start3A_914 = tpu.memref_slice %arg13[%dma_start3A_912, %dma_start3A_913] : memref<10240x128xf32, #tpu.memory_space<vmem_shared>> -> memref<10240x128xf32, #tpu.memory_space<vmem_shared>>
        tpu.enqueue_indirect_dma source(%arg11 : memref<128x128xf32, #tpu.memory_space<vmem>>) target(%dma_start3A_914 : memref<10240x128xf32, #tpu.memory_space<vmem_shared>>) offsets(%dma_start3A_911 : memref<128xi32, #tpu.memory_space<vmem>>) semaphore(%run_scoped3A_908 : memref<!tpu.dma_semaphore, #tpu.memory_space<semaphore_mem>>) {add = true}
        %dma_wait3A_915 = arith.constant 0 : i32
        %dma_wait3A_916 = tpu.memref_slice %arg8[%run_scoped3A_347, %dma_wait3A_915] : memref<8x128xi32, #tpu.memory_space<vmem>> -> memref<1x128xi32, #tpu.memory_space<vmem>>
        %dma_wait3A_917 = tpu.memref_squeeze %dma_wait3A_916 : memref<1x128xi32, #tpu.memory_space<vmem>> -> memref<128xi32, #tpu.memory_space<vmem>>
        %dma_wait3A_918 = arith.constant 0 : i32
        %dma_wait3A_919 = arith.constant 0 : i32
        %dma_wait3A_920 = tpu.memref_slice %arg13[%dma_wait3A_918, %dma_wait3A_919] : memref<10240x128xf32, #tpu.memory_space<vmem_shared>> -> memref<10240x128xf32, #tpu.memory_space<vmem_shared>>
        tpu.wait_indirect_dma semaphore(%run_scoped3A_908 : memref<!tpu.dma_semaphore, #tpu.memory_space<semaphore_mem>>) src(%arg11 : memref<128x128xf32, #tpu.memory_space<vmem>>) dst(%dma_wait3A_920 : memref<10240x128xf32, #tpu.memory_space<vmem_shared>>)
        tpu.yield
      }) : () -> ()
      %mul3A_348 = arith.constant 16 : i32
      %mul3A_349 = arith.muli %mul3A_348, %scan3A_168 : i32
      %add3A_350 = arith.constant 4 : i32
      %add3A_351 = arith.addi %mul3A_349, %add3A_350 : i32
      %dma_start3A_352 = arith.constant 5 : i32
      %dma_start3A_353 = arith.constant 0 : i32
      %dma_start3A_354 = arith.constant 0 : i32
      %dma_start3A_355 = tpu.memref_slice %arg11[%dma_start3A_353, %dma_start3A_354] : memref<128x128xf32, #tpu.memory_space<vmem>> -> memref<64x128xf32, #tpu.memory_space<vmem>>
      %dma_start3A_356 = arith.constant 0 : i32
      %dma_start3A_357 = tpu.memref_slice %arg6[%dma_start3A_352, %dma_start3A_356] : memref<8x128xi32, #tpu.memory_space<vmem>> -> memref<1x64xi32, #tpu.memory_space<vmem>>
      %dma_start3A_358 = tpu.memref_squeeze %dma_start3A_357 : memref<1x64xi32, #tpu.memory_space<vmem>> -> memref<64xi32, #tpu.memory_space<vmem>>
      %dma_start3A_359 = arith.constant 0 : i32
      %dma_start3A_360 = arith.constant 0 : i32
      %dma_start3A_361 = tpu.memref_slice %arg2[%dma_start3A_359, %dma_start3A_360] : memref<10000x128xf32, #tpu.memory_space<hbm>> -> memref<10000x128xf32, #tpu.memory_space<hbm>>
      tpu.enqueue_indirect_dma source(%dma_start3A_361 : memref<10000x128xf32, #tpu.memory_space<hbm>>) target(%dma_start3A_355 : memref<64x128xf32, #tpu.memory_space<vmem>>) offsets(%dma_start3A_358 : memref<64xi32, #tpu.memory_space<vmem>>) semaphore(%arg15 : memref<!tpu.dma_semaphore, #tpu.memory_space<semaphore_mem>>)
      %dma_start3A_362 = arith.constant 5 : i32
      %dma_start3A_363 = arith.constant 64 : i32
      %dma_start3A_364 = arith.constant 0 : i32
      %dma_start3A_365 = tpu.memref_slice %arg11[%dma_start3A_363, %dma_start3A_364] : memref<128x128xf32, #tpu.memory_space<vmem>> -> memref<64x128xf32, #tpu.memory_space<vmem>>
      %dma_start3A_366 = arith.constant 64 : i32
      %dma_start3A_367 = tpu.memref_slice %arg6[%dma_start3A_362, %dma_start3A_366] : memref<8x128xi32, #tpu.memory_space<vmem>> -> memref<1x64xi32, #tpu.memory_space<vmem>>
      %dma_start3A_368 = tpu.memref_squeeze %dma_start3A_367 : memref<1x64xi32, #tpu.memory_space<vmem>> -> memref<64xi32, #tpu.memory_space<vmem>>
      %dma_start3A_369 = arith.constant 0 : i32
      %dma_start3A_370 = arith.constant 0 : i32
      %dma_start3A_371 = tpu.memref_slice %arg2[%dma_start3A_369, %dma_start3A_370] : memref<10000x128xf32, #tpu.memory_space<hbm>> -> memref<10000x128xf32, #tpu.memory_space<hbm>>
      tpu.enqueue_indirect_dma source(%dma_start3A_371 : memref<10000x128xf32, #tpu.memory_space<hbm>>) target(%dma_start3A_365 : memref<64x128xf32, #tpu.memory_space<vmem>>) offsets(%dma_start3A_368 : memref<64xi32, #tpu.memory_space<vmem>>) semaphore(%arg15 : memref<!tpu.dma_semaphore, #tpu.memory_space<semaphore_mem>>)
      %dma_wait3A_372 = arith.constant 4 : i32
      %dma_wait3A_373 = arith.constant 0 : i32
      %dma_wait3A_374 = arith.constant 0 : i32
      %dma_wait3A_375 = tpu.memref_slice %arg10[%dma_wait3A_373, %dma_wait3A_374] : memref<128x128xf32, #tpu.memory_space<vmem>> -> memref<64x128xf32, #tpu.memory_space<vmem>>
      %dma_wait3A_376 = arith.constant 0 : i32
      %dma_wait3A_377 = tpu.memref_slice %arg6[%dma_wait3A_372, %dma_wait3A_376] : memref<8x128xi32, #tpu.memory_space<vmem>> -> memref<1x64xi32, #tpu.memory_space<vmem>>
      %dma_wait3A_378 = tpu.memref_squeeze %dma_wait3A_377 : memref<1x64xi32, #tpu.memory_space<vmem>> -> memref<64xi32, #tpu.memory_space<vmem>>
      %dma_wait3A_379 = arith.constant 0 : i32
      %dma_wait3A_380 = arith.constant 0 : i32
      %dma_wait3A_381 = tpu.memref_slice %arg2[%dma_wait3A_379, %dma_wait3A_380] : memref<10000x128xf32, #tpu.memory_space<hbm>> -> memref<10000x128xf32, #tpu.memory_space<hbm>>
      tpu.wait_indirect_dma semaphore(%arg14 : memref<!tpu.dma_semaphore, #tpu.memory_space<semaphore_mem>>) src(%dma_wait3A_381 : memref<10000x128xf32, #tpu.memory_space<hbm>>) dst(%dma_wait3A_375 : memref<64x128xf32, #tpu.memory_space<vmem>>)
      %dma_wait3A_382 = arith.constant 4 : i32
      %dma_wait3A_383 = arith.constant 64 : i32
      %dma_wait3A_384 = arith.constant 0 : i32
      %dma_wait3A_385 = tpu.memref_slice %arg10[%dma_wait3A_383, %dma_wait3A_384] : memref<128x128xf32, #tpu.memory_space<vmem>> -> memref<64x128xf32, #tpu.memory_space<vmem>>
      %dma_wait3A_386 = arith.constant 64 : i32
      %dma_wait3A_387 = tpu.memref_slice %arg6[%dma_wait3A_382, %dma_wait3A_386] : memref<8x128xi32, #tpu.memory_space<vmem>> -> memref<1x64xi32, #tpu.memory_space<vmem>>
      %dma_wait3A_388 = tpu.memref_squeeze %dma_wait3A_387 : memref<1x64xi32, #tpu.memory_space<vmem>> -> memref<64xi32, #tpu.memory_space<vmem>>
      %dma_wait3A_389 = arith.constant 0 : i32
      %dma_wait3A_390 = arith.constant 0 : i32
      %dma_wait3A_391 = tpu.memref_slice %arg2[%dma_wait3A_389, %dma_wait3A_390] : memref<10000x128xf32, #tpu.memory_space<hbm>> -> memref<10000x128xf32, #tpu.memory_space<hbm>>
      tpu.wait_indirect_dma semaphore(%arg14 : memref<!tpu.dma_semaphore, #tpu.memory_space<semaphore_mem>>) src(%dma_wait3A_391 : memref<10000x128xf32, #tpu.memory_space<hbm>>) dst(%dma_wait3A_385 : memref<64x128xf32, #tpu.memory_space<vmem>>)
      %run_scoped3A_392 = arith.constant 4 : i32
      "tpu.region"() ({
        %run_scoped3A_908 = tpu.sem_alloc : memref<!tpu.dma_semaphore, #tpu.memory_space<semaphore_mem>>
        %dma_start3A_909 = arith.constant 0 : i32
        %dma_start3A_910 = tpu.memref_slice %arg8[%run_scoped3A_392, %dma_start3A_909] : memref<8x128xi32, #tpu.memory_space<vmem>> -> memref<1x128xi32, #tpu.memory_space<vmem>>
        %dma_start3A_911 = tpu.memref_squeeze %dma_start3A_910 : memref<1x128xi32, #tpu.memory_space<vmem>> -> memref<128xi32, #tpu.memory_space<vmem>>
        %dma_start3A_912 = arith.constant 0 : i32
        %dma_start3A_913 = arith.constant 0 : i32
        %dma_start3A_914 = tpu.memref_slice %arg13[%dma_start3A_912, %dma_start3A_913] : memref<10240x128xf32, #tpu.memory_space<vmem_shared>> -> memref<10240x128xf32, #tpu.memory_space<vmem_shared>>
        tpu.enqueue_indirect_dma source(%arg10 : memref<128x128xf32, #tpu.memory_space<vmem>>) target(%dma_start3A_914 : memref<10240x128xf32, #tpu.memory_space<vmem_shared>>) offsets(%dma_start3A_911 : memref<128xi32, #tpu.memory_space<vmem>>) semaphore(%run_scoped3A_908 : memref<!tpu.dma_semaphore, #tpu.memory_space<semaphore_mem>>) {add = true}
        %dma_wait3A_915 = arith.constant 0 : i32
        %dma_wait3A_916 = tpu.memref_slice %arg8[%run_scoped3A_392, %dma_wait3A_915] : memref<8x128xi32, #tpu.memory_space<vmem>> -> memref<1x128xi32, #tpu.memory_space<vmem>>
        %dma_wait3A_917 = tpu.memref_squeeze %dma_wait3A_916 : memref<1x128xi32, #tpu.memory_space<vmem>> -> memref<128xi32, #tpu.memory_space<vmem>>
        %dma_wait3A_918 = arith.constant 0 : i32
        %dma_wait3A_919 = arith.constant 0 : i32
        %dma_wait3A_920 = tpu.memref_slice %arg13[%dma_wait3A_918, %dma_wait3A_919] : memref<10240x128xf32, #tpu.memory_space<vmem_shared>> -> memref<10240x128xf32, #tpu.memory_space<vmem_shared>>
        tpu.wait_indirect_dma semaphore(%run_scoped3A_908 : memref<!tpu.dma_semaphore, #tpu.memory_space<semaphore_mem>>) src(%arg10 : memref<128x128xf32, #tpu.memory_space<vmem>>) dst(%dma_wait3A_920 : memref<10240x128xf32, #tpu.memory_space<vmem_shared>>)
        tpu.yield
      }) : () -> ()
      %mul3A_393 = arith.constant 16 : i32
      %mul3A_394 = arith.muli %mul3A_393, %scan3A_168 : i32
      %add3A_395 = arith.constant 5 : i32
      %add3A_396 = arith.addi %mul3A_394, %add3A_395 : i32
      %dma_start3A_397 = arith.constant 6 : i32
      %dma_start3A_398 = arith.constant 0 : i32
      %dma_start3A_399 = arith.constant 0 : i32
      %dma_start3A_400 = tpu.memref_slice %arg10[%dma_start3A_398, %dma_start3A_399] : memref<128x128xf32, #tpu.memory_space<vmem>> -> memref<64x128xf32, #tpu.memory_space<vmem>>
      %dma_start3A_401 = arith.constant 0 : i32
      %dma_start3A_402 = tpu.memref_slice %arg6[%dma_start3A_397, %dma_start3A_401] : memref<8x128xi32, #tpu.memory_space<vmem>> -> memref<1x64xi32, #tpu.memory_space<vmem>>
      %dma_start3A_403 = tpu.memref_squeeze %dma_start3A_402 : memref<1x64xi32, #tpu.memory_space<vmem>> -> memref<64xi32, #tpu.memory_space<vmem>>
      %dma_start3A_404 = arith.constant 0 : i32
      %dma_start3A_405 = arith.constant 0 : i32
      %dma_start3A_406 = tpu.memref_slice %arg2[%dma_start3A_404, %dma_start3A_405] : memref<10000x128xf32, #tpu.memory_space<hbm>> -> memref<10000x128xf32, #tpu.memory_space<hbm>>
      tpu.enqueue_indirect_dma source(%dma_start3A_406 : memref<10000x128xf32, #tpu.memory_space<hbm>>) target(%dma_start3A_400 : memref<64x128xf32, #tpu.memory_space<vmem>>) offsets(%dma_start3A_403 : memref<64xi32, #tpu.memory_space<vmem>>) semaphore(%arg14 : memref<!tpu.dma_semaphore, #tpu.memory_space<semaphore_mem>>)
      %dma_start3A_407 = arith.constant 6 : i32
      %dma_start3A_408 = arith.constant 64 : i32
      %dma_start3A_409 = arith.constant 0 : i32
      %dma_start3A_410 = tpu.memref_slice %arg10[%dma_start3A_408, %dma_start3A_409] : memref<128x128xf32, #tpu.memory_space<vmem>> -> memref<64x128xf32, #tpu.memory_space<vmem>>
      %dma_start3A_411 = arith.constant 64 : i32
      %dma_start3A_412 = tpu.memref_slice %arg6[%dma_start3A_407, %dma_start3A_411] : memref<8x128xi32, #tpu.memory_space<vmem>> -> memref<1x64xi32, #tpu.memory_space<vmem>>
      %dma_start3A_413 = tpu.memref_squeeze %dma_start3A_412 : memref<1x64xi32, #tpu.memory_space<vmem>> -> memref<64xi32, #tpu.memory_space<vmem>>
      %dma_start3A_414 = arith.constant 0 : i32
      %dma_start3A_415 = arith.constant 0 : i32
      %dma_start3A_416 = tpu.memref_slice %arg2[%dma_start3A_414, %dma_start3A_415] : memref<10000x128xf32, #tpu.memory_space<hbm>> -> memref<10000x128xf32, #tpu.memory_space<hbm>>
      tpu.enqueue_indirect_dma source(%dma_start3A_416 : memref<10000x128xf32, #tpu.memory_space<hbm>>) target(%dma_start3A_410 : memref<64x128xf32, #tpu.memory_space<vmem>>) offsets(%dma_start3A_413 : memref<64xi32, #tpu.memory_space<vmem>>) semaphore(%arg14 : memref<!tpu.dma_semaphore, #tpu.memory_space<semaphore_mem>>)
      %dma_wait3A_417 = arith.constant 5 : i32
      %dma_wait3A_418 = arith.constant 0 : i32
      %dma_wait3A_419 = arith.constant 0 : i32
      %dma_wait3A_420 = tpu.memref_slice %arg11[%dma_wait3A_418, %dma_wait3A_419] : memref<128x128xf32, #tpu.memory_space<vmem>> -> memref<64x128xf32, #tpu.memory_space<vmem>>
      %dma_wait3A_421 = arith.constant 0 : i32
      %dma_wait3A_422 = tpu.memref_slice %arg6[%dma_wait3A_417, %dma_wait3A_421] : memref<8x128xi32, #tpu.memory_space<vmem>> -> memref<1x64xi32, #tpu.memory_space<vmem>>
      %dma_wait3A_423 = tpu.memref_squeeze %dma_wait3A_422 : memref<1x64xi32, #tpu.memory_space<vmem>> -> memref<64xi32, #tpu.memory_space<vmem>>
      %dma_wait3A_424 = arith.constant 0 : i32
      %dma_wait3A_425 = arith.constant 0 : i32
      %dma_wait3A_426 = tpu.memref_slice %arg2[%dma_wait3A_424, %dma_wait3A_425] : memref<10000x128xf32, #tpu.memory_space<hbm>> -> memref<10000x128xf32, #tpu.memory_space<hbm>>
      tpu.wait_indirect_dma semaphore(%arg15 : memref<!tpu.dma_semaphore, #tpu.memory_space<semaphore_mem>>) src(%dma_wait3A_426 : memref<10000x128xf32, #tpu.memory_space<hbm>>) dst(%dma_wait3A_420 : memref<64x128xf32, #tpu.memory_space<vmem>>)
      %dma_wait3A_427 = arith.constant 5 : i32
      %dma_wait3A_428 = arith.constant 64 : i32
      %dma_wait3A_429 = arith.constant 0 : i32
      %dma_wait3A_430 = tpu.memref_slice %arg11[%dma_wait3A_428, %dma_wait3A_429] : memref<128x128xf32, #tpu.memory_space<vmem>> -> memref<64x128xf32, #tpu.memory_space<vmem>>
      %dma_wait3A_431 = arith.constant 64 : i32
      %dma_wait3A_432 = tpu.memref_slice %arg6[%dma_wait3A_427, %dma_wait3A_431] : memref<8x128xi32, #tpu.memory_space<vmem>> -> memref<1x64xi32, #tpu.memory_space<vmem>>
      %dma_wait3A_433 = tpu.memref_squeeze %dma_wait3A_432 : memref<1x64xi32, #tpu.memory_space<vmem>> -> memref<64xi32, #tpu.memory_space<vmem>>
      %dma_wait3A_434 = arith.constant 0 : i32
      %dma_wait3A_435 = arith.constant 0 : i32
      %dma_wait3A_436 = tpu.memref_slice %arg2[%dma_wait3A_434, %dma_wait3A_435] : memref<10000x128xf32, #tpu.memory_space<hbm>> -> memref<10000x128xf32, #tpu.memory_space<hbm>>
      tpu.wait_indirect_dma semaphore(%arg15 : memref<!tpu.dma_semaphore, #tpu.memory_space<semaphore_mem>>) src(%dma_wait3A_436 : memref<10000x128xf32, #tpu.memory_space<hbm>>) dst(%dma_wait3A_430 : memref<64x128xf32, #tpu.memory_space<vmem>>)
      %run_scoped3A_437 = arith.constant 5 : i32
      "tpu.region"() ({
        %run_scoped3A_908 = tpu.sem_alloc : memref<!tpu.dma_semaphore, #tpu.memory_space<semaphore_mem>>
        %dma_start3A_909 = arith.constant 0 : i32
        %dma_start3A_910 = tpu.memref_slice %arg8[%run_scoped3A_437, %dma_start3A_909] : memref<8x128xi32, #tpu.memory_space<vmem>> -> memref<1x128xi32, #tpu.memory_space<vmem>>
        %dma_start3A_911 = tpu.memref_squeeze %dma_start3A_910 : memref<1x128xi32, #tpu.memory_space<vmem>> -> memref<128xi32, #tpu.memory_space<vmem>>
        %dma_start3A_912 = arith.constant 0 : i32
        %dma_start3A_913 = arith.constant 0 : i32
        %dma_start3A_914 = tpu.memref_slice %arg13[%dma_start3A_912, %dma_start3A_913] : memref<10240x128xf32, #tpu.memory_space<vmem_shared>> -> memref<10240x128xf32, #tpu.memory_space<vmem_shared>>
        tpu.enqueue_indirect_dma source(%arg11 : memref<128x128xf32, #tpu.memory_space<vmem>>) target(%dma_start3A_914 : memref<10240x128xf32, #tpu.memory_space<vmem_shared>>) offsets(%dma_start3A_911 : memref<128xi32, #tpu.memory_space<vmem>>) semaphore(%run_scoped3A_908 : memref<!tpu.dma_semaphore, #tpu.memory_space<semaphore_mem>>) {add = true}
        %dma_wait3A_915 = arith.constant 0 : i32
        %dma_wait3A_916 = tpu.memref_slice %arg8[%run_scoped3A_437, %dma_wait3A_915] : memref<8x128xi32, #tpu.memory_space<vmem>> -> memref<1x128xi32, #tpu.memory_space<vmem>>
        %dma_wait3A_917 = tpu.memref_squeeze %dma_wait3A_916 : memref<1x128xi32, #tpu.memory_space<vmem>> -> memref<128xi32, #tpu.memory_space<vmem>>
        %dma_wait3A_918 = arith.constant 0 : i32
        %dma_wait3A_919 = arith.constant 0 : i32
        %dma_wait3A_920 = tpu.memref_slice %arg13[%dma_wait3A_918, %dma_wait3A_919] : memref<10240x128xf32, #tpu.memory_space<vmem_shared>> -> memref<10240x128xf32, #tpu.memory_space<vmem_shared>>
        tpu.wait_indirect_dma semaphore(%run_scoped3A_908 : memref<!tpu.dma_semaphore, #tpu.memory_space<semaphore_mem>>) src(%arg11 : memref<128x128xf32, #tpu.memory_space<vmem>>) dst(%dma_wait3A_920 : memref<10240x128xf32, #tpu.memory_space<vmem_shared>>)
        tpu.yield
      }) : () -> ()
      %mul3A_438 = arith.constant 16 : i32
      %mul3A_439 = arith.muli %mul3A_438, %scan3A_168 : i32
      %add3A_440 = arith.constant 6 : i32
      %add3A_441 = arith.addi %mul3A_439, %add3A_440 : i32
      %dma_start3A_442 = arith.constant 7 : i32
      %dma_start3A_443 = arith.constant 0 : i32
      %dma_start3A_444 = arith.constant 0 : i32
      %dma_start3A_445 = tpu.memref_slice %arg11[%dma_start3A_443, %dma_start3A_444] : memref<128x128xf32, #tpu.memory_space<vmem>> -> memref<64x128xf32, #tpu.memory_space<vmem>>
      %dma_start3A_446 = arith.constant 0 : i32
      %dma_start3A_447 = tpu.memref_slice %arg6[%dma_start3A_442, %dma_start3A_446] : memref<8x128xi32, #tpu.memory_space<vmem>> -> memref<1x64xi32, #tpu.memory_space<vmem>>
      %dma_start3A_448 = tpu.memref_squeeze %dma_start3A_447 : memref<1x64xi32, #tpu.memory_space<vmem>> -> memref<64xi32, #tpu.memory_space<vmem>>
      %dma_start3A_449 = arith.constant 0 : i32
      %dma_start3A_450 = arith.constant 0 : i32
      %dma_start3A_451 = tpu.memref_slice %arg2[%dma_start3A_449, %dma_start3A_450] : memref<10000x128xf32, #tpu.memory_space<hbm>> -> memref<10000x128xf32, #tpu.memory_space<hbm>>
      tpu.enqueue_indirect_dma source(%dma_start3A_451 : memref<10000x128xf32, #tpu.memory_space<hbm>>) target(%dma_start3A_445 : memref<64x128xf32, #tpu.memory_space<vmem>>) offsets(%dma_start3A_448 : memref<64xi32, #tpu.memory_space<vmem>>) semaphore(%arg15 : memref<!tpu.dma_semaphore, #tpu.memory_space<semaphore_mem>>)
      %dma_start3A_452 = arith.constant 7 : i32
      %dma_start3A_453 = arith.constant 64 : i32
      %dma_start3A_454 = arith.constant 0 : i32
      %dma_start3A_455 = tpu.memref_slice %arg11[%dma_start3A_453, %dma_start3A_454] : memref<128x128xf32, #tpu.memory_space<vmem>> -> memref<64x128xf32, #tpu.memory_space<vmem>>
      %dma_start3A_456 = arith.constant 64 : i32
      %dma_start3A_457 = tpu.memref_slice %arg6[%dma_start3A_452, %dma_start3A_456] : memref<8x128xi32, #tpu.memory_space<vmem>> -> memref<1x64xi32, #tpu.memory_space<vmem>>
      %dma_start3A_458 = tpu.memref_squeeze %dma_start3A_457 : memref<1x64xi32, #tpu.memory_space<vmem>> -> memref<64xi32, #tpu.memory_space<vmem>>
      %dma_start3A_459 = arith.constant 0 : i32
      %dma_start3A_460 = arith.constant 0 : i32
      %dma_start3A_461 = tpu.memref_slice %arg2[%dma_start3A_459, %dma_start3A_460] : memref<10000x128xf32, #tpu.memory_space<hbm>> -> memref<10000x128xf32, #tpu.memory_space<hbm>>
      tpu.enqueue_indirect_dma source(%dma_start3A_461 : memref<10000x128xf32, #tpu.memory_space<hbm>>) target(%dma_start3A_455 : memref<64x128xf32, #tpu.memory_space<vmem>>) offsets(%dma_start3A_458 : memref<64xi32, #tpu.memory_space<vmem>>) semaphore(%arg15 : memref<!tpu.dma_semaphore, #tpu.memory_space<semaphore_mem>>)
      %dma_wait3A_462 = arith.constant 6 : i32
      %dma_wait3A_463 = arith.constant 0 : i32
      %dma_wait3A_464 = arith.constant 0 : i32
      %dma_wait3A_465 = tpu.memref_slice %arg10[%dma_wait3A_463, %dma_wait3A_464] : memref<128x128xf32, #tpu.memory_space<vmem>> -> memref<64x128xf32, #tpu.memory_space<vmem>>
      %dma_wait3A_466 = arith.constant 0 : i32
      %dma_wait3A_467 = tpu.memref_slice %arg6[%dma_wait3A_462, %dma_wait3A_466] : memref<8x128xi32, #tpu.memory_space<vmem>> -> memref<1x64xi32, #tpu.memory_space<vmem>>
      %dma_wait3A_468 = tpu.memref_squeeze %dma_wait3A_467 : memref<1x64xi32, #tpu.memory_space<vmem>> -> memref<64xi32, #tpu.memory_space<vmem>>
      %dma_wait3A_469 = arith.constant 0 : i32
      %dma_wait3A_470 = arith.constant 0 : i32
      %dma_wait3A_471 = tpu.memref_slice %arg2[%dma_wait3A_469, %dma_wait3A_470] : memref<10000x128xf32, #tpu.memory_space<hbm>> -> memref<10000x128xf32, #tpu.memory_space<hbm>>
      tpu.wait_indirect_dma semaphore(%arg14 : memref<!tpu.dma_semaphore, #tpu.memory_space<semaphore_mem>>) src(%dma_wait3A_471 : memref<10000x128xf32, #tpu.memory_space<hbm>>) dst(%dma_wait3A_465 : memref<64x128xf32, #tpu.memory_space<vmem>>)
      %dma_wait3A_472 = arith.constant 6 : i32
      %dma_wait3A_473 = arith.constant 64 : i32
      %dma_wait3A_474 = arith.constant 0 : i32
      %dma_wait3A_475 = tpu.memref_slice %arg10[%dma_wait3A_473, %dma_wait3A_474] : memref<128x128xf32, #tpu.memory_space<vmem>> -> memref<64x128xf32, #tpu.memory_space<vmem>>
      %dma_wait3A_476 = arith.constant 64 : i32
      %dma_wait3A_477 = tpu.memref_slice %arg6[%dma_wait3A_472, %dma_wait3A_476] : memref<8x128xi32, #tpu.memory_space<vmem>> -> memref<1x64xi32, #tpu.memory_space<vmem>>
      %dma_wait3A_478 = tpu.memref_squeeze %dma_wait3A_477 : memref<1x64xi32, #tpu.memory_space<vmem>> -> memref<64xi32, #tpu.memory_space<vmem>>
      %dma_wait3A_479 = arith.constant 0 : i32
      %dma_wait3A_480 = arith.constant 0 : i32
      %dma_wait3A_481 = tpu.memref_slice %arg2[%dma_wait3A_479, %dma_wait3A_480] : memref<10000x128xf32, #tpu.memory_space<hbm>> -> memref<10000x128xf32, #tpu.memory_space<hbm>>
      tpu.wait_indirect_dma semaphore(%arg14 : memref<!tpu.dma_semaphore, #tpu.memory_space<semaphore_mem>>) src(%dma_wait3A_481 : memref<10000x128xf32, #tpu.memory_space<hbm>>) dst(%dma_wait3A_475 : memref<64x128xf32, #tpu.memory_space<vmem>>)
      %run_scoped3A_482 = arith.constant 6 : i32
      "tpu.region"() ({
        %run_scoped3A_908 = tpu.sem_alloc : memref<!tpu.dma_semaphore, #tpu.memory_space<semaphore_mem>>
        %dma_start3A_909 = arith.constant 0 : i32
        %dma_start3A_910 = tpu.memref_slice %arg8[%run_scoped3A_482, %dma_start3A_909] : memref<8x128xi32, #tpu.memory_space<vmem>> -> memref<1x128xi32, #tpu.memory_space<vmem>>
        %dma_start3A_911 = tpu.memref_squeeze %dma_start3A_910 : memref<1x128xi32, #tpu.memory_space<vmem>> -> memref<128xi32, #tpu.memory_space<vmem>>
        %dma_start3A_912 = arith.constant 0 : i32
        %dma_start3A_913 = arith.constant 0 : i32
        %dma_start3A_914 = tpu.memref_slice %arg13[%dma_start3A_912, %dma_start3A_913] : memref<10240x128xf32, #tpu.memory_space<vmem_shared>> -> memref<10240x128xf32, #tpu.memory_space<vmem_shared>>
        tpu.enqueue_indirect_dma source(%arg10 : memref<128x128xf32, #tpu.memory_space<vmem>>) target(%dma_start3A_914 : memref<10240x128xf32, #tpu.memory_space<vmem_shared>>) offsets(%dma_start3A_911 : memref<128xi32, #tpu.memory_space<vmem>>) semaphore(%run_scoped3A_908 : memref<!tpu.dma_semaphore, #tpu.memory_space<semaphore_mem>>) {add = true}
        %dma_wait3A_915 = arith.constant 0 : i32
        %dma_wait3A_916 = tpu.memref_slice %arg8[%run_scoped3A_482, %dma_wait3A_915] : memref<8x128xi32, #tpu.memory_space<vmem>> -> memref<1x128xi32, #tpu.memory_space<vmem>>
        %dma_wait3A_917 = tpu.memref_squeeze %dma_wait3A_916 : memref<1x128xi32, #tpu.memory_space<vmem>> -> memref<128xi32, #tpu.memory_space<vmem>>
        %dma_wait3A_918 = arith.constant 0 : i32
        %dma_wait3A_919 = arith.constant 0 : i32
        %dma_wait3A_920 = tpu.memref_slice %arg13[%dma_wait3A_918, %dma_wait3A_919] : memref<10240x128xf32, #tpu.memory_space<vmem_shared>> -> memref<10240x128xf32, #tpu.memory_space<vmem_shared>>
        tpu.wait_indirect_dma semaphore(%run_scoped3A_908 : memref<!tpu.dma_semaphore, #tpu.memory_space<semaphore_mem>>) src(%arg10 : memref<128x128xf32, #tpu.memory_space<vmem>>) dst(%dma_wait3A_920 : memref<10240x128xf32, #tpu.memory_space<vmem_shared>>)
        tpu.yield
      }) : () -> ()
      %mul3A_483 = arith.constant 16 : i32
      %mul3A_484 = arith.muli %mul3A_483, %scan3A_168 : i32
      %add3A_485 = arith.constant 7 : i32
      %add3A_486 = arith.addi %mul3A_484, %add3A_485 : i32
      %mul3A_487 = arith.constant 2 : i32
      %mul3A_488 = arith.muli %mul3A_487, %scan3A_168 : i32
      %add3A_489 = arith.constant 1 : i32
      %add3A_490 = arith.addi %mul3A_488, %add3A_489 : i32
      %mul3A_491 = arith.constant 8 : i32
      %mul3A_492 = arith.muli %add3A_490, %mul3A_491 : i32
      %add3A_493 = arith.addi %mul3A_128, %mul3A_492 : i32
      %dma_wait3A_494 = arith.constant 0 : i32
      %dma_wait3A_495 = tpu.memref_slice %arg3[%add3A_493, %dma_wait3A_494] : memref<2560x128xi32, #tpu.memory_space<hbm>> -> memref<8x128xi32, #tpu.memory_space<hbm>>
      %dma_wait3A_496 = arith.constant 0 : i32
      %dma_wait3A_497 = tpu.memref_slice %arg3[%add3A_493, %dma_wait3A_496] : memref<2560x128xi32, #tpu.memory_space<hbm>> -> memref<8x128xi32, #tpu.memory_space<hbm>>
      tpu.wait_dma2 semaphore(%arg17 : memref<!tpu.dma_semaphore, #tpu.memory_space<semaphore_mem>>) src(%dma_wait3A_497 : memref<8x128xi32, #tpu.memory_space<hbm>>) dst(%arg7 : memref<8x128xi32, #tpu.memory_space<vmem>>)
      %mul3A_498 = arith.constant 8 : i32
      %mul3A_499 = arith.muli %add3A_490, %mul3A_498 : i32
      %add3A_500 = arith.addi %mul3A_128, %mul3A_499 : i32
      %dma_wait3A_501 = arith.constant 0 : i32
      %dma_wait3A_502 = tpu.memref_slice %arg4[%add3A_500, %dma_wait3A_501] : memref<2560x128xi32, #tpu.memory_space<hbm>> -> memref<8x128xi32, #tpu.memory_space<hbm>>
      %dma_wait3A_503 = arith.constant 0 : i32
      %dma_wait3A_504 = tpu.memref_slice %arg4[%add3A_500, %dma_wait3A_503] : memref<2560x128xi32, #tpu.memory_space<hbm>> -> memref<8x128xi32, #tpu.memory_space<hbm>>
      tpu.wait_dma2 semaphore(%arg17 : memref<!tpu.dma_semaphore, #tpu.memory_space<semaphore_mem>>) src(%dma_wait3A_504 : memref<8x128xi32, #tpu.memory_space<hbm>>) dst(%arg9 : memref<8x128xi32, #tpu.memory_space<vmem>>)
      %dma_start3A_505 = arith.constant 0 : i32
      %dma_start3A_506 = arith.constant 0 : i32
      %dma_start3A_507 = arith.constant 0 : i32
      %dma_start3A_508 = tpu.memref_slice %arg10[%dma_start3A_506, %dma_start3A_507] : memref<128x128xf32, #tpu.memory_space<vmem>> -> memref<64x128xf32, #tpu.memory_space<vmem>>
      %dma_start3A_509 = arith.constant 0 : i32
      %dma_start3A_510 = tpu.memref_slice %arg7[%dma_start3A_505, %dma_start3A_509] : memref<8x128xi32, #tpu.memory_space<vmem>> -> memref<1x64xi32, #tpu.memory_space<vmem>>
      %dma_start3A_511 = tpu.memref_squeeze %dma_start3A_510 : memref<1x64xi32, #tpu.memory_space<vmem>> -> memref<64xi32, #tpu.memory_space<vmem>>
      %dma_start3A_512 = arith.constant 0 : i32
      %dma_start3A_513 = arith.constant 0 : i32
      %dma_start3A_514 = tpu.memref_slice %arg2[%dma_start3A_512, %dma_start3A_513] : memref<10000x128xf32, #tpu.memory_space<hbm>> -> memref<10000x128xf32, #tpu.memory_space<hbm>>
      tpu.enqueue_indirect_dma source(%dma_start3A_514 : memref<10000x128xf32, #tpu.memory_space<hbm>>) target(%dma_start3A_508 : memref<64x128xf32, #tpu.memory_space<vmem>>) offsets(%dma_start3A_511 : memref<64xi32, #tpu.memory_space<vmem>>) semaphore(%arg14 : memref<!tpu.dma_semaphore, #tpu.memory_space<semaphore_mem>>)
      %dma_start3A_515 = arith.constant 0 : i32
      %dma_start3A_516 = arith.constant 64 : i32
      %dma_start3A_517 = arith.constant 0 : i32
      %dma_start3A_518 = tpu.memref_slice %arg10[%dma_start3A_516, %dma_start3A_517] : memref<128x128xf32, #tpu.memory_space<vmem>> -> memref<64x128xf32, #tpu.memory_space<vmem>>
      %dma_start3A_519 = arith.constant 64 : i32
      %dma_start3A_520 = tpu.memref_slice %arg7[%dma_start3A_515, %dma_start3A_519] : memref<8x128xi32, #tpu.memory_space<vmem>> -> memref<1x64xi32, #tpu.memory_space<vmem>>
      %dma_start3A_521 = tpu.memref_squeeze %dma_start3A_520 : memref<1x64xi32, #tpu.memory_space<vmem>> -> memref<64xi32, #tpu.memory_space<vmem>>
      %dma_start3A_522 = arith.constant 0 : i32
      %dma_start3A_523 = arith.constant 0 : i32
      %dma_start3A_524 = tpu.memref_slice %arg2[%dma_start3A_522, %dma_start3A_523] : memref<10000x128xf32, #tpu.memory_space<hbm>> -> memref<10000x128xf32, #tpu.memory_space<hbm>>
      tpu.enqueue_indirect_dma source(%dma_start3A_524 : memref<10000x128xf32, #tpu.memory_space<hbm>>) target(%dma_start3A_518 : memref<64x128xf32, #tpu.memory_space<vmem>>) offsets(%dma_start3A_521 : memref<64xi32, #tpu.memory_space<vmem>>) semaphore(%arg14 : memref<!tpu.dma_semaphore, #tpu.memory_space<semaphore_mem>>)
      %dma_wait3A_525 = arith.constant 7 : i32
      %dma_wait3A_526 = arith.constant 0 : i32
      %dma_wait3A_527 = arith.constant 0 : i32
      %dma_wait3A_528 = tpu.memref_slice %arg11[%dma_wait3A_526, %dma_wait3A_527] : memref<128x128xf32, #tpu.memory_space<vmem>> -> memref<64x128xf32, #tpu.memory_space<vmem>>
      %dma_wait3A_529 = arith.constant 0 : i32
      %dma_wait3A_530 = tpu.memref_slice %arg6[%dma_wait3A_525, %dma_wait3A_529] : memref<8x128xi32, #tpu.memory_space<vmem>> -> memref<1x64xi32, #tpu.memory_space<vmem>>
      %dma_wait3A_531 = tpu.memref_squeeze %dma_wait3A_530 : memref<1x64xi32, #tpu.memory_space<vmem>> -> memref<64xi32, #tpu.memory_space<vmem>>
      %dma_wait3A_532 = arith.constant 0 : i32
      %dma_wait3A_533 = arith.constant 0 : i32
      %dma_wait3A_534 = tpu.memref_slice %arg2[%dma_wait3A_532, %dma_wait3A_533] : memref<10000x128xf32, #tpu.memory_space<hbm>> -> memref<10000x128xf32, #tpu.memory_space<hbm>>
      tpu.wait_indirect_dma semaphore(%arg15 : memref<!tpu.dma_semaphore, #tpu.memory_space<semaphore_mem>>) src(%dma_wait3A_534 : memref<10000x128xf32, #tpu.memory_space<hbm>>) dst(%dma_wait3A_528 : memref<64x128xf32, #tpu.memory_space<vmem>>)
      %dma_wait3A_535 = arith.constant 7 : i32
      %dma_wait3A_536 = arith.constant 64 : i32
      %dma_wait3A_537 = arith.constant 0 : i32
      %dma_wait3A_538 = tpu.memref_slice %arg11[%dma_wait3A_536, %dma_wait3A_537] : memref<128x128xf32, #tpu.memory_space<vmem>> -> memref<64x128xf32, #tpu.memory_space<vmem>>
      %dma_wait3A_539 = arith.constant 64 : i32
      %dma_wait3A_540 = tpu.memref_slice %arg6[%dma_wait3A_535, %dma_wait3A_539] : memref<8x128xi32, #tpu.memory_space<vmem>> -> memref<1x64xi32, #tpu.memory_space<vmem>>
      %dma_wait3A_541 = tpu.memref_squeeze %dma_wait3A_540 : memref<1x64xi32, #tpu.memory_space<vmem>> -> memref<64xi32, #tpu.memory_space<vmem>>
      %dma_wait3A_542 = arith.constant 0 : i32
      %dma_wait3A_543 = arith.constant 0 : i32
      %dma_wait3A_544 = tpu.memref_slice %arg2[%dma_wait3A_542, %dma_wait3A_543] : memref<10000x128xf32, #tpu.memory_space<hbm>> -> memref<10000x128xf32, #tpu.memory_space<hbm>>
      tpu.wait_indirect_dma semaphore(%arg15 : memref<!tpu.dma_semaphore, #tpu.memory_space<semaphore_mem>>) src(%dma_wait3A_544 : memref<10000x128xf32, #tpu.memory_space<hbm>>) dst(%dma_wait3A_538 : memref<64x128xf32, #tpu.memory_space<vmem>>)
      %run_scoped3A_545 = arith.constant 7 : i32
      "tpu.region"() ({
        %run_scoped3A_908 = tpu.sem_alloc : memref<!tpu.dma_semaphore, #tpu.memory_space<semaphore_mem>>
        %dma_start3A_909 = arith.constant 0 : i32
        %dma_start3A_910 = tpu.memref_slice %arg8[%run_scoped3A_545, %dma_start3A_909] : memref<8x128xi32, #tpu.memory_space<vmem>> -> memref<1x128xi32, #tpu.memory_space<vmem>>
        %dma_start3A_911 = tpu.memref_squeeze %dma_start3A_910 : memref<1x128xi32, #tpu.memory_space<vmem>> -> memref<128xi32, #tpu.memory_space<vmem>>
        %dma_start3A_912 = arith.constant 0 : i32
        %dma_start3A_913 = arith.constant 0 : i32
        %dma_start3A_914 = tpu.memref_slice %arg13[%dma_start3A_912, %dma_start3A_913] : memref<10240x128xf32, #tpu.memory_space<vmem_shared>> -> memref<10240x128xf32, #tpu.memory_space<vmem_shared>>
        tpu.enqueue_indirect_dma source(%arg11 : memref<128x128xf32, #tpu.memory_space<vmem>>) target(%dma_start3A_914 : memref<10240x128xf32, #tpu.memory_space<vmem_shared>>) offsets(%dma_start3A_911 : memref<128xi32, #tpu.memory_space<vmem>>) semaphore(%run_scoped3A_908 : memref<!tpu.dma_semaphore, #tpu.memory_space<semaphore_mem>>) {add = true}
        %dma_wait3A_915 = arith.constant 0 : i32
        %dma_wait3A_916 = tpu.memref_slice %arg8[%run_scoped3A_545, %dma_wait3A_915] : memref<8x128xi32, #tpu.memory_space<vmem>> -> memref<1x128xi32, #tpu.memory_space<vmem>>
        %dma_wait3A_917 = tpu.memref_squeeze %dma_wait3A_916 : memref<1x128xi32, #tpu.memory_space<vmem>> -> memref<128xi32, #tpu.memory_space<vmem>>
        %dma_wait3A_918 = arith.constant 0 : i32
        %dma_wait3A_919 = arith.constant 0 : i32
        %dma_wait3A_920 = tpu.memref_slice %arg13[%dma_wait3A_918, %dma_wait3A_919] : memref<10240x128xf32, #tpu.memory_space<vmem_shared>> -> memref<10240x128xf32, #tpu.memory_space<vmem_shared>>
        tpu.wait_indirect_dma semaphore(%run_scoped3A_908 : memref<!tpu.dma_semaphore, #tpu.memory_space<semaphore_mem>>) src(%arg11 : memref<128x128xf32, #tpu.memory_space<vmem>>) dst(%dma_wait3A_920 : memref<10240x128xf32, #tpu.memory_space<vmem_shared>>)
        tpu.yield
      }) : () -> ()
      %mul3A_546 = arith.constant 2 : i32
      %mul3A_547 = arith.muli %mul3A_546, %scan3A_168 : i32
      %add3A_548 = arith.constant 2 : i32
      %add3A_549 = arith.addi %mul3A_547, %add3A_548 : i32
      %lt3A = arith.constant 10 : i32
      %lt3A_550 = arith.cmpi slt, %add3A_549, %lt3A : i32
      %convert_element_type3A = arith.extui %lt3A_550 : i1 to i32
      %cond3A = arith.constant 0 : i32
      %cond3A_551 = arith.cmpi ne, %convert_element_type3A, %cond3A : i32
      scf.if %cond3A_551 {
        %mul3A_908 = arith.constant 2 : i32
        %mul3A_909 = arith.muli %mul3A_908, %scan3A_168 : i32
        %add3A_910 = arith.constant 2 : i32
        %add3A_911 = arith.addi %mul3A_909, %add3A_910 : i32
        %mul3A_912 = arith.constant 8 : i32
        %mul3A_913 = arith.muli %add3A_911, %mul3A_912 : i32
        %add3A_914 = arith.addi %mul3A_128, %mul3A_913 : i32
        %dma_start3A_915 = arith.constant 0 : i32
        %dma_start3A_916 = tpu.memref_slice %arg3[%add3A_914, %dma_start3A_915] : memref<2560x128xi32, #tpu.memory_space<hbm>> -> memref<8x128xi32, #tpu.memory_space<hbm>>
        %dma_start3A_917 = arith.constant 0 : i32
        %dma_start3A_918 = tpu.memref_slice %arg3[%add3A_914, %dma_start3A_917] : memref<2560x128xi32, #tpu.memory_space<hbm>> -> memref<8x128xi32, #tpu.memory_space<hbm>>
        tpu.enqueue_dma source(%dma_start3A_918 : memref<8x128xi32, #tpu.memory_space<hbm>>) target(%arg6 : memref<8x128xi32, #tpu.memory_space<vmem>>) target_semaphore(%arg16 : memref<!tpu.dma_semaphore, #tpu.memory_space<semaphore_mem>>)
        %mul3A_919 = arith.constant 8 : i32
        %mul3A_920 = arith.muli %add3A_911, %mul3A_919 : i32
        %add3A_921 = arith.addi %mul3A_128, %mul3A_920 : i32
        %dma_start3A_922 = arith.constant 0 : i32
        %dma_start3A_923 = tpu.memref_slice %arg4[%add3A_921, %dma_start3A_922] : memref<2560x128xi32, #tpu.memory_space<hbm>> -> memref<8x128xi32, #tpu.memory_space<hbm>>
        %dma_start3A_924 = arith.constant 0 : i32
        %dma_start3A_925 = tpu.memref_slice %arg4[%add3A_921, %dma_start3A_924] : memref<2560x128xi32, #tpu.memory_space<hbm>> -> memref<8x128xi32, #tpu.memory_space<hbm>>
        tpu.enqueue_dma source(%dma_start3A_925 : memref<8x128xi32, #tpu.memory_space<hbm>>) target(%arg8 : memref<8x128xi32, #tpu.memory_space<vmem>>) target_semaphore(%arg16 : memref<!tpu.dma_semaphore, #tpu.memory_space<semaphore_mem>>)
      } else {
      }
      %mul3A_552 = arith.constant 16 : i32
      %mul3A_553 = arith.muli %mul3A_552, %scan3A_168 : i32
      %add3A_554 = arith.constant 8 : i32
      %add3A_555 = arith.addi %mul3A_553, %add3A_554 : i32
      %dma_start3A_556 = arith.constant 1 : i32
      %dma_start3A_557 = arith.constant 0 : i32
      %dma_start3A_558 = arith.constant 0 : i32
      %dma_start3A_559 = tpu.memref_slice %arg11[%dma_start3A_557, %dma_start3A_558] : memref<128x128xf32, #tpu.memory_space<vmem>> -> memref<64x128xf32, #tpu.memory_space<vmem>>
      %dma_start3A_560 = arith.constant 0 : i32
      %dma_start3A_561 = tpu.memref_slice %arg7[%dma_start3A_556, %dma_start3A_560] : memref<8x128xi32, #tpu.memory_space<vmem>> -> memref<1x64xi32, #tpu.memory_space<vmem>>
      %dma_start3A_562 = tpu.memref_squeeze %dma_start3A_561 : memref<1x64xi32, #tpu.memory_space<vmem>> -> memref<64xi32, #tpu.memory_space<vmem>>
      %dma_start3A_563 = arith.constant 0 : i32
      %dma_start3A_564 = arith.constant 0 : i32
      %dma_start3A_565 = tpu.memref_slice %arg2[%dma_start3A_563, %dma_start3A_564] : memref<10000x128xf32, #tpu.memory_space<hbm>> -> memref<10000x128xf32, #tpu.memory_space<hbm>>
      tpu.enqueue_indirect_dma source(%dma_start3A_565 : memref<10000x128xf32, #tpu.memory_space<hbm>>) target(%dma_start3A_559 : memref<64x128xf32, #tpu.memory_space<vmem>>) offsets(%dma_start3A_562 : memref<64xi32, #tpu.memory_space<vmem>>) semaphore(%arg15 : memref<!tpu.dma_semaphore, #tpu.memory_space<semaphore_mem>>)
      %dma_start3A_566 = arith.constant 1 : i32
      %dma_start3A_567 = arith.constant 64 : i32
      %dma_start3A_568 = arith.constant 0 : i32
      %dma_start3A_569 = tpu.memref_slice %arg11[%dma_start3A_567, %dma_start3A_568] : memref<128x128xf32, #tpu.memory_space<vmem>> -> memref<64x128xf32, #tpu.memory_space<vmem>>
      %dma_start3A_570 = arith.constant 64 : i32
      %dma_start3A_571 = tpu.memref_slice %arg7[%dma_start3A_566, %dma_start3A_570] : memref<8x128xi32, #tpu.memory_space<vmem>> -> memref<1x64xi32, #tpu.memory_space<vmem>>
      %dma_start3A_572 = tpu.memref_squeeze %dma_start3A_571 : memref<1x64xi32, #tpu.memory_space<vmem>> -> memref<64xi32, #tpu.memory_space<vmem>>
      %dma_start3A_573 = arith.constant 0 : i32
      %dma_start3A_574 = arith.constant 0 : i32
      %dma_start3A_575 = tpu.memref_slice %arg2[%dma_start3A_573, %dma_start3A_574] : memref<10000x128xf32, #tpu.memory_space<hbm>> -> memref<10000x128xf32, #tpu.memory_space<hbm>>
      tpu.enqueue_indirect_dma source(%dma_start3A_575 : memref<10000x128xf32, #tpu.memory_space<hbm>>) target(%dma_start3A_569 : memref<64x128xf32, #tpu.memory_space<vmem>>) offsets(%dma_start3A_572 : memref<64xi32, #tpu.memory_space<vmem>>) semaphore(%arg15 : memref<!tpu.dma_semaphore, #tpu.memory_space<semaphore_mem>>)
      %dma_wait3A_576 = arith.constant 0 : i32
      %dma_wait3A_577 = arith.constant 0 : i32
      %dma_wait3A_578 = arith.constant 0 : i32
      %dma_wait3A_579 = tpu.memref_slice %arg10[%dma_wait3A_577, %dma_wait3A_578] : memref<128x128xf32, #tpu.memory_space<vmem>> -> memref<64x128xf32, #tpu.memory_space<vmem>>
      %dma_wait3A_580 = arith.constant 0 : i32
      %dma_wait3A_581 = tpu.memref_slice %arg7[%dma_wait3A_576, %dma_wait3A_580] : memref<8x128xi32, #tpu.memory_space<vmem>> -> memref<1x64xi32, #tpu.memory_space<vmem>>
      %dma_wait3A_582 = tpu.memref_squeeze %dma_wait3A_581 : memref<1x64xi32, #tpu.memory_space<vmem>> -> memref<64xi32, #tpu.memory_space<vmem>>
      %dma_wait3A_583 = arith.constant 0 : i32
      %dma_wait3A_584 = arith.constant 0 : i32
      %dma_wait3A_585 = tpu.memref_slice %arg2[%dma_wait3A_583, %dma_wait3A_584] : memref<10000x128xf32, #tpu.memory_space<hbm>> -> memref<10000x128xf32, #tpu.memory_space<hbm>>
      tpu.wait_indirect_dma semaphore(%arg14 : memref<!tpu.dma_semaphore, #tpu.memory_space<semaphore_mem>>) src(%dma_wait3A_585 : memref<10000x128xf32, #tpu.memory_space<hbm>>) dst(%dma_wait3A_579 : memref<64x128xf32, #tpu.memory_space<vmem>>)
      %dma_wait3A_586 = arith.constant 0 : i32
      %dma_wait3A_587 = arith.constant 64 : i32
      %dma_wait3A_588 = arith.constant 0 : i32
      %dma_wait3A_589 = tpu.memref_slice %arg10[%dma_wait3A_587, %dma_wait3A_588] : memref<128x128xf32, #tpu.memory_space<vmem>> -> memref<64x128xf32, #tpu.memory_space<vmem>>
      %dma_wait3A_590 = arith.constant 64 : i32
      %dma_wait3A_591 = tpu.memref_slice %arg7[%dma_wait3A_586, %dma_wait3A_590] : memref<8x128xi32, #tpu.memory_space<vmem>> -> memref<1x64xi32, #tpu.memory_space<vmem>>
      %dma_wait3A_592 = tpu.memref_squeeze %dma_wait3A_591 : memref<1x64xi32, #tpu.memory_space<vmem>> -> memref<64xi32, #tpu.memory_space<vmem>>
      %dma_wait3A_593 = arith.constant 0 : i32
      %dma_wait3A_594 = arith.constant 0 : i32
      %dma_wait3A_595 = tpu.memref_slice %arg2[%dma_wait3A_593, %dma_wait3A_594] : memref<10000x128xf32, #tpu.memory_space<hbm>> -> memref<10000x128xf32, #tpu.memory_space<hbm>>
      tpu.wait_indirect_dma semaphore(%arg14 : memref<!tpu.dma_semaphore, #tpu.memory_space<semaphore_mem>>) src(%dma_wait3A_595 : memref<10000x128xf32, #tpu.memory_space<hbm>>) dst(%dma_wait3A_589 : memref<64x128xf32, #tpu.memory_space<vmem>>)
      %run_scoped3A_596 = arith.constant 0 : i32
      "tpu.region"() ({
        %run_scoped3A_908 = tpu.sem_alloc : memref<!tpu.dma_semaphore, #tpu.memory_space<semaphore_mem>>
        %dma_start3A_909 = arith.constant 0 : i32
        %dma_start3A_910 = tpu.memref_slice %arg9[%run_scoped3A_596, %dma_start3A_909] : memref<8x128xi32, #tpu.memory_space<vmem>> -> memref<1x128xi32, #tpu.memory_space<vmem>>
        %dma_start3A_911 = tpu.memref_squeeze %dma_start3A_910 : memref<1x128xi32, #tpu.memory_space<vmem>> -> memref<128xi32, #tpu.memory_space<vmem>>
        %dma_start3A_912 = arith.constant 0 : i32
        %dma_start3A_913 = arith.constant 0 : i32
        %dma_start3A_914 = tpu.memref_slice %arg13[%dma_start3A_912, %dma_start3A_913] : memref<10240x128xf32, #tpu.memory_space<vmem_shared>> -> memref<10240x128xf32, #tpu.memory_space<vmem_shared>>
        tpu.enqueue_indirect_dma source(%arg10 : memref<128x128xf32, #tpu.memory_space<vmem>>) target(%dma_start3A_914 : memref<10240x128xf32, #tpu.memory_space<vmem_shared>>) offsets(%dma_start3A_911 : memref<128xi32, #tpu.memory_space<vmem>>) semaphore(%run_scoped3A_908 : memref<!tpu.dma_semaphore, #tpu.memory_space<semaphore_mem>>) {add = true}
        %dma_wait3A_915 = arith.constant 0 : i32
        %dma_wait3A_916 = tpu.memref_slice %arg9[%run_scoped3A_596, %dma_wait3A_915] : memref<8x128xi32, #tpu.memory_space<vmem>> -> memref<1x128xi32, #tpu.memory_space<vmem>>
        %dma_wait3A_917 = tpu.memref_squeeze %dma_wait3A_916 : memref<1x128xi32, #tpu.memory_space<vmem>> -> memref<128xi32, #tpu.memory_space<vmem>>
        %dma_wait3A_918 = arith.constant 0 : i32
        %dma_wait3A_919 = arith.constant 0 : i32
        %dma_wait3A_920 = tpu.memref_slice %arg13[%dma_wait3A_918, %dma_wait3A_919] : memref<10240x128xf32, #tpu.memory_space<vmem_shared>> -> memref<10240x128xf32, #tpu.memory_space<vmem_shared>>
        tpu.wait_indirect_dma semaphore(%run_scoped3A_908 : memref<!tpu.dma_semaphore, #tpu.memory_space<semaphore_mem>>) src(%arg10 : memref<128x128xf32, #tpu.memory_space<vmem>>) dst(%dma_wait3A_920 : memref<10240x128xf32, #tpu.memory_space<vmem_shared>>)
        tpu.yield
      }) : () -> ()
      %mul3A_597 = arith.constant 16 : i32
      %mul3A_598 = arith.muli %mul3A_597, %scan3A_168 : i32
      %add3A_599 = arith.constant 9 : i32
      %add3A_600 = arith.addi %mul3A_598, %add3A_599 : i32
      %dma_start3A_601 = arith.constant 2 : i32
      %dma_start3A_602 = arith.constant 0 : i32
      %dma_start3A_603 = arith.constant 0 : i32
      %dma_start3A_604 = tpu.memref_slice %arg10[%dma_start3A_602, %dma_start3A_603] : memref<128x128xf32, #tpu.memory_space<vmem>> -> memref<64x128xf32, #tpu.memory_space<vmem>>
      %dma_start3A_605 = arith.constant 0 : i32
      %dma_start3A_606 = tpu.memref_slice %arg7[%dma_start3A_601, %dma_start3A_605] : memref<8x128xi32, #tpu.memory_space<vmem>> -> memref<1x64xi32, #tpu.memory_space<vmem>>
      %dma_start3A_607 = tpu.memref_squeeze %dma_start3A_606 : memref<1x64xi32, #tpu.memory_space<vmem>> -> memref<64xi32, #tpu.memory_space<vmem>>
      %dma_start3A_608 = arith.constant 0 : i32
      %dma_start3A_609 = arith.constant 0 : i32
      %dma_start3A_610 = tpu.memref_slice %arg2[%dma_start3A_608, %dma_start3A_609] : memref<10000x128xf32, #tpu.memory_space<hbm>> -> memref<10000x128xf32, #tpu.memory_space<hbm>>
      tpu.enqueue_indirect_dma source(%dma_start3A_610 : memref<10000x128xf32, #tpu.memory_space<hbm>>) target(%dma_start3A_604 : memref<64x128xf32, #tpu.memory_space<vmem>>) offsets(%dma_start3A_607 : memref<64xi32, #tpu.memory_space<vmem>>) semaphore(%arg14 : memref<!tpu.dma_semaphore, #tpu.memory_space<semaphore_mem>>)
      %dma_start3A_611 = arith.constant 2 : i32
      %dma_start3A_612 = arith.constant 64 : i32
      %dma_start3A_613 = arith.constant 0 : i32
      %dma_start3A_614 = tpu.memref_slice %arg10[%dma_start3A_612, %dma_start3A_613] : memref<128x128xf32, #tpu.memory_space<vmem>> -> memref<64x128xf32, #tpu.memory_space<vmem>>
      %dma_start3A_615 = arith.constant 64 : i32
      %dma_start3A_616 = tpu.memref_slice %arg7[%dma_start3A_611, %dma_start3A_615] : memref<8x128xi32, #tpu.memory_space<vmem>> -> memref<1x64xi32, #tpu.memory_space<vmem>>
      %dma_start3A_617 = tpu.memref_squeeze %dma_start3A_616 : memref<1x64xi32, #tpu.memory_space<vmem>> -> memref<64xi32, #tpu.memory_space<vmem>>
      %dma_start3A_618 = arith.constant 0 : i32
      %dma_start3A_619 = arith.constant 0 : i32
      %dma_start3A_620 = tpu.memref_slice %arg2[%dma_start3A_618, %dma_start3A_619] : memref<10000x128xf32, #tpu.memory_space<hbm>> -> memref<10000x128xf32, #tpu.memory_space<hbm>>
      tpu.enqueue_indirect_dma source(%dma_start3A_620 : memref<10000x128xf32, #tpu.memory_space<hbm>>) target(%dma_start3A_614 : memref<64x128xf32, #tpu.memory_space<vmem>>) offsets(%dma_start3A_617 : memref<64xi32, #tpu.memory_space<vmem>>) semaphore(%arg14 : memref<!tpu.dma_semaphore, #tpu.memory_space<semaphore_mem>>)
      %dma_wait3A_621 = arith.constant 1 : i32
      %dma_wait3A_622 = arith.constant 0 : i32
      %dma_wait3A_623 = arith.constant 0 : i32
      %dma_wait3A_624 = tpu.memref_slice %arg11[%dma_wait3A_622, %dma_wait3A_623] : memref<128x128xf32, #tpu.memory_space<vmem>> -> memref<64x128xf32, #tpu.memory_space<vmem>>
      %dma_wait3A_625 = arith.constant 0 : i32
      %dma_wait3A_626 = tpu.memref_slice %arg7[%dma_wait3A_621, %dma_wait3A_625] : memref<8x128xi32, #tpu.memory_space<vmem>> -> memref<1x64xi32, #tpu.memory_space<vmem>>
      %dma_wait3A_627 = tpu.memref_squeeze %dma_wait3A_626 : memref<1x64xi32, #tpu.memory_space<vmem>> -> memref<64xi32, #tpu.memory_space<vmem>>
      %dma_wait3A_628 = arith.constant 0 : i32
      %dma_wait3A_629 = arith.constant 0 : i32
      %dma_wait3A_630 = tpu.memref_slice %arg2[%dma_wait3A_628, %dma_wait3A_629] : memref<10000x128xf32, #tpu.memory_space<hbm>> -> memref<10000x128xf32, #tpu.memory_space<hbm>>
      tpu.wait_indirect_dma semaphore(%arg15 : memref<!tpu.dma_semaphore, #tpu.memory_space<semaphore_mem>>) src(%dma_wait3A_630 : memref<10000x128xf32, #tpu.memory_space<hbm>>) dst(%dma_wait3A_624 : memref<64x128xf32, #tpu.memory_space<vmem>>)
      %dma_wait3A_631 = arith.constant 1 : i32
      %dma_wait3A_632 = arith.constant 64 : i32
      %dma_wait3A_633 = arith.constant 0 : i32
      %dma_wait3A_634 = tpu.memref_slice %arg11[%dma_wait3A_632, %dma_wait3A_633] : memref<128x128xf32, #tpu.memory_space<vmem>> -> memref<64x128xf32, #tpu.memory_space<vmem>>
      %dma_wait3A_635 = arith.constant 64 : i32
      %dma_wait3A_636 = tpu.memref_slice %arg7[%dma_wait3A_631, %dma_wait3A_635] : memref<8x128xi32, #tpu.memory_space<vmem>> -> memref<1x64xi32, #tpu.memory_space<vmem>>
      %dma_wait3A_637 = tpu.memref_squeeze %dma_wait3A_636 : memref<1x64xi32, #tpu.memory_space<vmem>> -> memref<64xi32, #tpu.memory_space<vmem>>
      %dma_wait3A_638 = arith.constant 0 : i32
      %dma_wait3A_639 = arith.constant 0 : i32
      %dma_wait3A_640 = tpu.memref_slice %arg2[%dma_wait3A_638, %dma_wait3A_639] : memref<10000x128xf32, #tpu.memory_space<hbm>> -> memref<10000x128xf32, #tpu.memory_space<hbm>>
      tpu.wait_indirect_dma semaphore(%arg15 : memref<!tpu.dma_semaphore, #tpu.memory_space<semaphore_mem>>) src(%dma_wait3A_640 : memref<10000x128xf32, #tpu.memory_space<hbm>>) dst(%dma_wait3A_634 : memref<64x128xf32, #tpu.memory_space<vmem>>)
      %run_scoped3A_641 = arith.constant 1 : i32
      "tpu.region"() ({
        %run_scoped3A_908 = tpu.sem_alloc : memref<!tpu.dma_semaphore, #tpu.memory_space<semaphore_mem>>
        %dma_start3A_909 = arith.constant 0 : i32
        %dma_start3A_910 = tpu.memref_slice %arg9[%run_scoped3A_641, %dma_start3A_909] : memref<8x128xi32, #tpu.memory_space<vmem>> -> memref<1x128xi32, #tpu.memory_space<vmem>>
        %dma_start3A_911 = tpu.memref_squeeze %dma_start3A_910 : memref<1x128xi32, #tpu.memory_space<vmem>> -> memref<128xi32, #tpu.memory_space<vmem>>
        %dma_start3A_912 = arith.constant 0 : i32
        %dma_start3A_913 = arith.constant 0 : i32
        %dma_start3A_914 = tpu.memref_slice %arg13[%dma_start3A_912, %dma_start3A_913] : memref<10240x128xf32, #tpu.memory_space<vmem_shared>> -> memref<10240x128xf32, #tpu.memory_space<vmem_shared>>
        tpu.enqueue_indirect_dma source(%arg11 : memref<128x128xf32, #tpu.memory_space<vmem>>) target(%dma_start3A_914 : memref<10240x128xf32, #tpu.memory_space<vmem_shared>>) offsets(%dma_start3A_911 : memref<128xi32, #tpu.memory_space<vmem>>) semaphore(%run_scoped3A_908 : memref<!tpu.dma_semaphore, #tpu.memory_space<semaphore_mem>>) {add = true}
        %dma_wait3A_915 = arith.constant 0 : i32
        %dma_wait3A_916 = tpu.memref_slice %arg9[%run_scoped3A_641, %dma_wait3A_915] : memref<8x128xi32, #tpu.memory_space<vmem>> -> memref<1x128xi32, #tpu.memory_space<vmem>>
        %dma_wait3A_917 = tpu.memref_squeeze %dma_wait3A_916 : memref<1x128xi32, #tpu.memory_space<vmem>> -> memref<128xi32, #tpu.memory_space<vmem>>
        %dma_wait3A_918 = arith.constant 0 : i32
        %dma_wait3A_919 = arith.constant 0 : i32
        %dma_wait3A_920 = tpu.memref_slice %arg13[%dma_wait3A_918, %dma_wait3A_919] : memref<10240x128xf32, #tpu.memory_space<vmem_shared>> -> memref<10240x128xf32, #tpu.memory_space<vmem_shared>>
        tpu.wait_indirect_dma semaphore(%run_scoped3A_908 : memref<!tpu.dma_semaphore, #tpu.memory_space<semaphore_mem>>) src(%arg11 : memref<128x128xf32, #tpu.memory_space<vmem>>) dst(%dma_wait3A_920 : memref<10240x128xf32, #tpu.memory_space<vmem_shared>>)
        tpu.yield
      }) : () -> ()
      %mul3A_642 = arith.constant 16 : i32
      %mul3A_643 = arith.muli %mul3A_642, %scan3A_168 : i32
      %add3A_644 = arith.constant 10 : i32
      %add3A_645 = arith.addi %mul3A_643, %add3A_644 : i32
      %dma_start3A_646 = arith.constant 3 : i32
      %dma_start3A_647 = arith.constant 0 : i32
      %dma_start3A_648 = arith.constant 0 : i32
      %dma_start3A_649 = tpu.memref_slice %arg11[%dma_start3A_647, %dma_start3A_648] : memref<128x128xf32, #tpu.memory_space<vmem>> -> memref<64x128xf32, #tpu.memory_space<vmem>>
      %dma_start3A_650 = arith.constant 0 : i32
      %dma_start3A_651 = tpu.memref_slice %arg7[%dma_start3A_646, %dma_start3A_650] : memref<8x128xi32, #tpu.memory_space<vmem>> -> memref<1x64xi32, #tpu.memory_space<vmem>>
      %dma_start3A_652 = tpu.memref_squeeze %dma_start3A_651 : memref<1x64xi32, #tpu.memory_space<vmem>> -> memref<64xi32, #tpu.memory_space<vmem>>
      %dma_start3A_653 = arith.constant 0 : i32
      %dma_start3A_654 = arith.constant 0 : i32
      %dma_start3A_655 = tpu.memref_slice %arg2[%dma_start3A_653, %dma_start3A_654] : memref<10000x128xf32, #tpu.memory_space<hbm>> -> memref<10000x128xf32, #tpu.memory_space<hbm>>
      tpu.enqueue_indirect_dma source(%dma_start3A_655 : memref<10000x128xf32, #tpu.memory_space<hbm>>) target(%dma_start3A_649 : memref<64x128xf32, #tpu.memory_space<vmem>>) offsets(%dma_start3A_652 : memref<64xi32, #tpu.memory_space<vmem>>) semaphore(%arg15 : memref<!tpu.dma_semaphore, #tpu.memory_space<semaphore_mem>>)
      %dma_start3A_656 = arith.constant 3 : i32
      %dma_start3A_657 = arith.constant 64 : i32
      %dma_start3A_658 = arith.constant 0 : i32
      %dma_start3A_659 = tpu.memref_slice %arg11[%dma_start3A_657, %dma_start3A_658] : memref<128x128xf32, #tpu.memory_space<vmem>> -> memref<64x128xf32, #tpu.memory_space<vmem>>
      %dma_start3A_660 = arith.constant 64 : i32
      %dma_start3A_661 = tpu.memref_slice %arg7[%dma_start3A_656, %dma_start3A_660] : memref<8x128xi32, #tpu.memory_space<vmem>> -> memref<1x64xi32, #tpu.memory_space<vmem>>
      %dma_start3A_662 = tpu.memref_squeeze %dma_start3A_661 : memref<1x64xi32, #tpu.memory_space<vmem>> -> memref<64xi32, #tpu.memory_space<vmem>>
      %dma_start3A_663 = arith.constant 0 : i32
      %dma_start3A_664 = arith.constant 0 : i32
      %dma_start3A_665 = tpu.memref_slice %arg2[%dma_start3A_663, %dma_start3A_664] : memref<10000x128xf32, #tpu.memory_space<hbm>> -> memref<10000x128xf32, #tpu.memory_space<hbm>>
      tpu.enqueue_indirect_dma source(%dma_start3A_665 : memref<10000x128xf32, #tpu.memory_space<hbm>>) target(%dma_start3A_659 : memref<64x128xf32, #tpu.memory_space<vmem>>) offsets(%dma_start3A_662 : memref<64xi32, #tpu.memory_space<vmem>>) semaphore(%arg15 : memref<!tpu.dma_semaphore, #tpu.memory_space<semaphore_mem>>)
      %dma_wait3A_666 = arith.constant 2 : i32
      %dma_wait3A_667 = arith.constant 0 : i32
      %dma_wait3A_668 = arith.constant 0 : i32
      %dma_wait3A_669 = tpu.memref_slice %arg10[%dma_wait3A_667, %dma_wait3A_668] : memref<128x128xf32, #tpu.memory_space<vmem>> -> memref<64x128xf32, #tpu.memory_space<vmem>>
      %dma_wait3A_670 = arith.constant 0 : i32
      %dma_wait3A_671 = tpu.memref_slice %arg7[%dma_wait3A_666, %dma_wait3A_670] : memref<8x128xi32, #tpu.memory_space<vmem>> -> memref<1x64xi32, #tpu.memory_space<vmem>>
      %dma_wait3A_672 = tpu.memref_squeeze %dma_wait3A_671 : memref<1x64xi32, #tpu.memory_space<vmem>> -> memref<64xi32, #tpu.memory_space<vmem>>
      %dma_wait3A_673 = arith.constant 0 : i32
      %dma_wait3A_674 = arith.constant 0 : i32
      %dma_wait3A_675 = tpu.memref_slice %arg2[%dma_wait3A_673, %dma_wait3A_674] : memref<10000x128xf32, #tpu.memory_space<hbm>> -> memref<10000x128xf32, #tpu.memory_space<hbm>>
      tpu.wait_indirect_dma semaphore(%arg14 : memref<!tpu.dma_semaphore, #tpu.memory_space<semaphore_mem>>) src(%dma_wait3A_675 : memref<10000x128xf32, #tpu.memory_space<hbm>>) dst(%dma_wait3A_669 : memref<64x128xf32, #tpu.memory_space<vmem>>)
      %dma_wait3A_676 = arith.constant 2 : i32
      %dma_wait3A_677 = arith.constant 64 : i32
      %dma_wait3A_678 = arith.constant 0 : i32
      %dma_wait3A_679 = tpu.memref_slice %arg10[%dma_wait3A_677, %dma_wait3A_678] : memref<128x128xf32, #tpu.memory_space<vmem>> -> memref<64x128xf32, #tpu.memory_space<vmem>>
      %dma_wait3A_680 = arith.constant 64 : i32
      %dma_wait3A_681 = tpu.memref_slice %arg7[%dma_wait3A_676, %dma_wait3A_680] : memref<8x128xi32, #tpu.memory_space<vmem>> -> memref<1x64xi32, #tpu.memory_space<vmem>>
      %dma_wait3A_682 = tpu.memref_squeeze %dma_wait3A_681 : memref<1x64xi32, #tpu.memory_space<vmem>> -> memref<64xi32, #tpu.memory_space<vmem>>
      %dma_wait3A_683 = arith.constant 0 : i32
      %dma_wait3A_684 = arith.constant 0 : i32
      %dma_wait3A_685 = tpu.memref_slice %arg2[%dma_wait3A_683, %dma_wait3A_684] : memref<10000x128xf32, #tpu.memory_space<hbm>> -> memref<10000x128xf32, #tpu.memory_space<hbm>>
      tpu.wait_indirect_dma semaphore(%arg14 : memref<!tpu.dma_semaphore, #tpu.memory_space<semaphore_mem>>) src(%dma_wait3A_685 : memref<10000x128xf32, #tpu.memory_space<hbm>>) dst(%dma_wait3A_679 : memref<64x128xf32, #tpu.memory_space<vmem>>)
      %run_scoped3A_686 = arith.constant 2 : i32
      "tpu.region"() ({
        %run_scoped3A_908 = tpu.sem_alloc : memref<!tpu.dma_semaphore, #tpu.memory_space<semaphore_mem>>
        %dma_start3A_909 = arith.constant 0 : i32
        %dma_start3A_910 = tpu.memref_slice %arg9[%run_scoped3A_686, %dma_start3A_909] : memref<8x128xi32, #tpu.memory_space<vmem>> -> memref<1x128xi32, #tpu.memory_space<vmem>>
        %dma_start3A_911 = tpu.memref_squeeze %dma_start3A_910 : memref<1x128xi32, #tpu.memory_space<vmem>> -> memref<128xi32, #tpu.memory_space<vmem>>
        %dma_start3A_912 = arith.constant 0 : i32
        %dma_start3A_913 = arith.constant 0 : i32
        %dma_start3A_914 = tpu.memref_slice %arg13[%dma_start3A_912, %dma_start3A_913] : memref<10240x128xf32, #tpu.memory_space<vmem_shared>> -> memref<10240x128xf32, #tpu.memory_space<vmem_shared>>
        tpu.enqueue_indirect_dma source(%arg10 : memref<128x128xf32, #tpu.memory_space<vmem>>) target(%dma_start3A_914 : memref<10240x128xf32, #tpu.memory_space<vmem_shared>>) offsets(%dma_start3A_911 : memref<128xi32, #tpu.memory_space<vmem>>) semaphore(%run_scoped3A_908 : memref<!tpu.dma_semaphore, #tpu.memory_space<semaphore_mem>>) {add = true}
        %dma_wait3A_915 = arith.constant 0 : i32
        %dma_wait3A_916 = tpu.memref_slice %arg9[%run_scoped3A_686, %dma_wait3A_915] : memref<8x128xi32, #tpu.memory_space<vmem>> -> memref<1x128xi32, #tpu.memory_space<vmem>>
        %dma_wait3A_917 = tpu.memref_squeeze %dma_wait3A_916 : memref<1x128xi32, #tpu.memory_space<vmem>> -> memref<128xi32, #tpu.memory_space<vmem>>
        %dma_wait3A_918 = arith.constant 0 : i32
        %dma_wait3A_919 = arith.constant 0 : i32
        %dma_wait3A_920 = tpu.memref_slice %arg13[%dma_wait3A_918, %dma_wait3A_919] : memref<10240x128xf32, #tpu.memory_space<vmem_shared>> -> memref<10240x128xf32, #tpu.memory_space<vmem_shared>>
        tpu.wait_indirect_dma semaphore(%run_scoped3A_908 : memref<!tpu.dma_semaphore, #tpu.memory_space<semaphore_mem>>) src(%arg10 : memref<128x128xf32, #tpu.memory_space<vmem>>) dst(%dma_wait3A_920 : memref<10240x128xf32, #tpu.memory_space<vmem_shared>>)
        tpu.yield
      }) : () -> ()
      %mul3A_687 = arith.constant 16 : i32
      %mul3A_688 = arith.muli %mul3A_687, %scan3A_168 : i32
      %add3A_689 = arith.constant 11 : i32
      %add3A_690 = arith.addi %mul3A_688, %add3A_689 : i32
      %dma_start3A_691 = arith.constant 4 : i32
      %dma_start3A_692 = arith.constant 0 : i32
      %dma_start3A_693 = arith.constant 0 : i32
      %dma_start3A_694 = tpu.memref_slice %arg10[%dma_start3A_692, %dma_start3A_693] : memref<128x128xf32, #tpu.memory_space<vmem>> -> memref<64x128xf32, #tpu.memory_space<vmem>>
      %dma_start3A_695 = arith.constant 0 : i32
      %dma_start3A_696 = tpu.memref_slice %arg7[%dma_start3A_691, %dma_start3A_695] : memref<8x128xi32, #tpu.memory_space<vmem>> -> memref<1x64xi32, #tpu.memory_space<vmem>>
      %dma_start3A_697 = tpu.memref_squeeze %dma_start3A_696 : memref<1x64xi32, #tpu.memory_space<vmem>> -> memref<64xi32, #tpu.memory_space<vmem>>
      %dma_start3A_698 = arith.constant 0 : i32
      %dma_start3A_699 = arith.constant 0 : i32
      %dma_start3A_700 = tpu.memref_slice %arg2[%dma_start3A_698, %dma_start3A_699] : memref<10000x128xf32, #tpu.memory_space<hbm>> -> memref<10000x128xf32, #tpu.memory_space<hbm>>
      tpu.enqueue_indirect_dma source(%dma_start3A_700 : memref<10000x128xf32, #tpu.memory_space<hbm>>) target(%dma_start3A_694 : memref<64x128xf32, #tpu.memory_space<vmem>>) offsets(%dma_start3A_697 : memref<64xi32, #tpu.memory_space<vmem>>) semaphore(%arg14 : memref<!tpu.dma_semaphore, #tpu.memory_space<semaphore_mem>>)
      %dma_start3A_701 = arith.constant 4 : i32
      %dma_start3A_702 = arith.constant 64 : i32
      %dma_start3A_703 = arith.constant 0 : i32
      %dma_start3A_704 = tpu.memref_slice %arg10[%dma_start3A_702, %dma_start3A_703] : memref<128x128xf32, #tpu.memory_space<vmem>> -> memref<64x128xf32, #tpu.memory_space<vmem>>
      %dma_start3A_705 = arith.constant 64 : i32
      %dma_start3A_706 = tpu.memref_slice %arg7[%dma_start3A_701, %dma_start3A_705] : memref<8x128xi32, #tpu.memory_space<vmem>> -> memref<1x64xi32, #tpu.memory_space<vmem>>
      %dma_start3A_707 = tpu.memref_squeeze %dma_start3A_706 : memref<1x64xi32, #tpu.memory_space<vmem>> -> memref<64xi32, #tpu.memory_space<vmem>>
      %dma_start3A_708 = arith.constant 0 : i32
      %dma_start3A_709 = arith.constant 0 : i32
      %dma_start3A_710 = tpu.memref_slice %arg2[%dma_start3A_708, %dma_start3A_709] : memref<10000x128xf32, #tpu.memory_space<hbm>> -> memref<10000x128xf32, #tpu.memory_space<hbm>>
      tpu.enqueue_indirect_dma source(%dma_start3A_710 : memref<10000x128xf32, #tpu.memory_space<hbm>>) target(%dma_start3A_704 : memref<64x128xf32, #tpu.memory_space<vmem>>) offsets(%dma_start3A_707 : memref<64xi32, #tpu.memory_space<vmem>>) semaphore(%arg14 : memref<!tpu.dma_semaphore, #tpu.memory_space<semaphore_mem>>)
      %dma_wait3A_711 = arith.constant 3 : i32
      %dma_wait3A_712 = arith.constant 0 : i32
      %dma_wait3A_713 = arith.constant 0 : i32
      %dma_wait3A_714 = tpu.memref_slice %arg11[%dma_wait3A_712, %dma_wait3A_713] : memref<128x128xf32, #tpu.memory_space<vmem>> -> memref<64x128xf32, #tpu.memory_space<vmem>>
      %dma_wait3A_715 = arith.constant 0 : i32
      %dma_wait3A_716 = tpu.memref_slice %arg7[%dma_wait3A_711, %dma_wait3A_715] : memref<8x128xi32, #tpu.memory_space<vmem>> -> memref<1x64xi32, #tpu.memory_space<vmem>>
      %dma_wait3A_717 = tpu.memref_squeeze %dma_wait3A_716 : memref<1x64xi32, #tpu.memory_space<vmem>> -> memref<64xi32, #tpu.memory_space<vmem>>
      %dma_wait3A_718 = arith.constant 0 : i32
      %dma_wait3A_719 = arith.constant 0 : i32
      %dma_wait3A_720 = tpu.memref_slice %arg2[%dma_wait3A_718, %dma_wait3A_719] : memref<10000x128xf32, #tpu.memory_space<hbm>> -> memref<10000x128xf32, #tpu.memory_space<hbm>>
      tpu.wait_indirect_dma semaphore(%arg15 : memref<!tpu.dma_semaphore, #tpu.memory_space<semaphore_mem>>) src(%dma_wait3A_720 : memref<10000x128xf32, #tpu.memory_space<hbm>>) dst(%dma_wait3A_714 : memref<64x128xf32, #tpu.memory_space<vmem>>)
      %dma_wait3A_721 = arith.constant 3 : i32
      %dma_wait3A_722 = arith.constant 64 : i32
      %dma_wait3A_723 = arith.constant 0 : i32
      %dma_wait3A_724 = tpu.memref_slice %arg11[%dma_wait3A_722, %dma_wait3A_723] : memref<128x128xf32, #tpu.memory_space<vmem>> -> memref<64x128xf32, #tpu.memory_space<vmem>>
      %dma_wait3A_725 = arith.constant 64 : i32
      %dma_wait3A_726 = tpu.memref_slice %arg7[%dma_wait3A_721, %dma_wait3A_725] : memref<8x128xi32, #tpu.memory_space<vmem>> -> memref<1x64xi32, #tpu.memory_space<vmem>>
      %dma_wait3A_727 = tpu.memref_squeeze %dma_wait3A_726 : memref<1x64xi32, #tpu.memory_space<vmem>> -> memref<64xi32, #tpu.memory_space<vmem>>
      %dma_wait3A_728 = arith.constant 0 : i32
      %dma_wait3A_729 = arith.constant 0 : i32
      %dma_wait3A_730 = tpu.memref_slice %arg2[%dma_wait3A_728, %dma_wait3A_729] : memref<10000x128xf32, #tpu.memory_space<hbm>> -> memref<10000x128xf32, #tpu.memory_space<hbm>>
      tpu.wait_indirect_dma semaphore(%arg15 : memref<!tpu.dma_semaphore, #tpu.memory_space<semaphore_mem>>) src(%dma_wait3A_730 : memref<10000x128xf32, #tpu.memory_space<hbm>>) dst(%dma_wait3A_724 : memref<64x128xf32, #tpu.memory_space<vmem>>)
      %run_scoped3A_731 = arith.constant 3 : i32
      "tpu.region"() ({
        %run_scoped3A_908 = tpu.sem_alloc : memref<!tpu.dma_semaphore, #tpu.memory_space<semaphore_mem>>
        %dma_start3A_909 = arith.constant 0 : i32
        %dma_start3A_910 = tpu.memref_slice %arg9[%run_scoped3A_731, %dma_start3A_909] : memref<8x128xi32, #tpu.memory_space<vmem>> -> memref<1x128xi32, #tpu.memory_space<vmem>>
        %dma_start3A_911 = tpu.memref_squeeze %dma_start3A_910 : memref<1x128xi32, #tpu.memory_space<vmem>> -> memref<128xi32, #tpu.memory_space<vmem>>
        %dma_start3A_912 = arith.constant 0 : i32
        %dma_start3A_913 = arith.constant 0 : i32
        %dma_start3A_914 = tpu.memref_slice %arg13[%dma_start3A_912, %dma_start3A_913] : memref<10240x128xf32, #tpu.memory_space<vmem_shared>> -> memref<10240x128xf32, #tpu.memory_space<vmem_shared>>
        tpu.enqueue_indirect_dma source(%arg11 : memref<128x128xf32, #tpu.memory_space<vmem>>) target(%dma_start3A_914 : memref<10240x128xf32, #tpu.memory_space<vmem_shared>>) offsets(%dma_start3A_911 : memref<128xi32, #tpu.memory_space<vmem>>) semaphore(%run_scoped3A_908 : memref<!tpu.dma_semaphore, #tpu.memory_space<semaphore_mem>>) {add = true}
        %dma_wait3A_915 = arith.constant 0 : i32
        %dma_wait3A_916 = tpu.memref_slice %arg9[%run_scoped3A_731, %dma_wait3A_915] : memref<8x128xi32, #tpu.memory_space<vmem>> -> memref<1x128xi32, #tpu.memory_space<vmem>>
        %dma_wait3A_917 = tpu.memref_squeeze %dma_wait3A_916 : memref<1x128xi32, #tpu.memory_space<vmem>> -> memref<128xi32, #tpu.memory_space<vmem>>
        %dma_wait3A_918 = arith.constant 0 : i32
        %dma_wait3A_919 = arith.constant 0 : i32
        %dma_wait3A_920 = tpu.memref_slice %arg13[%dma_wait3A_918, %dma_wait3A_919] : memref<10240x128xf32, #tpu.memory_space<vmem_shared>> -> memref<10240x128xf32, #tpu.memory_space<vmem_shared>>
        tpu.wait_indirect_dma semaphore(%run_scoped3A_908 : memref<!tpu.dma_semaphore, #tpu.memory_space<semaphore_mem>>) src(%arg11 : memref<128x128xf32, #tpu.memory_space<vmem>>) dst(%dma_wait3A_920 : memref<10240x128xf32, #tpu.memory_space<vmem_shared>>)
        tpu.yield
      }) : () -> ()
      %mul3A_732 = arith.constant 16 : i32
      %mul3A_733 = arith.muli %mul3A_732, %scan3A_168 : i32
      %add3A_734 = arith.constant 12 : i32
      %add3A_735 = arith.addi %mul3A_733, %add3A_734 : i32
      %dma_start3A_736 = arith.constant 5 : i32
      %dma_start3A_737 = arith.constant 0 : i32
      %dma_start3A_738 = arith.constant 0 : i32
      %dma_start3A_739 = tpu.memref_slice %arg11[%dma_start3A_737, %dma_start3A_738] : memref<128x128xf32, #tpu.memory_space<vmem>> -> memref<64x128xf32, #tpu.memory_space<vmem>>
      %dma_start3A_740 = arith.constant 0 : i32
      %dma_start3A_741 = tpu.memref_slice %arg7[%dma_start3A_736, %dma_start3A_740] : memref<8x128xi32, #tpu.memory_space<vmem>> -> memref<1x64xi32, #tpu.memory_space<vmem>>
      %dma_start3A_742 = tpu.memref_squeeze %dma_start3A_741 : memref<1x64xi32, #tpu.memory_space<vmem>> -> memref<64xi32, #tpu.memory_space<vmem>>
      %dma_start3A_743 = arith.constant 0 : i32
      %dma_start3A_744 = arith.constant 0 : i32
      %dma_start3A_745 = tpu.memref_slice %arg2[%dma_start3A_743, %dma_start3A_744] : memref<10000x128xf32, #tpu.memory_space<hbm>> -> memref<10000x128xf32, #tpu.memory_space<hbm>>
      tpu.enqueue_indirect_dma source(%dma_start3A_745 : memref<10000x128xf32, #tpu.memory_space<hbm>>) target(%dma_start3A_739 : memref<64x128xf32, #tpu.memory_space<vmem>>) offsets(%dma_start3A_742 : memref<64xi32, #tpu.memory_space<vmem>>) semaphore(%arg15 : memref<!tpu.dma_semaphore, #tpu.memory_space<semaphore_mem>>)
      %dma_start3A_746 = arith.constant 5 : i32
      %dma_start3A_747 = arith.constant 64 : i32
      %dma_start3A_748 = arith.constant 0 : i32
      %dma_start3A_749 = tpu.memref_slice %arg11[%dma_start3A_747, %dma_start3A_748] : memref<128x128xf32, #tpu.memory_space<vmem>> -> memref<64x128xf32, #tpu.memory_space<vmem>>
      %dma_start3A_750 = arith.constant 64 : i32
      %dma_start3A_751 = tpu.memref_slice %arg7[%dma_start3A_746, %dma_start3A_750] : memref<8x128xi32, #tpu.memory_space<vmem>> -> memref<1x64xi32, #tpu.memory_space<vmem>>
      %dma_start3A_752 = tpu.memref_squeeze %dma_start3A_751 : memref<1x64xi32, #tpu.memory_space<vmem>> -> memref<64xi32, #tpu.memory_space<vmem>>
      %dma_start3A_753 = arith.constant 0 : i32
      %dma_start3A_754 = arith.constant 0 : i32
      %dma_start3A_755 = tpu.memref_slice %arg2[%dma_start3A_753, %dma_start3A_754] : memref<10000x128xf32, #tpu.memory_space<hbm>> -> memref<10000x128xf32, #tpu.memory_space<hbm>>
      tpu.enqueue_indirect_dma source(%dma_start3A_755 : memref<10000x128xf32, #tpu.memory_space<hbm>>) target(%dma_start3A_749 : memref<64x128xf32, #tpu.memory_space<vmem>>) offsets(%dma_start3A_752 : memref<64xi32, #tpu.memory_space<vmem>>) semaphore(%arg15 : memref<!tpu.dma_semaphore, #tpu.memory_space<semaphore_mem>>)
      %dma_wait3A_756 = arith.constant 4 : i32
      %dma_wait3A_757 = arith.constant 0 : i32
      %dma_wait3A_758 = arith.constant 0 : i32
      %dma_wait3A_759 = tpu.memref_slice %arg10[%dma_wait3A_757, %dma_wait3A_758] : memref<128x128xf32, #tpu.memory_space<vmem>> -> memref<64x128xf32, #tpu.memory_space<vmem>>
      %dma_wait3A_760 = arith.constant 0 : i32
      %dma_wait3A_761 = tpu.memref_slice %arg7[%dma_wait3A_756, %dma_wait3A_760] : memref<8x128xi32, #tpu.memory_space<vmem>> -> memref<1x64xi32, #tpu.memory_space<vmem>>
      %dma_wait3A_762 = tpu.memref_squeeze %dma_wait3A_761 : memref<1x64xi32, #tpu.memory_space<vmem>> -> memref<64xi32, #tpu.memory_space<vmem>>
      %dma_wait3A_763 = arith.constant 0 : i32
      %dma_wait3A_764 = arith.constant 0 : i32
      %dma_wait3A_765 = tpu.memref_slice %arg2[%dma_wait3A_763, %dma_wait3A_764] : memref<10000x128xf32, #tpu.memory_space<hbm>> -> memref<10000x128xf32, #tpu.memory_space<hbm>>
      tpu.wait_indirect_dma semaphore(%arg14 : memref<!tpu.dma_semaphore, #tpu.memory_space<semaphore_mem>>) src(%dma_wait3A_765 : memref<10000x128xf32, #tpu.memory_space<hbm>>) dst(%dma_wait3A_759 : memref<64x128xf32, #tpu.memory_space<vmem>>)
      %dma_wait3A_766 = arith.constant 4 : i32
      %dma_wait3A_767 = arith.constant 64 : i32
      %dma_wait3A_768 = arith.constant 0 : i32
      %dma_wait3A_769 = tpu.memref_slice %arg10[%dma_wait3A_767, %dma_wait3A_768] : memref<128x128xf32, #tpu.memory_space<vmem>> -> memref<64x128xf32, #tpu.memory_space<vmem>>
      %dma_wait3A_770 = arith.constant 64 : i32
      %dma_wait3A_771 = tpu.memref_slice %arg7[%dma_wait3A_766, %dma_wait3A_770] : memref<8x128xi32, #tpu.memory_space<vmem>> -> memref<1x64xi32, #tpu.memory_space<vmem>>
      %dma_wait3A_772 = tpu.memref_squeeze %dma_wait3A_771 : memref<1x64xi32, #tpu.memory_space<vmem>> -> memref<64xi32, #tpu.memory_space<vmem>>
      %dma_wait3A_773 = arith.constant 0 : i32
      %dma_wait3A_774 = arith.constant 0 : i32
      %dma_wait3A_775 = tpu.memref_slice %arg2[%dma_wait3A_773, %dma_wait3A_774] : memref<10000x128xf32, #tpu.memory_space<hbm>> -> memref<10000x128xf32, #tpu.memory_space<hbm>>
      tpu.wait_indirect_dma semaphore(%arg14 : memref<!tpu.dma_semaphore, #tpu.memory_space<semaphore_mem>>) src(%dma_wait3A_775 : memref<10000x128xf32, #tpu.memory_space<hbm>>) dst(%dma_wait3A_769 : memref<64x128xf32, #tpu.memory_space<vmem>>)
      %run_scoped3A_776 = arith.constant 4 : i32
      "tpu.region"() ({
        %run_scoped3A_908 = tpu.sem_alloc : memref<!tpu.dma_semaphore, #tpu.memory_space<semaphore_mem>>
        %dma_start3A_909 = arith.constant 0 : i32
        %dma_start3A_910 = tpu.memref_slice %arg9[%run_scoped3A_776, %dma_start3A_909] : memref<8x128xi32, #tpu.memory_space<vmem>> -> memref<1x128xi32, #tpu.memory_space<vmem>>
        %dma_start3A_911 = tpu.memref_squeeze %dma_start3A_910 : memref<1x128xi32, #tpu.memory_space<vmem>> -> memref<128xi32, #tpu.memory_space<vmem>>
        %dma_start3A_912 = arith.constant 0 : i32
        %dma_start3A_913 = arith.constant 0 : i32
        %dma_start3A_914 = tpu.memref_slice %arg13[%dma_start3A_912, %dma_start3A_913] : memref<10240x128xf32, #tpu.memory_space<vmem_shared>> -> memref<10240x128xf32, #tpu.memory_space<vmem_shared>>
        tpu.enqueue_indirect_dma source(%arg10 : memref<128x128xf32, #tpu.memory_space<vmem>>) target(%dma_start3A_914 : memref<10240x128xf32, #tpu.memory_space<vmem_shared>>) offsets(%dma_start3A_911 : memref<128xi32, #tpu.memory_space<vmem>>) semaphore(%run_scoped3A_908 : memref<!tpu.dma_semaphore, #tpu.memory_space<semaphore_mem>>) {add = true}
        %dma_wait3A_915 = arith.constant 0 : i32
        %dma_wait3A_916 = tpu.memref_slice %arg9[%run_scoped3A_776, %dma_wait3A_915] : memref<8x128xi32, #tpu.memory_space<vmem>> -> memref<1x128xi32, #tpu.memory_space<vmem>>
        %dma_wait3A_917 = tpu.memref_squeeze %dma_wait3A_916 : memref<1x128xi32, #tpu.memory_space<vmem>> -> memref<128xi32, #tpu.memory_space<vmem>>
        %dma_wait3A_918 = arith.constant 0 : i32
        %dma_wait3A_919 = arith.constant 0 : i32
        %dma_wait3A_920 = tpu.memref_slice %arg13[%dma_wait3A_918, %dma_wait3A_919] : memref<10240x128xf32, #tpu.memory_space<vmem_shared>> -> memref<10240x128xf32, #tpu.memory_space<vmem_shared>>
        tpu.wait_indirect_dma semaphore(%run_scoped3A_908 : memref<!tpu.dma_semaphore, #tpu.memory_space<semaphore_mem>>) src(%arg10 : memref<128x128xf32, #tpu.memory_space<vmem>>) dst(%dma_wait3A_920 : memref<10240x128xf32, #tpu.memory_space<vmem_shared>>)
        tpu.yield
      }) : () -> ()
      %mul3A_777 = arith.constant 16 : i32
      %mul3A_778 = arith.muli %mul3A_777, %scan3A_168 : i32
      %add3A_779 = arith.constant 13 : i32
      %add3A_780 = arith.addi %mul3A_778, %add3A_779 : i32
      %dma_start3A_781 = arith.constant 6 : i32
      %dma_start3A_782 = arith.constant 0 : i32
      %dma_start3A_783 = arith.constant 0 : i32
      %dma_start3A_784 = tpu.memref_slice %arg10[%dma_start3A_782, %dma_start3A_783] : memref<128x128xf32, #tpu.memory_space<vmem>> -> memref<64x128xf32, #tpu.memory_space<vmem>>
      %dma_start3A_785 = arith.constant 0 : i32
      %dma_start3A_786 = tpu.memref_slice %arg7[%dma_start3A_781, %dma_start3A_785] : memref<8x128xi32, #tpu.memory_space<vmem>> -> memref<1x64xi32, #tpu.memory_space<vmem>>
      %dma_start3A_787 = tpu.memref_squeeze %dma_start3A_786 : memref<1x64xi32, #tpu.memory_space<vmem>> -> memref<64xi32, #tpu.memory_space<vmem>>
      %dma_start3A_788 = arith.constant 0 : i32
      %dma_start3A_789 = arith.constant 0 : i32
      %dma_start3A_790 = tpu.memref_slice %arg2[%dma_start3A_788, %dma_start3A_789] : memref<10000x128xf32, #tpu.memory_space<hbm>> -> memref<10000x128xf32, #tpu.memory_space<hbm>>
      tpu.enqueue_indirect_dma source(%dma_start3A_790 : memref<10000x128xf32, #tpu.memory_space<hbm>>) target(%dma_start3A_784 : memref<64x128xf32, #tpu.memory_space<vmem>>) offsets(%dma_start3A_787 : memref<64xi32, #tpu.memory_space<vmem>>) semaphore(%arg14 : memref<!tpu.dma_semaphore, #tpu.memory_space<semaphore_mem>>)
      %dma_start3A_791 = arith.constant 6 : i32
      %dma_start3A_792 = arith.constant 64 : i32
      %dma_start3A_793 = arith.constant 0 : i32
      %dma_start3A_794 = tpu.memref_slice %arg10[%dma_start3A_792, %dma_start3A_793] : memref<128x128xf32, #tpu.memory_space<vmem>> -> memref<64x128xf32, #tpu.memory_space<vmem>>
      %dma_start3A_795 = arith.constant 64 : i32
      %dma_start3A_796 = tpu.memref_slice %arg7[%dma_start3A_791, %dma_start3A_795] : memref<8x128xi32, #tpu.memory_space<vmem>> -> memref<1x64xi32, #tpu.memory_space<vmem>>
      %dma_start3A_797 = tpu.memref_squeeze %dma_start3A_796 : memref<1x64xi32, #tpu.memory_space<vmem>> -> memref<64xi32, #tpu.memory_space<vmem>>
      %dma_start3A_798 = arith.constant 0 : i32
      %dma_start3A_799 = arith.constant 0 : i32
      %dma_start3A_800 = tpu.memref_slice %arg2[%dma_start3A_798, %dma_start3A_799] : memref<10000x128xf32, #tpu.memory_space<hbm>> -> memref<10000x128xf32, #tpu.memory_space<hbm>>
      tpu.enqueue_indirect_dma source(%dma_start3A_800 : memref<10000x128xf32, #tpu.memory_space<hbm>>) target(%dma_start3A_794 : memref<64x128xf32, #tpu.memory_space<vmem>>) offsets(%dma_start3A_797 : memref<64xi32, #tpu.memory_space<vmem>>) semaphore(%arg14 : memref<!tpu.dma_semaphore, #tpu.memory_space<semaphore_mem>>)
      %dma_wait3A_801 = arith.constant 5 : i32
      %dma_wait3A_802 = arith.constant 0 : i32
      %dma_wait3A_803 = arith.constant 0 : i32
      %dma_wait3A_804 = tpu.memref_slice %arg11[%dma_wait3A_802, %dma_wait3A_803] : memref<128x128xf32, #tpu.memory_space<vmem>> -> memref<64x128xf32, #tpu.memory_space<vmem>>
      %dma_wait3A_805 = arith.constant 0 : i32
      %dma_wait3A_806 = tpu.memref_slice %arg7[%dma_wait3A_801, %dma_wait3A_805] : memref<8x128xi32, #tpu.memory_space<vmem>> -> memref<1x64xi32, #tpu.memory_space<vmem>>
      %dma_wait3A_807 = tpu.memref_squeeze %dma_wait3A_806 : memref<1x64xi32, #tpu.memory_space<vmem>> -> memref<64xi32, #tpu.memory_space<vmem>>
      %dma_wait3A_808 = arith.constant 0 : i32
      %dma_wait3A_809 = arith.constant 0 : i32
      %dma_wait3A_810 = tpu.memref_slice %arg2[%dma_wait3A_808, %dma_wait3A_809] : memref<10000x128xf32, #tpu.memory_space<hbm>> -> memref<10000x128xf32, #tpu.memory_space<hbm>>
      tpu.wait_indirect_dma semaphore(%arg15 : memref<!tpu.dma_semaphore, #tpu.memory_space<semaphore_mem>>) src(%dma_wait3A_810 : memref<10000x128xf32, #tpu.memory_space<hbm>>) dst(%dma_wait3A_804 : memref<64x128xf32, #tpu.memory_space<vmem>>)
      %dma_wait3A_811 = arith.constant 5 : i32
      %dma_wait3A_812 = arith.constant 64 : i32
      %dma_wait3A_813 = arith.constant 0 : i32
      %dma_wait3A_814 = tpu.memref_slice %arg11[%dma_wait3A_812, %dma_wait3A_813] : memref<128x128xf32, #tpu.memory_space<vmem>> -> memref<64x128xf32, #tpu.memory_space<vmem>>
      %dma_wait3A_815 = arith.constant 64 : i32
      %dma_wait3A_816 = tpu.memref_slice %arg7[%dma_wait3A_811, %dma_wait3A_815] : memref<8x128xi32, #tpu.memory_space<vmem>> -> memref<1x64xi32, #tpu.memory_space<vmem>>
      %dma_wait3A_817 = tpu.memref_squeeze %dma_wait3A_816 : memref<1x64xi32, #tpu.memory_space<vmem>> -> memref<64xi32, #tpu.memory_space<vmem>>
      %dma_wait3A_818 = arith.constant 0 : i32
      %dma_wait3A_819 = arith.constant 0 : i32
      %dma_wait3A_820 = tpu.memref_slice %arg2[%dma_wait3A_818, %dma_wait3A_819] : memref<10000x128xf32, #tpu.memory_space<hbm>> -> memref<10000x128xf32, #tpu.memory_space<hbm>>
      tpu.wait_indirect_dma semaphore(%arg15 : memref<!tpu.dma_semaphore, #tpu.memory_space<semaphore_mem>>) src(%dma_wait3A_820 : memref<10000x128xf32, #tpu.memory_space<hbm>>) dst(%dma_wait3A_814 : memref<64x128xf32, #tpu.memory_space<vmem>>)
      %run_scoped3A_821 = arith.constant 5 : i32
      "tpu.region"() ({
        %run_scoped3A_908 = tpu.sem_alloc : memref<!tpu.dma_semaphore, #tpu.memory_space<semaphore_mem>>
        %dma_start3A_909 = arith.constant 0 : i32
        %dma_start3A_910 = tpu.memref_slice %arg9[%run_scoped3A_821, %dma_start3A_909] : memref<8x128xi32, #tpu.memory_space<vmem>> -> memref<1x128xi32, #tpu.memory_space<vmem>>
        %dma_start3A_911 = tpu.memref_squeeze %dma_start3A_910 : memref<1x128xi32, #tpu.memory_space<vmem>> -> memref<128xi32, #tpu.memory_space<vmem>>
        %dma_start3A_912 = arith.constant 0 : i32
        %dma_start3A_913 = arith.constant 0 : i32
        %dma_start3A_914 = tpu.memref_slice %arg13[%dma_start3A_912, %dma_start3A_913] : memref<10240x128xf32, #tpu.memory_space<vmem_shared>> -> memref<10240x128xf32, #tpu.memory_space<vmem_shared>>
        tpu.enqueue_indirect_dma source(%arg11 : memref<128x128xf32, #tpu.memory_space<vmem>>) target(%dma_start3A_914 : memref<10240x128xf32, #tpu.memory_space<vmem_shared>>) offsets(%dma_start3A_911 : memref<128xi32, #tpu.memory_space<vmem>>) semaphore(%run_scoped3A_908 : memref<!tpu.dma_semaphore, #tpu.memory_space<semaphore_mem>>) {add = true}
        %dma_wait3A_915 = arith.constant 0 : i32
        %dma_wait3A_916 = tpu.memref_slice %arg9[%run_scoped3A_821, %dma_wait3A_915] : memref<8x128xi32, #tpu.memory_space<vmem>> -> memref<1x128xi32, #tpu.memory_space<vmem>>
        %dma_wait3A_917 = tpu.memref_squeeze %dma_wait3A_916 : memref<1x128xi32, #tpu.memory_space<vmem>> -> memref<128xi32, #tpu.memory_space<vmem>>
        %dma_wait3A_918 = arith.constant 0 : i32
        %dma_wait3A_919 = arith.constant 0 : i32
        %dma_wait3A_920 = tpu.memref_slice %arg13[%dma_wait3A_918, %dma_wait3A_919] : memref<10240x128xf32, #tpu.memory_space<vmem_shared>> -> memref<10240x128xf32, #tpu.memory_space<vmem_shared>>
        tpu.wait_indirect_dma semaphore(%run_scoped3A_908 : memref<!tpu.dma_semaphore, #tpu.memory_space<semaphore_mem>>) src(%arg11 : memref<128x128xf32, #tpu.memory_space<vmem>>) dst(%dma_wait3A_920 : memref<10240x128xf32, #tpu.memory_space<vmem_shared>>)
        tpu.yield
      }) : () -> ()
      %mul3A_822 = arith.constant 16 : i32
      %mul3A_823 = arith.muli %mul3A_822, %scan3A_168 : i32
      %add3A_824 = arith.constant 14 : i32
      %add3A_825 = arith.addi %mul3A_823, %add3A_824 : i32
      %dma_start3A_826 = arith.constant 7 : i32
      %dma_start3A_827 = arith.constant 0 : i32
      %dma_start3A_828 = arith.constant 0 : i32
      %dma_start3A_829 = tpu.memref_slice %arg11[%dma_start3A_827, %dma_start3A_828] : memref<128x128xf32, #tpu.memory_space<vmem>> -> memref<64x128xf32, #tpu.memory_space<vmem>>
      %dma_start3A_830 = arith.constant 0 : i32
      %dma_start3A_831 = tpu.memref_slice %arg7[%dma_start3A_826, %dma_start3A_830] : memref<8x128xi32, #tpu.memory_space<vmem>> -> memref<1x64xi32, #tpu.memory_space<vmem>>
      %dma_start3A_832 = tpu.memref_squeeze %dma_start3A_831 : memref<1x64xi32, #tpu.memory_space<vmem>> -> memref<64xi32, #tpu.memory_space<vmem>>
      %dma_start3A_833 = arith.constant 0 : i32
      %dma_start3A_834 = arith.constant 0 : i32
      %dma_start3A_835 = tpu.memref_slice %arg2[%dma_start3A_833, %dma_start3A_834] : memref<10000x128xf32, #tpu.memory_space<hbm>> -> memref<10000x128xf32, #tpu.memory_space<hbm>>
      tpu.enqueue_indirect_dma source(%dma_start3A_835 : memref<10000x128xf32, #tpu.memory_space<hbm>>) target(%dma_start3A_829 : memref<64x128xf32, #tpu.memory_space<vmem>>) offsets(%dma_start3A_832 : memref<64xi32, #tpu.memory_space<vmem>>) semaphore(%arg15 : memref<!tpu.dma_semaphore, #tpu.memory_space<semaphore_mem>>)
      %dma_start3A_836 = arith.constant 7 : i32
      %dma_start3A_837 = arith.constant 64 : i32
      %dma_start3A_838 = arith.constant 0 : i32
      %dma_start3A_839 = tpu.memref_slice %arg11[%dma_start3A_837, %dma_start3A_838] : memref<128x128xf32, #tpu.memory_space<vmem>> -> memref<64x128xf32, #tpu.memory_space<vmem>>
      %dma_start3A_840 = arith.constant 64 : i32
      %dma_start3A_841 = tpu.memref_slice %arg7[%dma_start3A_836, %dma_start3A_840] : memref<8x128xi32, #tpu.memory_space<vmem>> -> memref<1x64xi32, #tpu.memory_space<vmem>>
      %dma_start3A_842 = tpu.memref_squeeze %dma_start3A_841 : memref<1x64xi32, #tpu.memory_space<vmem>> -> memref<64xi32, #tpu.memory_space<vmem>>
      %dma_start3A_843 = arith.constant 0 : i32
      %dma_start3A_844 = arith.constant 0 : i32
      %dma_start3A_845 = tpu.memref_slice %arg2[%dma_start3A_843, %dma_start3A_844] : memref<10000x128xf32, #tpu.memory_space<hbm>> -> memref<10000x128xf32, #tpu.memory_space<hbm>>
      tpu.enqueue_indirect_dma source(%dma_start3A_845 : memref<10000x128xf32, #tpu.memory_space<hbm>>) target(%dma_start3A_839 : memref<64x128xf32, #tpu.memory_space<vmem>>) offsets(%dma_start3A_842 : memref<64xi32, #tpu.memory_space<vmem>>) semaphore(%arg15 : memref<!tpu.dma_semaphore, #tpu.memory_space<semaphore_mem>>)
      %dma_wait3A_846 = arith.constant 6 : i32
      %dma_wait3A_847 = arith.constant 0 : i32
      %dma_wait3A_848 = arith.constant 0 : i32
      %dma_wait3A_849 = tpu.memref_slice %arg10[%dma_wait3A_847, %dma_wait3A_848] : memref<128x128xf32, #tpu.memory_space<vmem>> -> memref<64x128xf32, #tpu.memory_space<vmem>>
      %dma_wait3A_850 = arith.constant 0 : i32
      %dma_wait3A_851 = tpu.memref_slice %arg7[%dma_wait3A_846, %dma_wait3A_850] : memref<8x128xi32, #tpu.memory_space<vmem>> -> memref<1x64xi32, #tpu.memory_space<vmem>>
      %dma_wait3A_852 = tpu.memref_squeeze %dma_wait3A_851 : memref<1x64xi32, #tpu.memory_space<vmem>> -> memref<64xi32, #tpu.memory_space<vmem>>
      %dma_wait3A_853 = arith.constant 0 : i32
      %dma_wait3A_854 = arith.constant 0 : i32
      %dma_wait3A_855 = tpu.memref_slice %arg2[%dma_wait3A_853, %dma_wait3A_854] : memref<10000x128xf32, #tpu.memory_space<hbm>> -> memref<10000x128xf32, #tpu.memory_space<hbm>>
      tpu.wait_indirect_dma semaphore(%arg14 : memref<!tpu.dma_semaphore, #tpu.memory_space<semaphore_mem>>) src(%dma_wait3A_855 : memref<10000x128xf32, #tpu.memory_space<hbm>>) dst(%dma_wait3A_849 : memref<64x128xf32, #tpu.memory_space<vmem>>)
      %dma_wait3A_856 = arith.constant 6 : i32
      %dma_wait3A_857 = arith.constant 64 : i32
      %dma_wait3A_858 = arith.constant 0 : i32
      %dma_wait3A_859 = tpu.memref_slice %arg10[%dma_wait3A_857, %dma_wait3A_858] : memref<128x128xf32, #tpu.memory_space<vmem>> -> memref<64x128xf32, #tpu.memory_space<vmem>>
      %dma_wait3A_860 = arith.constant 64 : i32
      %dma_wait3A_861 = tpu.memref_slice %arg7[%dma_wait3A_856, %dma_wait3A_860] : memref<8x128xi32, #tpu.memory_space<vmem>> -> memref<1x64xi32, #tpu.memory_space<vmem>>
      %dma_wait3A_862 = tpu.memref_squeeze %dma_wait3A_861 : memref<1x64xi32, #tpu.memory_space<vmem>> -> memref<64xi32, #tpu.memory_space<vmem>>
      %dma_wait3A_863 = arith.constant 0 : i32
      %dma_wait3A_864 = arith.constant 0 : i32
      %dma_wait3A_865 = tpu.memref_slice %arg2[%dma_wait3A_863, %dma_wait3A_864] : memref<10000x128xf32, #tpu.memory_space<hbm>> -> memref<10000x128xf32, #tpu.memory_space<hbm>>
      tpu.wait_indirect_dma semaphore(%arg14 : memref<!tpu.dma_semaphore, #tpu.memory_space<semaphore_mem>>) src(%dma_wait3A_865 : memref<10000x128xf32, #tpu.memory_space<hbm>>) dst(%dma_wait3A_859 : memref<64x128xf32, #tpu.memory_space<vmem>>)
      %run_scoped3A_866 = arith.constant 6 : i32
      "tpu.region"() ({
        %run_scoped3A_908 = tpu.sem_alloc : memref<!tpu.dma_semaphore, #tpu.memory_space<semaphore_mem>>
        %dma_start3A_909 = arith.constant 0 : i32
        %dma_start3A_910 = tpu.memref_slice %arg9[%run_scoped3A_866, %dma_start3A_909] : memref<8x128xi32, #tpu.memory_space<vmem>> -> memref<1x128xi32, #tpu.memory_space<vmem>>
        %dma_start3A_911 = tpu.memref_squeeze %dma_start3A_910 : memref<1x128xi32, #tpu.memory_space<vmem>> -> memref<128xi32, #tpu.memory_space<vmem>>
        %dma_start3A_912 = arith.constant 0 : i32
        %dma_start3A_913 = arith.constant 0 : i32
        %dma_start3A_914 = tpu.memref_slice %arg13[%dma_start3A_912, %dma_start3A_913] : memref<10240x128xf32, #tpu.memory_space<vmem_shared>> -> memref<10240x128xf32, #tpu.memory_space<vmem_shared>>
        tpu.enqueue_indirect_dma source(%arg10 : memref<128x128xf32, #tpu.memory_space<vmem>>) target(%dma_start3A_914 : memref<10240x128xf32, #tpu.memory_space<vmem_shared>>) offsets(%dma_start3A_911 : memref<128xi32, #tpu.memory_space<vmem>>) semaphore(%run_scoped3A_908 : memref<!tpu.dma_semaphore, #tpu.memory_space<semaphore_mem>>) {add = true}
        %dma_wait3A_915 = arith.constant 0 : i32
        %dma_wait3A_916 = tpu.memref_slice %arg9[%run_scoped3A_866, %dma_wait3A_915] : memref<8x128xi32, #tpu.memory_space<vmem>> -> memref<1x128xi32, #tpu.memory_space<vmem>>
        %dma_wait3A_917 = tpu.memref_squeeze %dma_wait3A_916 : memref<1x128xi32, #tpu.memory_space<vmem>> -> memref<128xi32, #tpu.memory_space<vmem>>
        %dma_wait3A_918 = arith.constant 0 : i32
        %dma_wait3A_919 = arith.constant 0 : i32
        %dma_wait3A_920 = tpu.memref_slice %arg13[%dma_wait3A_918, %dma_wait3A_919] : memref<10240x128xf32, #tpu.memory_space<vmem_shared>> -> memref<10240x128xf32, #tpu.memory_space<vmem_shared>>
        tpu.wait_indirect_dma semaphore(%run_scoped3A_908 : memref<!tpu.dma_semaphore, #tpu.memory_space<semaphore_mem>>) src(%arg10 : memref<128x128xf32, #tpu.memory_space<vmem>>) dst(%dma_wait3A_920 : memref<10240x128xf32, #tpu.memory_space<vmem_shared>>)
        tpu.yield
      }) : () -> ()
      %mul3A_867 = arith.constant 16 : i32
      %mul3A_868 = arith.muli %mul3A_867, %scan3A_168 : i32
      %add3A_869 = arith.constant 15 : i32
      %add3A_870 = arith.addi %mul3A_868, %add3A_869 : i32
      %add3A_871 = arith.constant 1 : i32
      %add3A_872 = arith.addi %add3A_870, %add3A_871 : i32
      %lt3A_873 = arith.constant 80 : i32
      %lt3A_874 = arith.cmpi slt, %add3A_872, %lt3A_873 : i32
      %convert_element_type3A_875 = arith.extui %lt3A_874 : i1 to i32
      %cond3A_876 = arith.constant 0 : i32
      %cond3A_877 = arith.cmpi ne, %convert_element_type3A_875, %cond3A_876 : i32
      scf.if %cond3A_877 {
        %mul3A_908 = arith.constant 2 : i32
        %mul3A_909 = arith.muli %mul3A_908, %scan3A_168 : i32
        %add3A_910 = arith.constant 2 : i32
        %add3A_911 = arith.addi %mul3A_909, %add3A_910 : i32
        %mul3A_912 = arith.constant 8 : i32
        %mul3A_913 = arith.muli %add3A_911, %mul3A_912 : i32
        %add3A_914 = arith.addi %mul3A_128, %mul3A_913 : i32
        %dma_wait3A_915 = arith.constant 0 : i32
        %dma_wait3A_916 = tpu.memref_slice %arg3[%add3A_914, %dma_wait3A_915] : memref<2560x128xi32, #tpu.memory_space<hbm>> -> memref<8x128xi32, #tpu.memory_space<hbm>>
        %dma_wait3A_917 = arith.constant 0 : i32
        %dma_wait3A_918 = tpu.memref_slice %arg3[%add3A_914, %dma_wait3A_917] : memref<2560x128xi32, #tpu.memory_space<hbm>> -> memref<8x128xi32, #tpu.memory_space<hbm>>
        tpu.wait_dma2 semaphore(%arg16 : memref<!tpu.dma_semaphore, #tpu.memory_space<semaphore_mem>>) src(%dma_wait3A_918 : memref<8x128xi32, #tpu.memory_space<hbm>>) dst(%arg6 : memref<8x128xi32, #tpu.memory_space<vmem>>)
        %mul3A_919 = arith.constant 8 : i32
        %mul3A_920 = arith.muli %add3A_911, %mul3A_919 : i32
        %add3A_921 = arith.addi %mul3A_128, %mul3A_920 : i32
        %dma_wait3A_922 = arith.constant 0 : i32
        %dma_wait3A_923 = tpu.memref_slice %arg4[%add3A_921, %dma_wait3A_922] : memref<2560x128xi32, #tpu.memory_space<hbm>> -> memref<8x128xi32, #tpu.memory_space<hbm>>
        %dma_wait3A_924 = arith.constant 0 : i32
        %dma_wait3A_925 = tpu.memref_slice %arg4[%add3A_921, %dma_wait3A_924] : memref<2560x128xi32, #tpu.memory_space<hbm>> -> memref<8x128xi32, #tpu.memory_space<hbm>>
        tpu.wait_dma2 semaphore(%arg16 : memref<!tpu.dma_semaphore, #tpu.memory_space<semaphore_mem>>) src(%dma_wait3A_925 : memref<8x128xi32, #tpu.memory_space<hbm>>) dst(%arg8 : memref<8x128xi32, #tpu.memory_space<vmem>>)
        %dma_start3A_926 = arith.constant 0 : i32
        %dma_start3A_927 = arith.constant 0 : i32
        %dma_start3A_928 = arith.constant 0 : i32
        %dma_start3A_929 = tpu.memref_slice %arg10[%dma_start3A_927, %dma_start3A_928] : memref<128x128xf32, #tpu.memory_space<vmem>> -> memref<64x128xf32, #tpu.memory_space<vmem>>
        %dma_start3A_930 = arith.constant 0 : i32
        %dma_start3A_931 = tpu.memref_slice %arg6[%dma_start3A_926, %dma_start3A_930] : memref<8x128xi32, #tpu.memory_space<vmem>> -> memref<1x64xi32, #tpu.memory_space<vmem>>
        %dma_start3A_932 = tpu.memref_squeeze %dma_start3A_931 : memref<1x64xi32, #tpu.memory_space<vmem>> -> memref<64xi32, #tpu.memory_space<vmem>>
        %dma_start3A_933 = arith.constant 0 : i32
        %dma_start3A_934 = arith.constant 0 : i32
        %dma_start3A_935 = tpu.memref_slice %arg2[%dma_start3A_933, %dma_start3A_934] : memref<10000x128xf32, #tpu.memory_space<hbm>> -> memref<10000x128xf32, #tpu.memory_space<hbm>>
        tpu.enqueue_indirect_dma source(%dma_start3A_935 : memref<10000x128xf32, #tpu.memory_space<hbm>>) target(%dma_start3A_929 : memref<64x128xf32, #tpu.memory_space<vmem>>) offsets(%dma_start3A_932 : memref<64xi32, #tpu.memory_space<vmem>>) semaphore(%arg14 : memref<!tpu.dma_semaphore, #tpu.memory_space<semaphore_mem>>)
        %dma_start3A_936 = arith.constant 0 : i32
        %dma_start3A_937 = arith.constant 64 : i32
        %dma_start3A_938 = arith.constant 0 : i32
        %dma_start3A_939 = tpu.memref_slice %arg10[%dma_start3A_937, %dma_start3A_938] : memref<128x128xf32, #tpu.memory_space<vmem>> -> memref<64x128xf32, #tpu.memory_space<vmem>>
        %dma_start3A_940 = arith.constant 64 : i32
        %dma_start3A_941 = tpu.memref_slice %arg6[%dma_start3A_936, %dma_start3A_940] : memref<8x128xi32, #tpu.memory_space<vmem>> -> memref<1x64xi32, #tpu.memory_space<vmem>>
        %dma_start3A_942 = tpu.memref_squeeze %dma_start3A_941 : memref<1x64xi32, #tpu.memory_space<vmem>> -> memref<64xi32, #tpu.memory_space<vmem>>
        %dma_start3A_943 = arith.constant 0 : i32
        %dma_start3A_944 = arith.constant 0 : i32
        %dma_start3A_945 = tpu.memref_slice %arg2[%dma_start3A_943, %dma_start3A_944] : memref<10000x128xf32, #tpu.memory_space<hbm>> -> memref<10000x128xf32, #tpu.memory_space<hbm>>
        tpu.enqueue_indirect_dma source(%dma_start3A_945 : memref<10000x128xf32, #tpu.memory_space<hbm>>) target(%dma_start3A_939 : memref<64x128xf32, #tpu.memory_space<vmem>>) offsets(%dma_start3A_942 : memref<64xi32, #tpu.memory_space<vmem>>) semaphore(%arg14 : memref<!tpu.dma_semaphore, #tpu.memory_space<semaphore_mem>>)
      } else {
      }
      %dma_wait3A_878 = arith.constant 7 : i32
      %dma_wait3A_879 = arith.constant 0 : i32
      %dma_wait3A_880 = arith.constant 0 : i32
      %dma_wait3A_881 = tpu.memref_slice %arg11[%dma_wait3A_879, %dma_wait3A_880] : memref<128x128xf32, #tpu.memory_space<vmem>> -> memref<64x128xf32, #tpu.memory_space<vmem>>
      %dma_wait3A_882 = arith.constant 0 : i32
      %dma_wait3A_883 = tpu.memref_slice %arg7[%dma_wait3A_878, %dma_wait3A_882] : memref<8x128xi32, #tpu.memory_space<vmem>> -> memref<1x64xi32, #tpu.memory_space<vmem>>
      %dma_wait3A_884 = tpu.memref_squeeze %dma_wait3A_883 : memref<1x64xi32, #tpu.memory_space<vmem>> -> memref<64xi32, #tpu.memory_space<vmem>>
      %dma_wait3A_885 = arith.constant 0 : i32
      %dma_wait3A_886 = arith.constant 0 : i32
      %dma_wait3A_887 = tpu.memref_slice %arg2[%dma_wait3A_885, %dma_wait3A_886] : memref<10000x128xf32, #tpu.memory_space<hbm>> -> memref<10000x128xf32, #tpu.memory_space<hbm>>
      tpu.wait_indirect_dma semaphore(%arg15 : memref<!tpu.dma_semaphore, #tpu.memory_space<semaphore_mem>>) src(%dma_wait3A_887 : memref<10000x128xf32, #tpu.memory_space<hbm>>) dst(%dma_wait3A_881 : memref<64x128xf32, #tpu.memory_space<vmem>>)
      %dma_wait3A_888 = arith.constant 7 : i32
      %dma_wait3A_889 = arith.constant 64 : i32
      %dma_wait3A_890 = arith.constant 0 : i32
      %dma_wait3A_891 = tpu.memref_slice %arg11[%dma_wait3A_889, %dma_wait3A_890] : memref<128x128xf32, #tpu.memory_space<vmem>> -> memref<64x128xf32, #tpu.memory_space<vmem>>
      %dma_wait3A_892 = arith.constant 64 : i32
      %dma_wait3A_893 = tpu.memref_slice %arg7[%dma_wait3A_888, %dma_wait3A_892] : memref<8x128xi32, #tpu.memory_space<vmem>> -> memref<1x64xi32, #tpu.memory_space<vmem>>
      %dma_wait3A_894 = tpu.memref_squeeze %dma_wait3A_893 : memref<1x64xi32, #tpu.memory_space<vmem>> -> memref<64xi32, #tpu.memory_space<vmem>>
      %dma_wait3A_895 = arith.constant 0 : i32
      %dma_wait3A_896 = arith.constant 0 : i32
      %dma_wait3A_897 = tpu.memref_slice %arg2[%dma_wait3A_895, %dma_wait3A_896] : memref<10000x128xf32, #tpu.memory_space<hbm>> -> memref<10000x128xf32, #tpu.memory_space<hbm>>
      tpu.wait_indirect_dma semaphore(%arg15 : memref<!tpu.dma_semaphore, #tpu.memory_space<semaphore_mem>>) src(%dma_wait3A_897 : memref<10000x128xf32, #tpu.memory_space<hbm>>) dst(%dma_wait3A_891 : memref<64x128xf32, #tpu.memory_space<vmem>>)
      %run_scoped3A_898 = arith.constant 7 : i32
      "tpu.region"() ({
        %run_scoped3A_908 = tpu.sem_alloc : memref<!tpu.dma_semaphore, #tpu.memory_space<semaphore_mem>>
        %dma_start3A_909 = arith.constant 0 : i32
        %dma_start3A_910 = tpu.memref_slice %arg9[%run_scoped3A_898, %dma_start3A_909] : memref<8x128xi32, #tpu.memory_space<vmem>> -> memref<1x128xi32, #tpu.memory_space<vmem>>
        %dma_start3A_911 = tpu.memref_squeeze %dma_start3A_910 : memref<1x128xi32, #tpu.memory_space<vmem>> -> memref<128xi32, #tpu.memory_space<vmem>>
        %dma_start3A_912 = arith.constant 0 : i32
        %dma_start3A_913 = arith.constant 0 : i32
        %dma_start3A_914 = tpu.memref_slice %arg13[%dma_start3A_912, %dma_start3A_913] : memref<10240x128xf32, #tpu.memory_space<vmem_shared>> -> memref<10240x128xf32, #tpu.memory_space<vmem_shared>>
        tpu.enqueue_indirect_dma source(%arg11 : memref<128x128xf32, #tpu.memory_space<vmem>>) target(%dma_start3A_914 : memref<10240x128xf32, #tpu.memory_space<vmem_shared>>) offsets(%dma_start3A_911 : memref<128xi32, #tpu.memory_space<vmem>>) semaphore(%run_scoped3A_908 : memref<!tpu.dma_semaphore, #tpu.memory_space<semaphore_mem>>) {add = true}
        %dma_wait3A_915 = arith.constant 0 : i32
        %dma_wait3A_916 = tpu.memref_slice %arg9[%run_scoped3A_898, %dma_wait3A_915] : memref<8x128xi32, #tpu.memory_space<vmem>> -> memref<1x128xi32, #tpu.memory_space<vmem>>
        %dma_wait3A_917 = tpu.memref_squeeze %dma_wait3A_916 : memref<1x128xi32, #tpu.memory_space<vmem>> -> memref<128xi32, #tpu.memory_space<vmem>>
        %dma_wait3A_918 = arith.constant 0 : i32
        %dma_wait3A_919 = arith.constant 0 : i32
        %dma_wait3A_920 = tpu.memref_slice %arg13[%dma_wait3A_918, %dma_wait3A_919] : memref<10240x128xf32, #tpu.memory_space<vmem_shared>> -> memref<10240x128xf32, #tpu.memory_space<vmem_shared>>
        tpu.wait_indirect_dma semaphore(%run_scoped3A_908 : memref<!tpu.dma_semaphore, #tpu.memory_space<semaphore_mem>>) src(%arg11 : memref<128x128xf32, #tpu.memory_space<vmem>>) dst(%dma_wait3A_920 : memref<10240x128xf32, #tpu.memory_space<vmem_shared>>)
        tpu.yield
      }) : () -> ()
      %mul3A_899 = arith.constant 2 : i32
      %mul3A_900 = arith.muli %mul3A_899, %scan3A_168 : i32
      %add3A_901 = arith.constant 3 : i32
      %add3A_902 = arith.addi %mul3A_900, %add3A_901 : i32
      %lt3A_903 = arith.constant 10 : i32
      %lt3A_904 = arith.cmpi slt, %add3A_902, %lt3A_903 : i32
      %convert_element_type3A_905 = arith.extui %lt3A_904 : i1 to i32
      %cond3A_906 = arith.constant 0 : i32
      %cond3A_907 = arith.cmpi ne, %convert_element_type3A_905, %cond3A_906 : i32
      scf.if %cond3A_907 {
        %mul3A_908 = arith.constant 2 : i32
        %mul3A_909 = arith.muli %mul3A_908, %scan3A_168 : i32
        %add3A_910 = arith.constant 3 : i32
        %add3A_911 = arith.addi %mul3A_909, %add3A_910 : i32
        %mul3A_912 = arith.constant 8 : i32
        %mul3A_913 = arith.muli %add3A_911, %mul3A_912 : i32
        %add3A_914 = arith.addi %mul3A_128, %mul3A_913 : i32
        %dma_start3A_915 = arith.constant 0 : i32
        %dma_start3A_916 = tpu.memref_slice %arg3[%add3A_914, %dma_start3A_915] : memref<2560x128xi32, #tpu.memory_space<hbm>> -> memref<8x128xi32, #tpu.memory_space<hbm>>
        %dma_start3A_917 = arith.constant 0 : i32
        %dma_start3A_918 = tpu.memref_slice %arg3[%add3A_914, %dma_start3A_917] : memref<2560x128xi32, #tpu.memory_space<hbm>> -> memref<8x128xi32, #tpu.memory_space<hbm>>
        tpu.enqueue_dma source(%dma_start3A_918 : memref<8x128xi32, #tpu.memory_space<hbm>>) target(%arg7 : memref<8x128xi32, #tpu.memory_space<vmem>>) target_semaphore(%arg17 : memref<!tpu.dma_semaphore, #tpu.memory_space<semaphore_mem>>)
        %mul3A_919 = arith.constant 8 : i32
        %mul3A_920 = arith.muli %add3A_911, %mul3A_919 : i32
        %add3A_921 = arith.addi %mul3A_128, %mul3A_920 : i32
        %dma_start3A_922 = arith.constant 0 : i32
        %dma_start3A_923 = tpu.memref_slice %arg4[%add3A_921, %dma_start3A_922] : memref<2560x128xi32, #tpu.memory_space<hbm>> -> memref<8x128xi32, #tpu.memory_space<hbm>>
        %dma_start3A_924 = arith.constant 0 : i32
        %dma_start3A_925 = tpu.memref_slice %arg4[%add3A_921, %dma_start3A_924] : memref<2560x128xi32, #tpu.memory_space<hbm>> -> memref<8x128xi32, #tpu.memory_space<hbm>>
        tpu.enqueue_dma source(%dma_start3A_925 : memref<8x128xi32, #tpu.memory_space<hbm>>) target(%arg9 : memref<8x128xi32, #tpu.memory_space<vmem>>) target_semaphore(%arg17 : memref<!tpu.dma_semaphore, #tpu.memory_space<semaphore_mem>>)
      } else {
      }
    }
    %scan3A_166 = arith.constant 5 : i32
    %barrier3A_167 = arith.constant 0 : index
    tpu.barrier barrier_id(%barrier3A_167)
    "tpu.region"() ({
      %run_scoped3A = tpu.sem_alloc : memref<!tpu.dma_semaphore, #tpu.memory_space<semaphore_mem>>
      %dma_start3A_168 = arith.constant 0 : i32
      %dma_start3A_169 = tpu.memref_slice %arg5[%arg0, %mul3A_8, %dma_start3A_168] : memref<2x10240x128xf32, #tpu.memory_space<hbm>> -> memref<1x640x128xf32, #tpu.memory_space<hbm>>
      %dma_start3A_170 = tpu.memref_squeeze %dma_start3A_169 : memref<1x640x128xf32, #tpu.memory_space<hbm>> -> memref<640x128xf32, #tpu.memory_space<hbm>>
      %dma_start3A_171 = arith.constant 0 : i32
      %dma_start3A_172 = tpu.memref_slice %arg13[%mul3A_8, %dma_start3A_171] : memref<10240x128xf32, #tpu.memory_space<vmem_shared>> -> memref<640x128xf32, #tpu.memory_space<vmem_shared>>
      tpu.enqueue_dma source(%dma_start3A_172 : memref<640x128xf32, #tpu.memory_space<vmem_shared>>) target(%dma_start3A_170 : memref<640x128xf32, #tpu.memory_space<hbm>>) target_semaphore(%run_scoped3A : memref<!tpu.dma_semaphore, #tpu.memory_space<semaphore_mem>>)
      %dma_wait3A_173 = arith.constant 0 : i32
      %dma_wait3A_174 = tpu.memref_slice %arg5[%arg0, %mul3A_8, %dma_wait3A_173] : memref<2x10240x128xf32, #tpu.memory_space<hbm>> -> memref<1x640x128xf32, #tpu.memory_space<hbm>>
      %dma_wait3A_175 = tpu.memref_squeeze %dma_wait3A_174 : memref<1x640x128xf32, #tpu.memory_space<hbm>> -> memref<640x128xf32, #tpu.memory_space<hbm>>
      %dma_wait3A_176 = arith.constant 0 : i32
      %dma_wait3A_177 = tpu.memref_slice %arg13[%mul3A_8, %dma_wait3A_176] : memref<10240x128xf32, #tpu.memory_space<vmem_shared>> -> memref<640x128xf32, #tpu.memory_space<vmem_shared>>
      tpu.wait_dma2 semaphore(%run_scoped3A : memref<!tpu.dma_semaphore, #tpu.memory_space<semaphore_mem>>) src(%dma_wait3A_177 : memref<640x128xf32, #tpu.memory_space<vmem_shared>>) dst(%dma_wait3A_175 : memref<640x128xf32, #tpu.memory_space<hbm>>)
      tpu.yield
    }) : () -> ()
    return
  }
}

module attributes {stable_mosaic.version = 14 : i64} {
  func.func @body(%arg0: i32, %arg1: memref<2000x128xf32, #tpu.memory_space<vmem>>, %arg2: memref<128x128xf32, #tpu.memory_space<vmem>>, %arg3: memref<2x2000x1xf32, #tpu.memory_space<vmem>>, %arg4: memref<2000x128xf32, #tpu.memory_space<vmem>>, %arg5: memref<2000x1xf32, #tpu.memory_space<vmem>>) attributes {dimension_semantics = [#tpu.dimension_semantics<arbitrary>], iteration_bounds = array<i64: 5>, scalar_prefetch = 0 : i64, scratch_operands = 0 : i64, tpu.core_type = #tpu.core_type<tc>, window_params = [{transform_indices = @transform_0, window_bounds = array<i64: 2000, 128>}, {pipeline_mode = #tpu.pipeline_mode<synchronous>, transform_indices = @transform_1, window_bounds = array<i64: 128, 128>}, {transform_indices = @transform_2, window_bounds = array<i64: 2, 2000, 1>}, {transform_indices = @transform_3, window_bounds = array<i64: 2000, 128>}, {transform_indices = @transform_4, window_bounds = array<i64: 2000, 1>}]} {
    %get3A = arith.constant 0 : index
    %get3A_0 = arith.constant 0 : index
    %get3A_1 = arith.constant 0 : index
    %get3A_2 = vector.load %arg3[%get3A, %get3A_0, %get3A_1] : memref<2x2000x1xf32, #tpu.memory_space<vmem>>, vector<1x2000x1xf32>
    %get3A_3 = vector.shape_cast %get3A_2 : vector<1x2000x1xf32> to vector<2000x1xf32>
    %get3A_4 = arith.constant 1 : index
    %get3A_5 = arith.constant 0 : index
    %get3A_6 = arith.constant 0 : index
    %get3A_7 = vector.load %arg3[%get3A_4, %get3A_5, %get3A_6] : memref<2x2000x1xf32, #tpu.memory_space<vmem>>, vector<1x2000x1xf32>
    %get3A_8 = vector.shape_cast %get3A_7 : vector<1x2000x1xf32> to vector<2000x1xf32>
    %add3A = arith.addf %get3A_3, %get3A_8 : vector<2000x1xf32>
    %add3A_9 = arith.constant 1.000000e+00 : f32
    %add3A_10 = vector.broadcast %add3A_9 : f32 to vector<2000x1xf32>
    %add3A_11 = arith.addf %add3A, %add3A_10 : vector<2000x1xf32>
    %rsqrt3A = math.rsqrt %add3A_11 : vector<2000x1xf32>
    %get3A_12 = arith.constant 0 : index
    %get3A_13 = arith.constant 0 : index
    %get3A_14 = vector.load %arg1[%get3A_12, %get3A_13] : memref<2000x128xf32, #tpu.memory_space<vmem>>, vector<2000x128xf32>
    %get3A_15 = arith.constant 0 : index
    %get3A_16 = arith.constant 0 : index
    %get3A_17 = vector.load %arg2[%get3A_15, %get3A_16] : memref<128x128xf32, #tpu.memory_space<vmem>>, vector<128x128xf32>
    %dot_general3A = arith.constant dense<0.000000e+00> : vector<2000x128xf32>
    %dot_general3A_18 = tpu.matmul %get3A_14, %get3A_17, %dot_general3A {dimension_numbers = #tpu.dot_dimension_numbers<[1], [0], [0], [1], [0, 0, 1, 1], [], []>, transpose_lhs_hint = false} : vector<2000x128xf32>, vector<128x128xf32>, vector<2000x128xf32> -> vector<2000x128xf32>
    %mul3A = vector.broadcast %rsqrt3A : vector<2000x1xf32> to vector<2000x128xf32>
    %mul3A_19 = arith.mulf %dot_general3A_18, %mul3A : vector<2000x128xf32>
    %swap3A = arith.constant 0 : index
    %swap3A_20 = arith.constant 0 : index
    %swap3A_21 = vector.load %arg4[%swap3A, %swap3A_20] : memref<2000x128xf32, #tpu.memory_space<vmem>>, vector<2000x128xf32>
    tpu.vector_store %arg4[%swap3A, %swap3A_20], %mul3A_19 {strides = array<i32>} : memref<2000x128xf32, #tpu.memory_space<vmem>>, vector<2000x128xf32>,
    %swap3A_22 = arith.constant 0 : index
    %swap3A_23 = arith.constant 0 : index
    %swap3A_24 = vector.load %arg5[%swap3A_22, %swap3A_23] : memref<2000x1xf32, #tpu.memory_space<vmem>>, vector<2000x1xf32>
    tpu.vector_store %arg5[%swap3A_22, %swap3A_23], %rsqrt3A {strides = array<i32>} : memref<2000x1xf32, #tpu.memory_space<vmem>>, vector<2000x1xf32>,
    return
  }
  func.func @transform_0(%arg0: i32) -> (i32, i32) {
    %c0_i32 = arith.constant 0 : i32
    %c0_i32_0 = arith.constant 0 : i32
    return %arg0, %c0_i32 : i32, i32
  }
  func.func @transform_1(%arg0: i32) -> (i32, i32) {
    %c0_i32 = arith.constant 0 : i32
    %c0_i32_0 = arith.constant 0 : i32
    %c0_i32_1 = arith.constant 0 : i32
    return %c0_i32, %c0_i32_0 : i32, i32
  }
  func.func @transform_2(%arg0: i32) -> (i32, i32, i32) {
    %c0_i32 = arith.constant 0 : i32
    %c0_i32_0 = arith.constant 0 : i32
    %c0_i32_1 = arith.constant 0 : i32
    return %c0_i32, %arg0, %c0_i32_0 : i32, i32, i32
  }
  func.func @transform_3(%arg0: i32) -> (i32, i32) {
    %c0_i32 = arith.constant 0 : i32
    %c0_i32_0 = arith.constant 0 : i32
    return %arg0, %c0_i32 : i32, i32
  }
  func.func @transform_4(%arg0: i32) -> (i32, i32) {
    %c0_i32 = arith.constant 0 : i32
    %c0_i32_0 = arith.constant 0 : i32
    return %arg0, %c0_i32 : i32, i32
  }
}

module attributes {stable_mosaic.version = 14 : i64} {
  func.func @body(%arg0: i32, %arg1: memref<2x2000x128xf32, #tpu.memory_space<vmem>>, %arg2: memref<2000x128xf32, #tpu.memory_space<vmem>>, %arg3: memref<2000x1xf32, #tpu.memory_space<vmem>>, %arg4: memref<1x128xf32, #tpu.memory_space<vmem>>, %arg5: memref<128x128xf32, #tpu.memory_space<vmem>>, %arg6: memref<2000x128xf32, #tpu.memory_space<vmem>>) attributes {dimension_semantics = [#tpu.dimension_semantics<arbitrary>], iteration_bounds = array<i64: 5>, scalar_prefetch = 0 : i64, scratch_operands = 0 : i64, tpu.core_type = #tpu.core_type<tc>, window_params = [{transform_indices = @transform_0, window_bounds = array<i64: 2, 2000, 128>}, {transform_indices = @transform_1, window_bounds = array<i64: 2000, 128>}, {transform_indices = @transform_2, window_bounds = array<i64: 2000, 1>}, {pipeline_mode = #tpu.pipeline_mode<synchronous>, transform_indices = @transform_3, window_bounds = array<i64: 1, 128>}, {pipeline_mode = #tpu.pipeline_mode<synchronous>, transform_indices = @transform_4, window_bounds = array<i64: 128, 128>}, {transform_indices = @transform_5, window_bounds = array<i64: 2000, 128>}]} {
    %get3A = arith.constant 0 : index
    %get3A_0 = arith.constant 0 : index
    %get3A_1 = vector.load %arg3[%get3A, %get3A_0] : memref<2000x1xf32, #tpu.memory_space<vmem>>, vector<2000x1xf32>
    %get3A_2 = arith.constant 0 : index
    %get3A_3 = arith.constant 0 : index
    %get3A_4 = arith.constant 0 : index
    %get3A_5 = vector.load %arg1[%get3A_2, %get3A_3, %get3A_4] : memref<2x2000x128xf32, #tpu.memory_space<vmem>>, vector<1x2000x128xf32>
    %get3A_6 = vector.shape_cast %get3A_5 : vector<1x2000x128xf32> to vector<2000x128xf32>
    %get3A_7 = arith.constant 1 : index
    %get3A_8 = arith.constant 0 : index
    %get3A_9 = arith.constant 0 : index
    %get3A_10 = vector.load %arg1[%get3A_7, %get3A_8, %get3A_9] : memref<2x2000x128xf32, #tpu.memory_space<vmem>>, vector<1x2000x128xf32>
    %get3A_11 = vector.shape_cast %get3A_10 : vector<1x2000x128xf32> to vector<2000x128xf32>
    %add3A = arith.addf %get3A_6, %get3A_11 : vector<2000x128xf32>
    %get3A_12 = arith.constant 0 : index
    %get3A_13 = arith.constant 0 : index
    %get3A_14 = vector.load %arg2[%get3A_12, %get3A_13] : memref<2000x128xf32, #tpu.memory_space<vmem>>, vector<2000x128xf32>
    %add3A_15 = arith.addf %add3A, %get3A_14 : vector<2000x128xf32>
    %mul3A = vector.broadcast %get3A_1 : vector<2000x1xf32> to vector<2000x128xf32>
    %mul3A_16 = arith.mulf %mul3A, %add3A_15 : vector<2000x128xf32>
    %get3A_17 = arith.constant 0 : index
    %get3A_18 = arith.constant 0 : index
    %get3A_19 = vector.load %arg4[%get3A_17, %get3A_18] : memref<1x128xf32, #tpu.memory_space<vmem>>, vector<1x128xf32>
    %add3A_20 = vector.broadcast %get3A_19 : vector<1x128xf32> to vector<2000x128xf32>
    %add3A_21 = arith.addf %mul3A_16, %add3A_20 : vector<2000x128xf32>
    %max3A = arith.constant 0.000000e+00 : f32
    %max3A_22 = vector.broadcast %max3A : f32 to vector<2000x128xf32>
    %max3A_23 = arith.maximumf %add3A_21, %max3A_22 : vector<2000x128xf32>
    %get3A_24 = arith.constant 0 : index
    %get3A_25 = arith.constant 0 : index
    %get3A_26 = vector.load %arg5[%get3A_24, %get3A_25] : memref<128x128xf32, #tpu.memory_space<vmem>>, vector<128x128xf32>
    %dot_general3A = arith.constant dense<0.000000e+00> : vector<2000x128xf32>
    %dot_general3A_27 = tpu.matmul %max3A_23, %get3A_26, %dot_general3A {dimension_numbers = #tpu.dot_dimension_numbers<[1], [0], [0], [1], [0, 0, 1, 1], [], []>, transpose_lhs_hint = false} : vector<2000x128xf32>, vector<128x128xf32>, vector<2000x128xf32> -> vector<2000x128xf32>
    %mul3A_28 = vector.broadcast %get3A_1 : vector<2000x1xf32> to vector<2000x128xf32>
    %mul3A_29 = arith.mulf %dot_general3A_27, %mul3A_28 : vector<2000x128xf32>
    %swap3A = arith.constant 0 : index
    %swap3A_30 = arith.constant 0 : index
    %swap3A_31 = vector.load %arg6[%swap3A, %swap3A_30] : memref<2000x128xf32, #tpu.memory_space<vmem>>, vector<2000x128xf32>
    tpu.vector_store %arg6[%swap3A, %swap3A_30], %mul3A_29 {strides = array<i32>} : memref<2000x128xf32, #tpu.memory_space<vmem>>, vector<2000x128xf32>,
    return
  }
  func.func @transform_0(%arg0: i32) -> (i32, i32, i32) {
    %c0_i32 = arith.constant 0 : i32
    %c0_i32_0 = arith.constant 0 : i32
    %c0_i32_1 = arith.constant 0 : i32
    return %c0_i32, %arg0, %c0_i32_0 : i32, i32, i32
  }
  func.func @transform_1(%arg0: i32) -> (i32, i32) {
    %c0_i32 = arith.constant 0 : i32
    %c0_i32_0 = arith.constant 0 : i32
    return %arg0, %c0_i32 : i32, i32
  }
  func.func @transform_2(%arg0: i32) -> (i32, i32) {
    %c0_i32 = arith.constant 0 : i32
    %c0_i32_0 = arith.constant 0 : i32
    return %arg0, %c0_i32 : i32, i32
  }
  func.func @transform_3(%arg0: i32) -> (i32, i32) {
    %c0_i32 = arith.constant 0 : i32
    %c0_i32_0 = arith.constant 0 : i32
    %c0_i32_1 = arith.constant 0 : i32
    return %c0_i32, %c0_i32_0 : i32, i32
  }
  func.func @transform_4(%arg0: i32) -> (i32, i32) {
    %c0_i32 = arith.constant 0 : i32
    %c0_i32_0 = arith.constant 0 : i32
    %c0_i32_1 = arith.constant 0 : i32
    return %c0_i32, %c0_i32_0 : i32, i32
  }
  func.func @transform_5(%arg0: i32) -> (i32, i32) {
    %c0_i32 = arith.constant 0 : i32
    %c0_i32_0 = arith.constant 0 : i32
    return %arg0, %c0_i32 : i32, i32
  }
}

module attributes {stable_mosaic.version = 14 : i64} {
  func.func @body(%arg0: i32, %arg1: memref<2x2000x128xf32, #tpu.memory_space<vmem>>, %arg2: memref<2000x128xf32, #tpu.memory_space<vmem>>, %arg3: memref<2000x1xf32, #tpu.memory_space<vmem>>, %arg4: memref<1x128xf32, #tpu.memory_space<vmem>>, %arg5: memref<2000x128xf32, #tpu.memory_space<vmem>>) attributes {dimension_semantics = [#tpu.dimension_semantics<arbitrary>], iteration_bounds = array<i64: 5>, scalar_prefetch = 0 : i64, scratch_operands = 0 : i64, tpu.core_type = #tpu.core_type<tc>, window_params = [{transform_indices = @transform_0, window_bounds = array<i64: 2, 2000, 128>}, {transform_indices = @transform_1, window_bounds = array<i64: 2000, 128>}, {transform_indices = @transform_2, window_bounds = array<i64: 2000, 1>}, {pipeline_mode = #tpu.pipeline_mode<synchronous>, transform_indices = @transform_3, window_bounds = array<i64: 1, 128>}, {transform_indices = @transform_4, window_bounds = array<i64: 2000, 128>}]} {
    %get3A = arith.constant 0 : index
    %get3A_0 = arith.constant 0 : index
    %get3A_1 = vector.load %arg3[%get3A, %get3A_0] : memref<2000x1xf32, #tpu.memory_space<vmem>>, vector<2000x1xf32>
    %get3A_2 = arith.constant 0 : index
    %get3A_3 = arith.constant 0 : index
    %get3A_4 = arith.constant 0 : index
    %get3A_5 = vector.load %arg1[%get3A_2, %get3A_3, %get3A_4] : memref<2x2000x128xf32, #tpu.memory_space<vmem>>, vector<1x2000x128xf32>
    %get3A_6 = vector.shape_cast %get3A_5 : vector<1x2000x128xf32> to vector<2000x128xf32>
    %get3A_7 = arith.constant 1 : index
    %get3A_8 = arith.constant 0 : index
    %get3A_9 = arith.constant 0 : index
    %get3A_10 = vector.load %arg1[%get3A_7, %get3A_8, %get3A_9] : memref<2x2000x128xf32, #tpu.memory_space<vmem>>, vector<1x2000x128xf32>
    %get3A_11 = vector.shape_cast %get3A_10 : vector<1x2000x128xf32> to vector<2000x128xf32>
    %add3A = arith.addf %get3A_6, %get3A_11 : vector<2000x128xf32>
    %get3A_12 = arith.constant 0 : index
    %get3A_13 = arith.constant 0 : index
    %get3A_14 = vector.load %arg2[%get3A_12, %get3A_13] : memref<2000x128xf32, #tpu.memory_space<vmem>>, vector<2000x128xf32>
    %add3A_15 = arith.addf %add3A, %get3A_14 : vector<2000x128xf32>
    %mul3A = vector.broadcast %get3A_1 : vector<2000x1xf32> to vector<2000x128xf32>
    %mul3A_16 = arith.mulf %mul3A, %add3A_15 : vector<2000x128xf32>
    %get3A_17 = arith.constant 0 : index
    %get3A_18 = arith.constant 0 : index
    %get3A_19 = vector.load %arg4[%get3A_17, %get3A_18] : memref<1x128xf32, #tpu.memory_space<vmem>>, vector<1x128xf32>
    %add3A_20 = vector.broadcast %get3A_19 : vector<1x128xf32> to vector<2000x128xf32>
    %add3A_21 = arith.addf %mul3A_16, %add3A_20 : vector<2000x128xf32>
    %swap3A = arith.constant 0 : index
    %swap3A_22 = arith.constant 0 : index
    %swap3A_23 = vector.load %arg5[%swap3A, %swap3A_22] : memref<2000x128xf32, #tpu.memory_space<vmem>>, vector<2000x128xf32>
    tpu.vector_store %arg5[%swap3A, %swap3A_22], %add3A_21 {strides = array<i32>} : memref<2000x128xf32, #tpu.memory_space<vmem>>, vector<2000x128xf32>,
    return
  }
  func.func @transform_0(%arg0: i32) -> (i32, i32, i32) {
    %c0_i32 = arith.constant 0 : i32
    %c0_i32_0 = arith.constant 0 : i32
    %c0_i32_1 = arith.constant 0 : i32
    return %c0_i32, %arg0, %c0_i32_0 : i32, i32, i32
  }
  func.func @transform_1(%arg0: i32) -> (i32, i32) {
    %c0_i32 = arith.constant 0 : i32
    %c0_i32_0 = arith.constant 0 : i32
    return %arg0, %c0_i32 : i32, i32
  }
  func.func @transform_2(%arg0: i32) -> (i32, i32) {
    %c0_i32 = arith.constant 0 : i32
    %c0_i32_0 = arith.constant 0 : i32
    return %arg0, %c0_i32 : i32, i32
  }
  func.func @transform_3(%arg0: i32) -> (i32, i32) {
    %c0_i32 = arith.constant 0 : i32
    %c0_i32_0 = arith.constant 0 : i32
    %c0_i32_1 = arith.constant 0 : i32
    return %c0_i32, %c0_i32_0 : i32, i32
  }
  func.func @transform_4(%arg0: i32) -> (i32, i32) {
    %c0_i32 = arith.constant 0 : i32
    %c0_i32_0 = arith.constant 0 : i32
    return %arg0, %c0_i32 : i32, i32
  }
}

</mosaic_0001>

<sc_bundles>
// kernel: kernel.11.cloned.1.call-start
scs
__scs_entry_jumppad:
0x0: {  	(pc) =	sbr.rel $0x88, $3  }
0x1: {  	(tag) =	ssettag $0x0;
	lr =	simm.s32 $0x1  }
0x2: {  	[smem:$0x3F9B] =	sst lr;
	_ =	strace $0xD0000000  }
0x3: {  	_ = 	snop  }
0x4: {  	_ = 	snop  }
0x5: {  	_ = 	snop  }
0x6: {  	_ = 	snop  }
0x7: {  	_ = 	snop  }
__scs_overlays_trampoline_lowered:
0x8: {  	[smem:$0x3FAA] =	sst s0  }
0x9: {  	[smem:$0x3FAB] =	sst s1  }
0xa: {  	[smem:$0x3FAC] =	sst s2  }
0xb: {  	[smem:$0x3FAD] =	sst s3  }
0xc: {  	[smem:$0x3FAE] =	sst s4  }
0xd: {  	[smem:$0x3FAF] =	sst s5  }
0xe: {  	[smem:$0x3FB0] =	sst s6  }
0xf: {  	[smem:$0x3FB1] =	sst s7  }
0x10: {  	[smem:$0x3FB2] =	sst s8  }
0x11: {  	[smem:$0x3FB3] =	sst s9;
	s0 =	simm.s32 @!p0 $0x0  }
0x12: {  	s1 =	sld [smem:$0x3F99];
	s0 =	simm.s32 @p0 $0x1  }
0x13: {  	[smem:$0x3FB4] =	sst s0;
	s0 =	simm.s32 @!p1 $0x0  }
0x14: {  	s2 =	sld [smem:$0x3F98];
	s0 =	simm.s32 @p1 $0x1  }
0x15: {  	[smem:$0x3FB5] =	sst s0;
	s0 =	simm.s32 @!p2 $0x0  }
0x16: {  	s3 =	sld [smem:$0x3FDB];
	s0 =	simm.s32 @p2 $0x1  }
0x17: {  	s4 =	simm.s32 $0x1BF5;
	[smem:$0x3FB7] =	sst s0  }
0x18: {  	s0 =	sld [smem:$0x3F9A];
	_ =	swait.ge [sflag:s4], $0x0  }
0x19: {  	s7 =	sld [smem:$0x3F9B]  }
0x1a: {  	s8 =	sadd.s32 $0xFFFFE003, lr  }
0x1b: {  	s9 =	sadd.s32 $0xFFFFFEF7, lr;
	s5 =	simm.s32 $0xFFFFFFFF;
	p2 =	slt.u32 s8, $0xFFFFF086  }
0x1c: {  	p1 =	slt.u32 s9, $0xF7A;
	s5 =	simm.s32 @!p2 $0x0  }
0x1d: {  	s5 =	simm.s32 @p1 $0x1;
	p0 =	seq.s32 s7, s2  }
0x1e: {  	s7 =	smul.u32 @!p0 $0xF7A, s2;
	p2 =	seq.s32 @!p0 s5, $0x0  }
0x1f: {  	s9 =	smul.u32 $0xF7A, s1;
	s8 =	simm.s32 @!p0 $0x1BF5;
	p2 =	por !p2, p0  }
0x20: {  	[sflag:s8] =	ssyncset.s32 @!p0 $0xFFFFF086;
	s6 =	sadd.s32 @!p0 s3, s7;
	s7 =	simm.s32 @!p0 $0x108  }
0x21: {  	s3 =	sadd.s32 s3, s9;
	s6 =	sadd.s32 @!p0 $0x88, s6;
	s7 =	simm.s32 @p2 $0x1082  }
0x22: {  	[simem:s7], [sflag:s8] =	dma.local @!p0 [hbm:s6], $0xF7A  }
0x23: {  	s9 =	sor.u32 $0xD0000000, s2;
	s6 =	simm.s32 $0x108;
	_ =	swait.ge @!p0 [sflag:s8], $0x0  }
0x24: {  	s3 =	sadd.s32 $0x88, s3;
	s6 =	simm.s32 @!p1 $0x1082;
	[sflag:s4] =	ssyncset.s32 $0xFFFFF086  }
0x25: {  	[simem:s6], [sflag:s4] =	dma.local [hbm:s3], $0xF7A  }
0x26: {  	[smem:$0x3F9B] =	sst s1;
	(tag) =	ssettag s2;
	_ =	strace s9  }
0x27: {  	s1 =	sld [smem:$0x3FAB]  }
0x28: {  	s2 =	sld [smem:$0x3FAC]  }
0x29: {  	s4 =	sld [smem:$0x3FAE]  }
0x2a: {  	p0 =	seq.s32 s5, $0x0;
	s5 =	sld [smem:$0x3FAF]  }
0x2b: {  	s6 =	sld [smem:$0x3FB0]  }
0x2c: {  	s7 =	sld [smem:$0x3FB1]  }
0x2d: {  	s3 =	simm.s32 $0x108;
	s8 =	sld [smem:$0x3FB2]  }
0x2e: {  	s3 =	simm.s32 @!p0 $0x1082;
	s9 =	sld [smem:$0x3FB3]  }
0x2f: {  	lr =	sadd.s32 s0, s3;
	s0 =	sld [smem:$0x3FAA]  }
0x30: {  	s3 =	sld [smem:$0x3FAD]  }
0x31: {  	[smem:$0x3FB6] =	sst s10  }
0x32: {  	s10 =	sld [smem:$0x3FB4];
	_ =	sdelay $0x3  }
0x33: {  	p0 =	seq.s32 s10, $0x1;
	s10 =	sld [smem:$0x3FB6];
	_ =	sdelay $0x3  }
0x34: {  	[smem:$0x3FB6] =	sst s10  }
0x35: {  	s10 =	sld [smem:$0x3FB5];
	_ =	sdelay $0x3  }
0x36: {  	p1 =	seq.s32 s10, $0x1;
	s10 =	sld [smem:$0x3FB6];
	_ =	sdelay $0x3  }
0x37: {  	[smem:$0x3FB6] =	sst s10  }
0x38: {  	s10 =	sld [smem:$0x3FB7]  }
0x39: {  	_ = 	snop;
	(pc) =	sbr.ind lr, $3  }
0x3a: {  	_ = 	snop  }
0x3b: {  	_ = 	snop  }
0x3c: {  	p2 =	seq.s32 s10, $0x1;
	s10 =	sld [smem:$0x3FB6]  }
0x3d: {  	_ =	shalt  }
0x3e: {  	_ =	shalt  }
0x3f: {  	_ =	shalt  }
0x40: {  	_ =	shalt  }
0x41: {  	_ =	shalt  }
0x42: {  	_ =	shalt  }
0x43: {  	_ =	shalt  }
0x44: {  	_ =	shalt  }
0x45: {  	_ =	shalt  }
0x46: {  	_ =	shalt  }
0x47: {  	_ =	shalt  }
0x48: {  	_ =	shalt  }
0x49: {  	_ =	shalt  }
0x4a: {  	_ =	shalt  }
0x4b: {  	_ =	shalt  }
0x4c: {  	_ =	shalt  }
0x4d: {  	_ =	shalt  }
0x4e: {  	_ =	shalt  }
0x4f: {  	_ =	shalt  }
0x50: {  	_ =	shalt  }
0x51: {  	_ =	shalt  }
0x52: {  	_ =	shalt  }
0x53: {  	_ =	shalt  }
0x54: {  	_ =	shalt  }
0x55: {  	_ =	shalt  }
0x56: {  	_ =	shalt  }
0x57: {  	_ =	shalt  }
0x58: {  	_ =	shalt  }
0x59: {  	_ =	shalt  }
0x5a: {  	_ =	shalt  }
0x5b: {  	_ =	shalt  }
0x5c: {  	_ =	shalt  }
0x5d: {  	_ =	shalt  }
0x5e: {  	_ =	shalt  }
0x5f: {  	_ =	shalt  }
0x60: {  	_ =	shalt  }
0x61: {  	_ =	shalt  }
0x62: {  	_ =	shalt  }
0x63: {  	_ =	shalt  }
0x64: {  	_ =	shalt  }
0x65: {  	_ =	shalt  }
0x66: {  	_ =	shalt  }
0x67: {  	_ =	shalt  }
0x68: {  	_ =	shalt  }
0x69: {  	_ =	shalt  }
0x6a: {  	_ =	shalt  }
0x6b: {  	_ =	shalt  }
0x6c: {  	_ =	shalt  }
0x6d: {  	_ =	shalt  }
0x6e: {  	_ =	shalt  }
0x6f: {  	_ =	shalt  }
0x70: {  	_ =	shalt  }
0x71: {  	_ =	shalt  }
0x72: {  	_ =	shalt  }
0x73: {  	_ =	shalt  }
0x74: {  	_ =	shalt  }
0x75: {  	_ =	shalt  }
0x76: {  	_ =	shalt  }
0x77: {  	_ =	shalt  }
0x78: {  	_ =	shalt  }
0x79: {  	_ =	shalt  }
0x7a: {  	_ =	shalt  }
0x7b: {  	_ =	shalt  }
0x7c: {  	_ =	shalt  }
0x7d: {  	_ =	shalt  }
0x7e: {  	_ =	shalt  }
0x7f: {  	_ =	shalt  }
0x80: {  	_ =	shalt  }
0x81: {  	_ =	shalt  }
0x82: {  	_ =	shalt  }
0x83: {  	_ =	shalt  }
0x84: {  	_ =	shalt  }
0x85: {  	_ =	shalt  }
0x86: {  	_ =	shalt  }
0x87: {  	_ =	shalt  }
.Lfunc_end0:
.L_simem_size_0:
called_computation.1_lowered:
.L_overlay_start_0:
0x88: {  	s2 =	sld [smem:$0x3FD9]  }
0x89: {  	s3 =	sld [smem:$0x3FFE];
	_ =	sdelay $0x1  }
0x8a: {  	s1 =	srdreg.scid  }
0x8b: {  	s0 =	sand.u32 $0x1, s1  }
0x8c: {  	s17 =	sshll.u32 s0, $0xA;
	s2 =	sadd.s32 s3, s2  }
0x8d: {  	s2 =	sadd.s32 s2, s17  }
0x8e: {  	[smem:$0x3FC2] =	sst s2  }
0x8f: {  	_ = 	snop  }
0x90: {  	s2 =	sld [smem:$0x3FD0];
	(tm) =	ssettm $0x1  }
0x91: {  	s18 =	sld [smem:$0x3FFB];
	_ =	sdelay $0x3  }
0x92: {  	_ =	strace s18  }
0x93: {  	s3 =	sld [smem:$0x3FFC];
	_ =	sdelay $0x3  }
0x94: {  	_ =	strace s3  }
0x95: {  	s3 =	sld [smem:$0x3FFD];
	_ =	sdelay $0x3  }
0x96: {  	_ =	strace s3  }
0x97: {  	_ =	strace $0x8FFFFFFF  }
0x98: {  	s19 =	sld [smem:$0x3FDB];
	_ =	sdelay $0x1  }
0x99: {  	s4 =	simm.s32 $_scs_section_size  }
0x9a: {  	s5 =	simm.s32 $_size__tile_overlayer_lowered;
	s6 =	simm.s32 $_tile_overlayer_lowered  }
0x9b: {  	s22 =	simm.s32 $0x1BFF;
	s21 =	sshll.u32 s6, $0x1;
	s3 =	sadd.s32 s4, s19  }
0x9c: {  	s7 =	simm.s32 $0x0;
	s20 =	sshll.u32 s5, $0x1;
	s5 =	sadd.s32 s21, s3  }
0x9d: {  	[timem:s7], [sflag:s22] =	dma.local [hbm:s5], s20  }
0x9e: {  	_ =	swait.ge [sflag:s22], s20  }
0x9f: {  	s4 =	ssub.s32 $0x0, s20;
	[sflag:s22] =	ssyncset.done $0x0  }
0xa0: {  	[sflag:s22] =	ssyncadd.s32 s4;
	_ =	sdelay $0x1  }
0xa1: {  	s23 =	simm.s32 $0x1B8B  }
0xa2: {  	_ =	swait.ge [sflag:s23], $0x1  }
0xa3: {  	[sflag:s23] =	ssyncset.done $0x0  }
0xa4: {  	s25 =	simm.s32 $0x1B8E;
	s24 =	sld [smem:$0x3FFE];
	[sflag:s23] =	ssyncadd.s32 $0xFFFFFFFF  }
0xa5: {  	s26 =	simm.s32 $execute0_lowered;
	[smem:$0x3FD2] =	sst s25  }
0xa6: {  	s5 =	sshll.u32 s26, $0x1;
	_ =	strace $0x80000049;
	[dreg:$0x1] =	wrdreg $0xFFFFFFFF  }
0xa7: {  	s28 =	simm.s32 $_size_execute0_lowered;
	s3 =	sadd.s32 s3, s5;
	[dreg:$0x0] =	wrdreg $0x0  }
0xa8: {  	s5 =	sshll.u32 s28, $0x1;
	[dreg:$0x2] =	wrdreg s3  }
0xa9: {  	[dreg:$0x3] =	wrdreg s5  }
0xaa: {  	[dreg:$0x4] =	wrdreg $0xC0  }
0xab: {  	_ =	task [dreg:s7], $0x5FFFF  }
0xac: {  	[dreg:$0x1] =	wrdreg $0xFFFFFFFF  }
0xad: {  	[dreg:$0x0] =	wrdreg $0x60  }
0xae: {  	[dreg:$0x2] =	wrdreg s2  }
0xaf: {  	[dreg:$0x3] =	wrdreg s24  }
0xb0: {  	[dreg:$0x4] =	wrdreg $0xB0000  }
0xb1: {  	[dreg:$0x5] =	wrdreg $0x9  }
0xb2: {  	_ =	task.clear_ibuf [dreg:s7], $0x6FFFF;
	_ =	strace $0x90000049  }
0xb3: {  	s29 =	simm.s32 $0x9;
	_ =	strace $0x8000004B  }
0xb4: {  	_ =	swait.ge [sflag:s29], $0x1  }
0xb5: {  	[sflag:s29] =	ssyncadd.s32 $0xFFFFFFFF  }
0xb6: {  	_ =	strace $0x9000004B  }
0xb7: {  	_ =	sfence  }
0xb8: {  	s30 =	sld [smem:$0x0];
	_ =	sdelay $0x2  }
0xb9: {  	s31 =	sshll.u32 s1, $0xD;
	s1 =	sshrl.u32 s1, $0x2  }
0xba: {  	s3 =	sand.u32 $0x4000, s31;
	s1 =	sadd.s32 s1, s30  }
0xbb: {  	s0 =	sor.u32 s3, s0;
	s1 =	sshll.u32 s1, $0x11  }
0xbc: {  	s0 =	sor.u32 s1, s0  }
0xbd: {  	s0 =	sadd.s32 $0x8F2B, s0  }
0xbe: {  	[sflag:s0] =	ssyncadd.remote.s32 $0x1  }
0xbf: {  	_ =	sfence.sel $0xFFFF  }
0xc0: {  	[dreg:$0x0] =	wrdreg $0xFFFFFFFF;
	(pc) =	sbr.abs _section_cstart, $3  }
0xc1: {  	[dreg:$0x1] =	wrdreg $0xFFFFFFFF  }
0xc2: {  	_ =	task.clear_ibuf [dreg:s7], $0x2FFFF;
	_ =	strace $0x9FFFFFFF  }
0xc3: {  	(tm) =	ssettm $0x7FFFFFFF  }
tec
execute0_lowered:
.L_overlay_start_1:
0x0: {  	(tag) =	ssettag $0x1  }
0x1: {  	s0 =	rddreg [dreg:$0x0]  }
0x2: {  	s1 =	rddreg [dreg:$0x1]  }
0x3: {  	s2 =	srdreg.scid;
	s11 =	stileid.u32  }
0x4: {  	s3 =	rddreg [dreg:$0x2];
	s4 =	simm.s32 $0x0;
	s6 =	smul.u32 $0x14000, s11  }
0x5: {  	s28 =	simm.s32 $0x6;
	s30 =	simm.s32 $0x400;
	s23 =	smul.u32 $0x50000, s11  }
0x6: {  	s31 =	simm.s32 $0xC00;
	s29 =	simm.s32 $0x7C0;
	s16 =	smul.u32 $0xA00, s11  }
0x7: {  	s2 =	sand.u32 $0x1, s2;
	s10 =	sshll.u32 s11, $0x1;
	s11 =	smul.u32 $0x14, s11  }
0x8: {  	[smem:$0x7FF] =	sst s4;
	s7 =	sadd.s32 $0xC800, s1;
	s5 =	smul.u32 $0x140000, s2  }
0x9: {  	s8 =	sadd.s32 $0x2800, s1;
	_ =	strace $0x8000004A;
	s19 =	smul.u32 $0x500, s2  }
0xa: {  	s24 =	ssub.s32 $0x2, s2;
	s26 =	sor.u32 s2, s10;
	s2 =	smul.u32 $0xA, s2  }
0xb: {  	s9 =	sshrl.u32 s24, $0x1;
	s21 =	sadd.s32 s16, s8;
	s5 =	sadd.s32 s6, s5  }
0xc: {  	s6 =	sshrl.u32 s23, $0x2;
	s2 =	sadd.s32 s2, s11;
	s11 =	simm.s32 $0x1  }
0xd: {  	s5 =	sshrl.u32 s5, $0x3;
	s25 =	sadd.s32 s6, s3;
	s6 =	smul.u32 $0x500, s26  }
0xe: {  	s2 =	sshll.u32 s2, $0x7;
	s10 =	sadd.s32 $0x2000, s25;
	[dreg:$0x4] =	wrdreg s25  }
0xf: {  	s1 =	sadd.s32 s5, s1;
	s12 =	sadd.s32 $0x4000, s25;
	[dreg:$0x5] =	wrdreg s10  }
0x10: {  	s5 =	ssub.s32 s24, s9;
	s13 =	sadd.s32 $0x6000, s25;
	[dreg:$0x6] =	wrdreg s12  }
0x11: {  	s14 =	sadd.s32 $0x8000, s25;
	s15 =	sadd.s32 $0xA000, s25;
	[dreg:$0x7] =	wrdreg s13  }
0x12: {  	s17 =	sadd.s32 $0xC000, s25;
	s18 =	sadd.s32 $0xE000, s25;
	[dreg:$0x8] =	wrdreg s14  }
0x13: {  	s20 =	sadd.s32 $0x12000, s25;
	s9 =	sadd.s32 s16, s7;
	[dreg:$0x9] =	wrdreg s15  }
0x14: {  	s26 =	sadd.s32 $0x100, s2;
	s2 =	simm.s32 $0x1000;
	[dreg:$0xa] =	wrdreg s17  }
0x15: {  	s16 =	simm.s32 $0xF80;
	[dreg:$0xb] =	wrdreg s18;
	s12 =	sadd.s32 $0x10000, s25  }
0x16: {  	[dreg:$0xd] =	wrdreg s20;
	s13 =	sadd.s32 s7, s6;
	s9 =	sadd.s32 s19, s9  }
0x17: {  	s22 =	sadd.s32 s8, s6;
	s6 =	sor.u32 $0x80, s6;
	s1 =	sadd.s32 $0x16800, s1  }
0x18: {  	s24 =	smax.u32 s5, $0x1;
	s10 =	simm.s32 $0x7000;
	[dreg:$0xc] =	wrdreg s12  }
0x19: {  	s14 =	simm.s32 $0x2;
	s18 =	simm.s32 $0x4;
	[dreg:$0xe] =	wrdreg s13  }
0x1a: {  	s15 =	simm.s32 $0xF00;
	s17 =	simm.s32 $0x3;
	[dreg:$0xf] =	wrdreg s22  }
0x1b: {  	s12 =	sadd.s32 s19, s21;
	s23 =	sadd.s32 s7, s6;
	[dreg:$0x12] =	wrdreg s1  }
0x1c: {  	s6 =	sadd.s32 s8, s6;
	[dreg:$0x13] =	wrdreg s24;
	s22 =	sadd.s32 $0x180, s9  }
.Ltmp0:
0x1d: {  	s24 =	sadd.s32 s26, s8;
	s1 =	simm.s32 $0x40;
	(pc) =	sbr.rel .LBB2_1-.Ltmp0, $4  }
0x1e: {  	s8 =	simm.s32 $0x5000;
	s9 =	simm.s32 $0x740;
	[dreg:$0x10] =	wrdreg s23  }
0x1f: {  	s13 =	simm.s32 $0x780;
	s19 =	simm.s32 $0x0;
	[dreg:$0x11] =	wrdreg s6  }
0x20: {  	s21 =	sadd.s32 $0x180, s12;
	s23 =	sadd.s32 s26, s7;
	s6 =	simm.s32 $0x3000  }
0x21: {  	v0 =	vimm.f32 $0.0e+00;
	s7 =	simm.s32 $0x80;
	s26 =	simm.s32 $0x700;
	s12 =	simm.s32 $0xE80  }
.LBB2_6:
0x22: {  	_ =	swait.ge [sflag:s14], $0x2000  }
0x23: {  	[sflag:s14] =	ssyncset.done $0x0  }
0x24: {  	[sflag:s14] =	ssyncadd.s32 $0xFFFFE000  }
0x25: {  	_ =	swait.ge [sflag:s14], $0x2000  }
0x26: {  	[sflag:s14] =	ssyncset.done $0x0  }
0x27: {  	[sflag:s14] =	ssyncadd.s32 $0xFFFFE000  }
0x28: {  	[spmem:s3] =	stream.indirect.scatter.add.f32 [tilespmem:s8], [sflag:$0x6], $0x80, s16, s7, $0xb8;
	[tilespmem:$0x1F000] =	vst v63  }
0x29: {  	_ =	swait.ge [sflag:s28], $0x4000  }
0x2a: {  	[sflag:s28] =	ssyncset.done $0x0  }
0x2b: {  	[sflag:s28] =	ssyncadd.s32 $0xFFFFC000  }
0x2c: {  	s5 =	stileid.u32;
	[bflag:$0x0] =	sbarrier.arrive $0xFFFF  }
0x2d: {  	s5 =	sshll.u32 s5, $0x6;
	s25 =	rddreg [dreg:$0x4]  }
0x2e: {  	s5 =	sor.u32 $0x1C06, s5;
	s20 =	rddreg [dreg:$0x12];
	s19 =	sshrl.u32 s25, $0x3  }
0x2f: {  	[hbm:s20], [sflag:s5] =	dma.local [spmem:s19], $0x2800  }
0x30: {  	_ =	swait.ge [sflag:s28], $0x2800  }
0x31: {  	s5 =	rddreg [dreg:$0x14]  }
0x32: {  	s20 =	rddreg [dreg:$0x13];
	s19 =	sadd.s32 $0x1, s5  }
0x33: {  	p0 =	sne.s32 s19, s20  }
.Ltmp1:
0x34: {  	_ = 	snop;
	(pc) =	sbr.rel @!p0 .LBB2_7-.Ltmp1, $3  }
0x35: {  	_ =	sdelay $0x1  }
0x36: {  	[sflag:s28] =	ssyncset.done $0x0  }
0x37: {  	[sflag:s28] =	ssyncadd.s32 $0xFFFFD800  }
.LBB2_1:
0x38: {  	[dreg:$0x14] =	wrdreg s19;
	s19 =	simm.s32 $0x0;
	s20 =	simm.s32 $0x200  }
.LBB2_2:
0x39: {  	p0 =	sne.s32 s20, $0x7E00;
	[tilespmem:s19+$0x9070] =	vst v0  }
0x3a: {  	[tilespmem:s19+$0x9000] =	vst v0  }
0x3b: {  	[tilespmem:s19+$0x9010] =	vst v0  }
.Ltmp2:
0x3c: {  	[tilespmem:s19+$0x9020] =	vst v0;
	(pc) =	sbr.rel @p0 .LBB2_2-.Ltmp2, $4  }
0x3d: {  	[tilespmem:s19+$0x9030] =	vst v0  }
0x3e: {  	[tilespmem:s19+$0x9040] =	vst v0  }
0x3f: {  	[tilespmem:s19+$0x9050] =	vst v0  }
0x40: {  	[tilespmem:s19+$0x9060] =	vst v0;
	s19 =	sshra.s32 s20, $0x2;
	s20 =	sadd.s32 $0x200, s20  }
0x41: {  	[tilespmem:s19+$0x9070] =	vst v0  }
0x42: {  	[tilespmem:s19+$0x9000] =	vst v0  }
0x43: {  	[tilespmem:s19+$0x9010] =	vst v0  }
0x44: {  	[tilespmem:s19+$0x9020] =	vst v0  }
0x45: {  	[tilespmem:s19+$0x9030] =	vst v0  }
0x46: {  	[tilespmem:s19+$0x9040] =	vst v0  }
0x47: {  	[tilespmem:s19+$0x9050] =	vst v0  }
0x48: {  	[tilespmem:s19+$0x9060] =	vst v0;
	s19 =	simm.s32 $0x9000  }
0x49: {  	[spmem:s25] =	stream.linear.scatter [tilespmem:s19], [sflag:$0x5], $0x2000, $0x38;
	[tilespmem:$0x1F000] =	vst v63  }
0x4a: {  	s5 =	rddreg [dreg:$0x5]  }
0x4b: {  	[spmem:s5] =	stream.linear.scatter [tilespmem:s19], [sflag:$0x5], $0x2000, $0x38;
	[tilespmem:$0x1F000] =	vst v63  }
0x4c: {  	s20 =	rddreg [dreg:$0x6]  }
0x4d: {  	[spmem:s20] =	stream.linear.scatter [tilespmem:s19], [sflag:$0x5], $0x2000, $0x38;
	[tilespmem:$0x1F000] =	vst v63  }
0x4e: {  	s25 =	rddreg [dreg:$0x7]  }
0x4f: {  	[spmem:s25] =	stream.linear.scatter [tilespmem:s19], [sflag:$0x5], $0x2000, $0x38;
	[tilespmem:$0x1F000] =	vst v63  }
0x50: {  	s20 =	rddreg [dreg:$0x8]  }
0x51: {  	[spmem:s20] =	stream.linear.scatter [tilespmem:s19], [sflag:$0x5], $0x2000, $0x38;
	[tilespmem:$0x1F000] =	vst v63  }
0x52: {  	s25 =	rddreg [dreg:$0x9]  }
0x53: {  	[spmem:s25] =	stream.linear.scatter [tilespmem:s19], [sflag:$0x5], $0x2000, $0x38;
	[tilespmem:$0x1F000] =	vst v63  }
0x54: {  	s20 =	rddreg [dreg:$0xa]  }
0x55: {  	[spmem:s20] =	stream.linear.scatter [tilespmem:s19], [sflag:$0x5], $0x2000, $0x38;
	[tilespmem:$0x1F000] =	vst v63  }
0x56: {  	s25 =	rddreg [dreg:$0xb]  }
0x57: {  	[spmem:s25] =	stream.linear.scatter [tilespmem:s19], [sflag:$0x5], $0x2000, $0x38;
	[tilespmem:$0x1F000] =	vst v63  }
0x58: {  	s20 =	rddreg [dreg:$0xc]  }
0x59: {  	[spmem:s20] =	stream.linear.scatter [tilespmem:s19], [sflag:$0x5], $0x2000, $0x38;
	[tilespmem:$0x1F000] =	vst v63  }
0x5a: {  	s25 =	rddreg [dreg:$0xd]  }
0x5b: {  	[spmem:s25] =	stream.linear.scatter [tilespmem:s19], [sflag:$0x5], $0x2000, $0x38;
	[tilespmem:$0x1F000] =	vst v63  }
0x5c: {  	s19 =	simm.s32 $0x5  }
0x5d: {  	_ =	swait.ge [sflag:s19], $0x2000  }
0x5e: {  	[sflag:s19] =	ssyncset.done $0x0  }
0x5f: {  	[sflag:s19] =	ssyncadd.s32 $0xFFFFE000  }
0x60: {  	_ =	swait.ge [sflag:s19], $0x2000  }
0x61: {  	[sflag:s19] =	ssyncset.done $0x0  }
0x62: {  	[sflag:s19] =	ssyncadd.s32 $0xFFFFE000  }
0x63: {  	_ =	swait.ge [sflag:s19], $0x2000  }
0x64: {  	[sflag:s19] =	ssyncset.done $0x0  }
0x65: {  	[sflag:s19] =	ssyncadd.s32 $0xFFFFE000  }
0x66: {  	_ =	swait.ge [sflag:s19], $0x2000  }
0x67: {  	[sflag:s19] =	ssyncset.done $0x0  }
0x68: {  	[sflag:s19] =	ssyncadd.s32 $0xFFFFE000  }
0x69: {  	_ =	swait.ge [sflag:s19], $0x2000  }
0x6a: {  	[sflag:s19] =	ssyncset.done $0x0  }
0x6b: {  	[sflag:s19] =	ssyncadd.s32 $0xFFFFE000  }
0x6c: {  	_ =	swait.ge [sflag:s19], $0x2000  }
0x6d: {  	[sflag:s19] =	ssyncset.done $0x0  }
0x6e: {  	[sflag:s19] =	ssyncadd.s32 $0xFFFFE000  }
0x6f: {  	_ =	swait.ge [sflag:s19], $0x2000  }
0x70: {  	[sflag:s19] =	ssyncset.done $0x0  }
0x71: {  	[sflag:s19] =	ssyncadd.s32 $0xFFFFE000  }
0x72: {  	_ =	swait.ge [sflag:s19], $0x2000  }
0x73: {  	[sflag:s19] =	ssyncset.done $0x0  }
0x74: {  	[sflag:s19] =	ssyncadd.s32 $0xFFFFE000  }
0x75: {  	_ =	swait.ge [sflag:s19], $0x2000  }
0x76: {  	[sflag:s19] =	ssyncset.done $0x0  }
0x77: {  	[sflag:s19] =	ssyncadd.s32 $0xFFFFE000  }
0x78: {  	_ =	swait.ge [sflag:s19], $0x2000  }
0x79: {  	[sflag:s19] =	ssyncset.done $0x0  }
0x7a: {  	s20 =	rddreg [dreg:$0xe];
	[sflag:s19] =	ssyncadd.s32 $0xFFFFE000;
	s19 =	simm.s32 $0x0  }
0x7b: {  	[tilespmem:s19], [sflag:$0x6] =	stream.linear.gather [hbm4b:s20+s19], $0x400, $0x38;
	[tilespmem:$0x1F000] =	vst v63  }
0x7c: {  	_ =	swait.ge [sflag:s28], $0x400  }
0x7d: {  	[sflag:s28] =	ssyncset.done $0x0  }
0x7e: {  	s20 =	simm.s32 $0x800;
	s25 =	rddreg [dreg:$0xf];
	[sflag:s28] =	ssyncadd.s32 $0xFFFFFC00  }
0x7f: {  	[tilespmem:s20], [sflag:$0x6] =	stream.linear.gather [hbm4b:s25+s19], $0x400, $0x38;
	[tilespmem:$0x1F000] =	vst v63  }
0x80: {  	_ =	swait.ge [sflag:s28], $0x400  }
0x81: {  	[sflag:s28] =	ssyncset.done $0x0  }
0x82: {  	s20 =	rddreg [dreg:$0x10];
	[sflag:s28] =	ssyncadd.s32 $0xFFFFFC00  }
0x83: {  	[tilespmem:s30], [sflag:$0x4] =	stream.linear.gather [hbm4b:s20+s19], $0x400, $0x38;
	[tilespmem:$0x1F000] =	vst v63  }
0x84: {  	s25 =	rddreg [dreg:$0x11]  }
0x85: {  	[tilespmem:s31], [sflag:$0x4] =	stream.linear.gather [hbm4b:s25+s19], $0x400, $0x38;
	[tilespmem:$0x1F000] =	vst v63  }
0x86: {  	[bflag:$0x0] =	sbarrier.arrive $0xFFFF  }
0x87: {  	[tilespmem:s2], [sflag:$0x1] =	stream.indirect.gather [hbm4b:s0+s1], $0x80, s19, s1, $0xb8;
	[tilespmem:$0x1F000] =	vst v63  }
0x88: {  	_ = 	snop  }
0x89: {  	[tilespmem:s6], [sflag:$0x1] =	stream.indirect.gather [hbm4b:s0+s1], $0x80, s1, s1, $0xb8;
	[tilespmem:$0x1F000] =	vst v63  }
.LBB2_4:
0x8a: {  	[tilespmem:s8], [sflag:$0x2] =	stream.indirect.gather [hbm4b:s0+s1], $0x80, s7, s1, $0xb8;
	[tilespmem:$0x1F000] =	vst v63  }
0x8b: {  	s5 =	simm.s32 $0xC0  }
0x8c: {  	[tilespmem:s10], [sflag:$0x2] =	stream.indirect.gather [hbm4b:s0+s1], $0x80, s5, s1, $0xb8;
	[tilespmem:$0x1F000] =	vst v63  }
0x8d: {  	_ =	swait.ge [sflag:s11], $0x2000  }
0x8e: {  	[sflag:s11] =	ssyncset.done $0x0  }
0x8f: {  	[sflag:s11] =	ssyncadd.s32 $0xFFFFE000  }
0x90: {  	_ =	swait.ge [sflag:s11], $0x2000  }
0x91: {  	[sflag:s11] =	ssyncset.done $0x0  }
0x92: {  	s25 =	simm.s32 $0x800;
	[sflag:s11] =	ssyncadd.s32 $0xFFFFE000  }
0x93: {  	[spmem:s3] =	stream.indirect.scatter.add.f32 [tilespmem:s2], [sflag:$0x6], $0x80, s25, s7, $0xb8;
	[tilespmem:$0x1F000] =	vst v63  }
0x94: {  	_ =	swait.ge [sflag:s28], $0x4000  }
0x95: {  	[sflag:s28] =	ssyncset.done $0x0  }
0x96: {  	s20 =	simm.s32 $0x100;
	[sflag:s28] =	ssyncadd.s32 $0xFFFFC000  }
0x97: {  	[tilespmem:s2], [sflag:$0x1] =	stream.indirect.gather [hbm4b:s0+s1], $0x80, s20, s1, $0xb8;
	[tilespmem:$0x1F000] =	vst v63  }
0x98: {  	s25 =	simm.s32 $0x140  }
0x99: {  	[tilespmem:s6], [sflag:$0x1] =	stream.indirect.gather [hbm4b:s0+s1], $0x80, s25, s1, $0xb8;
	[tilespmem:$0x1F000] =	vst v63  }
0x9a: {  	_ =	swait.ge [sflag:s14], $0x2000  }
0x9b: {  	[sflag:s14] =	ssyncset.done $0x0  }
0x9c: {  	[sflag:s14] =	ssyncadd.s32 $0xFFFFE000  }
0x9d: {  	_ =	swait.ge [sflag:s14], $0x2000  }
0x9e: {  	[sflag:s14] =	ssyncset.done $0x0  }
0x9f: {  	s20 =	simm.s32 $0x880;
	[sflag:s14] =	ssyncadd.s32 $0xFFFFE000  }
0xa0: {  	[spmem:s3] =	stream.indirect.scatter.add.f32 [tilespmem:s8], [sflag:$0x6], $0x80, s20, s7, $0xb8;
	[tilespmem:$0x1F000] =	vst v63  }
0xa1: {  	_ =	swait.ge [sflag:s28], $0x4000  }
0xa2: {  	[sflag:s28] =	ssyncset.done $0x0  }
0xa3: {  	s25 =	simm.s32 $0x180;
	[sflag:s28] =	ssyncadd.s32 $0xFFFFC000  }
0xa4: {  	[tilespmem:s8], [sflag:$0x2] =	stream.indirect.gather [hbm4b:s0+s1], $0x80, s25, s1, $0xb8;
	[tilespmem:$0x1F000] =	vst v63  }
0xa5: {  	s20 =	simm.s32 $0x1C0  }
0xa6: {  	[tilespmem:s10], [sflag:$0x2] =	stream.indirect.gather [hbm4b:s0+s1], $0x80, s20, s1, $0xb8;
	[tilespmem:$0x1F000] =	vst v63  }
0xa7: {  	_ =	swait.ge [sflag:s11], $0x2000  }
0xa8: {  	[sflag:s11] =	ssyncset.done $0x0  }
0xa9: {  	[sflag:s11] =	ssyncadd.s32 $0xFFFFE000  }
0xaa: {  	_ =	swait.ge [sflag:s11], $0x2000  }
0xab: {  	[sflag:s11] =	ssyncset.done $0x0  }
0xac: {  	s25 =	simm.s32 $0x900;
	[sflag:s11] =	ssyncadd.s32 $0xFFFFE000  }
0xad: {  	[spmem:s3] =	stream.indirect.scatter.add.f32 [tilespmem:s2], [sflag:$0x6], $0x80, s25, s7, $0xb8;
	[tilespmem:$0x1F000] =	vst v63  }
0xae: {  	_ =	swait.ge [sflag:s28], $0x4000  }
0xaf: {  	[sflag:s28] =	ssyncset.done $0x0  }
0xb0: {  	s20 =	simm.s32 $0x200;
	[sflag:s28] =	ssyncadd.s32 $0xFFFFC000  }
0xb1: {  	[tilespmem:s2], [sflag:$0x1] =	stream.indirect.gather [hbm4b:s0+s1], $0x80, s20, s1, $0xb8;
	[tilespmem:$0x1F000] =	vst v63  }
0xb2: {  	s25 =	simm.s32 $0x240  }
0xb3: {  	[tilespmem:s6], [sflag:$0x1] =	stream.indirect.gather [hbm4b:s0+s1], $0x80, s25, s1, $0xb8;
	[tilespmem:$0x1F000] =	vst v63  }
0xb4: {  	_ =	swait.ge [sflag:s14], $0x2000  }
0xb5: {  	[sflag:s14] =	ssyncset.done $0x0  }
0xb6: {  	[sflag:s14] =	ssyncadd.s32 $0xFFFFE000  }
0xb7: {  	_ =	swait.ge [sflag:s14], $0x2000  }
0xb8: {  	[sflag:s14] =	ssyncset.done $0x0  }
0xb9: {  	s20 =	simm.s32 $0x980;
	[sflag:s14] =	ssyncadd.s32 $0xFFFFE000  }
0xba: {  	[spmem:s3] =	stream.indirect.scatter.add.f32 [tilespmem:s8], [sflag:$0x6], $0x80, s20, s7, $0xb8;
	[tilespmem:$0x1F000] =	vst v63  }
0xbb: {  	_ =	swait.ge [sflag:s28], $0x4000  }
0xbc: {  	[sflag:s28] =	ssyncset.done $0x0  }
0xbd: {  	s25 =	simm.s32 $0x280;
	[sflag:s28] =	ssyncadd.s32 $0xFFFFC000  }
0xbe: {  	[tilespmem:s8], [sflag:$0x2] =	stream.indirect.gather [hbm4b:s0+s1], $0x80, s25, s1, $0xb8;
	[tilespmem:$0x1F000] =	vst v63  }
0xbf: {  	s20 =	simm.s32 $0x2C0  }
0xc0: {  	[tilespmem:s10], [sflag:$0x2] =	stream.indirect.gather [hbm4b:s0+s1], $0x80, s20, s1, $0xb8;
	[tilespmem:$0x1F000] =	vst v63  }
0xc1: {  	_ =	swait.ge [sflag:s11], $0x2000  }
0xc2: {  	[sflag:s11] =	ssyncset.done $0x0  }
0xc3: {  	[sflag:s11] =	ssyncadd.s32 $0xFFFFE000  }
0xc4: {  	_ =	swait.ge [sflag:s11], $0x2000  }
0xc5: {  	[sflag:s11] =	ssyncset.done $0x0  }
0xc6: {  	s25 =	simm.s32 $0xA00;
	[sflag:s11] =	ssyncadd.s32 $0xFFFFE000  }
0xc7: {  	[spmem:s3] =	stream.indirect.scatter.add.f32 [tilespmem:s2], [sflag:$0x6], $0x80, s25, s7, $0xb8;
	[tilespmem:$0x1F000] =	vst v63  }
0xc8: {  	_ =	swait.ge [sflag:s28], $0x4000  }
0xc9: {  	[sflag:s28] =	ssyncset.done $0x0  }
0xca: {  	s20 =	simm.s32 $0x300;
	[sflag:s28] =	ssyncadd.s32 $0xFFFFC000  }
0xcb: {  	[tilespmem:s2], [sflag:$0x1] =	stream.indirect.gather [hbm4b:s0+s1], $0x80, s20, s1, $0xb8;
	[tilespmem:$0x1F000] =	vst v63  }
0xcc: {  	s25 =	simm.s32 $0x340  }
0xcd: {  	[tilespmem:s6], [sflag:$0x1] =	stream.indirect.gather [hbm4b:s0+s1], $0x80, s25, s1, $0xb8;
	[tilespmem:$0x1F000] =	vst v63  }
0xce: {  	_ =	swait.ge [sflag:s14], $0x2000  }
0xcf: {  	[sflag:s14] =	ssyncset.done $0x0  }
0xd0: {  	[sflag:s14] =	ssyncadd.s32 $0xFFFFE000  }
0xd1: {  	_ =	swait.ge [sflag:s14], $0x2000  }
0xd2: {  	[sflag:s14] =	ssyncset.done $0x0  }
0xd3: {  	s20 =	simm.s32 $0xA80;
	[sflag:s14] =	ssyncadd.s32 $0xFFFFE000  }
0xd4: {  	[spmem:s3] =	stream.indirect.scatter.add.f32 [tilespmem:s8], [sflag:$0x6], $0x80, s20, s7, $0xb8;
	[tilespmem:$0x1F000] =	vst v63  }
0xd5: {  	_ =	swait.ge [sflag:s28], $0x4000  }
0xd6: {  	[sflag:s28] =	ssyncset.done $0x0  }
0xd7: {  	s25 =	simm.s32 $0x380;
	[sflag:s28] =	ssyncadd.s32 $0xFFFFC000  }
0xd8: {  	[tilespmem:s8], [sflag:$0x2] =	stream.indirect.gather [hbm4b:s0+s1], $0x80, s25, s1, $0xb8;
	[tilespmem:$0x1F000] =	vst v63  }
0xd9: {  	s20 =	simm.s32 $0x3C0  }
0xda: {  	[tilespmem:s10], [sflag:$0x2] =	stream.indirect.gather [hbm4b:s0+s1], $0x80, s20, s1, $0xb8;
	[tilespmem:$0x1F000] =	vst v63  }
0xdb: {  	_ =	swait.ge [sflag:s11], $0x2000  }
0xdc: {  	[sflag:s11] =	ssyncset.done $0x0  }
0xdd: {  	[sflag:s11] =	ssyncadd.s32 $0xFFFFE000  }
0xde: {  	_ =	swait.ge [sflag:s11], $0x2000  }
0xdf: {  	[sflag:s11] =	ssyncset.done $0x0  }
0xe0: {  	s25 =	simm.s32 $0xB00;
	[sflag:s11] =	ssyncadd.s32 $0xFFFFE000  }
0xe1: {  	[spmem:s3] =	stream.indirect.scatter.add.f32 [tilespmem:s2], [sflag:$0x6], $0x80, s25, s7, $0xb8;
	[tilespmem:$0x1F000] =	vst v63  }
0xe2: {  	_ =	swait.ge [sflag:s28], $0x4000  }
0xe3: {  	[sflag:s28] =	ssyncset.done $0x0  }
0xe4: {  	[sflag:s28] =	ssyncadd.s32 $0xFFFFC000  }
0xe5: {  	_ =	swait.ge [sflag:s18], $0x400  }
0xe6: {  	[sflag:s18] =	ssyncset.done $0x0  }
0xe7: {  	[sflag:s18] =	ssyncadd.s32 $0xFFFFFC00  }
0xe8: {  	_ =	swait.ge [sflag:s18], $0x400  }
0xe9: {  	[sflag:s18] =	ssyncset.done $0x0  }
0xea: {  	[sflag:s18] =	ssyncadd.s32 $0xFFFFFC00  }
0xeb: {  	[tilespmem:s2], [sflag:$0x1] =	stream.indirect.gather [hbm4b:s0+s1], $0x80, s30, s1, $0xb8;
	[tilespmem:$0x1F000] =	vst v63  }
0xec: {  	s20 =	simm.s32 $0x440  }
0xed: {  	[tilespmem:s6], [sflag:$0x1] =	stream.indirect.gather [hbm4b:s0+s1], $0x80, s20, s1, $0xb8;
	[tilespmem:$0x1F000] =	vst v63  }
0xee: {  	_ =	swait.ge [sflag:s14], $0x2000  }
0xef: {  	[sflag:s14] =	ssyncset.done $0x0  }
0xf0: {  	[sflag:s14] =	ssyncadd.s32 $0xFFFFE000  }
0xf1: {  	_ =	swait.ge [sflag:s14], $0x2000  }
0xf2: {  	[sflag:s14] =	ssyncset.done $0x0  }
0xf3: {  	s25 =	simm.s32 $0xB80;
	[sflag:s14] =	ssyncadd.s32 $0xFFFFE000  }
0xf4: {  	[spmem:s3] =	stream.indirect.scatter.add.f32 [tilespmem:s8], [sflag:$0x6], $0x80, s25, s7, $0xb8;
	[tilespmem:$0x1F000] =	vst v63  }
0xf5: {  	_ =	swait.ge [sflag:s28], $0x4000  }
0xf6: {  	p0 =	seq.s32 s19, $0x400;
	[sflag:s28] =	ssyncset.done $0x0  }
0xf7: {  	s5 =	simm.s32 @!p0 $0x0;
	s20 =	sadd.s32 @!p0 s19, s23;
	[sflag:s28] =	ssyncadd.s32 $0xFFFFC000  }
0xf8: {  	[tilespmem:s5], [sflag:$0x3] =	stream.linear.gather @!p0 [hbm4b:s20+s5], $0x400, $0x38;
	[tilespmem:$0x1F000] =	vst v63  }
0xf9: {  	s25 =	simm.s32 @!p0 $0x800;
	s20 =	sadd.s32 @!p0 s19, s24  }
0xfa: {  	[tilespmem:s25], [sflag:$0x3] =	stream.linear.gather @!p0 [hbm4b:s20+s5], $0x400, $0x38;
	[tilespmem:$0x1F000] =	vst v63  }
0xfb: {  	s20 =	simm.s32 $0x480  }
0xfc: {  	[tilespmem:s8], [sflag:$0x2] =	stream.indirect.gather [hbm4b:s0+s1], $0x80, s20, s1, $0xb8;
	[tilespmem:$0x1F000] =	vst v63  }
0xfd: {  	s25 =	simm.s32 $0x4C0  }
0xfe: {  	[tilespmem:s10], [sflag:$0x2] =	stream.indirect.gather [hbm4b:s0+s1], $0x80, s25, s1, $0xb8;
	[tilespmem:$0x1F000] =	vst v63  }
0xff: {  	_ =	swait.ge [sflag:s11], $0x2000  }
0x100: {  	[sflag:s11] =	ssyncset.done $0x0  }
0x101: {  	[sflag:s11] =	ssyncadd.s32 $0xFFFFE000  }
0x102: {  	_ =	swait.ge [sflag:s11], $0x2000  }
0x103: {  	[sflag:s11] =	ssyncset.done $0x0  }
0x104: {  	[sflag:s11] =	ssyncadd.s32 $0xFFFFE000  }
0x105: {  	[spmem:s3] =	stream.indirect.scatter.add.f32 [tilespmem:s2], [sflag:$0x6], $0x80, s31, s7, $0xb8;
	[tilespmem:$0x1F000] =	vst v63  }
0x106: {  	_ =	swait.ge [sflag:s28], $0x4000  }
0x107: {  	[sflag:s28] =	ssyncset.done $0x0  }
0x108: {  	s20 =	simm.s32 $0x500;
	[sflag:s28] =	ssyncadd.s32 $0xFFFFC000  }
0x109: {  	[tilespmem:s2], [sflag:$0x1] =	stream.indirect.gather [hbm4b:s0+s1], $0x80, s20, s1, $0xb8;
	[tilespmem:$0x1F000] =	vst v63  }
0x10a: {  	s25 =	simm.s32 $0x540  }
0x10b: {  	[tilespmem:s6], [sflag:$0x1] =	stream.indirect.gather [hbm4b:s0+s1], $0x80, s25, s1, $0xb8;
	[tilespmem:$0x1F000] =	vst v63  }
0x10c: {  	_ =	swait.ge [sflag:s14], $0x2000  }
0x10d: {  	[sflag:s14] =	ssyncset.done $0x0  }
0x10e: {  	[sflag:s14] =	ssyncadd.s32 $0xFFFFE000  }
0x10f: {  	_ =	swait.ge [sflag:s14], $0x2000  }
0x110: {  	[sflag:s14] =	ssyncset.done $0x0  }
0x111: {  	s20 =	simm.s32 $0xC80;
	[sflag:s14] =	ssyncadd.s32 $0xFFFFE000  }
0x112: {  	[spmem:s3] =	stream.indirect.scatter.add.f32 [tilespmem:s8], [sflag:$0x6], $0x80, s20, s7, $0xb8;
	[tilespmem:$0x1F000] =	vst v63  }
0x113: {  	_ =	swait.ge [sflag:s28], $0x4000  }
0x114: {  	[sflag:s28] =	ssyncset.done $0x0  }
0x115: {  	s25 =	simm.s32 $0x580;
	[sflag:s28] =	ssyncadd.s32 $0xFFFFC000  }
0x116: {  	[tilespmem:s8], [sflag:$0x2] =	stream.indirect.gather [hbm4b:s0+s1], $0x80, s25, s1, $0xb8;
	[tilespmem:$0x1F000] =	vst v63  }
0x117: {  	s20 =	simm.s32 $0x5C0  }
0x118: {  	[tilespmem:s10], [sflag:$0x2] =	stream.indirect.gather [hbm4b:s0+s1], $0x80, s20, s1, $0xb8;
	[tilespmem:$0x1F000] =	vst v63  }
0x119: {  	_ =	swait.ge [sflag:s11], $0x2000  }
0x11a: {  	[sflag:s11] =	ssyncset.done $0x0  }
0x11b: {  	[sflag:s11] =	ssyncadd.s32 $0xFFFFE000  }
0x11c: {  	_ =	swait.ge [sflag:s11], $0x2000  }
0x11d: {  	[sflag:s11] =	ssyncset.done $0x0  }
0x11e: {  	s25 =	simm.s32 $0xD00;
	[sflag:s11] =	ssyncadd.s32 $0xFFFFE000  }
0x11f: {  	[spmem:s3] =	stream.indirect.scatter.add.f32 [tilespmem:s2], [sflag:$0x6], $0x80, s25, s7, $0xb8;
	[tilespmem:$0x1F000] =	vst v63  }
0x120: {  	_ =	swait.ge [sflag:s28], $0x4000  }
0x121: {  	[sflag:s28] =	ssyncset.done $0x0  }
0x122: {  	s20 =	simm.s32 $0x600;
	[sflag:s28] =	ssyncadd.s32 $0xFFFFC000  }
0x123: {  	[tilespmem:s2], [sflag:$0x1] =	stream.indirect.gather [hbm4b:s0+s1], $0x80, s20, s1, $0xb8;
	[tilespmem:$0x1F000] =	vst v63  }
0x124: {  	s25 =	simm.s32 $0x640  }
0x125: {  	[tilespmem:s6], [sflag:$0x1] =	stream.indirect.gather [hbm4b:s0+s1], $0x80, s25, s1, $0xb8;
	[tilespmem:$0x1F000] =	vst v63  }
0x126: {  	_ =	swait.ge [sflag:s14], $0x2000  }
0x127: {  	[sflag:s14] =	ssyncset.done $0x0  }
0x128: {  	[sflag:s14] =	ssyncadd.s32 $0xFFFFE000  }
0x129: {  	_ =	swait.ge [sflag:s14], $0x2000  }
0x12a: {  	[sflag:s14] =	ssyncset.done $0x0  }
0x12b: {  	s20 =	simm.s32 $0xD80;
	[sflag:s14] =	ssyncadd.s32 $0xFFFFE000  }
0x12c: {  	[spmem:s3] =	stream.indirect.scatter.add.f32 [tilespmem:s8], [sflag:$0x6], $0x80, s20, s7, $0xb8;
	[tilespmem:$0x1F000] =	vst v63  }
0x12d: {  	_ =	swait.ge [sflag:s28], $0x4000  }
0x12e: {  	[sflag:s28] =	ssyncset.done $0x0  }
0x12f: {  	s25 =	simm.s32 $0x680;
	[sflag:s28] =	ssyncadd.s32 $0xFFFFC000  }
0x130: {  	[tilespmem:s8], [sflag:$0x2] =	stream.indirect.gather [hbm4b:s0+s1], $0x80, s25, s1, $0xb8;
	[tilespmem:$0x1F000] =	vst v63  }
0x131: {  	s20 =	simm.s32 $0x6C0  }
0x132: {  	[tilespmem:s10], [sflag:$0x2] =	stream.indirect.gather [hbm4b:s0+s1], $0x80, s20, s1, $0xb8;
	[tilespmem:$0x1F000] =	vst v63  }
0x133: {  	_ =	swait.ge [sflag:s11], $0x2000  }
0x134: {  	[sflag:s11] =	ssyncset.done $0x0  }
0x135: {  	[sflag:s11] =	ssyncadd.s32 $0xFFFFE000  }
0x136: {  	_ =	swait.ge [sflag:s11], $0x2000  }
0x137: {  	[sflag:s11] =	ssyncset.done $0x0  }
0x138: {  	s25 =	simm.s32 $0xE00;
	[sflag:s11] =	ssyncadd.s32 $0xFFFFE000  }
0x139: {  	[spmem:s3] =	stream.indirect.scatter.add.f32 [tilespmem:s2], [sflag:$0x6], $0x80, s25, s7, $0xb8;
	[tilespmem:$0x1F000] =	vst v63  }
0x13a: {  	_ =	swait.ge [sflag:s28], $0x4000  }
0x13b: {  	[sflag:s28] =	ssyncset.done $0x0  }
0x13c: {  	[sflag:s28] =	ssyncadd.s32 $0xFFFFC000  }
0x13d: {  	[tilespmem:s2], [sflag:$0x1] =	stream.indirect.gather [hbm4b:s0+s1], $0x80, s26, s1, $0xb8;
	[tilespmem:$0x1F000] =	vst v63  }
0x13e: {  	_ = 	snop  }
0x13f: {  	[tilespmem:s6], [sflag:$0x1] =	stream.indirect.gather [hbm4b:s0+s1], $0x80, s9, s1, $0xb8;
	[tilespmem:$0x1F000] =	vst v63  }
0x140: {  	_ =	swait.ge [sflag:s14], $0x2000  }
0x141: {  	[sflag:s14] =	ssyncset.done $0x0  }
0x142: {  	[sflag:s14] =	ssyncadd.s32 $0xFFFFE000  }
0x143: {  	_ =	swait.ge [sflag:s14], $0x2000  }
0x144: {  	[sflag:s14] =	ssyncset.done $0x0  }
0x145: {  	[sflag:s14] =	ssyncadd.s32 $0xFFFFE000  }
0x146: {  	[spmem:s3] =	stream.indirect.scatter.add.f32 [tilespmem:s8], [sflag:$0x6], $0x80, s12, s7, $0xb8;
	[tilespmem:$0x1F000] =	vst v63  }
0x147: {  	_ =	swait.ge [sflag:s28], $0x4000  }
0x148: {  	[sflag:s28] =	ssyncset.done $0x0  }
0x149: {  	[sflag:s28] =	ssyncadd.s32 $0xFFFFC000  }
0x14a: {  	[tilespmem:s8], [sflag:$0x2] =	stream.indirect.gather [hbm4b:s0+s1], $0x80, s13, s1, $0xb8;
	[tilespmem:$0x1F000] =	vst v63  }
0x14b: {  	_ = 	snop  }
0x14c: {  	[tilespmem:s10], [sflag:$0x2] =	stream.indirect.gather [hbm4b:s0+s1], $0x80, s29, s1, $0xb8;
	[tilespmem:$0x1F000] =	vst v63  }
0x14d: {  	_ =	swait.ge [sflag:s11], $0x2000  }
0x14e: {  	[sflag:s11] =	ssyncset.done $0x0  }
0x14f: {  	[sflag:s11] =	ssyncadd.s32 $0xFFFFE000  }
0x150: {  	_ =	swait.ge [sflag:s11], $0x2000  }
0x151: {  	[sflag:s11] =	ssyncset.done $0x0  }
.Ltmp3:
0x152: {  	[sflag:s11] =	ssyncadd.s32 $0xFFFFE000;
	(pc) =	sbr.rel @p0 .LBB2_6-.Ltmp3, $4  }
0x153: {  	[spmem:s3] =	stream.indirect.scatter.add.f32 [tilespmem:s2], [sflag:$0x6], $0x80, s15, s7, $0xb8;
	[tilespmem:$0x1F000] =	vst v63  }
0x154: {  	_ =	swait.ge [sflag:s28], $0x4000  }
0x155: {  	[sflag:s28] =	ssyncset.done $0x0  }
0x156: {  	[sflag:s28] =	ssyncadd.s32 $0xFFFFC000  }
0x157: {  	_ =	swait.ge [sflag:s17], $0x400  }
0x158: {  	[sflag:s17] =	ssyncset.done $0x0  }
0x159: {  	[sflag:s17] =	ssyncadd.s32 $0xFFFFFC00  }
0x15a: {  	_ =	swait.ge [sflag:s17], $0x400  }
0x15b: {  	[sflag:s17] =	ssyncset.done $0x0  }
0x15c: {  	[sflag:s17] =	ssyncadd.s32 $0xFFFFFC00  }
0x15d: {  	[tilespmem:s2], [sflag:$0x1] =	stream.indirect.gather [hbm4b:s0+s1], $0x80, s4, s1, $0xb8;
	[tilespmem:$0x1F000] =	vst v63  }
0x15e: {  	_ = 	snop  }
0x15f: {  	[tilespmem:s6], [sflag:$0x1] =	stream.indirect.gather [hbm4b:s0+s1], $0x80, s1, s1, $0xb8;
	[tilespmem:$0x1F000] =	vst v63  }
0x160: {  	_ =	swait.ge [sflag:s14], $0x2000  }
0x161: {  	[sflag:s14] =	ssyncset.done $0x0  }
0x162: {  	[sflag:s14] =	ssyncadd.s32 $0xFFFFE000  }
0x163: {  	_ =	swait.ge [sflag:s14], $0x2000  }
0x164: {  	[sflag:s14] =	ssyncset.done $0x0  }
0x165: {  	[sflag:s14] =	ssyncadd.s32 $0xFFFFE000  }
0x166: {  	[spmem:s3] =	stream.indirect.scatter.add.f32 [tilespmem:s8], [sflag:$0x6], $0x80, s16, s7, $0xb8;
	[tilespmem:$0x1F000] =	vst v63  }
0x167: {  	_ =	swait.ge [sflag:s28], $0x4000  }
.Ltmp4:
0x168: {  	[sflag:s28] =	ssyncset.done $0x0;
	(pc) =	sbr.rel .LBB2_4-.Ltmp4, $4  }
0x169: {  	s5 =	sadd.s32 s19, s22;
	[sflag:s28] =	ssyncadd.s32 $0xFFFFC000  }
0x16a: {  	[tilespmem:s30], [sflag:$0x4] =	stream.linear.gather [hbm4b:s5+s4], $0x400, $0x38;
	[tilespmem:$0x1F000] =	vst v63  }
0x16b: {  	s25 =	sadd.s32 s19, s21;
	s19 =	sadd.s32 $0x100, s19  }
0x16c: {  	[tilespmem:s31], [sflag:$0x4] =	stream.linear.gather [hbm4b:s25+s4], $0x400, $0x38;
	[tilespmem:$0x1F000] =	vst v63  }
.LBB2_7:
0x16d: {  	_ =	sfence.sel $0x180000  }
0x16e: {  	[bflag:$0x0] =	sbarrier.arrive $0xFFFF  }
0x16f: {  	_ =	strace $0x9000004A  }
0x170: {  	s0 =	stileid.u32;
	[bflag:$0x2] =	sbarrier.arrive $0xFFFF  }
0x171: {  	p0 =	sne.s32 s0, $0x0;
	s0 =	rddreg [dreg:$0x3]  }
0x172: {  	s0 =	sadd.s32 @!p0 $0x100000, s0  }
0x173: {  	[sflag:s0] =	ssyncadd.tile.s32 @!p0 $0x1;
	_ =	shalt  }
.Lfunc_end2:
_tile_overlayer_lowered:
.L_overlay_start_2:
0x174: {  	(tag) =	ssettag $0x2  }
0x175: {  	s0 =	rddreg [dreg:$0x0];
	s2 =	stileid.u32  }
0x176: {  	s1 =	rddreg [dreg:$0x1];
	p0 =	sne.s32 s2, $0x0  }
0x177: {  	s3 =	rddreg [dreg:$0x2];
	[bflag:$0x3] =	sbarrier.arrive $0xFFFF;
	s2 =	simm.s32 @!p0 $0x1C06  }
0x178: {  	[timem:s3], [sflag:s2] =	dma.local @!p0 [hbm:s0], s1  }
0x179: {  	s0 =	simm.s32 @!p0 $0x6  }
0x17a: {  	_ =	swait.ge @!p0 [sflag:s0], s1  }
0x17b: {  	s1 =	ssub.s32 @!p0 $0x0, s1;
	[sflag:s0] =	ssyncset.done @!p0 $0x0  }
0x17c: {  	[sflag:s0] =	ssyncadd.s32 @!p0 s1  }
0x17d: {  	[bflag:$0x3] =	sbarrier.arrive $0xFFFF  }
0x17e: {  	_ =	shalt  }

// kernel: kernel.14.cloned.1.call-start
scs
__scs_entry_jumppad:
0x0: {  	(pc) =	sbr.rel $0x88, $3  }
0x1: {  	(tag) =	ssettag $0x0;
	lr =	simm.s32 $0x1  }
0x2: {  	[smem:$0x3F9B] =	sst lr;
	_ =	strace $0xD0000000  }
0x3: {  	_ = 	snop  }
0x4: {  	_ = 	snop  }
0x5: {  	_ = 	snop  }
0x6: {  	_ = 	snop  }
0x7: {  	_ = 	snop  }
__scs_overlays_trampoline_lowered:
0x8: {  	[smem:$0x3FAA] =	sst s0  }
0x9: {  	[smem:$0x3FAB] =	sst s1  }
0xa: {  	[smem:$0x3FAC] =	sst s2  }
0xb: {  	[smem:$0x3FAD] =	sst s3  }
0xc: {  	[smem:$0x3FAE] =	sst s4  }
0xd: {  	[smem:$0x3FAF] =	sst s5  }
0xe: {  	[smem:$0x3FB0] =	sst s6  }
0xf: {  	[smem:$0x3FB1] =	sst s7  }
0x10: {  	[smem:$0x3FB2] =	sst s8  }
0x11: {  	[smem:$0x3FB3] =	sst s9;
	s0 =	simm.s32 @!p0 $0x0  }
0x12: {  	s1 =	sld [smem:$0x3F99];
	s0 =	simm.s32 @p0 $0x1  }
0x13: {  	[smem:$0x3FB4] =	sst s0;
	s0 =	simm.s32 @!p1 $0x0  }
0x14: {  	s2 =	sld [smem:$0x3F98];
	s0 =	simm.s32 @p1 $0x1  }
0x15: {  	[smem:$0x3FB5] =	sst s0;
	s0 =	simm.s32 @!p2 $0x0  }
0x16: {  	s3 =	sld [smem:$0x3FDB];
	s0 =	simm.s32 @p2 $0x1  }
0x17: {  	s4 =	simm.s32 $0x1BF5;
	[smem:$0x3FB7] =	sst s0  }
0x18: {  	s0 =	sld [smem:$0x3F9A];
	_ =	swait.ge [sflag:s4], $0x0  }
0x19: {  	s7 =	sld [smem:$0x3F9B]  }
0x1a: {  	s8 =	sadd.s32 $0xFFFFE003, lr  }
0x1b: {  	s9 =	sadd.s32 $0xFFFFFEF7, lr;
	s5 =	simm.s32 $0xFFFFFFFF;
	p2 =	slt.u32 s8, $0xFFFFF086  }
0x1c: {  	p1 =	slt.u32 s9, $0xF7A;
	s5 =	simm.s32 @!p2 $0x0  }
0x1d: {  	s5 =	simm.s32 @p1 $0x1;
	p0 =	seq.s32 s7, s2  }
0x1e: {  	s7 =	smul.u32 @!p0 $0xF7A, s2;
	p2 =	seq.s32 @!p0 s5, $0x0  }
0x1f: {  	s9 =	smul.u32 $0xF7A, s1;
	s8 =	simm.s32 @!p0 $0x1BF5;
	p2 =	por !p2, p0  }
0x20: {  	[sflag:s8] =	ssyncset.s32 @!p0 $0xFFFFF086;
	s6 =	sadd.s32 @!p0 s3, s7;
	s7 =	simm.s32 @!p0 $0x108  }
0x21: {  	s3 =	sadd.s32 s3, s9;
	s6 =	sadd.s32 @!p0 $0x88, s6;
	s7 =	simm.s32 @p2 $0x1082  }
0x22: {  	[simem:s7], [sflag:s8] =	dma.local @!p0 [hbm:s6], $0xF7A  }
0x23: {  	s9 =	sor.u32 $0xD0000000, s2;
	s6 =	simm.s32 $0x108;
	_ =	swait.ge @!p0 [sflag:s8], $0x0  }
0x24: {  	s3 =	sadd.s32 $0x88, s3;
	s6 =	simm.s32 @!p1 $0x1082;
	[sflag:s4] =	ssyncset.s32 $0xFFFFF086  }
0x25: {  	[simem:s6], [sflag:s4] =	dma.local [hbm:s3], $0xF7A  }
0x26: {  	[smem:$0x3F9B] =	sst s1;
	(tag) =	ssettag s2;
	_ =	strace s9  }
0x27: {  	s1 =	sld [smem:$0x3FAB]  }
0x28: {  	s2 =	sld [smem:$0x3FAC]  }
0x29: {  	s4 =	sld [smem:$0x3FAE]  }
0x2a: {  	p0 =	seq.s32 s5, $0x0;
	s5 =	sld [smem:$0x3FAF]  }
0x2b: {  	s6 =	sld [smem:$0x3FB0]  }
0x2c: {  	s7 =	sld [smem:$0x3FB1]  }
0x2d: {  	s3 =	simm.s32 $0x108;
	s8 =	sld [smem:$0x3FB2]  }
0x2e: {  	s3 =	simm.s32 @!p0 $0x1082;
	s9 =	sld [smem:$0x3FB3]  }
0x2f: {  	lr =	sadd.s32 s0, s3;
	s0 =	sld [smem:$0x3FAA]  }
0x30: {  	s3 =	sld [smem:$0x3FAD]  }
0x31: {  	[smem:$0x3FB6] =	sst s10  }
0x32: {  	s10 =	sld [smem:$0x3FB4];
	_ =	sdelay $0x3  }
0x33: {  	p0 =	seq.s32 s10, $0x1;
	s10 =	sld [smem:$0x3FB6];
	_ =	sdelay $0x3  }
0x34: {  	[smem:$0x3FB6] =	sst s10  }
0x35: {  	s10 =	sld [smem:$0x3FB5];
	_ =	sdelay $0x3  }
0x36: {  	p1 =	seq.s32 s10, $0x1;
	s10 =	sld [smem:$0x3FB6];
	_ =	sdelay $0x3  }
0x37: {  	[smem:$0x3FB6] =	sst s10  }
0x38: {  	s10 =	sld [smem:$0x3FB7]  }
0x39: {  	_ = 	snop;
	(pc) =	sbr.ind lr, $3  }
0x3a: {  	_ = 	snop  }
0x3b: {  	_ = 	snop  }
0x3c: {  	p2 =	seq.s32 s10, $0x1;
	s10 =	sld [smem:$0x3FB6]  }
0x3d: {  	_ =	shalt  }
0x3e: {  	_ =	shalt  }
0x3f: {  	_ =	shalt  }
0x40: {  	_ =	shalt  }
0x41: {  	_ =	shalt  }
0x42: {  	_ =	shalt  }
0x43: {  	_ =	shalt  }
0x44: {  	_ =	shalt  }
0x45: {  	_ =	shalt  }
0x46: {  	_ =	shalt  }
0x47: {  	_ =	shalt  }
0x48: {  	_ =	shalt  }
0x49: {  	_ =	shalt  }
0x4a: {  	_ =	shalt  }
0x4b: {  	_ =	shalt  }
0x4c: {  	_ =	shalt  }
0x4d: {  	_ =	shalt  }
0x4e: {  	_ =	shalt  }
0x4f: {  	_ =	shalt  }
0x50: {  	_ =	shalt  }
0x51: {  	_ =	shalt  }
0x52: {  	_ =	shalt  }
0x53: {  	_ =	shalt  }
0x54: {  	_ =	shalt  }
0x55: {  	_ =	shalt  }
0x56: {  	_ =	shalt  }
0x57: {  	_ =	shalt  }
0x58: {  	_ =	shalt  }
0x59: {  	_ =	shalt  }
0x5a: {  	_ =	shalt  }
0x5b: {  	_ =	shalt  }
0x5c: {  	_ =	shalt  }
0x5d: {  	_ =	shalt  }
0x5e: {  	_ =	shalt  }
0x5f: {  	_ =	shalt  }
0x60: {  	_ =	shalt  }
0x61: {  	_ =	shalt  }
0x62: {  	_ =	shalt  }
0x63: {  	_ =	shalt  }
0x64: {  	_ =	shalt  }
0x65: {  	_ =	shalt  }
0x66: {  	_ =	shalt  }
0x67: {  	_ =	shalt  }
0x68: {  	_ =	shalt  }
0x69: {  	_ =	shalt  }
0x6a: {  	_ =	shalt  }
0x6b: {  	_ =	shalt  }
0x6c: {  	_ =	shalt  }
0x6d: {  	_ =	shalt  }
0x6e: {  	_ =	shalt  }
0x6f: {  	_ =	shalt  }
0x70: {  	_ =	shalt  }
0x71: {  	_ =	shalt  }
0x72: {  	_ =	shalt  }
0x73: {  	_ =	shalt  }
0x74: {  	_ =	shalt  }
0x75: {  	_ =	shalt  }
0x76: {  	_ =	shalt  }
0x77: {  	_ =	shalt  }
0x78: {  	_ =	shalt  }
0x79: {  	_ =	shalt  }
0x7a: {  	_ =	shalt  }
0x7b: {  	_ =	shalt  }
0x7c: {  	_ =	shalt  }
0x7d: {  	_ =	shalt  }
0x7e: {  	_ =	shalt  }
0x7f: {  	_ =	shalt  }
0x80: {  	_ =	shalt  }
0x81: {  	_ =	shalt  }
0x82: {  	_ =	shalt  }
0x83: {  	_ =	shalt  }
0x84: {  	_ =	shalt  }
0x85: {  	_ =	shalt  }
0x86: {  	_ =	shalt  }
0x87: {  	_ =	shalt  }
.Lfunc_end0:
.L_simem_size_0:
called_computation.2_lowered:
.L_overlay_start_0:
0x88: {  	s2 =	sld [smem:$0x3FD9]  }
0x89: {  	s3 =	sld [smem:$0x3FFE];
	_ =	sdelay $0x1  }
0x8a: {  	s1 =	srdreg.scid  }
0x8b: {  	s0 =	sand.u32 $0x1, s1  }
0x8c: {  	s17 =	sshll.u32 s0, $0xA;
	s2 =	sadd.s32 s3, s2  }
0x8d: {  	s2 =	sadd.s32 s2, s17  }
0x8e: {  	[smem:$0x3FC2] =	sst s2  }
0x8f: {  	_ = 	snop  }
0x90: {  	s2 =	sld [smem:$0x3FD0];
	(tm) =	ssettm $0x1  }
0x91: {  	s18 =	sld [smem:$0x3FFB];
	_ =	sdelay $0x3  }
0x92: {  	_ =	strace s18  }
0x93: {  	s3 =	sld [smem:$0x3FFC];
	_ =	sdelay $0x3  }
0x94: {  	_ =	strace s3  }
0x95: {  	s3 =	sld [smem:$0x3FFD];
	_ =	sdelay $0x3  }
0x96: {  	_ =	strace s3  }
0x97: {  	_ =	strace $0x8FFFFFFF  }
0x98: {  	s19 =	sld [smem:$0x3FDB];
	_ =	sdelay $0x1  }
0x99: {  	s4 =	simm.s32 $_scs_section_size  }
0x9a: {  	s5 =	simm.s32 $_size__tile_overlayer_lowered;
	s6 =	simm.s32 $_tile_overlayer_lowered  }
0x9b: {  	s22 =	simm.s32 $0x1BFF;
	s21 =	sshll.u32 s6, $0x1;
	s3 =	sadd.s32 s4, s19  }
0x9c: {  	s7 =	simm.s32 $0x0;
	s20 =	sshll.u32 s5, $0x1;
	s5 =	sadd.s32 s21, s3  }
0x9d: {  	[timem:s7], [sflag:s22] =	dma.local [hbm:s5], s20  }
0x9e: {  	_ =	swait.ge [sflag:s22], s20  }
0x9f: {  	s4 =	ssub.s32 $0x0, s20;
	[sflag:s22] =	ssyncset.done $0x0  }
0xa0: {  	[sflag:s22] =	ssyncadd.s32 s4;
	_ =	sdelay $0x1  }
0xa1: {  	s23 =	simm.s32 $0x1B8B  }
0xa2: {  	_ =	swait.ge [sflag:s23], $0x1  }
0xa3: {  	[sflag:s23] =	ssyncset.done $0x0  }
0xa4: {  	s25 =	simm.s32 $0x1B8E;
	s24 =	sld [smem:$0x3FFE];
	[sflag:s23] =	ssyncadd.s32 $0xFFFFFFFF  }
0xa5: {  	s26 =	simm.s32 $execute0_lowered;
	[smem:$0x3FD2] =	sst s25  }
0xa6: {  	s5 =	sshll.u32 s26, $0x1;
	_ =	strace $0x8000004C;
	[dreg:$0x1] =	wrdreg $0xFFFFFFFF  }
0xa7: {  	s28 =	simm.s32 $_size_execute0_lowered;
	s3 =	sadd.s32 s3, s5;
	[dreg:$0x0] =	wrdreg $0x0  }
0xa8: {  	s5 =	sshll.u32 s28, $0x1;
	[dreg:$0x2] =	wrdreg s3  }
0xa9: {  	[dreg:$0x3] =	wrdreg s5  }
0xaa: {  	[dreg:$0x4] =	wrdreg $0xC0  }
0xab: {  	_ =	task [dreg:s7], $0x5FFFF  }
0xac: {  	[dreg:$0x1] =	wrdreg $0xFFFFFFFF  }
0xad: {  	[dreg:$0x0] =	wrdreg $0x60  }
0xae: {  	[dreg:$0x2] =	wrdreg s2  }
0xaf: {  	[dreg:$0x3] =	wrdreg s24  }
0xb0: {  	[dreg:$0x4] =	wrdreg $0xB0000  }
0xb1: {  	[dreg:$0x5] =	wrdreg $0x9  }
0xb2: {  	_ =	task.clear_ibuf [dreg:s7], $0x6FFFF;
	_ =	strace $0x9000004C  }
0xb3: {  	s29 =	simm.s32 $0x9;
	_ =	strace $0x8000004E  }
0xb4: {  	_ =	swait.ge [sflag:s29], $0x1  }
0xb5: {  	[sflag:s29] =	ssyncadd.s32 $0xFFFFFFFF  }
0xb6: {  	_ =	strace $0x9000004E  }
0xb7: {  	_ =	sfence  }
0xb8: {  	s30 =	sld [smem:$0x0];
	_ =	sdelay $0x2  }
0xb9: {  	s31 =	sshll.u32 s1, $0xD;
	s1 =	sshrl.u32 s1, $0x2  }
0xba: {  	s3 =	sand.u32 $0x4000, s31;
	s1 =	sadd.s32 s1, s30  }
0xbb: {  	s0 =	sor.u32 s3, s0;
	s1 =	sshll.u32 s1, $0x11  }
0xbc: {  	s0 =	sor.u32 s1, s0  }
0xbd: {  	s0 =	sadd.s32 $0x8F2B, s0  }
0xbe: {  	[sflag:s0] =	ssyncadd.remote.s32 $0x1  }
0xbf: {  	_ =	sfence.sel $0xFFFF  }
0xc0: {  	[dreg:$0x0] =	wrdreg $0xFFFFFFFF;
	(pc) =	sbr.abs _section_cstart, $3  }
0xc1: {  	[dreg:$0x1] =	wrdreg $0xFFFFFFFF  }
0xc2: {  	_ =	task.clear_ibuf [dreg:s7], $0x2FFFF;
	_ =	strace $0x9FFFFFFF  }
0xc3: {  	(tm) =	ssettm $0x7FFFFFFF  }
tec
execute0_lowered:
.L_overlay_start_1:
0x0: {  	(tag) =	ssettag $0x1  }
0x1: {  	s0 =	rddreg [dreg:$0x0]  }
0x2: {  	s1 =	rddreg [dreg:$0x1]  }
0x3: {  	s2 =	srdreg.scid;
	s11 =	stileid.u32  }
0x4: {  	s3 =	rddreg [dreg:$0x2];
	s4 =	simm.s32 $0x0;
	s6 =	smul.u32 $0x14000, s11  }
0x5: {  	s28 =	simm.s32 $0x6;
	s30 =	simm.s32 $0x400;
	s23 =	smul.u32 $0x50000, s11  }
0x6: {  	s31 =	simm.s32 $0xC00;
	s29 =	simm.s32 $0x7C0;
	s16 =	smul.u32 $0xA00, s11  }
0x7: {  	s2 =	sand.u32 $0x1, s2;
	s10 =	sshll.u32 s11, $0x1;
	s11 =	smul.u32 $0x14, s11  }
0x8: {  	[smem:$0x7FF] =	sst s4;
	s7 =	sadd.s32 $0xC800, s1;
	s5 =	smul.u32 $0x140000, s2  }
0x9: {  	s8 =	sadd.s32 $0x2800, s1;
	_ =	strace $0x8000004D;
	s19 =	smul.u32 $0x500, s2  }
0xa: {  	s24 =	ssub.s32 $0x2, s2;
	s26 =	sor.u32 s2, s10;
	s2 =	smul.u32 $0xA, s2  }
0xb: {  	s9 =	sshrl.u32 s24, $0x1;
	s21 =	sadd.s32 s16, s8;
	s5 =	sadd.s32 s6, s5  }
0xc: {  	s6 =	sshrl.u32 s23, $0x2;
	s2 =	sadd.s32 s2, s11;
	s11 =	simm.s32 $0x1  }
0xd: {  	s5 =	sshrl.u32 s5, $0x3;
	s25 =	sadd.s32 s6, s3;
	s6 =	smul.u32 $0x500, s26  }
0xe: {  	s2 =	sshll.u32 s2, $0x7;
	s10 =	sadd.s32 $0x2000, s25;
	[dreg:$0x4] =	wrdreg s25  }
0xf: {  	s1 =	sadd.s32 s5, s1;
	s12 =	sadd.s32 $0x4000, s25;
	[dreg:$0x5] =	wrdreg s10  }
0x10: {  	s5 =	ssub.s32 s24, s9;
	s13 =	sadd.s32 $0x6000, s25;
	[dreg:$0x6] =	wrdreg s12  }
0x11: {  	s14 =	sadd.s32 $0x8000, s25;
	s15 =	sadd.s32 $0xA000, s25;
	[dreg:$0x7] =	wrdreg s13  }
0x12: {  	s17 =	sadd.s32 $0xC000, s25;
	s18 =	sadd.s32 $0xE000, s25;
	[dreg:$0x8] =	wrdreg s14  }
0x13: {  	s20 =	sadd.s32 $0x12000, s25;
	s9 =	sadd.s32 s16, s7;
	[dreg:$0x9] =	wrdreg s15  }
0x14: {  	s26 =	sadd.s32 $0x100, s2;
	s2 =	simm.s32 $0x1000;
	[dreg:$0xa] =	wrdreg s17  }
0x15: {  	s16 =	simm.s32 $0xF80;
	[dreg:$0xb] =	wrdreg s18;
	s12 =	sadd.s32 $0x10000, s25  }
0x16: {  	[dreg:$0xd] =	wrdreg s20;
	s13 =	sadd.s32 s7, s6;
	s9 =	sadd.s32 s19, s9  }
0x17: {  	s22 =	sadd.s32 s8, s6;
	s6 =	sor.u32 $0x80, s6;
	s1 =	sadd.s32 $0x16800, s1  }
0x18: {  	s24 =	smax.u32 s5, $0x1;
	s10 =	simm.s32 $0x7000;
	[dreg:$0xc] =	wrdreg s12  }
0x19: {  	s14 =	simm.s32 $0x2;
	s18 =	simm.s32 $0x4;
	[dreg:$0xe] =	wrdreg s13  }
0x1a: {  	s15 =	simm.s32 $0xF00;
	s17 =	simm.s32 $0x3;
	[dreg:$0xf] =	wrdreg s22  }
0x1b: {  	s12 =	sadd.s32 s19, s21;
	s23 =	sadd.s32 s7, s6;
	[dreg:$0x12] =	wrdreg s1  }
0x1c: {  	s6 =	sadd.s32 s8, s6;
	[dreg:$0x13] =	wrdreg s24;
	s22 =	sadd.s32 $0x180, s9  }
.Ltmp0:
0x1d: {  	s24 =	sadd.s32 s26, s8;
	s1 =	simm.s32 $0x40;
	(pc) =	sbr.rel .LBB2_1-.Ltmp0, $4  }
0x1e: {  	s8 =	simm.s32 $0x5000;
	s9 =	simm.s32 $0x740;
	[dreg:$0x10] =	wrdreg s23  }
0x1f: {  	s13 =	simm.s32 $0x780;
	s19 =	simm.s32 $0x0;
	[dreg:$0x11] =	wrdreg s6  }
0x20: {  	s21 =	sadd.s32 $0x180, s12;
	s23 =	sadd.s32 s26, s7;
	s6 =	simm.s32 $0x3000  }
0x21: {  	v0 =	vimm.f32 $0.0e+00;
	s7 =	simm.s32 $0x80;
	s26 =	simm.s32 $0x700;
	s12 =	simm.s32 $0xE80  }
.LBB2_6:
0x22: {  	_ =	swait.ge [sflag:s14], $0x2000  }
0x23: {  	[sflag:s14] =	ssyncset.done $0x0  }
0x24: {  	[sflag:s14] =	ssyncadd.s32 $0xFFFFE000  }
0x25: {  	_ =	swait.ge [sflag:s14], $0x2000  }
0x26: {  	[sflag:s14] =	ssyncset.done $0x0  }
0x27: {  	[sflag:s14] =	ssyncadd.s32 $0xFFFFE000  }
0x28: {  	[spmem:s3] =	stream.indirect.scatter.add.f32 [tilespmem:s8], [sflag:$0x6], $0x80, s16, s7, $0xb8;
	[tilespmem:$0x1F000] =	vst v63  }
0x29: {  	_ =	swait.ge [sflag:s28], $0x4000  }
0x2a: {  	[sflag:s28] =	ssyncset.done $0x0  }
0x2b: {  	[sflag:s28] =	ssyncadd.s32 $0xFFFFC000  }
0x2c: {  	s5 =	stileid.u32;
	[bflag:$0x0] =	sbarrier.arrive $0xFFFF  }
0x2d: {  	s5 =	sshll.u32 s5, $0x6;
	s25 =	rddreg [dreg:$0x4]  }
0x2e: {  	s5 =	sor.u32 $0x1C06, s5;
	s20 =	rddreg [dreg:$0x12];
	s19 =	sshrl.u32 s25, $0x3  }
0x2f: {  	[hbm:s20], [sflag:s5] =	dma.local [spmem:s19], $0x2800  }
0x30: {  	_ =	swait.ge [sflag:s28], $0x2800  }
0x31: {  	s5 =	rddreg [dreg:$0x14]  }
0x32: {  	s20 =	rddreg [dreg:$0x13];
	s19 =	sadd.s32 $0x1, s5  }
0x33: {  	p0 =	sne.s32 s19, s20  }
.Ltmp1:
0x34: {  	_ = 	snop;
	(pc) =	sbr.rel @!p0 .LBB2_7-.Ltmp1, $3  }
0x35: {  	_ =	sdelay $0x1  }
0x36: {  	[sflag:s28] =	ssyncset.done $0x0  }
0x37: {  	[sflag:s28] =	ssyncadd.s32 $0xFFFFD800  }
.LBB2_1:
0x38: {  	[dreg:$0x14] =	wrdreg s19;
	s19 =	simm.s32 $0x0;
	s20 =	simm.s32 $0x200  }
.LBB2_2:
0x39: {  	p0 =	sne.s32 s20, $0x7E00;
	[tilespmem:s19+$0x9070] =	vst v0  }
0x3a: {  	[tilespmem:s19+$0x9000] =	vst v0  }
0x3b: {  	[tilespmem:s19+$0x9010] =	vst v0  }
.Ltmp2:
0x3c: {  	[tilespmem:s19+$0x9020] =	vst v0;
	(pc) =	sbr.rel @p0 .LBB2_2-.Ltmp2, $4  }
0x3d: {  	[tilespmem:s19+$0x9030] =	vst v0  }
0x3e: {  	[tilespmem:s19+$0x9040] =	vst v0  }
0x3f: {  	[tilespmem:s19+$0x9050] =	vst v0  }
0x40: {  	[tilespmem:s19+$0x9060] =	vst v0;
	s19 =	sshra.s32 s20, $0x2;
	s20 =	sadd.s32 $0x200, s20  }
0x41: {  	[tilespmem:s19+$0x9070] =	vst v0  }
0x42: {  	[tilespmem:s19+$0x9000] =	vst v0  }
0x43: {  	[tilespmem:s19+$0x9010] =	vst v0  }
0x44: {  	[tilespmem:s19+$0x9020] =	vst v0  }
0x45: {  	[tilespmem:s19+$0x9030] =	vst v0  }
0x46: {  	[tilespmem:s19+$0x9040] =	vst v0  }
0x47: {  	[tilespmem:s19+$0x9050] =	vst v0  }
0x48: {  	[tilespmem:s19+$0x9060] =	vst v0;
	s19 =	simm.s32 $0x9000  }
0x49: {  	[spmem:s25] =	stream.linear.scatter [tilespmem:s19], [sflag:$0x5], $0x2000, $0x38;
	[tilespmem:$0x1F000] =	vst v63  }
0x4a: {  	s5 =	rddreg [dreg:$0x5]  }
0x4b: {  	[spmem:s5] =	stream.linear.scatter [tilespmem:s19], [sflag:$0x5], $0x2000, $0x38;
	[tilespmem:$0x1F000] =	vst v63  }
0x4c: {  	s20 =	rddreg [dreg:$0x6]  }
0x4d: {  	[spmem:s20] =	stream.linear.scatter [tilespmem:s19], [sflag:$0x5], $0x2000, $0x38;
	[tilespmem:$0x1F000] =	vst v63  }
0x4e: {  	s25 =	rddreg [dreg:$0x7]  }
0x4f: {  	[spmem:s25] =	stream.linear.scatter [tilespmem:s19], [sflag:$0x5], $0x2000, $0x38;
	[tilespmem:$0x1F000] =	vst v63  }
0x50: {  	s20 =	rddreg [dreg:$0x8]  }
0x51: {  	[spmem:s20] =	stream.linear.scatter [tilespmem:s19], [sflag:$0x5], $0x2000, $0x38;
	[tilespmem:$0x1F000] =	vst v63  }
0x52: {  	s25 =	rddreg [dreg:$0x9]  }
0x53: {  	[spmem:s25] =	stream.linear.scatter [tilespmem:s19], [sflag:$0x5], $0x2000, $0x38;
	[tilespmem:$0x1F000] =	vst v63  }
0x54: {  	s20 =	rddreg [dreg:$0xa]  }
0x55: {  	[spmem:s20] =	stream.linear.scatter [tilespmem:s19], [sflag:$0x5], $0x2000, $0x38;
	[tilespmem:$0x1F000] =	vst v63  }
0x56: {  	s25 =	rddreg [dreg:$0xb]  }
0x57: {  	[spmem:s25] =	stream.linear.scatter [tilespmem:s19], [sflag:$0x5], $0x2000, $0x38;
	[tilespmem:$0x1F000] =	vst v63  }
0x58: {  	s20 =	rddreg [dreg:$0xc]  }
0x59: {  	[spmem:s20] =	stream.linear.scatter [tilespmem:s19], [sflag:$0x5], $0x2000, $0x38;
	[tilespmem:$0x1F000] =	vst v63  }
0x5a: {  	s25 =	rddreg [dreg:$0xd]  }
0x5b: {  	[spmem:s25] =	stream.linear.scatter [tilespmem:s19], [sflag:$0x5], $0x2000, $0x38;
	[tilespmem:$0x1F000] =	vst v63  }
0x5c: {  	s19 =	simm.s32 $0x5  }
0x5d: {  	_ =	swait.ge [sflag:s19], $0x2000  }
0x5e: {  	[sflag:s19] =	ssyncset.done $0x0  }
0x5f: {  	[sflag:s19] =	ssyncadd.s32 $0xFFFFE000  }
0x60: {  	_ =	swait.ge [sflag:s19], $0x2000  }
0x61: {  	[sflag:s19] =	ssyncset.done $0x0  }
0x62: {  	[sflag:s19] =	ssyncadd.s32 $0xFFFFE000  }
0x63: {  	_ =	swait.ge [sflag:s19], $0x2000  }
0x64: {  	[sflag:s19] =	ssyncset.done $0x0  }
0x65: {  	[sflag:s19] =	ssyncadd.s32 $0xFFFFE000  }
0x66: {  	_ =	swait.ge [sflag:s19], $0x2000  }
0x67: {  	[sflag:s19] =	ssyncset.done $0x0  }
0x68: {  	[sflag:s19] =	ssyncadd.s32 $0xFFFFE000  }
0x69: {  	_ =	swait.ge [sflag:s19], $0x2000  }
0x6a: {  	[sflag:s19] =	ssyncset.done $0x0  }
0x6b: {  	[sflag:s19] =	ssyncadd.s32 $0xFFFFE000  }
0x6c: {  	_ =	swait.ge [sflag:s19], $0x2000  }
0x6d: {  	[sflag:s19] =	ssyncset.done $0x0  }
0x6e: {  	[sflag:s19] =	ssyncadd.s32 $0xFFFFE000  }
0x6f: {  	_ =	swait.ge [sflag:s19], $0x2000  }
0x70: {  	[sflag:s19] =	ssyncset.done $0x0  }
0x71: {  	[sflag:s19] =	ssyncadd.s32 $0xFFFFE000  }
0x72: {  	_ =	swait.ge [sflag:s19], $0x2000  }
0x73: {  	[sflag:s19] =	ssyncset.done $0x0  }
0x74: {  	[sflag:s19] =	ssyncadd.s32 $0xFFFFE000  }
0x75: {  	_ =	swait.ge [sflag:s19], $0x2000  }
0x76: {  	[sflag:s19] =	ssyncset.done $0x0  }
0x77: {  	[sflag:s19] =	ssyncadd.s32 $0xFFFFE000  }
0x78: {  	_ =	swait.ge [sflag:s19], $0x2000  }
0x79: {  	[sflag:s19] =	ssyncset.done $0x0  }
0x7a: {  	s20 =	rddreg [dreg:$0xe];
	[sflag:s19] =	ssyncadd.s32 $0xFFFFE000;
	s19 =	simm.s32 $0x0  }
0x7b: {  	[tilespmem:s19], [sflag:$0x6] =	stream.linear.gather [hbm4b:s20+s19], $0x400, $0x38;
	[tilespmem:$0x1F000] =	vst v63  }
0x7c: {  	_ =	swait.ge [sflag:s28], $0x400  }
0x7d: {  	[sflag:s28] =	ssyncset.done $0x0  }
0x7e: {  	s20 =	simm.s32 $0x800;
	s25 =	rddreg [dreg:$0xf];
	[sflag:s28] =	ssyncadd.s32 $0xFFFFFC00  }
0x7f: {  	[tilespmem:s20], [sflag:$0x6] =	stream.linear.gather [hbm4b:s25+s19], $0x400, $0x38;
	[tilespmem:$0x1F000] =	vst v63  }
0x80: {  	_ =	swait.ge [sflag:s28], $0x400  }
0x81: {  	[sflag:s28] =	ssyncset.done $0x0  }
0x82: {  	s20 =	rddreg [dreg:$0x10];
	[sflag:s28] =	ssyncadd.s32 $0xFFFFFC00  }
0x83: {  	[tilespmem:s30], [sflag:$0x4] =	stream.linear.gather [hbm4b:s20+s19], $0x400, $0x38;
	[tilespmem:$0x1F000] =	vst v63  }
0x84: {  	s25 =	rddreg [dreg:$0x11]  }
0x85: {  	[tilespmem:s31], [sflag:$0x4] =	stream.linear.gather [hbm4b:s25+s19], $0x400, $0x38;
	[tilespmem:$0x1F000] =	vst v63  }
0x86: {  	[bflag:$0x0] =	sbarrier.arrive $0xFFFF  }
0x87: {  	[tilespmem:s2], [sflag:$0x1] =	stream.indirect.gather [hbm4b:s0+s1], $0x80, s19, s1, $0xb8;
	[tilespmem:$0x1F000] =	vst v63  }
0x88: {  	_ = 	snop  }
0x89: {  	[tilespmem:s6], [sflag:$0x1] =	stream.indirect.gather [hbm4b:s0+s1], $0x80, s1, s1, $0xb8;
	[tilespmem:$0x1F000] =	vst v63  }
.LBB2_4:
0x8a: {  	[tilespmem:s8], [sflag:$0x2] =	stream.indirect.gather [hbm4b:s0+s1], $0x80, s7, s1, $0xb8;
	[tilespmem:$0x1F000] =	vst v63  }
0x8b: {  	s5 =	simm.s32 $0xC0  }
0x8c: {  	[tilespmem:s10], [sflag:$0x2] =	stream.indirect.gather [hbm4b:s0+s1], $0x80, s5, s1, $0xb8;
	[tilespmem:$0x1F000] =	vst v63  }
0x8d: {  	_ =	swait.ge [sflag:s11], $0x2000  }
0x8e: {  	[sflag:s11] =	ssyncset.done $0x0  }
0x8f: {  	[sflag:s11] =	ssyncadd.s32 $0xFFFFE000  }
0x90: {  	_ =	swait.ge [sflag:s11], $0x2000  }
0x91: {  	[sflag:s11] =	ssyncset.done $0x0  }
0x92: {  	s25 =	simm.s32 $0x800;
	[sflag:s11] =	ssyncadd.s32 $0xFFFFE000  }
0x93: {  	[spmem:s3] =	stream.indirect.scatter.add.f32 [tilespmem:s2], [sflag:$0x6], $0x80, s25, s7, $0xb8;
	[tilespmem:$0x1F000] =	vst v63  }
0x94: {  	_ =	swait.ge [sflag:s28], $0x4000  }
0x95: {  	[sflag:s28] =	ssyncset.done $0x0  }
0x96: {  	s20 =	simm.s32 $0x100;
	[sflag:s28] =	ssyncadd.s32 $0xFFFFC000  }
0x97: {  	[tilespmem:s2], [sflag:$0x1] =	stream.indirect.gather [hbm4b:s0+s1], $0x80, s20, s1, $0xb8;
	[tilespmem:$0x1F000] =	vst v63  }
0x98: {  	s25 =	simm.s32 $0x140  }
0x99: {  	[tilespmem:s6], [sflag:$0x1] =	stream.indirect.gather [hbm4b:s0+s1], $0x80, s25, s1, $0xb8;
	[tilespmem:$0x1F000] =	vst v63  }
0x9a: {  	_ =	swait.ge [sflag:s14], $0x2000  }
0x9b: {  	[sflag:s14] =	ssyncset.done $0x0  }
0x9c: {  	[sflag:s14] =	ssyncadd.s32 $0xFFFFE000  }
0x9d: {  	_ =	swait.ge [sflag:s14], $0x2000  }
0x9e: {  	[sflag:s14] =	ssyncset.done $0x0  }
0x9f: {  	s20 =	simm.s32 $0x880;
	[sflag:s14] =	ssyncadd.s32 $0xFFFFE000  }
0xa0: {  	[spmem:s3] =	stream.indirect.scatter.add.f32 [tilespmem:s8], [sflag:$0x6], $0x80, s20, s7, $0xb8;
	[tilespmem:$0x1F000] =	vst v63  }
0xa1: {  	_ =	swait.ge [sflag:s28], $0x4000  }
0xa2: {  	[sflag:s28] =	ssyncset.done $0x0  }
0xa3: {  	s25 =	simm.s32 $0x180;
	[sflag:s28] =	ssyncadd.s32 $0xFFFFC000  }
0xa4: {  	[tilespmem:s8], [sflag:$0x2] =	stream.indirect.gather [hbm4b:s0+s1], $0x80, s25, s1, $0xb8;
	[tilespmem:$0x1F000] =	vst v63  }
0xa5: {  	s20 =	simm.s32 $0x1C0  }
0xa6: {  	[tilespmem:s10], [sflag:$0x2] =	stream.indirect.gather [hbm4b:s0+s1], $0x80, s20, s1, $0xb8;
	[tilespmem:$0x1F000] =	vst v63  }
0xa7: {  	_ =	swait.ge [sflag:s11], $0x2000  }
0xa8: {  	[sflag:s11] =	ssyncset.done $0x0  }
0xa9: {  	[sflag:s11] =	ssyncadd.s32 $0xFFFFE000  }
0xaa: {  	_ =	swait.ge [sflag:s11], $0x2000  }
0xab: {  	[sflag:s11] =	ssyncset.done $0x0  }
0xac: {  	s25 =	simm.s32 $0x900;
	[sflag:s11] =	ssyncadd.s32 $0xFFFFE000  }
0xad: {  	[spmem:s3] =	stream.indirect.scatter.add.f32 [tilespmem:s2], [sflag:$0x6], $0x80, s25, s7, $0xb8;
	[tilespmem:$0x1F000] =	vst v63  }
0xae: {  	_ =	swait.ge [sflag:s28], $0x4000  }
0xaf: {  	[sflag:s28] =	ssyncset.done $0x0  }
0xb0: {  	s20 =	simm.s32 $0x200;
	[sflag:s28] =	ssyncadd.s32 $0xFFFFC000  }
0xb1: {  	[tilespmem:s2], [sflag:$0x1] =	stream.indirect.gather [hbm4b:s0+s1], $0x80, s20, s1, $0xb8;
	[tilespmem:$0x1F000] =	vst v63  }
0xb2: {  	s25 =	simm.s32 $0x240  }
0xb3: {  	[tilespmem:s6], [sflag:$0x1] =	stream.indirect.gather [hbm4b:s0+s1], $0x80, s25, s1, $0xb8;
	[tilespmem:$0x1F000] =	vst v63  }
0xb4: {  	_ =	swait.ge [sflag:s14], $0x2000  }
0xb5: {  	[sflag:s14] =	ssyncset.done $0x0  }
0xb6: {  	[sflag:s14] =	ssyncadd.s32 $0xFFFFE000  }
0xb7: {  	_ =	swait.ge [sflag:s14], $0x2000  }
0xb8: {  	[sflag:s14] =	ssyncset.done $0x0  }
0xb9: {  	s20 =	simm.s32 $0x980;
	[sflag:s14] =	ssyncadd.s32 $0xFFFFE000  }
0xba: {  	[spmem:s3] =	stream.indirect.scatter.add.f32 [tilespmem:s8], [sflag:$0x6], $0x80, s20, s7, $0xb8;
	[tilespmem:$0x1F000] =	vst v63  }
0xbb: {  	_ =	swait.ge [sflag:s28], $0x4000  }
0xbc: {  	[sflag:s28] =	ssyncset.done $0x0  }
0xbd: {  	s25 =	simm.s32 $0x280;
	[sflag:s28] =	ssyncadd.s32 $0xFFFFC000  }
0xbe: {  	[tilespmem:s8], [sflag:$0x2] =	stream.indirect.gather [hbm4b:s0+s1], $0x80, s25, s1, $0xb8;
	[tilespmem:$0x1F000] =	vst v63  }
0xbf: {  	s20 =	simm.s32 $0x2C0  }
0xc0: {  	[tilespmem:s10], [sflag:$0x2] =	stream.indirect.gather [hbm4b:s0+s1], $0x80, s20, s1, $0xb8;
	[tilespmem:$0x1F000] =	vst v63  }
0xc1: {  	_ =	swait.ge [sflag:s11], $0x2000  }
0xc2: {  	[sflag:s11] =	ssyncset.done $0x0  }
0xc3: {  	[sflag:s11] =	ssyncadd.s32 $0xFFFFE000  }
0xc4: {  	_ =	swait.ge [sflag:s11], $0x2000  }
0xc5: {  	[sflag:s11] =	ssyncset.done $0x0  }
0xc6: {  	s25 =	simm.s32 $0xA00;
	[sflag:s11] =	ssyncadd.s32 $0xFFFFE000  }
0xc7: {  	[spmem:s3] =	stream.indirect.scatter.add.f32 [tilespmem:s2], [sflag:$0x6], $0x80, s25, s7, $0xb8;
	[tilespmem:$0x1F000] =	vst v63  }
0xc8: {  	_ =	swait.ge [sflag:s28], $0x4000  }
0xc9: {  	[sflag:s28] =	ssyncset.done $0x0  }
0xca: {  	s20 =	simm.s32 $0x300;
	[sflag:s28] =	ssyncadd.s32 $0xFFFFC000  }
0xcb: {  	[tilespmem:s2], [sflag:$0x1] =	stream.indirect.gather [hbm4b:s0+s1], $0x80, s20, s1, $0xb8;
	[tilespmem:$0x1F000] =	vst v63  }
0xcc: {  	s25 =	simm.s32 $0x340  }
0xcd: {  	[tilespmem:s6], [sflag:$0x1] =	stream.indirect.gather [hbm4b:s0+s1], $0x80, s25, s1, $0xb8;
	[tilespmem:$0x1F000] =	vst v63  }
0xce: {  	_ =	swait.ge [sflag:s14], $0x2000  }
0xcf: {  	[sflag:s14] =	ssyncset.done $0x0  }
0xd0: {  	[sflag:s14] =	ssyncadd.s32 $0xFFFFE000  }
0xd1: {  	_ =	swait.ge [sflag:s14], $0x2000  }
0xd2: {  	[sflag:s14] =	ssyncset.done $0x0  }
0xd3: {  	s20 =	simm.s32 $0xA80;
	[sflag:s14] =	ssyncadd.s32 $0xFFFFE000  }
0xd4: {  	[spmem:s3] =	stream.indirect.scatter.add.f32 [tilespmem:s8], [sflag:$0x6], $0x80, s20, s7, $0xb8;
	[tilespmem:$0x1F000] =	vst v63  }
0xd5: {  	_ =	swait.ge [sflag:s28], $0x4000  }
0xd6: {  	[sflag:s28] =	ssyncset.done $0x0  }
0xd7: {  	s25 =	simm.s32 $0x380;
	[sflag:s28] =	ssyncadd.s32 $0xFFFFC000  }
0xd8: {  	[tilespmem:s8], [sflag:$0x2] =	stream.indirect.gather [hbm4b:s0+s1], $0x80, s25, s1, $0xb8;
	[tilespmem:$0x1F000] =	vst v63  }
0xd9: {  	s20 =	simm.s32 $0x3C0  }
0xda: {  	[tilespmem:s10], [sflag:$0x2] =	stream.indirect.gather [hbm4b:s0+s1], $0x80, s20, s1, $0xb8;
	[tilespmem:$0x1F000] =	vst v63  }
0xdb: {  	_ =	swait.ge [sflag:s11], $0x2000  }
0xdc: {  	[sflag:s11] =	ssyncset.done $0x0  }
0xdd: {  	[sflag:s11] =	ssyncadd.s32 $0xFFFFE000  }
0xde: {  	_ =	swait.ge [sflag:s11], $0x2000  }
0xdf: {  	[sflag:s11] =	ssyncset.done $0x0  }
0xe0: {  	s25 =	simm.s32 $0xB00;
	[sflag:s11] =	ssyncadd.s32 $0xFFFFE000  }
0xe1: {  	[spmem:s3] =	stream.indirect.scatter.add.f32 [tilespmem:s2], [sflag:$0x6], $0x80, s25, s7, $0xb8;
	[tilespmem:$0x1F000] =	vst v63  }
0xe2: {  	_ =	swait.ge [sflag:s28], $0x4000  }
0xe3: {  	[sflag:s28] =	ssyncset.done $0x0  }
0xe4: {  	[sflag:s28] =	ssyncadd.s32 $0xFFFFC000  }
0xe5: {  	_ =	swait.ge [sflag:s18], $0x400  }
0xe6: {  	[sflag:s18] =	ssyncset.done $0x0  }
0xe7: {  	[sflag:s18] =	ssyncadd.s32 $0xFFFFFC00  }
0xe8: {  	_ =	swait.ge [sflag:s18], $0x400  }
0xe9: {  	[sflag:s18] =	ssyncset.done $0x0  }
0xea: {  	[sflag:s18] =	ssyncadd.s32 $0xFFFFFC00  }
0xeb: {  	[tilespmem:s2], [sflag:$0x1] =	stream.indirect.gather [hbm4b:s0+s1], $0x80, s30, s1, $0xb8;
	[tilespmem:$0x1F000] =	vst v63  }
0xec: {  	s20 =	simm.s32 $0x440  }
0xed: {  	[tilespmem:s6], [sflag:$0x1] =	stream.indirect.gather [hbm4b:s0+s1], $0x80, s20, s1, $0xb8;
	[tilespmem:$0x1F000] =	vst v63  }
0xee: {  	_ =	swait.ge [sflag:s14], $0x2000  }
0xef: {  	[sflag:s14] =	ssyncset.done $0x0  }
0xf0: {  	[sflag:s14] =	ssyncadd.s32 $0xFFFFE000  }
0xf1: {  	_ =	swait.ge [sflag:s14], $0x2000  }
0xf2: {  	[sflag:s14] =	ssyncset.done $0x0  }
0xf3: {  	s25 =	simm.s32 $0xB80;
	[sflag:s14] =	ssyncadd.s32 $0xFFFFE000  }
0xf4: {  	[spmem:s3] =	stream.indirect.scatter.add.f32 [tilespmem:s8], [sflag:$0x6], $0x80, s25, s7, $0xb8;
	[tilespmem:$0x1F000] =	vst v63  }
0xf5: {  	_ =	swait.ge [sflag:s28], $0x4000  }
0xf6: {  	p0 =	seq.s32 s19, $0x400;
	[sflag:s28] =	ssyncset.done $0x0  }
0xf7: {  	s5 =	simm.s32 @!p0 $0x0;
	s20 =	sadd.s32 @!p0 s19, s23;
	[sflag:s28] =	ssyncadd.s32 $0xFFFFC000  }
0xf8: {  	[tilespmem:s5], [sflag:$0x3] =	stream.linear.gather @!p0 [hbm4b:s20+s5], $0x400, $0x38;
	[tilespmem:$0x1F000] =	vst v63  }
0xf9: {  	s25 =	simm.s32 @!p0 $0x800;
	s20 =	sadd.s32 @!p0 s19, s24  }
0xfa: {  	[tilespmem:s25], [sflag:$0x3] =	stream.linear.gather @!p0 [hbm4b:s20+s5], $0x400, $0x38;
	[tilespmem:$0x1F000] =	vst v63  }
0xfb: {  	s20 =	simm.s32 $0x480  }
0xfc: {  	[tilespmem:s8], [sflag:$0x2] =	stream.indirect.gather [hbm4b:s0+s1], $0x80, s20, s1, $0xb8;
	[tilespmem:$0x1F000] =	vst v63  }
0xfd: {  	s25 =	simm.s32 $0x4C0  }
0xfe: {  	[tilespmem:s10], [sflag:$0x2] =	stream.indirect.gather [hbm4b:s0+s1], $0x80, s25, s1, $0xb8;
	[tilespmem:$0x1F000] =	vst v63  }
0xff: {  	_ =	swait.ge [sflag:s11], $0x2000  }
0x100: {  	[sflag:s11] =	ssyncset.done $0x0  }
0x101: {  	[sflag:s11] =	ssyncadd.s32 $0xFFFFE000  }
0x102: {  	_ =	swait.ge [sflag:s11], $0x2000  }
0x103: {  	[sflag:s11] =	ssyncset.done $0x0  }
0x104: {  	[sflag:s11] =	ssyncadd.s32 $0xFFFFE000  }
0x105: {  	[spmem:s3] =	stream.indirect.scatter.add.f32 [tilespmem:s2], [sflag:$0x6], $0x80, s31, s7, $0xb8;
	[tilespmem:$0x1F000] =	vst v63  }
0x106: {  	_ =	swait.ge [sflag:s28], $0x4000  }
0x107: {  	[sflag:s28] =	ssyncset.done $0x0  }
0x108: {  	s20 =	simm.s32 $0x500;
	[sflag:s28] =	ssyncadd.s32 $0xFFFFC000  }
0x109: {  	[tilespmem:s2], [sflag:$0x1] =	stream.indirect.gather [hbm4b:s0+s1], $0x80, s20, s1, $0xb8;
	[tilespmem:$0x1F000] =	vst v63  }
0x10a: {  	s25 =	simm.s32 $0x540  }
0x10b: {  	[tilespmem:s6], [sflag:$0x1] =	stream.indirect.gather [hbm4b:s0+s1], $0x80, s25, s1, $0xb8;
	[tilespmem:$0x1F000] =	vst v63  }
0x10c: {  	_ =	swait.ge [sflag:s14], $0x2000  }
0x10d: {  	[sflag:s14] =	ssyncset.done $0x0  }
0x10e: {  	[sflag:s14] =	ssyncadd.s32 $0xFFFFE000  }
0x10f: {  	_ =	swait.ge [sflag:s14], $0x2000  }
0x110: {  	[sflag:s14] =	ssyncset.done $0x0  }
0x111: {  	s20 =	simm.s32 $0xC80;
	[sflag:s14] =	ssyncadd.s32 $0xFFFFE000  }
0x112: {  	[spmem:s3] =	stream.indirect.scatter.add.f32 [tilespmem:s8], [sflag:$0x6], $0x80, s20, s7, $0xb8;
	[tilespmem:$0x1F000] =	vst v63  }
0x113: {  	_ =	swait.ge [sflag:s28], $0x4000  }
0x114: {  	[sflag:s28] =	ssyncset.done $0x0  }
0x115: {  	s25 =	simm.s32 $0x580;
	[sflag:s28] =	ssyncadd.s32 $0xFFFFC000  }
0x116: {  	[tilespmem:s8], [sflag:$0x2] =	stream.indirect.gather [hbm4b:s0+s1], $0x80, s25, s1, $0xb8;
	[tilespmem:$0x1F000] =	vst v63  }
0x117: {  	s20 =	simm.s32 $0x5C0  }
0x118: {  	[tilespmem:s10], [sflag:$0x2] =	stream.indirect.gather [hbm4b:s0+s1], $0x80, s20, s1, $0xb8;
	[tilespmem:$0x1F000] =	vst v63  }
0x119: {  	_ =	swait.ge [sflag:s11], $0x2000  }
0x11a: {  	[sflag:s11] =	ssyncset.done $0x0  }
0x11b: {  	[sflag:s11] =	ssyncadd.s32 $0xFFFFE000  }
0x11c: {  	_ =	swait.ge [sflag:s11], $0x2000  }
0x11d: {  	[sflag:s11] =	ssyncset.done $0x0  }
0x11e: {  	s25 =	simm.s32 $0xD00;
	[sflag:s11] =	ssyncadd.s32 $0xFFFFE000  }
0x11f: {  	[spmem:s3] =	stream.indirect.scatter.add.f32 [tilespmem:s2], [sflag:$0x6], $0x80, s25, s7, $0xb8;
	[tilespmem:$0x1F000] =	vst v63  }
0x120: {  	_ =	swait.ge [sflag:s28], $0x4000  }
0x121: {  	[sflag:s28] =	ssyncset.done $0x0  }
0x122: {  	s20 =	simm.s32 $0x600;
	[sflag:s28] =	ssyncadd.s32 $0xFFFFC000  }
0x123: {  	[tilespmem:s2], [sflag:$0x1] =	stream.indirect.gather [hbm4b:s0+s1], $0x80, s20, s1, $0xb8;
	[tilespmem:$0x1F000] =	vst v63  }
0x124: {  	s25 =	simm.s32 $0x640  }
0x125: {  	[tilespmem:s6], [sflag:$0x1] =	stream.indirect.gather [hbm4b:s0+s1], $0x80, s25, s1, $0xb8;
	[tilespmem:$0x1F000] =	vst v63  }
0x126: {  	_ =	swait.ge [sflag:s14], $0x2000  }
0x127: {  	[sflag:s14] =	ssyncset.done $0x0  }
0x128: {  	[sflag:s14] =	ssyncadd.s32 $0xFFFFE000  }
0x129: {  	_ =	swait.ge [sflag:s14], $0x2000  }
0x12a: {  	[sflag:s14] =	ssyncset.done $0x0  }
0x12b: {  	s20 =	simm.s32 $0xD80;
	[sflag:s14] =	ssyncadd.s32 $0xFFFFE000  }
0x12c: {  	[spmem:s3] =	stream.indirect.scatter.add.f32 [tilespmem:s8], [sflag:$0x6], $0x80, s20, s7, $0xb8;
	[tilespmem:$0x1F000] =	vst v63  }
0x12d: {  	_ =	swait.ge [sflag:s28], $0x4000  }
0x12e: {  	[sflag:s28] =	ssyncset.done $0x0  }
0x12f: {  	s25 =	simm.s32 $0x680;
	[sflag:s28] =	ssyncadd.s32 $0xFFFFC000  }
0x130: {  	[tilespmem:s8], [sflag:$0x2] =	stream.indirect.gather [hbm4b:s0+s1], $0x80, s25, s1, $0xb8;
	[tilespmem:$0x1F000] =	vst v63  }
0x131: {  	s20 =	simm.s32 $0x6C0  }
0x132: {  	[tilespmem:s10], [sflag:$0x2] =	stream.indirect.gather [hbm4b:s0+s1], $0x80, s20, s1, $0xb8;
	[tilespmem:$0x1F000] =	vst v63  }
0x133: {  	_ =	swait.ge [sflag:s11], $0x2000  }
0x134: {  	[sflag:s11] =	ssyncset.done $0x0  }
0x135: {  	[sflag:s11] =	ssyncadd.s32 $0xFFFFE000  }
0x136: {  	_ =	swait.ge [sflag:s11], $0x2000  }
0x137: {  	[sflag:s11] =	ssyncset.done $0x0  }
0x138: {  	s25 =	simm.s32 $0xE00;
	[sflag:s11] =	ssyncadd.s32 $0xFFFFE000  }
0x139: {  	[spmem:s3] =	stream.indirect.scatter.add.f32 [tilespmem:s2], [sflag:$0x6], $0x80, s25, s7, $0xb8;
	[tilespmem:$0x1F000] =	vst v63  }
0x13a: {  	_ =	swait.ge [sflag:s28], $0x4000  }
0x13b: {  	[sflag:s28] =	ssyncset.done $0x0  }
0x13c: {  	[sflag:s28] =	ssyncadd.s32 $0xFFFFC000  }
0x13d: {  	[tilespmem:s2], [sflag:$0x1] =	stream.indirect.gather [hbm4b:s0+s1], $0x80, s26, s1, $0xb8;
	[tilespmem:$0x1F000] =	vst v63  }
0x13e: {  	_ = 	snop  }
0x13f: {  	[tilespmem:s6], [sflag:$0x1] =	stream.indirect.gather [hbm4b:s0+s1], $0x80, s9, s1, $0xb8;
	[tilespmem:$0x1F000] =	vst v63  }
0x140: {  	_ =	swait.ge [sflag:s14], $0x2000  }
0x141: {  	[sflag:s14] =	ssyncset.done $0x0  }
0x142: {  	[sflag:s14] =	ssyncadd.s32 $0xFFFFE000  }
0x143: {  	_ =	swait.ge [sflag:s14], $0x2000  }
0x144: {  	[sflag:s14] =	ssyncset.done $0x0  }
0x145: {  	[sflag:s14] =	ssyncadd.s32 $0xFFFFE000  }
0x146: {  	[spmem:s3] =	stream.indirect.scatter.add.f32 [tilespmem:s8], [sflag:$0x6], $0x80, s12, s7, $0xb8;
	[tilespmem:$0x1F000] =	vst v63  }
0x147: {  	_ =	swait.ge [sflag:s28], $0x4000  }
0x148: {  	[sflag:s28] =	ssyncset.done $0x0  }
0x149: {  	[sflag:s28] =	ssyncadd.s32 $0xFFFFC000  }
0x14a: {  	[tilespmem:s8], [sflag:$0x2] =	stream.indirect.gather [hbm4b:s0+s1], $0x80, s13, s1, $0xb8;
	[tilespmem:$0x1F000] =	vst v63  }
0x14b: {  	_ = 	snop  }
0x14c: {  	[tilespmem:s10], [sflag:$0x2] =	stream.indirect.gather [hbm4b:s0+s1], $0x80, s29, s1, $0xb8;
	[tilespmem:$0x1F000] =	vst v63  }
0x14d: {  	_ =	swait.ge [sflag:s11], $0x2000  }
0x14e: {  	[sflag:s11] =	ssyncset.done $0x0  }
0x14f: {  	[sflag:s11] =	ssyncadd.s32 $0xFFFFE000  }
0x150: {  	_ =	swait.ge [sflag:s11], $0x2000  }
0x151: {  	[sflag:s11] =	ssyncset.done $0x0  }
.Ltmp3:
0x152: {  	[sflag:s11] =	ssyncadd.s32 $0xFFFFE000;
	(pc) =	sbr.rel @p0 .LBB2_6-.Ltmp3, $4  }
0x153: {  	[spmem:s3] =	stream.indirect.scatter.add.f32 [tilespmem:s2], [sflag:$0x6], $0x80, s15, s7, $0xb8;
	[tilespmem:$0x1F000] =	vst v63  }
0x154: {  	_ =	swait.ge [sflag:s28], $0x4000  }
0x155: {  	[sflag:s28] =	ssyncset.done $0x0  }
0x156: {  	[sflag:s28] =	ssyncadd.s32 $0xFFFFC000  }
0x157: {  	_ =	swait.ge [sflag:s17], $0x400  }
0x158: {  	[sflag:s17] =	ssyncset.done $0x0  }
0x159: {  	[sflag:s17] =	ssyncadd.s32 $0xFFFFFC00  }
0x15a: {  	_ =	swait.ge [sflag:s17], $0x400  }
0x15b: {  	[sflag:s17] =	ssyncset.done $0x0  }
0x15c: {  	[sflag:s17] =	ssyncadd.s32 $0xFFFFFC00  }
0x15d: {  	[tilespmem:s2], [sflag:$0x1] =	stream.indirect.gather [hbm4b:s0+s1], $0x80, s4, s1, $0xb8;
	[tilespmem:$0x1F000] =	vst v63  }
0x15e: {  	_ = 	snop  }
0x15f: {  	[tilespmem:s6], [sflag:$0x1] =	stream.indirect.gather [hbm4b:s0+s1], $0x80, s1, s1, $0xb8;
	[tilespmem:$0x1F000] =	vst v63  }
0x160: {  	_ =	swait.ge [sflag:s14], $0x2000  }
0x161: {  	[sflag:s14] =	ssyncset.done $0x0  }
0x162: {  	[sflag:s14] =	ssyncadd.s32 $0xFFFFE000  }
0x163: {  	_ =	swait.ge [sflag:s14], $0x2000  }
0x164: {  	[sflag:s14] =	ssyncset.done $0x0  }
0x165: {  	[sflag:s14] =	ssyncadd.s32 $0xFFFFE000  }
0x166: {  	[spmem:s3] =	stream.indirect.scatter.add.f32 [tilespmem:s8], [sflag:$0x6], $0x80, s16, s7, $0xb8;
	[tilespmem:$0x1F000] =	vst v63  }
0x167: {  	_ =	swait.ge [sflag:s28], $0x4000  }
.Ltmp4:
0x168: {  	[sflag:s28] =	ssyncset.done $0x0;
	(pc) =	sbr.rel .LBB2_4-.Ltmp4, $4  }
0x169: {  	s5 =	sadd.s32 s19, s22;
	[sflag:s28] =	ssyncadd.s32 $0xFFFFC000  }
0x16a: {  	[tilespmem:s30], [sflag:$0x4] =	stream.linear.gather [hbm4b:s5+s4], $0x400, $0x38;
	[tilespmem:$0x1F000] =	vst v63  }
0x16b: {  	s25 =	sadd.s32 s19, s21;
	s19 =	sadd.s32 $0x100, s19  }
0x16c: {  	[tilespmem:s31], [sflag:$0x4] =	stream.linear.gather [hbm4b:s25+s4], $0x400, $0x38;
	[tilespmem:$0x1F000] =	vst v63  }
.LBB2_7:
0x16d: {  	_ =	sfence.sel $0x180000  }
0x16e: {  	[bflag:$0x0] =	sbarrier.arrive $0xFFFF  }
0x16f: {  	_ =	strace $0x9000004D  }
0x170: {  	s0 =	stileid.u32;
	[bflag:$0x2] =	sbarrier.arrive $0xFFFF  }
0x171: {  	p0 =	sne.s32 s0, $0x0;
	s0 =	rddreg [dreg:$0x3]  }
0x172: {  	s0 =	sadd.s32 @!p0 $0x100000, s0  }
0x173: {  	[sflag:s0] =	ssyncadd.tile.s32 @!p0 $0x1;
	_ =	shalt  }
.Lfunc_end2:
_tile_overlayer_lowered:
.L_overlay_start_2:
0x174: {  	(tag) =	ssettag $0x2  }
0x175: {  	s0 =	rddreg [dreg:$0x0];
	s2 =	stileid.u32  }
0x176: {  	s1 =	rddreg [dreg:$0x1];
	p0 =	sne.s32 s2, $0x0  }
0x177: {  	s3 =	rddreg [dreg:$0x2];
	[bflag:$0x3] =	sbarrier.arrive $0xFFFF;
	s2 =	simm.s32 @!p0 $0x1C06  }
0x178: {  	[timem:s3], [sflag:s2] =	dma.local @!p0 [hbm:s0], s1  }
0x179: {  	s0 =	simm.s32 @!p0 $0x6  }
0x17a: {  	_ =	swait.ge @!p0 [sflag:s0], s1  }
0x17b: {  	s1 =	ssub.s32 @!p0 $0x0, s1;
	[sflag:s0] =	ssyncset.done @!p0 $0x0  }
0x17c: {  	[sflag:s0] =	ssyncadd.s32 @!p0 s1  }
0x17d: {  	[bflag:$0x3] =	sbarrier.arrive $0xFFFF  }
0x17e: {  	_ =	shalt  }

// kernel: kernel.8.cloned.1.call-start
scs
__scs_entry_jumppad:
0x0: {  	(pc) =	sbr.rel $0x88, $3  }
0x1: {  	(tag) =	ssettag $0x0;
	lr =	simm.s32 $0x1  }
0x2: {  	[smem:$0x3F9B] =	sst lr;
	_ =	strace $0xD0000000  }
0x3: {  	_ = 	snop  }
0x4: {  	_ = 	snop  }
0x5: {  	_ = 	snop  }
0x6: {  	_ = 	snop  }
0x7: {  	_ = 	snop  }
__scs_overlays_trampoline_lowered:
0x8: {  	[smem:$0x3FAA] =	sst s0  }
0x9: {  	[smem:$0x3FAB] =	sst s1  }
0xa: {  	[smem:$0x3FAC] =	sst s2  }
0xb: {  	[smem:$0x3FAD] =	sst s3  }
0xc: {  	[smem:$0x3FAE] =	sst s4  }
0xd: {  	[smem:$0x3FAF] =	sst s5  }
0xe: {  	[smem:$0x3FB0] =	sst s6  }
0xf: {  	[smem:$0x3FB1] =	sst s7  }
0x10: {  	[smem:$0x3FB2] =	sst s8  }
0x11: {  	[smem:$0x3FB3] =	sst s9;
	s0 =	simm.s32 @!p0 $0x0  }
0x12: {  	s1 =	sld [smem:$0x3F99];
	s0 =	simm.s32 @p0 $0x1  }
0x13: {  	[smem:$0x3FB4] =	sst s0;
	s0 =	simm.s32 @!p1 $0x0  }
0x14: {  	s2 =	sld [smem:$0x3F98];
	s0 =	simm.s32 @p1 $0x1  }
0x15: {  	[smem:$0x3FB5] =	sst s0;
	s0 =	simm.s32 @!p2 $0x0  }
0x16: {  	s3 =	sld [smem:$0x3FDB];
	s0 =	simm.s32 @p2 $0x1  }
0x17: {  	s4 =	simm.s32 $0x1BF5;
	[smem:$0x3FB7] =	sst s0  }
0x18: {  	s0 =	sld [smem:$0x3F9A];
	_ =	swait.ge [sflag:s4], $0x0  }
0x19: {  	s7 =	sld [smem:$0x3F9B]  }
0x1a: {  	s8 =	sadd.s32 $0xFFFFE003, lr  }
0x1b: {  	s9 =	sadd.s32 $0xFFFFFEF7, lr;
	s5 =	simm.s32 $0xFFFFFFFF;
	p2 =	slt.u32 s8, $0xFFFFF086  }
0x1c: {  	p1 =	slt.u32 s9, $0xF7A;
	s5 =	simm.s32 @!p2 $0x0  }
0x1d: {  	s5 =	simm.s32 @p1 $0x1;
	p0 =	seq.s32 s7, s2  }
0x1e: {  	s7 =	smul.u32 @!p0 $0xF7A, s2;
	p2 =	seq.s32 @!p0 s5, $0x0  }
0x1f: {  	s9 =	smul.u32 $0xF7A, s1;
	s8 =	simm.s32 @!p0 $0x1BF5;
	p2 =	por !p2, p0  }
0x20: {  	[sflag:s8] =	ssyncset.s32 @!p0 $0xFFFFF086;
	s6 =	sadd.s32 @!p0 s3, s7;
	s7 =	simm.s32 @!p0 $0x108  }
0x21: {  	s3 =	sadd.s32 s3, s9;
	s6 =	sadd.s32 @!p0 $0x88, s6;
	s7 =	simm.s32 @p2 $0x1082  }
0x22: {  	[simem:s7], [sflag:s8] =	dma.local @!p0 [hbm:s6], $0xF7A  }
0x23: {  	s9 =	sor.u32 $0xD0000000, s2;
	s6 =	simm.s32 $0x108;
	_ =	swait.ge @!p0 [sflag:s8], $0x0  }
0x24: {  	s3 =	sadd.s32 $0x88, s3;
	s6 =	simm.s32 @!p1 $0x1082;
	[sflag:s4] =	ssyncset.s32 $0xFFFFF086  }
0x25: {  	[simem:s6], [sflag:s4] =	dma.local [hbm:s3], $0xF7A  }
0x26: {  	[smem:$0x3F9B] =	sst s1;
	(tag) =	ssettag s2;
	_ =	strace s9  }
0x27: {  	s1 =	sld [smem:$0x3FAB]  }
0x28: {  	s2 =	sld [smem:$0x3FAC]  }
0x29: {  	s4 =	sld [smem:$0x3FAE]  }
0x2a: {  	p0 =	seq.s32 s5, $0x0;
	s5 =	sld [smem:$0x3FAF]  }
0x2b: {  	s6 =	sld [smem:$0x3FB0]  }
0x2c: {  	s7 =	sld [smem:$0x3FB1]  }
0x2d: {  	s3 =	simm.s32 $0x108;
	s8 =	sld [smem:$0x3FB2]  }
0x2e: {  	s3 =	simm.s32 @!p0 $0x1082;
	s9 =	sld [smem:$0x3FB3]  }
0x2f: {  	lr =	sadd.s32 s0, s3;
	s0 =	sld [smem:$0x3FAA]  }
0x30: {  	s3 =	sld [smem:$0x3FAD]  }
0x31: {  	[smem:$0x3FB6] =	sst s10  }
0x32: {  	s10 =	sld [smem:$0x3FB4];
	_ =	sdelay $0x3  }
0x33: {  	p0 =	seq.s32 s10, $0x1;
	s10 =	sld [smem:$0x3FB6];
	_ =	sdelay $0x3  }
0x34: {  	[smem:$0x3FB6] =	sst s10  }
0x35: {  	s10 =	sld [smem:$0x3FB5];
	_ =	sdelay $0x3  }
0x36: {  	p1 =	seq.s32 s10, $0x1;
	s10 =	sld [smem:$0x3FB6];
	_ =	sdelay $0x3  }
0x37: {  	[smem:$0x3FB6] =	sst s10  }
0x38: {  	s10 =	sld [smem:$0x3FB7]  }
0x39: {  	_ = 	snop;
	(pc) =	sbr.ind lr, $3  }
0x3a: {  	_ = 	snop  }
0x3b: {  	_ = 	snop  }
0x3c: {  	p2 =	seq.s32 s10, $0x1;
	s10 =	sld [smem:$0x3FB6]  }
0x3d: {  	_ =	shalt  }
0x3e: {  	_ =	shalt  }
0x3f: {  	_ =	shalt  }
0x40: {  	_ =	shalt  }
0x41: {  	_ =	shalt  }
0x42: {  	_ =	shalt  }
0x43: {  	_ =	shalt  }
0x44: {  	_ =	shalt  }
0x45: {  	_ =	shalt  }
0x46: {  	_ =	shalt  }
0x47: {  	_ =	shalt  }
0x48: {  	_ =	shalt  }
0x49: {  	_ =	shalt  }
0x4a: {  	_ =	shalt  }
0x4b: {  	_ =	shalt  }
0x4c: {  	_ =	shalt  }
0x4d: {  	_ =	shalt  }
0x4e: {  	_ =	shalt  }
0x4f: {  	_ =	shalt  }
0x50: {  	_ =	shalt  }
0x51: {  	_ =	shalt  }
0x52: {  	_ =	shalt  }
0x53: {  	_ =	shalt  }
0x54: {  	_ =	shalt  }
0x55: {  	_ =	shalt  }
0x56: {  	_ =	shalt  }
0x57: {  	_ =	shalt  }
0x58: {  	_ =	shalt  }
0x59: {  	_ =	shalt  }
0x5a: {  	_ =	shalt  }
0x5b: {  	_ =	shalt  }
0x5c: {  	_ =	shalt  }
0x5d: {  	_ =	shalt  }
0x5e: {  	_ =	shalt  }
0x5f: {  	_ =	shalt  }
0x60: {  	_ =	shalt  }
0x61: {  	_ =	shalt  }
0x62: {  	_ =	shalt  }
0x63: {  	_ =	shalt  }
0x64: {  	_ =	shalt  }
0x65: {  	_ =	shalt  }
0x66: {  	_ =	shalt  }
0x67: {  	_ =	shalt  }
0x68: {  	_ =	shalt  }
0x69: {  	_ =	shalt  }
0x6a: {  	_ =	shalt  }
0x6b: {  	_ =	shalt  }
0x6c: {  	_ =	shalt  }
0x6d: {  	_ =	shalt  }
0x6e: {  	_ =	shalt  }
0x6f: {  	_ =	shalt  }
0x70: {  	_ =	shalt  }
0x71: {  	_ =	shalt  }
0x72: {  	_ =	shalt  }
0x73: {  	_ =	shalt  }
0x74: {  	_ =	shalt  }
0x75: {  	_ =	shalt  }
0x76: {  	_ =	shalt  }
0x77: {  	_ =	shalt  }
0x78: {  	_ =	shalt  }
0x79: {  	_ =	shalt  }
0x7a: {  	_ =	shalt  }
0x7b: {  	_ =	shalt  }
0x7c: {  	_ =	shalt  }
0x7d: {  	_ =	shalt  }
0x7e: {  	_ =	shalt  }
0x7f: {  	_ =	shalt  }
0x80: {  	_ =	shalt  }
0x81: {  	_ =	shalt  }
0x82: {  	_ =	shalt  }
0x83: {  	_ =	shalt  }
0x84: {  	_ =	shalt  }
0x85: {  	_ =	shalt  }
0x86: {  	_ =	shalt  }
0x87: {  	_ =	shalt  }
.Lfunc_end0:
.L_simem_size_0:
called_computation_lowered:
.L_overlay_start_0:
0x88: {  	s2 =	sld [smem:$0x3FD9]  }
0x89: {  	s3 =	sld [smem:$0x3FFE];
	_ =	sdelay $0x1  }
0x8a: {  	s1 =	srdreg.scid  }
0x8b: {  	s0 =	sand.u32 $0x1, s1  }
0x8c: {  	s17 =	sshll.u32 s0, $0xA;
	s2 =	sadd.s32 s3, s2  }
0x8d: {  	s2 =	sadd.s32 s2, s17  }
0x8e: {  	[smem:$0x3FC2] =	sst s2  }
0x8f: {  	_ = 	snop  }
0x90: {  	s2 =	sld [smem:$0x3FD0];
	(tm) =	ssettm $0x1  }
0x91: {  	s18 =	sld [smem:$0x3FFB];
	_ =	sdelay $0x3  }
0x92: {  	_ =	strace s18  }
0x93: {  	s3 =	sld [smem:$0x3FFC];
	_ =	sdelay $0x3  }
0x94: {  	_ =	strace s3  }
0x95: {  	s3 =	sld [smem:$0x3FFD];
	_ =	sdelay $0x3  }
0x96: {  	_ =	strace s3  }
0x97: {  	_ =	strace $0x8FFFFFFF  }
0x98: {  	s19 =	sld [smem:$0x3FDB];
	_ =	sdelay $0x1  }
0x99: {  	s4 =	simm.s32 $_scs_section_size  }
0x9a: {  	s5 =	simm.s32 $_size__tile_overlayer_lowered;
	s6 =	simm.s32 $_tile_overlayer_lowered  }
0x9b: {  	s22 =	simm.s32 $0x1BFF;
	s21 =	sshll.u32 s6, $0x1;
	s3 =	sadd.s32 s4, s19  }
0x9c: {  	s7 =	simm.s32 $0x0;
	s20 =	sshll.u32 s5, $0x1;
	s5 =	sadd.s32 s21, s3  }
0x9d: {  	[timem:s7], [sflag:s22] =	dma.local [hbm:s5], s20  }
0x9e: {  	_ =	swait.ge [sflag:s22], s20  }
0x9f: {  	s4 =	ssub.s32 $0x0, s20;
	[sflag:s22] =	ssyncset.done $0x0  }
0xa0: {  	[sflag:s22] =	ssyncadd.s32 s4;
	_ =	sdelay $0x1  }
0xa1: {  	s23 =	simm.s32 $0x1B8B  }
0xa2: {  	_ =	swait.ge [sflag:s23], $0x1  }
0xa3: {  	[sflag:s23] =	ssyncset.done $0x0  }
0xa4: {  	s25 =	simm.s32 $0x1B8E;
	s24 =	sld [smem:$0x3FFE];
	[sflag:s23] =	ssyncadd.s32 $0xFFFFFFFF  }
0xa5: {  	s26 =	simm.s32 $execute0_lowered;
	[smem:$0x3FD2] =	sst s25  }
0xa6: {  	s5 =	sshll.u32 s26, $0x1;
	_ =	strace $0x80000046;
	[dreg:$0x1] =	wrdreg $0xFFFFFFFF  }
0xa7: {  	s28 =	simm.s32 $_size_execute0_lowered;
	s3 =	sadd.s32 s3, s5;
	[dreg:$0x0] =	wrdreg $0x0  }
0xa8: {  	s5 =	sshll.u32 s28, $0x1;
	[dreg:$0x2] =	wrdreg s3  }
0xa9: {  	[dreg:$0x3] =	wrdreg s5  }
0xaa: {  	[dreg:$0x4] =	wrdreg $0xC0  }
0xab: {  	_ =	task [dreg:s7], $0x5FFFF  }
0xac: {  	[dreg:$0x1] =	wrdreg $0xFFFFFFFF  }
0xad: {  	[dreg:$0x0] =	wrdreg $0x60  }
0xae: {  	[dreg:$0x2] =	wrdreg s24  }
0xaf: {  	[dreg:$0x3] =	wrdreg s2  }
0xb0: {  	[dreg:$0x4] =	wrdreg $0x2B000  }
0xb1: {  	[dreg:$0x5] =	wrdreg $0x9  }
0xb2: {  	_ =	task.clear_ibuf [dreg:s7], $0x6FFFF;
	_ =	strace $0x90000046  }
0xb3: {  	s29 =	simm.s32 $0x9;
	_ =	strace $0x80000048  }
0xb4: {  	_ =	swait.ge [sflag:s29], $0x1  }
0xb5: {  	[sflag:s29] =	ssyncadd.s32 $0xFFFFFFFF  }
0xb6: {  	_ =	strace $0x90000048  }
0xb7: {  	_ =	sfence  }
0xb8: {  	s30 =	sld [smem:$0x0];
	_ =	sdelay $0x2  }
0xb9: {  	s31 =	sshll.u32 s1, $0xD;
	s1 =	sshrl.u32 s1, $0x2  }
0xba: {  	s3 =	sand.u32 $0x4000, s31;
	s1 =	sadd.s32 s1, s30  }
0xbb: {  	s0 =	sor.u32 s3, s0;
	s1 =	sshll.u32 s1, $0x11  }
0xbc: {  	s0 =	sor.u32 s1, s0  }
0xbd: {  	s0 =	sadd.s32 $0x8F2B, s0  }
0xbe: {  	[sflag:s0] =	ssyncadd.remote.s32 $0x1  }
0xbf: {  	_ =	sfence.sel $0xFFFF  }
0xc0: {  	[dreg:$0x0] =	wrdreg $0xFFFFFFFF;
	(pc) =	sbr.abs _section_cstart, $3  }
0xc1: {  	[dreg:$0x1] =	wrdreg $0xFFFFFFFF  }
0xc2: {  	_ =	task.clear_ibuf [dreg:s7], $0x2FFFF;
	_ =	strace $0x9FFFFFFF  }
0xc3: {  	(tm) =	ssettm $0x7FFFFFFF  }
tec
execute0_lowered:
.L_overlay_start_1:
0x0: {  	(tag) =	ssettag $0x1  }
0x1: {  	s1 =	srdreg.scid;
	s4 =	rddreg [dreg:$0x0]  }
0x2: {  	s0 =	stileid.u32;
	s6 =	rddreg [dreg:$0x1]  }
0x3: {  	s2 =	rddreg [dreg:$0x2];
	s3 =	simm.s32 $0x0;
	s11 =	simm.s32 $0x2800  }
0x4: {  	s12 =	simm.s32 $0x1;
	s15 =	simm.s32 $0x0;
	s5 =	sand.u32 $0x1, s1  }
0x5: {  	s29 =	sshll.u32 s0, $0x1;
	s8 =	smul.u32 $0x280, s0;
	[smem:$0x7FF] =	sst s3  }
0x6: {  	s13 =	sshll.u32 s0, $0x6;
	s1 =	sor.u32 s5, s29;
	s9 =	smul.u32 $0x2800, s5  }
0x7: {  	s5 =	ssub.s32 $0x2, s5;
	s13 =	sor.u32 $0x1C02, s13;
	s7 =	smul.u32 $0x500, s1  }
0x8: {  	s1 =	rddreg [dreg:$0x3];
	_ =	strace $0x80000047;
	s30 =	sshrl.u32 s5, $0x1  }
0x9: {  	s9 =	sadd.s32 s8, s9;
	s10 =	ssub.s32 s5, s30;
	s7 =	sadd.s32 s7, s4  }
0xa: {  	s4 =	sadd.s32 s8, s2;
	s31 =	sshrl.u32 s9, $0x3;
	s8 =	simm.s32 $0x2880  }
0xb: {  	s9 =	simm.s32 $0x2;
	s5 =	sadd.s32 $0x2800, s7;
	s6 =	sadd.s32 s6, s31  }
0xc: {  	v0 =	vimm.f32 $1.000000000e+00;
	v1 =	vimm.f32 $0.0e+00;
	s7 =	smax.u32 s10, $0x1;
	s10 =	simm.s32 $0x80;
	s14 =	sshrl.u32 s4, $0x3  }
.LBB2_1:
0xd: {  	[tilespmem:$0x2800] =	vst v0  }
0xe: {  	[tilespmem:$0x2810] =	vst v0  }
0xf: {  	[tilespmem:$0x2820] =	vst v0  }
0x10: {  	[tilespmem:$0x2830] =	vst v0  }
0x11: {  	[tilespmem:$0x2840] =	vst v0  }
0x12: {  	[tilespmem:$0x2850] =	vst v0  }
0x13: {  	[tilespmem:$0x2860] =	vst v0  }
0x14: {  	[tilespmem:$0x2870] =	vst v0  }
0x15: {  	[tilespmem:$0x2880] =	vst v1  }
0x16: {  	[tilespmem:$0x2890] =	vst v1  }
0x17: {  	[tilespmem:$0x28A0] =	vst v1  }
0x18: {  	[tilespmem:$0x28B0] =	vst v1  }
0x19: {  	[tilespmem:$0x28C0] =	vst v1  }
0x1a: {  	[tilespmem:$0x28D0] =	vst v1  }
0x1b: {  	[tilespmem:$0x28E0] =	vst v1  }
0x1c: {  	[tilespmem:$0x28F0] =	vst v1  }
0x1d: {  	[tilespmem:$0x2900] =	vst v1  }
0x1e: {  	[tilespmem:$0x2910] =	vst v1  }
0x1f: {  	[tilespmem:$0x2920] =	vst v1  }
0x20: {  	[tilespmem:$0x2930] =	vst v1  }
0x21: {  	[tilespmem:$0x2940] =	vst v1  }
0x22: {  	[tilespmem:$0x2950] =	vst v1  }
0x23: {  	[tilespmem:$0x2960] =	vst v1  }
0x24: {  	[tilespmem:$0x2970] =	vst v1  }
0x25: {  	[tilespmem:$0x2980] =	vst v1  }
0x26: {  	[tilespmem:$0x2990] =	vst v1  }
0x27: {  	[tilespmem:$0x29A0] =	vst v1  }
0x28: {  	[tilespmem:$0x29B0] =	vst v1  }
0x29: {  	[tilespmem:$0x29C0] =	vst v1  }
0x2a: {  	[tilespmem:$0x29D0] =	vst v1  }
0x2b: {  	[tilespmem:$0x29E0] =	vst v1  }
0x2c: {  	[tilespmem:$0x29F0] =	vst v1  }
0x2d: {  	[tilespmem:$0x2A00] =	vst v1  }
0x2e: {  	[tilespmem:$0x2A10] =	vst v1  }
0x2f: {  	[tilespmem:$0x2A20] =	vst v1  }
0x30: {  	[tilespmem:$0x2A30] =	vst v1  }
0x31: {  	[tilespmem:$0x2A40] =	vst v1  }
0x32: {  	[tilespmem:$0x2A50] =	vst v1  }
0x33: {  	[tilespmem:$0x2A60] =	vst v1  }
0x34: {  	[tilespmem:$0x2A70] =	vst v1  }
0x35: {  	[tilespmem:$0x2A80] =	vst v1  }
0x36: {  	[tilespmem:$0x2A90] =	vst v1  }
0x37: {  	[tilespmem:$0x2AA0] =	vst v1  }
0x38: {  	[tilespmem:$0x2AB0] =	vst v1  }
0x39: {  	[tilespmem:$0x2AC0] =	vst v1  }
0x3a: {  	[tilespmem:$0x2AD0] =	vst v1  }
0x3b: {  	[tilespmem:$0x2AE0] =	vst v1  }
0x3c: {  	[tilespmem:$0x2AF0] =	vst v1  }
0x3d: {  	[spmem:s4] =	stream.linear.scatter [tilespmem:s8], [sflag:$0x2], $0x280, $0x38;
	[tilespmem:$0x2D80] =	vst v63  }
0x3e: {  	_ =	swait.ge [sflag:s9], $0x280  }
0x3f: {  	[sflag:s9] =	ssyncset.done $0x0  }
0x40: {  	[sflag:s9] =	ssyncadd.s32 $0xFFFFFD80  }
0x41: {  	[tilespmem:s3], [sflag:$0x2] =	stream.linear.gather [hbm4b:s5+s3], $0x2800, $0x38;
	[tilespmem:$0x2D80] =	vst v63  }
0x42: {  	_ =	swait.ge [sflag:s9], $0x2800  }
0x43: {  	[sflag:s9] =	ssyncset.done $0x0  }
0x44: {  	[sflag:s9] =	ssyncadd.s32 $0xFFFFD800  }
0x45: {  	s16 =	simm.s32 $0x0;
	[bflag:$0x0] =	sbarrier.arrive $0xFFFF  }
0x46: {  	[spmem:s2] =	stream.indirect.scatter.add.f32 [tilespmem:s11], [sflag:$0x1], $0x1, s16, s10, $0xb8;
	[tilespmem:$0x2D80] =	vst v63  }
0x47: {  	s31 =	simm.s32 $0x80  }
0x48: {  	[spmem:s2] =	stream.indirect.scatter.add.f32 [tilespmem:s11], [sflag:$0x1], $0x1, s31, s10, $0xb8;
	[tilespmem:$0x2D80] =	vst v63  }
0x49: {  	s17 =	simm.s32 $0x100  }
0x4a: {  	[spmem:s2] =	stream.indirect.scatter.add.f32 [tilespmem:s11], [sflag:$0x1], $0x1, s17, s10, $0xb8;
	[tilespmem:$0x2D80] =	vst v63  }
0x4b: {  	s18 =	simm.s32 $0x180  }
0x4c: {  	[spmem:s2] =	stream.indirect.scatter.add.f32 [tilespmem:s11], [sflag:$0x1], $0x1, s18, s10, $0xb8;
	[tilespmem:$0x2D80] =	vst v63  }
0x4d: {  	s19 =	simm.s32 $0x200  }
0x4e: {  	[spmem:s2] =	stream.indirect.scatter.add.f32 [tilespmem:s11], [sflag:$0x1], $0x1, s19, s10, $0xb8;
	[tilespmem:$0x2D80] =	vst v63  }
0x4f: {  	s20 =	simm.s32 $0x280  }
0x50: {  	[spmem:s2] =	stream.indirect.scatter.add.f32 [tilespmem:s11], [sflag:$0x1], $0x1, s20, s10, $0xb8;
	[tilespmem:$0x2D80] =	vst v63  }
0x51: {  	s21 =	simm.s32 $0x300  }
0x52: {  	[spmem:s2] =	stream.indirect.scatter.add.f32 [tilespmem:s11], [sflag:$0x1], $0x1, s21, s10, $0xb8;
	[tilespmem:$0x2D80] =	vst v63  }
0x53: {  	s22 =	simm.s32 $0x380  }
0x54: {  	[spmem:s2] =	stream.indirect.scatter.add.f32 [tilespmem:s11], [sflag:$0x1], $0x1, s22, s10, $0xb8;
	[tilespmem:$0x2D80] =	vst v63  }
0x55: {  	s23 =	simm.s32 $0x400  }
0x56: {  	[spmem:s2] =	stream.indirect.scatter.add.f32 [tilespmem:s11], [sflag:$0x1], $0x1, s23, s10, $0xb8;
	[tilespmem:$0x2D80] =	vst v63  }
0x57: {  	s24 =	simm.s32 $0x480  }
0x58: {  	[spmem:s2] =	stream.indirect.scatter.add.f32 [tilespmem:s11], [sflag:$0x1], $0x1, s24, s10, $0xb8;
	[tilespmem:$0x2D80] =	vst v63  }
0x59: {  	s25 =	simm.s32 $0x500  }
0x5a: {  	[spmem:s2] =	stream.indirect.scatter.add.f32 [tilespmem:s11], [sflag:$0x1], $0x1, s25, s10, $0xb8;
	[tilespmem:$0x2D80] =	vst v63  }
0x5b: {  	s26 =	simm.s32 $0x580  }
0x5c: {  	[spmem:s2] =	stream.indirect.scatter.add.f32 [tilespmem:s11], [sflag:$0x1], $0x1, s26, s10, $0xb8;
	[tilespmem:$0x2D80] =	vst v63  }
0x5d: {  	s28 =	simm.s32 $0x600  }
0x5e: {  	[spmem:s2] =	stream.indirect.scatter.add.f32 [tilespmem:s11], [sflag:$0x1], $0x1, s28, s10, $0xb8;
	[tilespmem:$0x2D80] =	vst v63  }
0x5f: {  	s29 =	simm.s32 $0x680  }
0x60: {  	[spmem:s2] =	stream.indirect.scatter.add.f32 [tilespmem:s11], [sflag:$0x1], $0x1, s29, s10, $0xb8;
	[tilespmem:$0x2D80] =	vst v63  }
0x61: {  	s30 =	simm.s32 $0x700  }
0x62: {  	[spmem:s2] =	stream.indirect.scatter.add.f32 [tilespmem:s11], [sflag:$0x1], $0x1, s30, s10, $0xb8;
	[tilespmem:$0x2D80] =	vst v63  }
0x63: {  	s31 =	simm.s32 $0x780  }
0x64: {  	[spmem:s2] =	stream.indirect.scatter.add.f32 [tilespmem:s11], [sflag:$0x1], $0x1, s31, s10, $0xb8;
	[tilespmem:$0x2D80] =	vst v63  }
0x65: {  	_ =	swait.ge [sflag:s12], $0x80  }
0x66: {  	[sflag:s12] =	ssyncset.done $0x0  }
0x67: {  	[sflag:s12] =	ssyncadd.s32 $0xFFFFFF80  }
0x68: {  	_ =	swait.ge [sflag:s12], $0x80  }
0x69: {  	[sflag:s12] =	ssyncset.done $0x0  }
0x6a: {  	[sflag:s12] =	ssyncadd.s32 $0xFFFFFF80  }
0x6b: {  	_ =	swait.ge [sflag:s12], $0x80  }
0x6c: {  	[sflag:s12] =	ssyncset.done $0x0  }
0x6d: {  	[sflag:s12] =	ssyncadd.s32 $0xFFFFFF80  }
0x6e: {  	_ =	swait.ge [sflag:s12], $0x80  }
0x6f: {  	[sflag:s12] =	ssyncset.done $0x0  }
0x70: {  	[sflag:s12] =	ssyncadd.s32 $0xFFFFFF80  }
0x71: {  	_ =	swait.ge [sflag:s12], $0x80  }
0x72: {  	[sflag:s12] =	ssyncset.done $0x0  }
0x73: {  	[sflag:s12] =	ssyncadd.s32 $0xFFFFFF80  }
0x74: {  	_ =	swait.ge [sflag:s12], $0x80  }
0x75: {  	[sflag:s12] =	ssyncset.done $0x0  }
0x76: {  	[sflag:s12] =	ssyncadd.s32 $0xFFFFFF80  }
0x77: {  	_ =	swait.ge [sflag:s12], $0x80  }
0x78: {  	[sflag:s12] =	ssyncset.done $0x0  }
0x79: {  	[sflag:s12] =	ssyncadd.s32 $0xFFFFFF80  }
0x7a: {  	_ =	swait.ge [sflag:s12], $0x80  }
0x7b: {  	[sflag:s12] =	ssyncset.done $0x0  }
0x7c: {  	[sflag:s12] =	ssyncadd.s32 $0xFFFFFF80  }
0x7d: {  	_ =	swait.ge [sflag:s12], $0x80  }
0x7e: {  	[sflag:s12] =	ssyncset.done $0x0  }
0x7f: {  	[sflag:s12] =	ssyncadd.s32 $0xFFFFFF80  }
0x80: {  	_ =	swait.ge [sflag:s12], $0x80  }
0x81: {  	[sflag:s12] =	ssyncset.done $0x0  }
0x82: {  	[sflag:s12] =	ssyncadd.s32 $0xFFFFFF80  }
0x83: {  	_ =	swait.ge [sflag:s12], $0x80  }
0x84: {  	[sflag:s12] =	ssyncset.done $0x0  }
0x85: {  	[sflag:s12] =	ssyncadd.s32 $0xFFFFFF80  }
0x86: {  	_ =	swait.ge [sflag:s12], $0x80  }
0x87: {  	[sflag:s12] =	ssyncset.done $0x0  }
0x88: {  	[sflag:s12] =	ssyncadd.s32 $0xFFFFFF80  }
0x89: {  	_ =	swait.ge [sflag:s12], $0x80  }
0x8a: {  	[sflag:s12] =	ssyncset.done $0x0  }
0x8b: {  	[sflag:s12] =	ssyncadd.s32 $0xFFFFFF80  }
0x8c: {  	_ =	swait.ge [sflag:s12], $0x80  }
0x8d: {  	[sflag:s12] =	ssyncset.done $0x0  }
0x8e: {  	[sflag:s12] =	ssyncadd.s32 $0xFFFFFF80  }
0x8f: {  	_ =	swait.ge [sflag:s12], $0x80  }
0x90: {  	[sflag:s12] =	ssyncset.done $0x0  }
0x91: {  	[sflag:s12] =	ssyncadd.s32 $0xFFFFFF80  }
0x92: {  	_ =	swait.ge [sflag:s12], $0x80  }
0x93: {  	s16 =	simm.s32 $0x2000;
	s19 =	simm.s32 $0x4000;
	[sflag:s12] =	ssyncset.done $0x0  }
.LBB2_2:
0x94: {  	s18 =	sshra.s32 s16, $0x2  }
0x95: {  	[sflag:s12] =	ssyncadd.s32 $0xFFFFFF80;
	s16 =	smov.u32 s19;
	s17 =	sadd.s32 $0x2000, s19  }
0x96: {  	[spmem:s2] =	stream.indirect.scatter.add.f32 [tilespmem:s11], [sflag:$0x1], $0x1, s18, s10, $0xb8;
	[tilespmem:$0x2D80] =	vst v63  }
0x97: {  	p0 =	sne.s32 s19, $0x8000;
	s19 =	sadd.s32 $0x80, s18  }
0x98: {  	[spmem:s2] =	stream.indirect.scatter.add.f32 [tilespmem:s11], [sflag:$0x1], $0x1, s19, s10, $0xb8;
	[tilespmem:$0x2D80] =	vst v63  }
0x99: {  	s19 =	sadd.s32 $0x100, s18  }
0x9a: {  	[spmem:s2] =	stream.indirect.scatter.add.f32 [tilespmem:s11], [sflag:$0x1], $0x1, s19, s10, $0xb8;
	[tilespmem:$0x2D80] =	vst v63  }
0x9b: {  	s19 =	sadd.s32 $0x180, s18  }
0x9c: {  	[spmem:s2] =	stream.indirect.scatter.add.f32 [tilespmem:s11], [sflag:$0x1], $0x1, s19, s10, $0xb8;
	[tilespmem:$0x2D80] =	vst v63  }
0x9d: {  	s19 =	sadd.s32 $0x200, s18  }
0x9e: {  	[spmem:s2] =	stream.indirect.scatter.add.f32 [tilespmem:s11], [sflag:$0x1], $0x1, s19, s10, $0xb8;
	[tilespmem:$0x2D80] =	vst v63  }
0x9f: {  	s19 =	sadd.s32 $0x280, s18  }
0xa0: {  	[spmem:s2] =	stream.indirect.scatter.add.f32 [tilespmem:s11], [sflag:$0x1], $0x1, s19, s10, $0xb8;
	[tilespmem:$0x2D80] =	vst v63  }
0xa1: {  	s19 =	sadd.s32 $0x300, s18  }
0xa2: {  	[spmem:s2] =	stream.indirect.scatter.add.f32 [tilespmem:s11], [sflag:$0x1], $0x1, s19, s10, $0xb8;
	[tilespmem:$0x2D80] =	vst v63  }
0xa3: {  	s19 =	sadd.s32 $0x380, s18  }
0xa4: {  	[spmem:s2] =	stream.indirect.scatter.add.f32 [tilespmem:s11], [sflag:$0x1], $0x1, s19, s10, $0xb8;
	[tilespmem:$0x2D80] =	vst v63  }
0xa5: {  	s19 =	sadd.s32 $0x400, s18  }
0xa6: {  	[spmem:s2] =	stream.indirect.scatter.add.f32 [tilespmem:s11], [sflag:$0x1], $0x1, s19, s10, $0xb8;
	[tilespmem:$0x2D80] =	vst v63  }
0xa7: {  	s19 =	sadd.s32 $0x480, s18  }
0xa8: {  	[spmem:s2] =	stream.indirect.scatter.add.f32 [tilespmem:s11], [sflag:$0x1], $0x1, s19, s10, $0xb8;
	[tilespmem:$0x2D80] =	vst v63  }
0xa9: {  	s19 =	sadd.s32 $0x500, s18  }
0xaa: {  	[spmem:s2] =	stream.indirect.scatter.add.f32 [tilespmem:s11], [sflag:$0x1], $0x1, s19, s10, $0xb8;
	[tilespmem:$0x2D80] =	vst v63  }
0xab: {  	s19 =	sadd.s32 $0x580, s18  }
0xac: {  	[spmem:s2] =	stream.indirect.scatter.add.f32 [tilespmem:s11], [sflag:$0x1], $0x1, s19, s10, $0xb8;
	[tilespmem:$0x2D80] =	vst v63  }
0xad: {  	s19 =	sadd.s32 $0x600, s18  }
0xae: {  	[spmem:s2] =	stream.indirect.scatter.add.f32 [tilespmem:s11], [sflag:$0x1], $0x1, s19, s10, $0xb8;
	[tilespmem:$0x2D80] =	vst v63  }
0xaf: {  	s19 =	sadd.s32 $0x680, s18  }
0xb0: {  	[spmem:s2] =	stream.indirect.scatter.add.f32 [tilespmem:s11], [sflag:$0x1], $0x1, s19, s10, $0xb8;
	[tilespmem:$0x2D80] =	vst v63  }
0xb1: {  	s19 =	sadd.s32 $0x700, s18  }
0xb2: {  	[spmem:s2] =	stream.indirect.scatter.add.f32 [tilespmem:s11], [sflag:$0x1], $0x1, s19, s10, $0xb8;
	[tilespmem:$0x2D80] =	vst v63  }
0xb3: {  	s18 =	sadd.s32 $0x780, s18  }
0xb4: {  	[spmem:s2] =	stream.indirect.scatter.add.f32 [tilespmem:s11], [sflag:$0x1], $0x1, s18, s10, $0xb8;
	[tilespmem:$0x2D80] =	vst v63  }
0xb5: {  	_ =	swait.ge [sflag:s12], $0x80  }
0xb6: {  	[sflag:s12] =	ssyncset.done $0x0  }
0xb7: {  	[sflag:s12] =	ssyncadd.s32 $0xFFFFFF80  }
0xb8: {  	_ =	swait.ge [sflag:s12], $0x80  }
0xb9: {  	[sflag:s12] =	ssyncset.done $0x0  }
0xba: {  	[sflag:s12] =	ssyncadd.s32 $0xFFFFFF80  }
0xbb: {  	_ =	swait.ge [sflag:s12], $0x80  }
0xbc: {  	[sflag:s12] =	ssyncset.done $0x0  }
0xbd: {  	[sflag:s12] =	ssyncadd.s32 $0xFFFFFF80  }
0xbe: {  	_ =	swait.ge [sflag:s12], $0x80  }
0xbf: {  	[sflag:s12] =	ssyncset.done $0x0  }
0xc0: {  	[sflag:s12] =	ssyncadd.s32 $0xFFFFFF80  }
0xc1: {  	_ =	swait.ge [sflag:s12], $0x80  }
0xc2: {  	[sflag:s12] =	ssyncset.done $0x0  }
0xc3: {  	[sflag:s12] =	ssyncadd.s32 $0xFFFFFF80  }
0xc4: {  	_ =	swait.ge [sflag:s12], $0x80  }
0xc5: {  	[sflag:s12] =	ssyncset.done $0x0  }
0xc6: {  	[sflag:s12] =	ssyncadd.s32 $0xFFFFFF80  }
0xc7: {  	_ =	swait.ge [sflag:s12], $0x80  }
0xc8: {  	[sflag:s12] =	ssyncset.done $0x0  }
0xc9: {  	[sflag:s12] =	ssyncadd.s32 $0xFFFFFF80  }
0xca: {  	_ =	swait.ge [sflag:s12], $0x80  }
0xcb: {  	[sflag:s12] =	ssyncset.done $0x0  }
0xcc: {  	[sflag:s12] =	ssyncadd.s32 $0xFFFFFF80  }
0xcd: {  	_ =	swait.ge [sflag:s12], $0x80  }
0xce: {  	[sflag:s12] =	ssyncset.done $0x0  }
0xcf: {  	[sflag:s12] =	ssyncadd.s32 $0xFFFFFF80  }
0xd0: {  	_ =	swait.ge [sflag:s12], $0x80  }
0xd1: {  	[sflag:s12] =	ssyncset.done $0x0  }
0xd2: {  	[sflag:s12] =	ssyncadd.s32 $0xFFFFFF80  }
0xd3: {  	_ =	swait.ge [sflag:s12], $0x80  }
0xd4: {  	[sflag:s12] =	ssyncset.done $0x0  }
0xd5: {  	[sflag:s12] =	ssyncadd.s32 $0xFFFFFF80  }
0xd6: {  	_ =	swait.ge [sflag:s12], $0x80  }
0xd7: {  	[sflag:s12] =	ssyncset.done $0x0  }
0xd8: {  	[sflag:s12] =	ssyncadd.s32 $0xFFFFFF80  }
0xd9: {  	_ =	swait.ge [sflag:s12], $0x80  }
0xda: {  	[sflag:s12] =	ssyncset.done $0x0  }
0xdb: {  	[sflag:s12] =	ssyncadd.s32 $0xFFFFFF80  }
0xdc: {  	_ =	swait.ge [sflag:s12], $0x80  }
0xdd: {  	[sflag:s12] =	ssyncset.done $0x0  }
0xde: {  	[sflag:s12] =	ssyncadd.s32 $0xFFFFFF80  }
.Ltmp0:
0xdf: {  	_ =	swait.ge [sflag:s12], $0x80;
	(pc) =	sbr.rel @p0 .LBB2_2-.Ltmp0, $4  }
0xe0: {  	[sflag:s12] =	ssyncset.done $0x0  }
0xe1: {  	[sflag:s12] =	ssyncadd.s32 $0xFFFFFF80  }
0xe2: {  	_ =	swait.ge [sflag:s12], $0x80  }
0xe3: {  	s19 =	smov.u32 s17;
	[sflag:s12] =	ssyncset.done $0x0  }
0xe4: {  	s16 =	sshra.s32 s16, $0x2;
	[sflag:s12] =	ssyncadd.s32 $0xFFFFFF80  }
0xe5: {  	[spmem:s2] =	stream.indirect.scatter.add.f32 [tilespmem:s11], [sflag:$0x1], $0x1, s16, s10, $0xb8;
	[tilespmem:$0x2D80] =	vst v63  }
0xe6: {  	s17 =	sadd.s32 $0x80, s16  }
0xe7: {  	[spmem:s2] =	stream.indirect.scatter.add.f32 [tilespmem:s11], [sflag:$0x1], $0x1, s17, s10, $0xb8;
	[tilespmem:$0x2D80] =	vst v63  }
0xe8: {  	s18 =	sadd.s32 $0x100, s16  }
0xe9: {  	[spmem:s2] =	stream.indirect.scatter.add.f32 [tilespmem:s11], [sflag:$0x1], $0x1, s18, s10, $0xb8;
	[tilespmem:$0x2D80] =	vst v63  }
0xea: {  	s19 =	sadd.s32 $0x180, s16  }
0xeb: {  	[spmem:s2] =	stream.indirect.scatter.add.f32 [tilespmem:s11], [sflag:$0x1], $0x1, s19, s10, $0xb8;
	[tilespmem:$0x2D80] =	vst v63  }
0xec: {  	s20 =	sadd.s32 $0x200, s16  }
0xed: {  	[spmem:s2] =	stream.indirect.scatter.add.f32 [tilespmem:s11], [sflag:$0x1], $0x1, s20, s10, $0xb8;
	[tilespmem:$0x2D80] =	vst v63  }
0xee: {  	s21 =	sadd.s32 $0x280, s16  }
0xef: {  	[spmem:s2] =	stream.indirect.scatter.add.f32 [tilespmem:s11], [sflag:$0x1], $0x1, s21, s10, $0xb8;
	[tilespmem:$0x2D80] =	vst v63  }
0xf0: {  	s22 =	sadd.s32 $0x300, s16  }
0xf1: {  	[spmem:s2] =	stream.indirect.scatter.add.f32 [tilespmem:s11], [sflag:$0x1], $0x1, s22, s10, $0xb8;
	[tilespmem:$0x2D80] =	vst v63  }
0xf2: {  	s23 =	sadd.s32 $0x380, s16  }
0xf3: {  	[spmem:s2] =	stream.indirect.scatter.add.f32 [tilespmem:s11], [sflag:$0x1], $0x1, s23, s10, $0xb8;
	[tilespmem:$0x2D80] =	vst v63  }
0xf4: {  	s24 =	sadd.s32 $0x400, s16  }
0xf5: {  	[spmem:s2] =	stream.indirect.scatter.add.f32 [tilespmem:s11], [sflag:$0x1], $0x1, s24, s10, $0xb8;
	[tilespmem:$0x2D80] =	vst v63  }
0xf6: {  	s25 =	sadd.s32 $0x480, s16  }
0xf7: {  	[spmem:s2] =	stream.indirect.scatter.add.f32 [tilespmem:s11], [sflag:$0x1], $0x1, s25, s10, $0xb8;
	[tilespmem:$0x2D80] =	vst v63  }
0xf8: {  	s26 =	sadd.s32 $0x500, s16  }
0xf9: {  	[spmem:s2] =	stream.indirect.scatter.add.f32 [tilespmem:s11], [sflag:$0x1], $0x1, s26, s10, $0xb8;
	[tilespmem:$0x2D80] =	vst v63  }
0xfa: {  	s28 =	sadd.s32 $0x580, s16  }
0xfb: {  	[spmem:s2] =	stream.indirect.scatter.add.f32 [tilespmem:s11], [sflag:$0x1], $0x1, s28, s10, $0xb8;
	[tilespmem:$0x2D80] =	vst v63  }
0xfc: {  	s29 =	sadd.s32 $0x600, s16  }
0xfd: {  	[spmem:s2] =	stream.indirect.scatter.add.f32 [tilespmem:s11], [sflag:$0x1], $0x1, s29, s10, $0xb8;
	[tilespmem:$0x2D80] =	vst v63  }
0xfe: {  	s30 =	sadd.s32 $0x680, s16  }
0xff: {  	[spmem:s2] =	stream.indirect.scatter.add.f32 [tilespmem:s11], [sflag:$0x1], $0x1, s30, s10, $0xb8;
	[tilespmem:$0x2D80] =	vst v63  }
0x100: {  	s31 =	sadd.s32 $0x700, s16  }
0x101: {  	[spmem:s2] =	stream.indirect.scatter.add.f32 [tilespmem:s11], [sflag:$0x1], $0x1, s31, s10, $0xb8;
	[tilespmem:$0x2D80] =	vst v63  }
0x102: {  	s16 =	sadd.s32 $0x780, s16  }
0x103: {  	[spmem:s2] =	stream.indirect.scatter.add.f32 [tilespmem:s11], [sflag:$0x1], $0x1, s16, s10, $0xb8;
	[tilespmem:$0x2D80] =	vst v63  }
0x104: {  	_ =	swait.ge [sflag:s12], $0x80  }
0x105: {  	[sflag:s12] =	ssyncset.done $0x0  }
0x106: {  	[sflag:s12] =	ssyncadd.s32 $0xFFFFFF80  }
0x107: {  	_ =	swait.ge [sflag:s12], $0x80  }
0x108: {  	[sflag:s12] =	ssyncset.done $0x0  }
0x109: {  	[sflag:s12] =	ssyncadd.s32 $0xFFFFFF80  }
0x10a: {  	_ =	swait.ge [sflag:s12], $0x80  }
0x10b: {  	[sflag:s12] =	ssyncset.done $0x0  }
0x10c: {  	[sflag:s12] =	ssyncadd.s32 $0xFFFFFF80  }
0x10d: {  	_ =	swait.ge [sflag:s12], $0x80  }
0x10e: {  	[sflag:s12] =	ssyncset.done $0x0  }
0x10f: {  	[sflag:s12] =	ssyncadd.s32 $0xFFFFFF80  }
0x110: {  	_ =	swait.ge [sflag:s12], $0x80  }
0x111: {  	[sflag:s12] =	ssyncset.done $0x0  }
0x112: {  	[sflag:s12] =	ssyncadd.s32 $0xFFFFFF80  }
0x113: {  	_ =	swait.ge [sflag:s12], $0x80  }
0x114: {  	[sflag:s12] =	ssyncset.done $0x0  }
0x115: {  	[sflag:s12] =	ssyncadd.s32 $0xFFFFFF80  }
0x116: {  	_ =	swait.ge [sflag:s12], $0x80  }
0x117: {  	[sflag:s12] =	ssyncset.done $0x0  }
0x118: {  	[sflag:s12] =	ssyncadd.s32 $0xFFFFFF80  }
0x119: {  	_ =	swait.ge [sflag:s12], $0x80  }
0x11a: {  	[sflag:s12] =	ssyncset.done $0x0  }
0x11b: {  	[sflag:s12] =	ssyncadd.s32 $0xFFFFFF80  }
0x11c: {  	_ =	swait.ge [sflag:s12], $0x80  }
0x11d: {  	[sflag:s12] =	ssyncset.done $0x0  }
0x11e: {  	[sflag:s12] =	ssyncadd.s32 $0xFFFFFF80  }
0x11f: {  	_ =	swait.ge [sflag:s12], $0x80  }
0x120: {  	[sflag:s12] =	ssyncset.done $0x0  }
0x121: {  	[sflag:s12] =	ssyncadd.s32 $0xFFFFFF80  }
0x122: {  	_ =	swait.ge [sflag:s12], $0x80  }
0x123: {  	[sflag:s12] =	ssyncset.done $0x0  }
0x124: {  	[sflag:s12] =	ssyncadd.s32 $0xFFFFFF80  }
0x125: {  	_ =	swait.ge [sflag:s12], $0x80  }
0x126: {  	[sflag:s12] =	ssyncset.done $0x0  }
0x127: {  	[sflag:s12] =	ssyncadd.s32 $0xFFFFFF80  }
0x128: {  	_ =	swait.ge [sflag:s12], $0x80  }
0x129: {  	[sflag:s12] =	ssyncset.done $0x0  }
0x12a: {  	[sflag:s12] =	ssyncadd.s32 $0xFFFFFF80  }
0x12b: {  	_ =	swait.ge [sflag:s12], $0x80  }
0x12c: {  	[sflag:s12] =	ssyncset.done $0x0  }
0x12d: {  	[sflag:s12] =	ssyncadd.s32 $0xFFFFFF80  }
0x12e: {  	_ =	swait.ge [sflag:s12], $0x80  }
0x12f: {  	[sflag:s12] =	ssyncset.done $0x0  }
0x130: {  	[sflag:s12] =	ssyncadd.s32 $0xFFFFFF80  }
0x131: {  	_ =	swait.ge [sflag:s12], $0x80  }
0x132: {  	s15 =	sadd.s32 $0x1, s15;
	[sflag:s12] =	ssyncset.done $0x0  }
0x133: {  	p0 =	sne.s32 s15, s7;
	[sflag:s12] =	ssyncadd.s32 $0xFFFFFF80  }
.Ltmp1:
0x134: {  	[bflag:$0x0] =	sbarrier.arrive $0xFFFF;
	(pc) =	sbr.rel @p0 .LBB2_1-.Ltmp1, $4  }
0x135: {  	[hbm:s6], [sflag:s13] =	dma.local [spmem:s14], $0x50  }
0x136: {  	_ =	swait.ge [sflag:s9], $0x50  }
0x137: {  	[sflag:s9] =	ssyncset.done $0x0  }
0x138: {  	[sflag:s9] =	ssyncadd.s32 $0xFFFFFFB0  }
0x139: {  	_ =	sfence.sel $0x180000  }
0x13a: {  	[bflag:$0x0] =	sbarrier.arrive $0xFFFF  }
0x13b: {  	p0 =	sne.s32 s0, $0x0;
	_ =	strace $0x90000047  }
0x13c: {  	s0 =	sadd.s32 @!p0 $0x100000, s1;
	[bflag:$0x2] =	sbarrier.arrive $0xFFFF  }
0x13d: {  	[sflag:s0] =	ssyncadd.tile.s32 @!p0 $0x1;
	_ =	shalt  }
.Lfunc_end2:
_tile_overlayer_lowered:
.L_overlay_start_2:
0x13e: {  	(tag) =	ssettag $0x2  }
0x13f: {  	s0 =	rddreg [dreg:$0x0];
	s2 =	stileid.u32  }
0x140: {  	s1 =	rddreg [dreg:$0x1];
	p0 =	sne.s32 s2, $0x0  }
0x141: {  	s3 =	rddreg [dreg:$0x2];
	[bflag:$0x3] =	sbarrier.arrive $0xFFFF;
	s2 =	simm.s32 @!p0 $0x1C02  }
0x142: {  	[timem:s3], [sflag:s2] =	dma.local @!p0 [hbm:s0], s1  }
0x143: {  	s0 =	simm.s32 @!p0 $0x2  }
0x144: {  	_ =	swait.ge @!p0 [sflag:s0], s1  }
0x145: {  	s1 =	ssub.s32 @!p0 $0x0, s1;
	[sflag:s0] =	ssyncset.done @!p0 $0x0  }
0x146: {  	[sflag:s0] =	ssyncadd.s32 @!p0 s1  }
0x147: {  	[bflag:$0x3] =	sbarrier.arrive $0xFFFF  }
0x148: {  	_ =	shalt  }

</sc_bundles>
